<compile_context>
chip_gen: v7x
topology: tpu7x:2x2x1
jax: 0.10.2.dev20260603
libtpu: 0.0.44.dev20260713+nightly
codegen_flags: <defaults>
</compile_context>

<pallas_src>
import functools

import jax
import jax.numpy as jnp
from jax import lax
from jax.experimental import pallas as pl
from jax.experimental.pallas import tpu as pltpu
from jax.experimental.pallas import tpu_sc as plsc

B = 16384
V_SMALL = 1000
V_DRUG = 100000
D_EMB = 32
D_DRUG = 64
D_LIN = 32

NC = 2
NS = 16
NW = NC * NS
CH = 4096
NCHK = B // CH
NBUF = 3
UNROLL = 8
GROUPS = CH // 16


def _zero_entry0(row_v):
    m = jnp.where(lax.iota(jnp.int32, 16) == 0, 0.0, 1.0)
    row_v[pl.ds(0, 16)] = row_v[pl.ds(0, 16)] * m


def _gather_chunk(row_v, idx_v, out_v):

    def body(g, carry):
        base = g * (16 * UNROLL)
        for u in range(UNROLL):
            off = base + u * 16
            idx16 = idx_v[pl.ds(off, 16)]
            out_v[pl.ds(off, 16)] = plsc.load_gather(row_v, [idx16])
        return carry

    lax.fori_loop(0, GROUPS // UNROLL, body, 0)


def _make_gather4():
    mesh = plsc.VectorSubcoreMesh(core_axis_name="c", subcore_axis_name="s",
                                  num_cores=NC, num_subcores=NS)

    @functools.partial(
        pl.kernel,
        mesh=mesh,
        compiler_params=pltpu.CompilerParams(needs_layout_passes=False),
        out_type=(
            jax.ShapeDtypeStruct((D_EMB, B), jnp.float32),
            jax.ShapeDtypeStruct((D_DRUG, B), jnp.float32),
            jax.ShapeDtypeStruct((D_EMB, B), jnp.float32),
            jax.ShapeDtypeStruct((D_EMB, B), jnp.float32),
        ),
        scratch_types=[
            pltpu.VMEM((V_SMALL,), jnp.float32),
            pltpu.VMEM((V_DRUG,), jnp.float32),
            pltpu.VMEM((V_SMALL,), jnp.float32),
            pltpu.VMEM((V_SMALL,), jnp.float32),
            pltpu.VMEM((CH,), jnp.int32),
            pltpu.VMEM((CH,), jnp.int32),
            pltpu.VMEM((CH,), jnp.int32),
            pltpu.VMEM((CH,), jnp.float32),
            pltpu.VMEM((CH,), jnp.float32),
            pltpu.VMEM((CH,), jnp.float32),
            pltpu.SemaphoreType.DMA,
            pltpu.SemaphoreType.DMA,
            pltpu.SemaphoreType.DMA,
        ],
    )
    def gather4(mt_h, dn_h, cs_h, ns_h, wmt_h, wdt_h, wct_h, wnt_h,
                omt_h, odt_h, oct_h, ont_h,
                row_m, row_d, row_c, row_n,
                ib0, ib1, ib2, ob0, ob1, ob2,
                sem_row, sem_in, sem_out):
        w = lax.axis_index("s") * NC + lax.axis_index("c")
        ibufs = (ib0, ib1, ib2)
        obufs = (ob0, ob1, ob2)

        rm = pltpu.async_copy(wmt_h.at[w], row_m, sem_row)
        rd = pltpu.async_copy(wdt_h.at[w], row_d, sem_row)
        rc = pltpu.async_copy(wct_h.at[w], row_c, sem_row)
        rn = pltpu.async_copy(wnt_h.at[w], row_n, sem_row)

        passes = [
            (row_m, rm, mt_h, omt_h, w),
            (row_d, rd, dn_h, odt_h, w),
            (row_c, rc, cs_h, oct_h, w),
            (row_n, rn, ns_h, ont_h, w),
            (row_d, None, dn_h, odt_h, w + NW),
        ]
        steps = [(p, ck) for p in passes for ck in range(NCHK)]
        n = len(steps)

        pulls = [None] * n
        writes = [None] * n

        def pull(i):
            (_, _, idx_h, _, _), ck = steps[i]
            pulls[i] = pltpu.async_copy(
                idx_h.at[pl.ds(ck * CH, CH)], ibufs[i % NBUF], sem_in)

        pull(0)
        pull(1)
        rd2 = None
        for i in range(n):
            (row_v, rcopy, _, out_h, orow), ck = steps[i]
            if i + 2 < n:
                pull(i + 2)
            if ck == 0:
                if rcopy is not None:
                    rcopy.wait()
                else:
                    rd2.wait()
                _zero_entry0(row_v)
            pulls[i].wait()
            if i >= NBUF:
                writes[i - NBUF].wait()
            _gather_chunk(row_v, ibufs[i % NBUF], obufs[i % NBUF])
            if row_v is row_d and ck == NCHK - 1 and rd2 is None:
                rd2 = pltpu.async_copy(wdt_h.at[w + NW], row_d, sem_row)
            writes[i] = pltpu.async_copy(
                obufs[i % NBUF], out_h.at[orow, pl.ds(ck * CH, CH)], sem_out)
        for i in range(n - NBUF, n):
            writes[i].wait()

    return gather4


_gather4 = _make_gather4()


LIN_BLK = 2048


def _lin_body(x1, x2, x3, x4, x5, w_ref, b_ref, o1, o2, o3, o4, o5):
    for k, (x, o) in enumerate(((x1, o1), (x2, o2), (x3, o3), (x4, o4),
                                (x5, o5))):
        o[...] = w_ref[k] * x[...][None, :] + b_ref[k]


def _lin5(xs, ws, bs):
    x_spec = pl.BlockSpec((LIN_BLK,), lambda i: (i,))
    wb_spec = pl.BlockSpec((5, D_LIN, 1), lambda i: (0, 0, 0))
    o_spec = pl.BlockSpec((D_LIN, LIN_BLK), lambda i: (0, i))
    w5 = jnp.stack([w.reshape(D_LIN) for w in ws])[:, :, None]
    b5 = jnp.stack([b.reshape(D_LIN) for b in bs])[:, :, None]
    outs = pl.pallas_call(
        _lin_body,
        grid=(B // LIN_BLK,),
        in_specs=[x_spec] * 5 + [wb_spec, wb_spec],
        out_specs=[o_spec] * 5,
        out_shape=[jax.ShapeDtypeStruct((D_LIN, B), jnp.float32)] * 5,
    )(*[x.reshape(B) for x in xs], w5, b5)
    return [o.T for o in outs]


def kernel(media_type, temperature, pre_culture_time, pre_culture_od600,
           drug_culture_time, drug_name, concentration, carbon_source,
           nitrogen_source, W_media, W_drug, W_carbon, W_nitrogen,
           W_temp, b_temp, W_pct, b_pct, W_od, b_od, W_dct, b_dct,
           W_conc, b_conc):
    mt = media_type.astype(jnp.int32)
    dn = drug_name.astype(jnp.int32)
    cs = carbon_source.astype(jnp.int32)
    ns_ = nitrogen_source.astype(jnp.int32)

    omt, odt, oct_, ont = _gather4(
        mt, dn, cs, ns_, W_media.T, W_drug.T, W_carbon.T, W_nitrogen.T)

    lt, lpct, lod, ldct, lconc = _lin5(
        (temperature, pre_culture_time, pre_culture_od600, drug_culture_time,
         concentration),
        (W_temp, W_pct, W_od, W_dct, W_conc),
        (b_temp, b_pct, b_od, b_dct, b_conc))

    return (omt.T, lt, lpct, lod, ldct, odt.T, lconc, oct_.T, ont.T)

# --- scband reference (transcript-rebuilt; emitter-appended) ---
"""Pipeline reference for scband-feature-encoder-32959579029851 (READ-ONLY COPY).

The authoritative reference and input builder live on the scoring server;
editing this copy changes nothing except your own understanding.
"""

import jax, jax.numpy as jnp
import numpy as np

B = 16384
V_MEDIA = 1000
V_DRUG = 100000
V_CARBON = 1000
V_NITRO = 1000
D_EMB = 32
D_DRUG = 64
D_LIN = 32


def setup_inputs(seed: int = 0):
    key = jax.random.key(seed)
    ks = jax.random.split(key, 24)
    inp = {}
    inp["media_type"] = jax.random.randint(ks[0], (B,), 0, V_MEDIA)
    inp["temperature"] = jax.random.normal(ks[1], (B, 1), dtype=jnp.float32)
    inp["pre_culture_time"] = jax.random.normal(ks[2], (B, 1), dtype=jnp.float32)
    inp["pre_culture_od600"] = jax.random.normal(ks[3], (B, 1), dtype=jnp.float32)
    inp["drug_culture_time"] = jax.random.normal(ks[4], (B, 1), dtype=jnp.float32)
    inp["drug_name"] = jax.random.randint(ks[5], (B,), 0, V_DRUG)
    inp["concentration"] = jax.random.normal(ks[6], (B, 1), dtype=jnp.float32)
    inp["carbon_source"] = jax.random.randint(ks[7], (B,), 0, V_CARBON)
    inp["nitrogen_source"] = jax.random.randint(ks[8], (B,), 0, V_NITRO)
    # learned parameters
    inp["W_media"] = jax.random.normal(ks[9], (V_MEDIA, D_EMB), dtype=jnp.float32) * 0.02
    inp["W_drug"] = jax.random.normal(ks[10], (V_DRUG, D_DRUG), dtype=jnp.float32) * 0.02
    inp["W_carbon"] = jax.random.normal(ks[11], (V_CARBON, D_EMB), dtype=jnp.float32) * 0.02
    inp["W_nitrogen"] = jax.random.normal(ks[12], (V_NITRO, D_EMB), dtype=jnp.float32) * 0.02
    inp["W_temp"] = jax.random.normal(ks[13], (D_LIN, 1), dtype=jnp.float32) * 0.05
    inp["b_temp"] = jnp.zeros((D_LIN,), dtype=jnp.float32)
    inp["W_pct"] = jax.random.normal(ks[14], (D_LIN, 1), dtype=jnp.float32) * 0.05
    inp["b_pct"] = jnp.zeros((D_LIN,), dtype=jnp.float32)
    inp["W_od"] = jax.random.normal(ks[15], (D_LIN, 1), dtype=jnp.float32) * 0.05
    inp["b_od"] = jnp.zeros((D_LIN,), dtype=jnp.float32)
    inp["W_dct"] = jax.random.normal(ks[16], (D_LIN, 1), dtype=jnp.float32) * 0.05
    inp["b_dct"] = jnp.zeros((D_LIN,), dtype=jnp.float32)
    inp["W_conc"] = jax.random.normal(ks[17], (D_LIN, 1), dtype=jnp.float32) * 0.05
    inp["b_conc"] = jnp.zeros((D_LIN,), dtype=jnp.float32)
    return inp


def reference(media_type, temperature, pre_culture_time, pre_culture_od600,
              drug_culture_time, drug_name, concentration, carbon_source,
              nitrogen_source, W_media, W_drug, W_carbon, W_nitrogen,
              W_temp, b_temp, W_pct, b_pct, W_od, b_od, W_dct, b_dct,
              W_conc, b_conc):
    def emb(table, idx):
        # emulate nn.Embedding with padding_idx=0 (row 0 is zero)
        t = table.at[0].set(0.0)
        return jnp.take(t, idx, axis=0)

    def lin(x, W, b):
        # torch nn.Linear: y = x @ W^T + b, W has shape [out, in]
        return x @ W.T + b

    out = (
        emb(W_media, media_type),
        lin(temperature, W_temp, b_temp),
        lin(pre_culture_time, W_pct, b_pct),
        lin(pre_culture_od600, W_od, b_od),
        lin(drug_culture_time, W_dct, b_dct),
        emb(W_drug, drug_name),
        lin(concentration, W_conc, b_conc),
        emb(W_carbon, carbon_source),
        emb(W_nitrogen, nitrogen_source),
    )
    return out

if __name__ == "__main__":
    import jax
    _d = setup_inputs()
    print(jax.jit(kernel)(*tuple(_d.values())))

</pallas_src>

<mosaic_0001>
#map = affine_map<(d0, d1) -> (0)>
#map1 = affine_map<(d0, d1) -> (0, 0)>
module attributes {stable_mosaic.version = 14 : i64} {
  func.func @gather4(%arg0: i32, %arg1: i32, %arg2: memref<16384xi32, #tpu.memory_space<hbm>>, %arg3: memref<16384xi32, #tpu.memory_space<hbm>>, %arg4: memref<16384xi32, #tpu.memory_space<hbm>>, %arg5: memref<16384xi32, #tpu.memory_space<hbm>>, %arg6: memref<32x1000xf32, #tpu.memory_space<hbm>>, %arg7: memref<64x100000xf32, #tpu.memory_space<hbm>>, %arg8: memref<32x1000xf32, #tpu.memory_space<hbm>>, %arg9: memref<32x1000xf32, #tpu.memory_space<hbm>>, %arg10: memref<32x16384xf32, #tpu.memory_space<hbm>>, %arg11: memref<64x16384xf32, #tpu.memory_space<hbm>>, %arg12: memref<32x16384xf32, #tpu.memory_space<hbm>>, %arg13: memref<32x16384xf32, #tpu.memory_space<hbm>>, %arg14: memref<1000xf32, #tpu.memory_space<vmem>>, %arg15: memref<100000xf32, #tpu.memory_space<vmem>>, %arg16: memref<1000xf32, #tpu.memory_space<vmem>>, %arg17: memref<1000xf32, #tpu.memory_space<vmem>>, %arg18: memref<4096xi32, #tpu.memory_space<vmem>>, %arg19: memref<4096xi32, #tpu.memory_space<vmem>>, %arg20: memref<4096xi32, #tpu.memory_space<vmem>>, %arg21: memref<4096xf32, #tpu.memory_space<vmem>>, %arg22: memref<4096xf32, #tpu.memory_space<vmem>>, %arg23: memref<4096xf32, #tpu.memory_space<vmem>>, %arg24: memref<!tpu.dma_semaphore, #tpu.memory_space<semaphore_mem>>, %arg25: memref<!tpu.dma_semaphore, #tpu.memory_space<semaphore_mem>>, %arg26: memref<!tpu.dma_semaphore, #tpu.memory_space<semaphore_mem>>) attributes {dimension_semantics = [#tpu.dimension_semantics<core_parallel>, #tpu.dimension_semantics<subcore_parallel>], iteration_bounds = array<i64: 2, 16>, scalar_prefetch = 0 : i64, scratch_operands = 13 : i64, tpu.core_type = #tpu.core_type<sc_vector_subcore>, window_params = [{transform_indices = #map}, {transform_indices = #map}, {transform_indices = #map}, {transform_indices = #map}, {transform_indices = #map1}, {transform_indices = #map1}, {transform_indices = #map1}, {transform_indices = #map1}, {transform_indices = #map1}, {transform_indices = #map1}, {transform_indices = #map1}, {transform_indices = #map1}]} {
    %mul3A = arith.constant 2 : i32
    %mul3A_0 = arith.muli %arg1, %mul3A : i32
    %add3A = arith.addi %mul3A_0, %arg0 : i32
    %dma_start3A = arith.constant 0 : i32
    %dma_start3A_1 = tpu.memref_slice %arg6[%add3A, %dma_start3A] : memref<32x1000xf32, #tpu.memory_space<hbm>> -> memref<1x1000xf32, #tpu.memory_space<hbm>>
    %dma_start3A_2 = tpu.memref_squeeze %dma_start3A_1 : memref<1x1000xf32, #tpu.memory_space<hbm>> -> memref<1000xf32, #tpu.memory_space<hbm>>
    %dma_start3A_3 = arith.constant 0 : i32
    %dma_start3A_4 = tpu.memref_slice %arg6[%add3A, %dma_start3A_3] : memref<32x1000xf32, #tpu.memory_space<hbm>> -> memref<1x1000xf32, #tpu.memory_space<hbm>>
    %dma_start3A_5 = tpu.memref_squeeze %dma_start3A_4 : memref<1x1000xf32, #tpu.memory_space<hbm>> -> memref<1000xf32, #tpu.memory_space<hbm>>
    tpu.enqueue_dma source(%dma_start3A_5 : memref<1000xf32, #tpu.memory_space<hbm>>) target(%arg14 : memref<1000xf32, #tpu.memory_space<vmem>>) target_semaphore(%arg24 : memref<!tpu.dma_semaphore, #tpu.memory_space<semaphore_mem>>)
    %dma_start3A_6 = arith.constant 0 : i32
    %dma_start3A_7 = tpu.memref_slice %arg7[%add3A, %dma_start3A_6] : memref<64x100000xf32, #tpu.memory_space<hbm>> -> memref<1x100000xf32, #tpu.memory_space<hbm>>
    %dma_start3A_8 = tpu.memref_squeeze %dma_start3A_7 : memref<1x100000xf32, #tpu.memory_space<hbm>> -> memref<100000xf32, #tpu.memory_space<hbm>>
    %dma_start3A_9 = arith.constant 0 : i32
    %dma_start3A_10 = tpu.memref_slice %arg7[%add3A, %dma_start3A_9] : memref<64x100000xf32, #tpu.memory_space<hbm>> -> memref<1x100000xf32, #tpu.memory_space<hbm>>
    %dma_start3A_11 = tpu.memref_squeeze %dma_start3A_10 : memref<1x100000xf32, #tpu.memory_space<hbm>> -> memref<100000xf32, #tpu.memory_space<hbm>>
    tpu.enqueue_dma source(%dma_start3A_11 : memref<100000xf32, #tpu.memory_space<hbm>>) target(%arg15 : memref<100000xf32, #tpu.memory_space<vmem>>) target_semaphore(%arg24 : memref<!tpu.dma_semaphore, #tpu.memory_space<semaphore_mem>>)
    %dma_start3A_12 = arith.constant 0 : i32
    %dma_start3A_13 = tpu.memref_slice %arg8[%add3A, %dma_start3A_12] : memref<32x1000xf32, #tpu.memory_space<hbm>> -> memref<1x1000xf32, #tpu.memory_space<hbm>>
    %dma_start3A_14 = tpu.memref_squeeze %dma_start3A_13 : memref<1x1000xf32, #tpu.memory_space<hbm>> -> memref<1000xf32, #tpu.memory_space<hbm>>
    %dma_start3A_15 = arith.constant 0 : i32
    %dma_start3A_16 = tpu.memref_slice %arg8[%add3A, %dma_start3A_15] : memref<32x1000xf32, #tpu.memory_space<hbm>> -> memref<1x1000xf32, #tpu.memory_space<hbm>>
    %dma_start3A_17 = tpu.memref_squeeze %dma_start3A_16 : memref<1x1000xf32, #tpu.memory_space<hbm>> -> memref<1000xf32, #tpu.memory_space<hbm>>
    tpu.enqueue_dma source(%dma_start3A_17 : memref<1000xf32, #tpu.memory_space<hbm>>) target(%arg16 : memref<1000xf32, #tpu.memory_space<vmem>>) target_semaphore(%arg24 : memref<!tpu.dma_semaphore, #tpu.memory_space<semaphore_mem>>)
    %dma_start3A_18 = arith.constant 0 : i32
    %dma_start3A_19 = tpu.memref_slice %arg9[%add3A, %dma_start3A_18] : memref<32x1000xf32, #tpu.memory_space<hbm>> -> memref<1x1000xf32, #tpu.memory_space<hbm>>
    %dma_start3A_20 = tpu.memref_squeeze %dma_start3A_19 : memref<1x1000xf32, #tpu.memory_space<hbm>> -> memref<1000xf32, #tpu.memory_space<hbm>>
    %dma_start3A_21 = arith.constant 0 : i32
    %dma_start3A_22 = tpu.memref_slice %arg9[%add3A, %dma_start3A_21] : memref<32x1000xf32, #tpu.memory_space<hbm>> -> memref<1x1000xf32, #tpu.memory_space<hbm>>
    %dma_start3A_23 = tpu.memref_squeeze %dma_start3A_22 : memref<1x1000xf32, #tpu.memory_space<hbm>> -> memref<1000xf32, #tpu.memory_space<hbm>>
    tpu.enqueue_dma source(%dma_start3A_23 : memref<1000xf32, #tpu.memory_space<hbm>>) target(%arg17 : memref<1000xf32, #tpu.memory_space<vmem>>) target_semaphore(%arg24 : memref<!tpu.dma_semaphore, #tpu.memory_space<semaphore_mem>>)
    %add3A_24 = arith.constant 32 : i32
    %add3A_25 = arith.addi %add3A, %add3A_24 : i32
    %dma_start3A_26 = arith.constant 0 : i32
    %dma_start3A_27 = tpu.memref_slice %arg2[%dma_start3A_26] : memref<16384xi32, #tpu.memory_space<hbm>> -> memref<4096xi32, #tpu.memory_space<hbm>>
    %dma_start3A_28 = arith.constant 0 : i32
    %dma_start3A_29 = tpu.memref_slice %arg2[%dma_start3A_28] : memref<16384xi32, #tpu.memory_space<hbm>> -> memref<4096xi32, #tpu.memory_space<hbm>>
    tpu.enqueue_dma source(%dma_start3A_29 : memref<4096xi32, #tpu.memory_space<hbm>>) target(%arg18 : memref<4096xi32, #tpu.memory_space<vmem>>) target_semaphore(%arg25 : memref<!tpu.dma_semaphore, #tpu.memory_space<semaphore_mem>>)
    %dma_start3A_30 = arith.constant 4096 : i32
    %dma_start3A_31 = tpu.memref_slice %arg2[%dma_start3A_30] : memref<16384xi32, #tpu.memory_space<hbm>> -> memref<4096xi32, #tpu.memory_space<hbm>>
    %dma_start3A_32 = arith.constant 4096 : i32
    %dma_start3A_33 = tpu.memref_slice %arg2[%dma_start3A_32] : memref<16384xi32, #tpu.memory_space<hbm>> -> memref<4096xi32, #tpu.memory_space<hbm>>
    tpu.enqueue_dma source(%dma_start3A_33 : memref<4096xi32, #tpu.memory_space<hbm>>) target(%arg19 : memref<4096xi32, #tpu.memory_space<vmem>>) target_semaphore(%arg25 : memref<!tpu.dma_semaphore, #tpu.memory_space<semaphore_mem>>)
    %dma_start3A_34 = arith.constant 8192 : i32
    %dma_start3A_35 = tpu.memref_slice %arg2[%dma_start3A_34] : memref<16384xi32, #tpu.memory_space<hbm>> -> memref<4096xi32, #tpu.memory_space<hbm>>
    %dma_start3A_36 = arith.constant 8192 : i32
    %dma_start3A_37 = tpu.memref_slice %arg2[%dma_start3A_36] : memref<16384xi32, #tpu.memory_space<hbm>> -> memref<4096xi32, #tpu.memory_space<hbm>>
    tpu.enqueue_dma source(%dma_start3A_37 : memref<4096xi32, #tpu.memory_space<hbm>>) target(%arg20 : memref<4096xi32, #tpu.memory_space<vmem>>) target_semaphore(%arg25 : memref<!tpu.dma_semaphore, #tpu.memory_space<semaphore_mem>>)
    %dma_wait3A = arith.constant 0 : i32
    %dma_wait3A_38 = tpu.memref_slice %arg6[%add3A, %dma_wait3A] : memref<32x1000xf32, #tpu.memory_space<hbm>> -> memref<1x1000xf32, #tpu.memory_space<hbm>>
    %dma_wait3A_39 = tpu.memref_squeeze %dma_wait3A_38 : memref<1x1000xf32, #tpu.memory_space<hbm>> -> memref<1000xf32, #tpu.memory_space<hbm>>
    %dma_wait3A_40 = arith.constant 0 : i32
    %dma_wait3A_41 = tpu.memref_slice %arg6[%add3A, %dma_wait3A_40] : memref<32x1000xf32, #tpu.memory_space<hbm>> -> memref<1x1000xf32, #tpu.memory_space<hbm>>
    %dma_wait3A_42 = tpu.memref_squeeze %dma_wait3A_41 : memref<1x1000xf32, #tpu.memory_space<hbm>> -> memref<1000xf32, #tpu.memory_space<hbm>>
    tpu.wait_dma2 semaphore(%arg24 : memref<!tpu.dma_semaphore, #tpu.memory_space<semaphore_mem>>) src(%dma_wait3A_42 : memref<1000xf32, #tpu.memory_space<hbm>>) dst(%arg14 : memref<1000xf32, #tpu.memory_space<vmem>>)
    %iota3A = tpu.iota {dimensions = array<i32: 0>} : vector<16xi32>
    %eq3A = arith.constant 0 : i32
    %eq3A_43 = vector.broadcast %eq3A : i32 to vector<16xi32>
    %eq3A_44 = arith.cmpi eq, %iota3A, %eq3A_43 : vector<16xi32>
    %jit3A = arith.constant 0.000000e+00 : f32
    %jit3A_45 = arith.constant 1.000000e+00 : f32
    %broadcast_in_dim3A = vector.broadcast %jit3A : f32 to vector<16xf32>
    %broadcast_in_dim3A_46 = vector.broadcast %jit3A_45 : f32 to vector<16xf32>
    %select_n3A = arith.select %eq3A_44, %broadcast_in_dim3A, %broadcast_in_dim3A_46 : vector<16xi1>, vector<16xf32>
    %get3A = arith.constant 0 : index
    %get3A_47 = tpu.vector_load %arg14[%get3A] {strides = array<i32>} : memref<1000xf32, #tpu.memory_space<vmem>>, vector<16xf32>,
    %mul3A_48 = arith.mulf %get3A_47, %select_n3A : vector<16xf32>
    %swap3A = arith.constant 0 : index
    %swap3A_49 = tpu.vector_load %arg14[%swap3A] {strides = array<i32>} : memref<1000xf32, #tpu.memory_space<vmem>>, vector<16xf32>,
    tpu.vector_store %arg14[%swap3A], %mul3A_48 {strides = array<i32>} : memref<1000xf32, #tpu.memory_space<vmem>>, vector<16xf32>,
    %dma_wait3A_50 = arith.constant 0 : i32
    %dma_wait3A_51 = tpu.memref_slice %arg2[%dma_wait3A_50] : memref<16384xi32, #tpu.memory_space<hbm>> -> memref<4096xi32, #tpu.memory_space<hbm>>
    %dma_wait3A_52 = arith.constant 0 : i32
    %dma_wait3A_53 = tpu.memref_slice %arg2[%dma_wait3A_52] : memref<16384xi32, #tpu.memory_space<hbm>> -> memref<4096xi32, #tpu.memory_space<hbm>>
    tpu.wait_dma2 semaphore(%arg25 : memref<!tpu.dma_semaphore, #tpu.memory_space<semaphore_mem>>) src(%dma_wait3A_53 : memref<4096xi32, #tpu.memory_space<hbm>>) dst(%arg18 : memref<4096xi32, #tpu.memory_space<vmem>>)
    %scan3A = arith.constant 0 : i32
    %scan3A_54 = arith.constant 0 : i32
    %scan3A_55 = arith.constant 32 : i32
    %scan3A_56 = arith.addi %scan3A_54, %scan3A_55 : i32
    %scan3A_57 = arith.constant 1 : i32
    scf.for %scan3A_645 = %scan3A_54 to %scan3A_56 step %scan3A_57  : i32 {
      %mul3A_646 = arith.constant 128 : i32
      %mul3A_647 = arith.muli %scan3A_645, %mul3A_646 : i32
      %add3A_648 = arith.constant 0 : i32
      %add3A_649 = arith.addi %mul3A_647, %add3A_648 : i32
      %get3A_650 = arith.index_cast %add3A_649 : i32 to index
      %get3A_651 = tpu.vector_load %arg18[%get3A_650] {strides = array<i32>} : memref<4096xi32, #tpu.memory_space<vmem>>, vector<16xi32>,
      %gather3A = tpu.vector_load_idx %arg14[%get3A_651] : memref<1000xf32, #tpu.memory_space<vmem>>[vector<16xi32>], vector<16xf32>,
      %swap3A_652 = arith.index_cast %add3A_649 : i32 to index
      %swap3A_653 = tpu.vector_load %arg21[%swap3A_652] {strides = array<i32>} : memref<4096xf32, #tpu.memory_space<vmem>>, vector<16xf32>,
      tpu.vector_store %arg21[%swap3A_652], %gather3A {strides = array<i32>} : memref<4096xf32, #tpu.memory_space<vmem>>, vector<16xf32>,
      %add3A_654 = arith.constant 16 : i32
      %add3A_655 = arith.addi %mul3A_647, %add3A_654 : i32
      %get3A_656 = arith.index_cast %add3A_655 : i32 to index
      %get3A_657 = tpu.vector_load %arg18[%get3A_656] {strides = array<i32>} : memref<4096xi32, #tpu.memory_space<vmem>>, vector<16xi32>,
      %gather3A_658 = tpu.vector_load_idx %arg14[%get3A_657] : memref<1000xf32, #tpu.memory_space<vmem>>[vector<16xi32>], vector<16xf32>,
      %swap3A_659 = arith.index_cast %add3A_655 : i32 to index
      %swap3A_660 = tpu.vector_load %arg21[%swap3A_659] {strides = array<i32>} : memref<4096xf32, #tpu.memory_space<vmem>>, vector<16xf32>,
      tpu.vector_store %arg21[%swap3A_659], %gather3A_658 {strides = array<i32>} : memref<4096xf32, #tpu.memory_space<vmem>>, vector<16xf32>,
      %add3A_661 = arith.constant 32 : i32
      %add3A_662 = arith.addi %mul3A_647, %add3A_661 : i32
      %get3A_663 = arith.index_cast %add3A_662 : i32 to index
      %get3A_664 = tpu.vector_load %arg18[%get3A_663] {strides = array<i32>} : memref<4096xi32, #tpu.memory_space<vmem>>, vector<16xi32>,
      %gather3A_665 = tpu.vector_load_idx %arg14[%get3A_664] : memref<1000xf32, #tpu.memory_space<vmem>>[vector<16xi32>], vector<16xf32>,
      %swap3A_666 = arith.index_cast %add3A_662 : i32 to index
      %swap3A_667 = tpu.vector_load %arg21[%swap3A_666] {strides = array<i32>} : memref<4096xf32, #tpu.memory_space<vmem>>, vector<16xf32>,
      tpu.vector_store %arg21[%swap3A_666], %gather3A_665 {strides = array<i32>} : memref<4096xf32, #tpu.memory_space<vmem>>, vector<16xf32>,
      %add3A_668 = arith.constant 48 : i32
      %add3A_669 = arith.addi %mul3A_647, %add3A_668 : i32
      %get3A_670 = arith.index_cast %add3A_669 : i32 to index
      %get3A_671 = tpu.vector_load %arg18[%get3A_670] {strides = array<i32>} : memref<4096xi32, #tpu.memory_space<vmem>>, vector<16xi32>,
      %gather3A_672 = tpu.vector_load_idx %arg14[%get3A_671] : memref<1000xf32, #tpu.memory_space<vmem>>[vector<16xi32>], vector<16xf32>,
      %swap3A_673 = arith.index_cast %add3A_669 : i32 to index
      %swap3A_674 = tpu.vector_load %arg21[%swap3A_673] {strides = array<i32>} : memref<4096xf32, #tpu.memory_space<vmem>>, vector<16xf32>,
      tpu.vector_store %arg21[%swap3A_673], %gather3A_672 {strides = array<i32>} : memref<4096xf32, #tpu.memory_space<vmem>>, vector<16xf32>,
      %add3A_675 = arith.constant 64 : i32
      %add3A_676 = arith.addi %mul3A_647, %add3A_675 : i32
      %get3A_677 = arith.index_cast %add3A_676 : i32 to index
      %get3A_678 = tpu.vector_load %arg18[%get3A_677] {strides = array<i32>} : memref<4096xi32, #tpu.memory_space<vmem>>, vector<16xi32>,
      %gather3A_679 = tpu.vector_load_idx %arg14[%get3A_678] : memref<1000xf32, #tpu.memory_space<vmem>>[vector<16xi32>], vector<16xf32>,
      %swap3A_680 = arith.index_cast %add3A_676 : i32 to index
      %swap3A_681 = tpu.vector_load %arg21[%swap3A_680] {strides = array<i32>} : memref<4096xf32, #tpu.memory_space<vmem>>, vector<16xf32>,
      tpu.vector_store %arg21[%swap3A_680], %gather3A_679 {strides = array<i32>} : memref<4096xf32, #tpu.memory_space<vmem>>, vector<16xf32>,
      %add3A_682 = arith.constant 80 : i32
      %add3A_683 = arith.addi %mul3A_647, %add3A_682 : i32
      %get3A_684 = arith.index_cast %add3A_683 : i32 to index
      %get3A_685 = tpu.vector_load %arg18[%get3A_684] {strides = array<i32>} : memref<4096xi32, #tpu.memory_space<vmem>>, vector<16xi32>,
      %gather3A_686 = tpu.vector_load_idx %arg14[%get3A_685] : memref<1000xf32, #tpu.memory_space<vmem>>[vector<16xi32>], vector<16xf32>,
      %swap3A_687 = arith.index_cast %add3A_683 : i32 to index
      %swap3A_688 = tpu.vector_load %arg21[%swap3A_687] {strides = array<i32>} : memref<4096xf32, #tpu.memory_space<vmem>>, vector<16xf32>,
      tpu.vector_store %arg21[%swap3A_687], %gather3A_686 {strides = array<i32>} : memref<4096xf32, #tpu.memory_space<vmem>>, vector<16xf32>,
      %add3A_689 = arith.constant 96 : i32
      %add3A_690 = arith.addi %mul3A_647, %add3A_689 : i32
      %get3A_691 = arith.index_cast %add3A_690 : i32 to index
      %get3A_692 = tpu.vector_load %arg18[%get3A_691] {strides = array<i32>} : memref<4096xi32, #tpu.memory_space<vmem>>, vector<16xi32>,
      %gather3A_693 = tpu.vector_load_idx %arg14[%get3A_692] : memref<1000xf32, #tpu.memory_space<vmem>>[vector<16xi32>], vector<16xf32>,
      %swap3A_694 = arith.index_cast %add3A_690 : i32 to index
      %swap3A_695 = tpu.vector_load %arg21[%swap3A_694] {strides = array<i32>} : memref<4096xf32, #tpu.memory_space<vmem>>, vector<16xf32>,
      tpu.vector_store %arg21[%swap3A_694], %gather3A_693 {strides = array<i32>} : memref<4096xf32, #tpu.memory_space<vmem>>, vector<16xf32>,
      %add3A_696 = arith.constant 112 : i32
      %add3A_697 = arith.addi %mul3A_647, %add3A_696 : i32
      %get3A_698 = arith.index_cast %add3A_697 : i32 to index
      %get3A_699 = tpu.vector_load %arg18[%get3A_698] {strides = array<i32>} : memref<4096xi32, #tpu.memory_space<vmem>>, vector<16xi32>,
      %gather3A_700 = tpu.vector_load_idx %arg14[%get3A_699] : memref<1000xf32, #tpu.memory_space<vmem>>[vector<16xi32>], vector<16xf32>,
      %swap3A_701 = arith.index_cast %add3A_697 : i32 to index
      %swap3A_702 = tpu.vector_load %arg21[%swap3A_701] {strides = array<i32>} : memref<4096xf32, #tpu.memory_space<vmem>>, vector<16xf32>,
      tpu.vector_store %arg21[%swap3A_701], %gather3A_700 {strides = array<i32>} : memref<4096xf32, #tpu.memory_space<vmem>>, vector<16xf32>,
    }
    %scan3A_58 = arith.constant 32 : i32
    %dma_start3A_59 = arith.constant 0 : i32
    %dma_start3A_60 = tpu.memref_slice %arg10[%add3A, %dma_start3A_59] : memref<32x16384xf32, #tpu.memory_space<hbm>> -> memref<1x4096xf32, #tpu.memory_space<hbm>>
    %dma_start3A_61 = tpu.memref_squeeze %dma_start3A_60 : memref<1x4096xf32, #tpu.memory_space<hbm>> -> memref<4096xf32, #tpu.memory_space<hbm>>
    %dma_start3A_62 = arith.constant 0 : i32
    %dma_start3A_63 = tpu.memref_slice %arg10[%add3A, %dma_start3A_62] : memref<32x16384xf32, #tpu.memory_space<hbm>> -> memref<1x4096xf32, #tpu.memory_space<hbm>>
    %dma_start3A_64 = tpu.memref_squeeze %dma_start3A_63 : memref<1x4096xf32, #tpu.memory_space<hbm>> -> memref<4096xf32, #tpu.memory_space<hbm>>
    tpu.enqueue_dma source(%arg21 : memref<4096xf32, #tpu.memory_space<vmem>>) target(%dma_start3A_64 : memref<4096xf32, #tpu.memory_space<hbm>>) target_semaphore(%arg26 : memref<!tpu.dma_semaphore, #tpu.memory_space<semaphore_mem>>)
    %dma_start3A_65 = arith.constant 12288 : i32
    %dma_start3A_66 = tpu.memref_slice %arg2[%dma_start3A_65] : memref<16384xi32, #tpu.memory_space<hbm>> -> memref<4096xi32, #tpu.memory_space<hbm>>
    %dma_start3A_67 = arith.constant 12288 : i32
    %dma_start3A_68 = tpu.memref_slice %arg2[%dma_start3A_67] : memref<16384xi32, #tpu.memory_space<hbm>> -> memref<4096xi32, #tpu.memory_space<hbm>>
    tpu.enqueue_dma source(%dma_start3A_68 : memref<4096xi32, #tpu.memory_space<hbm>>) target(%arg18 : memref<4096xi32, #tpu.memory_space<vmem>>) target_semaphore(%arg25 : memref<!tpu.dma_semaphore, #tpu.memory_space<semaphore_mem>>)
    %dma_wait3A_69 = arith.constant 4096 : i32
    %dma_wait3A_70 = tpu.memref_slice %arg2[%dma_wait3A_69] : memref<16384xi32, #tpu.memory_space<hbm>> -> memref<4096xi32, #tpu.memory_space<hbm>>
    %dma_wait3A_71 = arith.constant 4096 : i32
    %dma_wait3A_72 = tpu.memref_slice %arg2[%dma_wait3A_71] : memref<16384xi32, #tpu.memory_space<hbm>> -> memref<4096xi32, #tpu.memory_space<hbm>>
    tpu.wait_dma2 semaphore(%arg25 : memref<!tpu.dma_semaphore, #tpu.memory_space<semaphore_mem>>) src(%dma_wait3A_72 : memref<4096xi32, #tpu.memory_space<hbm>>) dst(%arg19 : memref<4096xi32, #tpu.memory_space<vmem>>)
    %scan3A_73 = arith.constant 0 : i32
    %scan3A_74 = arith.constant 0 : i32
    %scan3A_75 = arith.constant 32 : i32
    %scan3A_76 = arith.addi %scan3A_74, %scan3A_75 : i32
    %scan3A_77 = arith.constant 1 : i32
    scf.for %scan3A_645 = %scan3A_74 to %scan3A_76 step %scan3A_77  : i32 {
      %mul3A_646 = arith.constant 128 : i32
      %mul3A_647 = arith.muli %scan3A_645, %mul3A_646 : i32
      %add3A_648 = arith.constant 0 : i32
      %add3A_649 = arith.addi %mul3A_647, %add3A_648 : i32
      %get3A_650 = arith.index_cast %add3A_649 : i32 to index
      %get3A_651 = tpu.vector_load %arg19[%get3A_650] {strides = array<i32>} : memref<4096xi32, #tpu.memory_space<vmem>>, vector<16xi32>,
      %gather3A = tpu.vector_load_idx %arg14[%get3A_651] : memref<1000xf32, #tpu.memory_space<vmem>>[vector<16xi32>], vector<16xf32>,
      %swap3A_652 = arith.index_cast %add3A_649 : i32 to index
      %swap3A_653 = tpu.vector_load %arg22[%swap3A_652] {strides = array<i32>} : memref<4096xf32, #tpu.memory_space<vmem>>, vector<16xf32>,
      tpu.vector_store %arg22[%swap3A_652], %gather3A {strides = array<i32>} : memref<4096xf32, #tpu.memory_space<vmem>>, vector<16xf32>,
      %add3A_654 = arith.constant 16 : i32
      %add3A_655 = arith.addi %mul3A_647, %add3A_654 : i32
      %get3A_656 = arith.index_cast %add3A_655 : i32 to index
      %get3A_657 = tpu.vector_load %arg19[%get3A_656] {strides = array<i32>} : memref<4096xi32, #tpu.memory_space<vmem>>, vector<16xi32>,
      %gather3A_658 = tpu.vector_load_idx %arg14[%get3A_657] : memref<1000xf32, #tpu.memory_space<vmem>>[vector<16xi32>], vector<16xf32>,
      %swap3A_659 = arith.index_cast %add3A_655 : i32 to index
      %swap3A_660 = tpu.vector_load %arg22[%swap3A_659] {strides = array<i32>} : memref<4096xf32, #tpu.memory_space<vmem>>, vector<16xf32>,
      tpu.vector_store %arg22[%swap3A_659], %gather3A_658 {strides = array<i32>} : memref<4096xf32, #tpu.memory_space<vmem>>, vector<16xf32>,
      %add3A_661 = arith.constant 32 : i32
      %add3A_662 = arith.addi %mul3A_647, %add3A_661 : i32
      %get3A_663 = arith.index_cast %add3A_662 : i32 to index
      %get3A_664 = tpu.vector_load %arg19[%get3A_663] {strides = array<i32>} : memref<4096xi32, #tpu.memory_space<vmem>>, vector<16xi32>,
      %gather3A_665 = tpu.vector_load_idx %arg14[%get3A_664] : memref<1000xf32, #tpu.memory_space<vmem>>[vector<16xi32>], vector<16xf32>,
      %swap3A_666 = arith.index_cast %add3A_662 : i32 to index
      %swap3A_667 = tpu.vector_load %arg22[%swap3A_666] {strides = array<i32>} : memref<4096xf32, #tpu.memory_space<vmem>>, vector<16xf32>,
      tpu.vector_store %arg22[%swap3A_666], %gather3A_665 {strides = array<i32>} : memref<4096xf32, #tpu.memory_space<vmem>>, vector<16xf32>,
      %add3A_668 = arith.constant 48 : i32
      %add3A_669 = arith.addi %mul3A_647, %add3A_668 : i32
      %get3A_670 = arith.index_cast %add3A_669 : i32 to index
      %get3A_671 = tpu.vector_load %arg19[%get3A_670] {strides = array<i32>} : memref<4096xi32, #tpu.memory_space<vmem>>, vector<16xi32>,
      %gather3A_672 = tpu.vector_load_idx %arg14[%get3A_671] : memref<1000xf32, #tpu.memory_space<vmem>>[vector<16xi32>], vector<16xf32>,
      %swap3A_673 = arith.index_cast %add3A_669 : i32 to index
      %swap3A_674 = tpu.vector_load %arg22[%swap3A_673] {strides = array<i32>} : memref<4096xf32, #tpu.memory_space<vmem>>, vector<16xf32>,
      tpu.vector_store %arg22[%swap3A_673], %gather3A_672 {strides = array<i32>} : memref<4096xf32, #tpu.memory_space<vmem>>, vector<16xf32>,
      %add3A_675 = arith.constant 64 : i32
      %add3A_676 = arith.addi %mul3A_647, %add3A_675 : i32
      %get3A_677 = arith.index_cast %add3A_676 : i32 to index
      %get3A_678 = tpu.vector_load %arg19[%get3A_677] {strides = array<i32>} : memref<4096xi32, #tpu.memory_space<vmem>>, vector<16xi32>,
      %gather3A_679 = tpu.vector_load_idx %arg14[%get3A_678] : memref<1000xf32, #tpu.memory_space<vmem>>[vector<16xi32>], vector<16xf32>,
      %swap3A_680 = arith.index_cast %add3A_676 : i32 to index
      %swap3A_681 = tpu.vector_load %arg22[%swap3A_680] {strides = array<i32>} : memref<4096xf32, #tpu.memory_space<vmem>>, vector<16xf32>,
      tpu.vector_store %arg22[%swap3A_680], %gather3A_679 {strides = array<i32>} : memref<4096xf32, #tpu.memory_space<vmem>>, vector<16xf32>,
      %add3A_682 = arith.constant 80 : i32
      %add3A_683 = arith.addi %mul3A_647, %add3A_682 : i32
      %get3A_684 = arith.index_cast %add3A_683 : i32 to index
      %get3A_685 = tpu.vector_load %arg19[%get3A_684] {strides = array<i32>} : memref<4096xi32, #tpu.memory_space<vmem>>, vector<16xi32>,
      %gather3A_686 = tpu.vector_load_idx %arg14[%get3A_685] : memref<1000xf32, #tpu.memory_space<vmem>>[vector<16xi32>], vector<16xf32>,
      %swap3A_687 = arith.index_cast %add3A_683 : i32 to index
      %swap3A_688 = tpu.vector_load %arg22[%swap3A_687] {strides = array<i32>} : memref<4096xf32, #tpu.memory_space<vmem>>, vector<16xf32>,
      tpu.vector_store %arg22[%swap3A_687], %gather3A_686 {strides = array<i32>} : memref<4096xf32, #tpu.memory_space<vmem>>, vector<16xf32>,
      %add3A_689 = arith.constant 96 : i32
      %add3A_690 = arith.addi %mul3A_647, %add3A_689 : i32
      %get3A_691 = arith.index_cast %add3A_690 : i32 to index
      %get3A_692 = tpu.vector_load %arg19[%get3A_691] {strides = array<i32>} : memref<4096xi32, #tpu.memory_space<vmem>>, vector<16xi32>,
      %gather3A_693 = tpu.vector_load_idx %arg14[%get3A_692] : memref<1000xf32, #tpu.memory_space<vmem>>[vector<16xi32>], vector<16xf32>,
      %swap3A_694 = arith.index_cast %add3A_690 : i32 to index
      %swap3A_695 = tpu.vector_load %arg22[%swap3A_694] {strides = array<i32>} : memref<4096xf32, #tpu.memory_space<vmem>>, vector<16xf32>,
      tpu.vector_store %arg22[%swap3A_694], %gather3A_693 {strides = array<i32>} : memref<4096xf32, #tpu.memory_space<vmem>>, vector<16xf32>,
      %add3A_696 = arith.constant 112 : i32
      %add3A_697 = arith.addi %mul3A_647, %add3A_696 : i32
      %get3A_698 = arith.index_cast %add3A_697 : i32 to index
      %get3A_699 = tpu.vector_load %arg19[%get3A_698] {strides = array<i32>} : memref<4096xi32, #tpu.memory_space<vmem>>, vector<16xi32>,
      %gather3A_700 = tpu.vector_load_idx %arg14[%get3A_699] : memref<1000xf32, #tpu.memory_space<vmem>>[vector<16xi32>], vector<16xf32>,
      %swap3A_701 = arith.index_cast %add3A_697 : i32 to index
      %swap3A_702 = tpu.vector_load %arg22[%swap3A_701] {strides = array<i32>} : memref<4096xf32, #tpu.memory_space<vmem>>, vector<16xf32>,
      tpu.vector_store %arg22[%swap3A_701], %gather3A_700 {strides = array<i32>} : memref<4096xf32, #tpu.memory_space<vmem>>, vector<16xf32>,
    }
    %scan3A_78 = arith.constant 32 : i32
    %dma_start3A_79 = arith.constant 4096 : i32
    %dma_start3A_80 = tpu.memref_slice %arg10[%add3A, %dma_start3A_79] : memref<32x16384xf32, #tpu.memory_space<hbm>> -> memref<1x4096xf32, #tpu.memory_space<hbm>>
    %dma_start3A_81 = tpu.memref_squeeze %dma_start3A_80 : memref<1x4096xf32, #tpu.memory_space<hbm>> -> memref<4096xf32, #tpu.memory_space<hbm>>
    %dma_start3A_82 = arith.constant 4096 : i32
    %dma_start3A_83 = tpu.memref_slice %arg10[%add3A, %dma_start3A_82] : memref<32x16384xf32, #tpu.memory_space<hbm>> -> memref<1x4096xf32, #tpu.memory_space<hbm>>
    %dma_start3A_84 = tpu.memref_squeeze %dma_start3A_83 : memref<1x4096xf32, #tpu.memory_space<hbm>> -> memref<4096xf32, #tpu.memory_space<hbm>>
    tpu.enqueue_dma source(%arg22 : memref<4096xf32, #tpu.memory_space<vmem>>) target(%dma_start3A_84 : memref<4096xf32, #tpu.memory_space<hbm>>) target_semaphore(%arg26 : memref<!tpu.dma_semaphore, #tpu.memory_space<semaphore_mem>>)
    %dma_start3A_85 = arith.constant 0 : i32
    %dma_start3A_86 = tpu.memref_slice %arg3[%dma_start3A_85] : memref<16384xi32, #tpu.memory_space<hbm>> -> memref<4096xi32, #tpu.memory_space<hbm>>
    %dma_start3A_87 = arith.constant 0 : i32
    %dma_start3A_88 = tpu.memref_slice %arg3[%dma_start3A_87] : memref<16384xi32, #tpu.memory_space<hbm>> -> memref<4096xi32, #tpu.memory_space<hbm>>
    tpu.enqueue_dma source(%dma_start3A_88 : memref<4096xi32, #tpu.memory_space<hbm>>) target(%arg19 : memref<4096xi32, #tpu.memory_space<vmem>>) target_semaphore(%arg25 : memref<!tpu.dma_semaphore, #tpu.memory_space<semaphore_mem>>)
    %dma_wait3A_89 = arith.constant 8192 : i32
    %dma_wait3A_90 = tpu.memref_slice %arg2[%dma_wait3A_89] : memref<16384xi32, #tpu.memory_space<hbm>> -> memref<4096xi32, #tpu.memory_space<hbm>>
    %dma_wait3A_91 = arith.constant 8192 : i32
    %dma_wait3A_92 = tpu.memref_slice %arg2[%dma_wait3A_91] : memref<16384xi32, #tpu.memory_space<hbm>> -> memref<4096xi32, #tpu.memory_space<hbm>>
    tpu.wait_dma2 semaphore(%arg25 : memref<!tpu.dma_semaphore, #tpu.memory_space<semaphore_mem>>) src(%dma_wait3A_92 : memref<4096xi32, #tpu.memory_space<hbm>>) dst(%arg20 : memref<4096xi32, #tpu.memory_space<vmem>>)
    %scan3A_93 = arith.constant 0 : i32
    %scan3A_94 = arith.constant 0 : i32
    %scan3A_95 = arith.constant 32 : i32
    %scan3A_96 = arith.addi %scan3A_94, %scan3A_95 : i32
    %scan3A_97 = arith.constant 1 : i32
    scf.for %scan3A_645 = %scan3A_94 to %scan3A_96 step %scan3A_97  : i32 {
      %mul3A_646 = arith.constant 128 : i32
      %mul3A_647 = arith.muli %scan3A_645, %mul3A_646 : i32
      %add3A_648 = arith.constant 0 : i32
      %add3A_649 = arith.addi %mul3A_647, %add3A_648 : i32
      %get3A_650 = arith.index_cast %add3A_649 : i32 to index
      %get3A_651 = tpu.vector_load %arg20[%get3A_650] {strides = array<i32>} : memref<4096xi32, #tpu.memory_space<vmem>>, vector<16xi32>,
      %gather3A = tpu.vector_load_idx %arg14[%get3A_651] : memref<1000xf32, #tpu.memory_space<vmem>>[vector<16xi32>], vector<16xf32>,
      %swap3A_652 = arith.index_cast %add3A_649 : i32 to index
      %swap3A_653 = tpu.vector_load %arg23[%swap3A_652] {strides = array<i32>} : memref<4096xf32, #tpu.memory_space<vmem>>, vector<16xf32>,
      tpu.vector_store %arg23[%swap3A_652], %gather3A {strides = array<i32>} : memref<4096xf32, #tpu.memory_space<vmem>>, vector<16xf32>,
      %add3A_654 = arith.constant 16 : i32
      %add3A_655 = arith.addi %mul3A_647, %add3A_654 : i32
      %get3A_656 = arith.index_cast %add3A_655 : i32 to index
      %get3A_657 = tpu.vector_load %arg20[%get3A_656] {strides = array<i32>} : memref<4096xi32, #tpu.memory_space<vmem>>, vector<16xi32>,
      %gather3A_658 = tpu.vector_load_idx %arg14[%get3A_657] : memref<1000xf32, #tpu.memory_space<vmem>>[vector<16xi32>], vector<16xf32>,
      %swap3A_659 = arith.index_cast %add3A_655 : i32 to index
      %swap3A_660 = tpu.vector_load %arg23[%swap3A_659] {strides = array<i32>} : memref<4096xf32, #tpu.memory_space<vmem>>, vector<16xf32>,
      tpu.vector_store %arg23[%swap3A_659], %gather3A_658 {strides = array<i32>} : memref<4096xf32, #tpu.memory_space<vmem>>, vector<16xf32>,
      %add3A_661 = arith.constant 32 : i32
      %add3A_662 = arith.addi %mul3A_647, %add3A_661 : i32
      %get3A_663 = arith.index_cast %add3A_662 : i32 to index
      %get3A_664 = tpu.vector_load %arg20[%get3A_663] {strides = array<i32>} : memref<4096xi32, #tpu.memory_space<vmem>>, vector<16xi32>,
      %gather3A_665 = tpu.vector_load_idx %arg14[%get3A_664] : memref<1000xf32, #tpu.memory_space<vmem>>[vector<16xi32>], vector<16xf32>,
      %swap3A_666 = arith.index_cast %add3A_662 : i32 to index
      %swap3A_667 = tpu.vector_load %arg23[%swap3A_666] {strides = array<i32>} : memref<4096xf32, #tpu.memory_space<vmem>>, vector<16xf32>,
      tpu.vector_store %arg23[%swap3A_666], %gather3A_665 {strides = array<i32>} : memref<4096xf32, #tpu.memory_space<vmem>>, vector<16xf32>,
      %add3A_668 = arith.constant 48 : i32
      %add3A_669 = arith.addi %mul3A_647, %add3A_668 : i32
      %get3A_670 = arith.index_cast %add3A_669 : i32 to index
      %get3A_671 = tpu.vector_load %arg20[%get3A_670] {strides = array<i32>} : memref<4096xi32, #tpu.memory_space<vmem>>, vector<16xi32>,
      %gather3A_672 = tpu.vector_load_idx %arg14[%get3A_671] : memref<1000xf32, #tpu.memory_space<vmem>>[vector<16xi32>], vector<16xf32>,
      %swap3A_673 = arith.index_cast %add3A_669 : i32 to index
      %swap3A_674 = tpu.vector_load %arg23[%swap3A_673] {strides = array<i32>} : memref<4096xf32, #tpu.memory_space<vmem>>, vector<16xf32>,
      tpu.vector_store %arg23[%swap3A_673], %gather3A_672 {strides = array<i32>} : memref<4096xf32, #tpu.memory_space<vmem>>, vector<16xf32>,
      %add3A_675 = arith.constant 64 : i32
      %add3A_676 = arith.addi %mul3A_647, %add3A_675 : i32
      %get3A_677 = arith.index_cast %add3A_676 : i32 to index
      %get3A_678 = tpu.vector_load %arg20[%get3A_677] {strides = array<i32>} : memref<4096xi32, #tpu.memory_space<vmem>>, vector<16xi32>,
      %gather3A_679 = tpu.vector_load_idx %arg14[%get3A_678] : memref<1000xf32, #tpu.memory_space<vmem>>[vector<16xi32>], vector<16xf32>,
      %swap3A_680 = arith.index_cast %add3A_676 : i32 to index
      %swap3A_681 = tpu.vector_load %arg23[%swap3A_680] {strides = array<i32>} : memref<4096xf32, #tpu.memory_space<vmem>>, vector<16xf32>,
      tpu.vector_store %arg23[%swap3A_680], %gather3A_679 {strides = array<i32>} : memref<4096xf32, #tpu.memory_space<vmem>>, vector<16xf32>,
      %add3A_682 = arith.constant 80 : i32
      %add3A_683 = arith.addi %mul3A_647, %add3A_682 : i32
      %get3A_684 = arith.index_cast %add3A_683 : i32 to index
      %get3A_685 = tpu.vector_load %arg20[%get3A_684] {strides = array<i32>} : memref<4096xi32, #tpu.memory_space<vmem>>, vector<16xi32>,
      %gather3A_686 = tpu.vector_load_idx %arg14[%get3A_685] : memref<1000xf32, #tpu.memory_space<vmem>>[vector<16xi32>], vector<16xf32>,
      %swap3A_687 = arith.index_cast %add3A_683 : i32 to index
      %swap3A_688 = tpu.vector_load %arg23[%swap3A_687] {strides = array<i32>} : memref<4096xf32, #tpu.memory_space<vmem>>, vector<16xf32>,
      tpu.vector_store %arg23[%swap3A_687], %gather3A_686 {strides = array<i32>} : memref<4096xf32, #tpu.memory_space<vmem>>, vector<16xf32>,
      %add3A_689 = arith.constant 96 : i32
      %add3A_690 = arith.addi %mul3A_647, %add3A_689 : i32
      %get3A_691 = arith.index_cast %add3A_690 : i32 to index
      %get3A_692 = tpu.vector_load %arg20[%get3A_691] {strides = array<i32>} : memref<4096xi32, #tpu.memory_space<vmem>>, vector<16xi32>,
      %gather3A_693 = tpu.vector_load_idx %arg14[%get3A_692] : memref<1000xf32, #tpu.memory_space<vmem>>[vector<16xi32>], vector<16xf32>,
      %swap3A_694 = arith.index_cast %add3A_690 : i32 to index
      %swap3A_695 = tpu.vector_load %arg23[%swap3A_694] {strides = array<i32>} : memref<4096xf32, #tpu.memory_space<vmem>>, vector<16xf32>,
      tpu.vector_store %arg23[%swap3A_694], %gather3A_693 {strides = array<i32>} : memref<4096xf32, #tpu.memory_space<vmem>>, vector<16xf32>,
      %add3A_696 = arith.constant 112 : i32
      %add3A_697 = arith.addi %mul3A_647, %add3A_696 : i32
      %get3A_698 = arith.index_cast %add3A_697 : i32 to index
      %get3A_699 = tpu.vector_load %arg20[%get3A_698] {strides = array<i32>} : memref<4096xi32, #tpu.memory_space<vmem>>, vector<16xi32>,
      %gather3A_700 = tpu.vector_load_idx %arg14[%get3A_699] : memref<1000xf32, #tpu.memory_space<vmem>>[vector<16xi32>], vector<16xf32>,
      %swap3A_701 = arith.index_cast %add3A_697 : i32 to index
      %swap3A_702 = tpu.vector_load %arg23[%swap3A_701] {strides = array<i32>} : memref<4096xf32, #tpu.memory_space<vmem>>, vector<16xf32>,
      tpu.vector_store %arg23[%swap3A_701], %gather3A_700 {strides = array<i32>} : memref<4096xf32, #tpu.memory_space<vmem>>, vector<16xf32>,
    }
    %scan3A_98 = arith.constant 32 : i32
    %dma_start3A_99 = arith.constant 8192 : i32
    %dma_start3A_100 = tpu.memref_slice %arg10[%add3A, %dma_start3A_99] : memref<32x16384xf32, #tpu.memory_space<hbm>> -> memref<1x4096xf32, #tpu.memory_space<hbm>>
    %dma_start3A_101 = tpu.memref_squeeze %dma_start3A_100 : memref<1x4096xf32, #tpu.memory_space<hbm>> -> memref<4096xf32, #tpu.memory_space<hbm>>
    %dma_start3A_102 = arith.constant 8192 : i32
    %dma_start3A_103 = tpu.memref_slice %arg10[%add3A, %dma_start3A_102] : memref<32x16384xf32, #tpu.memory_space<hbm>> -> memref<1x4096xf32, #tpu.memory_space<hbm>>
    %dma_start3A_104 = tpu.memref_squeeze %dma_start3A_103 : memref<1x4096xf32, #tpu.memory_space<hbm>> -> memref<4096xf32, #tpu.memory_space<hbm>>
    tpu.enqueue_dma source(%arg23 : memref<4096xf32, #tpu.memory_space<vmem>>) target(%dma_start3A_104 : memref<4096xf32, #tpu.memory_space<hbm>>) target_semaphore(%arg26 : memref<!tpu.dma_semaphore, #tpu.memory_space<semaphore_mem>>)
    %dma_start3A_105 = arith.constant 4096 : i32
    %dma_start3A_106 = tpu.memref_slice %arg3[%dma_start3A_105] : memref<16384xi32, #tpu.memory_space<hbm>> -> memref<4096xi32, #tpu.memory_space<hbm>>
    %dma_start3A_107 = arith.constant 4096 : i32
    %dma_start3A_108 = tpu.memref_slice %arg3[%dma_start3A_107] : memref<16384xi32, #tpu.memory_space<hbm>> -> memref<4096xi32, #tpu.memory_space<hbm>>
    tpu.enqueue_dma source(%dma_start3A_108 : memref<4096xi32, #tpu.memory_space<hbm>>) target(%arg20 : memref<4096xi32, #tpu.memory_space<vmem>>) target_semaphore(%arg25 : memref<!tpu.dma_semaphore, #tpu.memory_space<semaphore_mem>>)
    %dma_wait3A_109 = arith.constant 12288 : i32
    %dma_wait3A_110 = tpu.memref_slice %arg2[%dma_wait3A_109] : memref<16384xi32, #tpu.memory_space<hbm>> -> memref<4096xi32, #tpu.memory_space<hbm>>
    %dma_wait3A_111 = arith.constant 12288 : i32
    %dma_wait3A_112 = tpu.memref_slice %arg2[%dma_wait3A_111] : memref<16384xi32, #tpu.memory_space<hbm>> -> memref<4096xi32, #tpu.memory_space<hbm>>
    tpu.wait_dma2 semaphore(%arg25 : memref<!tpu.dma_semaphore, #tpu.memory_space<semaphore_mem>>) src(%dma_wait3A_112 : memref<4096xi32, #tpu.memory_space<hbm>>) dst(%arg18 : memref<4096xi32, #tpu.memory_space<vmem>>)
    %dma_wait3A_113 = arith.constant 0 : i32
    %dma_wait3A_114 = tpu.memref_slice %arg10[%add3A, %dma_wait3A_113] : memref<32x16384xf32, #tpu.memory_space<hbm>> -> memref<1x4096xf32, #tpu.memory_space<hbm>>
    %dma_wait3A_115 = tpu.memref_squeeze %dma_wait3A_114 : memref<1x4096xf32, #tpu.memory_space<hbm>> -> memref<4096xf32, #tpu.memory_space<hbm>>
    %dma_wait3A_116 = arith.constant 0 : i32
    %dma_wait3A_117 = tpu.memref_slice %arg10[%add3A, %dma_wait3A_116] : memref<32x16384xf32, #tpu.memory_space<hbm>> -> memref<1x4096xf32, #tpu.memory_space<hbm>>
    %dma_wait3A_118 = tpu.memref_squeeze %dma_wait3A_117 : memref<1x4096xf32, #tpu.memory_space<hbm>> -> memref<4096xf32, #tpu.memory_space<hbm>>
    tpu.wait_dma2 semaphore(%arg26 : memref<!tpu.dma_semaphore, #tpu.memory_space<semaphore_mem>>) src(%arg21 : memref<4096xf32, #tpu.memory_space<vmem>>) dst(%dma_wait3A_118 : memref<4096xf32, #tpu.memory_space<hbm>>)
    %scan3A_119 = arith.constant 0 : i32
    %scan3A_120 = arith.constant 0 : i32
    %scan3A_121 = arith.constant 32 : i32
    %scan3A_122 = arith.addi %scan3A_120, %scan3A_121 : i32
    %scan3A_123 = arith.constant 1 : i32
    scf.for %scan3A_645 = %scan3A_120 to %scan3A_122 step %scan3A_123  : i32 {
      %mul3A_646 = arith.constant 128 : i32
      %mul3A_647 = arith.muli %scan3A_645, %mul3A_646 : i32
      %add3A_648 = arith.constant 0 : i32
      %add3A_649 = arith.addi %mul3A_647, %add3A_648 : i32
      %get3A_650 = arith.index_cast %add3A_649 : i32 to index
      %get3A_651 = tpu.vector_load %arg18[%get3A_650] {strides = array<i32>} : memref<4096xi32, #tpu.memory_space<vmem>>, vector<16xi32>,
      %gather3A = tpu.vector_load_idx %arg14[%get3A_651] : memref<1000xf32, #tpu.memory_space<vmem>>[vector<16xi32>], vector<16xf32>,
      %swap3A_652 = arith.index_cast %add3A_649 : i32 to index
      %swap3A_653 = tpu.vector_load %arg21[%swap3A_652] {strides = array<i32>} : memref<4096xf32, #tpu.memory_space<vmem>>, vector<16xf32>,
      tpu.vector_store %arg21[%swap3A_652], %gather3A {strides = array<i32>} : memref<4096xf32, #tpu.memory_space<vmem>>, vector<16xf32>,
      %add3A_654 = arith.constant 16 : i32
      %add3A_655 = arith.addi %mul3A_647, %add3A_654 : i32
      %get3A_656 = arith.index_cast %add3A_655 : i32 to index
      %get3A_657 = tpu.vector_load %arg18[%get3A_656] {strides = array<i32>} : memref<4096xi32, #tpu.memory_space<vmem>>, vector<16xi32>,
      %gather3A_658 = tpu.vector_load_idx %arg14[%get3A_657] : memref<1000xf32, #tpu.memory_space<vmem>>[vector<16xi32>], vector<16xf32>,
      %swap3A_659 = arith.index_cast %add3A_655 : i32 to index
      %swap3A_660 = tpu.vector_load %arg21[%swap3A_659] {strides = array<i32>} : memref<4096xf32, #tpu.memory_space<vmem>>, vector<16xf32>,
      tpu.vector_store %arg21[%swap3A_659], %gather3A_658 {strides = array<i32>} : memref<4096xf32, #tpu.memory_space<vmem>>, vector<16xf32>,
      %add3A_661 = arith.constant 32 : i32
      %add3A_662 = arith.addi %mul3A_647, %add3A_661 : i32
      %get3A_663 = arith.index_cast %add3A_662 : i32 to index
      %get3A_664 = tpu.vector_load %arg18[%get3A_663] {strides = array<i32>} : memref<4096xi32, #tpu.memory_space<vmem>>, vector<16xi32>,
      %gather3A_665 = tpu.vector_load_idx %arg14[%get3A_664] : memref<1000xf32, #tpu.memory_space<vmem>>[vector<16xi32>], vector<16xf32>,
      %swap3A_666 = arith.index_cast %add3A_662 : i32 to index
      %swap3A_667 = tpu.vector_load %arg21[%swap3A_666] {strides = array<i32>} : memref<4096xf32, #tpu.memory_space<vmem>>, vector<16xf32>,
      tpu.vector_store %arg21[%swap3A_666], %gather3A_665 {strides = array<i32>} : memref<4096xf32, #tpu.memory_space<vmem>>, vector<16xf32>,
      %add3A_668 = arith.constant 48 : i32
      %add3A_669 = arith.addi %mul3A_647, %add3A_668 : i32
      %get3A_670 = arith.index_cast %add3A_669 : i32 to index
      %get3A_671 = tpu.vector_load %arg18[%get3A_670] {strides = array<i32>} : memref<4096xi32, #tpu.memory_space<vmem>>, vector<16xi32>,
      %gather3A_672 = tpu.vector_load_idx %arg14[%get3A_671] : memref<1000xf32, #tpu.memory_space<vmem>>[vector<16xi32>], vector<16xf32>,
      %swap3A_673 = arith.index_cast %add3A_669 : i32 to index
      %swap3A_674 = tpu.vector_load %arg21[%swap3A_673] {strides = array<i32>} : memref<4096xf32, #tpu.memory_space<vmem>>, vector<16xf32>,
      tpu.vector_store %arg21[%swap3A_673], %gather3A_672 {strides = array<i32>} : memref<4096xf32, #tpu.memory_space<vmem>>, vector<16xf32>,
      %add3A_675 = arith.constant 64 : i32
      %add3A_676 = arith.addi %mul3A_647, %add3A_675 : i32
      %get3A_677 = arith.index_cast %add3A_676 : i32 to index
      %get3A_678 = tpu.vector_load %arg18[%get3A_677] {strides = array<i32>} : memref<4096xi32, #tpu.memory_space<vmem>>, vector<16xi32>,
      %gather3A_679 = tpu.vector_load_idx %arg14[%get3A_678] : memref<1000xf32, #tpu.memory_space<vmem>>[vector<16xi32>], vector<16xf32>,
      %swap3A_680 = arith.index_cast %add3A_676 : i32 to index
      %swap3A_681 = tpu.vector_load %arg21[%swap3A_680] {strides = array<i32>} : memref<4096xf32, #tpu.memory_space<vmem>>, vector<16xf32>,
      tpu.vector_store %arg21[%swap3A_680], %gather3A_679 {strides = array<i32>} : memref<4096xf32, #tpu.memory_space<vmem>>, vector<16xf32>,
      %add3A_682 = arith.constant 80 : i32
      %add3A_683 = arith.addi %mul3A_647, %add3A_682 : i32
      %get3A_684 = arith.index_cast %add3A_683 : i32 to index
      %get3A_685 = tpu.vector_load %arg18[%get3A_684] {strides = array<i32>} : memref<4096xi32, #tpu.memory_space<vmem>>, vector<16xi32>,
      %gather3A_686 = tpu.vector_load_idx %arg14[%get3A_685] : memref<1000xf32, #tpu.memory_space<vmem>>[vector<16xi32>], vector<16xf32>,
      %swap3A_687 = arith.index_cast %add3A_683 : i32 to index
      %swap3A_688 = tpu.vector_load %arg21[%swap3A_687] {strides = array<i32>} : memref<4096xf32, #tpu.memory_space<vmem>>, vector<16xf32>,
      tpu.vector_store %arg21[%swap3A_687], %gather3A_686 {strides = array<i32>} : memref<4096xf32, #tpu.memory_space<vmem>>, vector<16xf32>,
      %add3A_689 = arith.constant 96 : i32
      %add3A_690 = arith.addi %mul3A_647, %add3A_689 : i32
      %get3A_691 = arith.index_cast %add3A_690 : i32 to index
      %get3A_692 = tpu.vector_load %arg18[%get3A_691] {strides = array<i32>} : memref<4096xi32, #tpu.memory_space<vmem>>, vector<16xi32>,
      %gather3A_693 = tpu.vector_load_idx %arg14[%get3A_692] : memref<1000xf32, #tpu.memory_space<vmem>>[vector<16xi32>], vector<16xf32>,
      %swap3A_694 = arith.index_cast %add3A_690 : i32 to index
      %swap3A_695 = tpu.vector_load %arg21[%swap3A_694] {strides = array<i32>} : memref<4096xf32, #tpu.memory_space<vmem>>, vector<16xf32>,
      tpu.vector_store %arg21[%swap3A_694], %gather3A_693 {strides = array<i32>} : memref<4096xf32, #tpu.memory_space<vmem>>, vector<16xf32>,
      %add3A_696 = arith.constant 112 : i32
      %add3A_697 = arith.addi %mul3A_647, %add3A_696 : i32
      %get3A_698 = arith.index_cast %add3A_697 : i32 to index
      %get3A_699 = tpu.vector_load %arg18[%get3A_698] {strides = array<i32>} : memref<4096xi32, #tpu.memory_space<vmem>>, vector<16xi32>,
      %gather3A_700 = tpu.vector_load_idx %arg14[%get3A_699] : memref<1000xf32, #tpu.memory_space<vmem>>[vector<16xi32>], vector<16xf32>,
      %swap3A_701 = arith.index_cast %add3A_697 : i32 to index
      %swap3A_702 = tpu.vector_load %arg21[%swap3A_701] {strides = array<i32>} : memref<4096xf32, #tpu.memory_space<vmem>>, vector<16xf32>,
      tpu.vector_store %arg21[%swap3A_701], %gather3A_700 {strides = array<i32>} : memref<4096xf32, #tpu.memory_space<vmem>>, vector<16xf32>,
    }
    %scan3A_124 = arith.constant 32 : i32
    %dma_start3A_125 = arith.constant 12288 : i32
    %dma_start3A_126 = tpu.memref_slice %arg10[%add3A, %dma_start3A_125] : memref<32x16384xf32, #tpu.memory_space<hbm>> -> memref<1x4096xf32, #tpu.memory_space<hbm>>
    %dma_start3A_127 = tpu.memref_squeeze %dma_start3A_126 : memref<1x4096xf32, #tpu.memory_space<hbm>> -> memref<4096xf32, #tpu.memory_space<hbm>>
    %dma_start3A_128 = arith.constant 12288 : i32
    %dma_start3A_129 = tpu.memref_slice %arg10[%add3A, %dma_start3A_128] : memref<32x16384xf32, #tpu.memory_space<hbm>> -> memref<1x4096xf32, #tpu.memory_space<hbm>>
    %dma_start3A_130 = tpu.memref_squeeze %dma_start3A_129 : memref<1x4096xf32, #tpu.memory_space<hbm>> -> memref<4096xf32, #tpu.memory_space<hbm>>
    tpu.enqueue_dma source(%arg21 : memref<4096xf32, #tpu.memory_space<vmem>>) target(%dma_start3A_130 : memref<4096xf32, #tpu.memory_space<hbm>>) target_semaphore(%arg26 : memref<!tpu.dma_semaphore, #tpu.memory_space<semaphore_mem>>)
    %dma_start3A_131 = arith.constant 8192 : i32
    %dma_start3A_132 = tpu.memref_slice %arg3[%dma_start3A_131] : memref<16384xi32, #tpu.memory_space<hbm>> -> memref<4096xi32, #tpu.memory_space<hbm>>
    %dma_start3A_133 = arith.constant 8192 : i32
    %dma_start3A_134 = tpu.memref_slice %arg3[%dma_start3A_133] : memref<16384xi32, #tpu.memory_space<hbm>> -> memref<4096xi32, #tpu.memory_space<hbm>>
    tpu.enqueue_dma source(%dma_start3A_134 : memref<4096xi32, #tpu.memory_space<hbm>>) target(%arg18 : memref<4096xi32, #tpu.memory_space<vmem>>) target_semaphore(%arg25 : memref<!tpu.dma_semaphore, #tpu.memory_space<semaphore_mem>>)
    %dma_wait3A_135 = arith.constant 0 : i32
    %dma_wait3A_136 = tpu.memref_slice %arg7[%add3A, %dma_wait3A_135] : memref<64x100000xf32, #tpu.memory_space<hbm>> -> memref<1x100000xf32, #tpu.memory_space<hbm>>
    %dma_wait3A_137 = tpu.memref_squeeze %dma_wait3A_136 : memref<1x100000xf32, #tpu.memory_space<hbm>> -> memref<100000xf32, #tpu.memory_space<hbm>>
    %dma_wait3A_138 = arith.constant 0 : i32
    %dma_wait3A_139 = tpu.memref_slice %arg7[%add3A, %dma_wait3A_138] : memref<64x100000xf32, #tpu.memory_space<hbm>> -> memref<1x100000xf32, #tpu.memory_space<hbm>>
    %dma_wait3A_140 = tpu.memref_squeeze %dma_wait3A_139 : memref<1x100000xf32, #tpu.memory_space<hbm>> -> memref<100000xf32, #tpu.memory_space<hbm>>
    tpu.wait_dma2 semaphore(%arg24 : memref<!tpu.dma_semaphore, #tpu.memory_space<semaphore_mem>>) src(%dma_wait3A_140 : memref<100000xf32, #tpu.memory_space<hbm>>) dst(%arg15 : memref<100000xf32, #tpu.memory_space<vmem>>)
    %iota3A_141 = tpu.iota {dimensions = array<i32: 0>} : vector<16xi32>
    %eq3A_142 = arith.constant 0 : i32
    %eq3A_143 = vector.broadcast %eq3A_142 : i32 to vector<16xi32>
    %eq3A_144 = arith.cmpi eq, %iota3A_141, %eq3A_143 : vector<16xi32>
    %jit3A_145 = arith.constant 0.000000e+00 : f32
    %jit3A_146 = arith.constant 1.000000e+00 : f32
    %broadcast_in_dim3A_147 = vector.broadcast %jit3A_145 : f32 to vector<16xf32>
    %broadcast_in_dim3A_148 = vector.broadcast %jit3A_146 : f32 to vector<16xf32>
    %select_n3A_149 = arith.select %eq3A_144, %broadcast_in_dim3A_147, %broadcast_in_dim3A_148 : vector<16xi1>, vector<16xf32>
    %get3A_150 = arith.constant 0 : index
    %get3A_151 = tpu.vector_load %arg15[%get3A_150] {strides = array<i32>} : memref<100000xf32, #tpu.memory_space<vmem>>, vector<16xf32>,
    %mul3A_152 = arith.mulf %get3A_151, %select_n3A_149 : vector<16xf32>
    %swap3A_153 = arith.constant 0 : index
    %swap3A_154 = tpu.vector_load %arg15[%swap3A_153] {strides = array<i32>} : memref<100000xf32, #tpu.memory_space<vmem>>, vector<16xf32>,
    tpu.vector_store %arg15[%swap3A_153], %mul3A_152 {strides = array<i32>} : memref<100000xf32, #tpu.memory_space<vmem>>, vector<16xf32>,
    %dma_wait3A_155 = arith.constant 0 : i32
    %dma_wait3A_156 = tpu.memref_slice %arg3[%dma_wait3A_155] : memref<16384xi32, #tpu.memory_space<hbm>> -> memref<4096xi32, #tpu.memory_space<hbm>>
    %dma_wait3A_157 = arith.constant 0 : i32
    %dma_wait3A_158 = tpu.memref_slice %arg3[%dma_wait3A_157] : memref<16384xi32, #tpu.memory_space<hbm>> -> memref<4096xi32, #tpu.memory_space<hbm>>
    tpu.wait_dma2 semaphore(%arg25 : memref<!tpu.dma_semaphore, #tpu.memory_space<semaphore_mem>>) src(%dma_wait3A_158 : memref<4096xi32, #tpu.memory_space<hbm>>) dst(%arg19 : memref<4096xi32, #tpu.memory_space<vmem>>)
    %dma_wait3A_159 = arith.constant 4096 : i32
    %dma_wait3A_160 = tpu.memref_slice %arg10[%add3A, %dma_wait3A_159] : memref<32x16384xf32, #tpu.memory_space<hbm>> -> memref<1x4096xf32, #tpu.memory_space<hbm>>
    %dma_wait3A_161 = tpu.memref_squeeze %dma_wait3A_160 : memref<1x4096xf32, #tpu.memory_space<hbm>> -> memref<4096xf32, #tpu.memory_space<hbm>>
    %dma_wait3A_162 = arith.constant 4096 : i32
    %dma_wait3A_163 = tpu.memref_slice %arg10[%add3A, %dma_wait3A_162] : memref<32x16384xf32, #tpu.memory_space<hbm>> -> memref<1x4096xf32, #tpu.memory_space<hbm>>
    %dma_wait3A_164 = tpu.memref_squeeze %dma_wait3A_163 : memref<1x4096xf32, #tpu.memory_space<hbm>> -> memref<4096xf32, #tpu.memory_space<hbm>>
    tpu.wait_dma2 semaphore(%arg26 : memref<!tpu.dma_semaphore, #tpu.memory_space<semaphore_mem>>) src(%arg22 : memref<4096xf32, #tpu.memory_space<vmem>>) dst(%dma_wait3A_164 : memref<4096xf32, #tpu.memory_space<hbm>>)
    %scan3A_165 = arith.constant 0 : i32
    %scan3A_166 = arith.constant 0 : i32
    %scan3A_167 = arith.constant 32 : i32
    %scan3A_168 = arith.addi %scan3A_166, %scan3A_167 : i32
    %scan3A_169 = arith.constant 1 : i32
    scf.for %scan3A_645 = %scan3A_166 to %scan3A_168 step %scan3A_169  : i32 {
      %mul3A_646 = arith.constant 128 : i32
      %mul3A_647 = arith.muli %scan3A_645, %mul3A_646 : i32
      %add3A_648 = arith.constant 0 : i32
      %add3A_649 = arith.addi %mul3A_647, %add3A_648 : i32
      %get3A_650 = arith.index_cast %add3A_649 : i32 to index
      %get3A_651 = tpu.vector_load %arg19[%get3A_650] {strides = array<i32>} : memref<4096xi32, #tpu.memory_space<vmem>>, vector<16xi32>,
      %gather3A = tpu.vector_load_idx %arg15[%get3A_651] : memref<100000xf32, #tpu.memory_space<vmem>>[vector<16xi32>], vector<16xf32>,
      %swap3A_652 = arith.index_cast %add3A_649 : i32 to index
      %swap3A_653 = tpu.vector_load %arg22[%swap3A_652] {strides = array<i32>} : memref<4096xf32, #tpu.memory_space<vmem>>, vector<16xf32>,
      tpu.vector_store %arg22[%swap3A_652], %gather3A {strides = array<i32>} : memref<4096xf32, #tpu.memory_space<vmem>>, vector<16xf32>,
      %add3A_654 = arith.constant 16 : i32
      %add3A_655 = arith.addi %mul3A_647, %add3A_654 : i32
      %get3A_656 = arith.index_cast %add3A_655 : i32 to index
      %get3A_657 = tpu.vector_load %arg19[%get3A_656] {strides = array<i32>} : memref<4096xi32, #tpu.memory_space<vmem>>, vector<16xi32>,
      %gather3A_658 = tpu.vector_load_idx %arg15[%get3A_657] : memref<100000xf32, #tpu.memory_space<vmem>>[vector<16xi32>], vector<16xf32>,
      %swap3A_659 = arith.index_cast %add3A_655 : i32 to index
      %swap3A_660 = tpu.vector_load %arg22[%swap3A_659] {strides = array<i32>} : memref<4096xf32, #tpu.memory_space<vmem>>, vector<16xf32>,
      tpu.vector_store %arg22[%swap3A_659], %gather3A_658 {strides = array<i32>} : memref<4096xf32, #tpu.memory_space<vmem>>, vector<16xf32>,
      %add3A_661 = arith.constant 32 : i32
      %add3A_662 = arith.addi %mul3A_647, %add3A_661 : i32
      %get3A_663 = arith.index_cast %add3A_662 : i32 to index
      %get3A_664 = tpu.vector_load %arg19[%get3A_663] {strides = array<i32>} : memref<4096xi32, #tpu.memory_space<vmem>>, vector<16xi32>,
      %gather3A_665 = tpu.vector_load_idx %arg15[%get3A_664] : memref<100000xf32, #tpu.memory_space<vmem>>[vector<16xi32>], vector<16xf32>,
      %swap3A_666 = arith.index_cast %add3A_662 : i32 to index
      %swap3A_667 = tpu.vector_load %arg22[%swap3A_666] {strides = array<i32>} : memref<4096xf32, #tpu.memory_space<vmem>>, vector<16xf32>,
      tpu.vector_store %arg22[%swap3A_666], %gather3A_665 {strides = array<i32>} : memref<4096xf32, #tpu.memory_space<vmem>>, vector<16xf32>,
      %add3A_668 = arith.constant 48 : i32
      %add3A_669 = arith.addi %mul3A_647, %add3A_668 : i32
      %get3A_670 = arith.index_cast %add3A_669 : i32 to index
      %get3A_671 = tpu.vector_load %arg19[%get3A_670] {strides = array<i32>} : memref<4096xi32, #tpu.memory_space<vmem>>, vector<16xi32>,
      %gather3A_672 = tpu.vector_load_idx %arg15[%get3A_671] : memref<100000xf32, #tpu.memory_space<vmem>>[vector<16xi32>], vector<16xf32>,
      %swap3A_673 = arith.index_cast %add3A_669 : i32 to index
      %swap3A_674 = tpu.vector_load %arg22[%swap3A_673] {strides = array<i32>} : memref<4096xf32, #tpu.memory_space<vmem>>, vector<16xf32>,
      tpu.vector_store %arg22[%swap3A_673], %gather3A_672 {strides = array<i32>} : memref<4096xf32, #tpu.memory_space<vmem>>, vector<16xf32>,
      %add3A_675 = arith.constant 64 : i32
      %add3A_676 = arith.addi %mul3A_647, %add3A_675 : i32
      %get3A_677 = arith.index_cast %add3A_676 : i32 to index
      %get3A_678 = tpu.vector_load %arg19[%get3A_677] {strides = array<i32>} : memref<4096xi32, #tpu.memory_space<vmem>>, vector<16xi32>,
      %gather3A_679 = tpu.vector_load_idx %arg15[%get3A_678] : memref<100000xf32, #tpu.memory_space<vmem>>[vector<16xi32>], vector<16xf32>,
      %swap3A_680 = arith.index_cast %add3A_676 : i32 to index
      %swap3A_681 = tpu.vector_load %arg22[%swap3A_680] {strides = array<i32>} : memref<4096xf32, #tpu.memory_space<vmem>>, vector<16xf32>,
      tpu.vector_store %arg22[%swap3A_680], %gather3A_679 {strides = array<i32>} : memref<4096xf32, #tpu.memory_space<vmem>>, vector<16xf32>,
      %add3A_682 = arith.constant 80 : i32
      %add3A_683 = arith.addi %mul3A_647, %add3A_682 : i32
      %get3A_684 = arith.index_cast %add3A_683 : i32 to index
      %get3A_685 = tpu.vector_load %arg19[%get3A_684] {strides = array<i32>} : memref<4096xi32, #tpu.memory_space<vmem>>, vector<16xi32>,
      %gather3A_686 = tpu.vector_load_idx %arg15[%get3A_685] : memref<100000xf32, #tpu.memory_space<vmem>>[vector<16xi32>], vector<16xf32>,
      %swap3A_687 = arith.index_cast %add3A_683 : i32 to index
      %swap3A_688 = tpu.vector_load %arg22[%swap3A_687] {strides = array<i32>} : memref<4096xf32, #tpu.memory_space<vmem>>, vector<16xf32>,
      tpu.vector_store %arg22[%swap3A_687], %gather3A_686 {strides = array<i32>} : memref<4096xf32, #tpu.memory_space<vmem>>, vector<16xf32>,
      %add3A_689 = arith.constant 96 : i32
      %add3A_690 = arith.addi %mul3A_647, %add3A_689 : i32
      %get3A_691 = arith.index_cast %add3A_690 : i32 to index
      %get3A_692 = tpu.vector_load %arg19[%get3A_691] {strides = array<i32>} : memref<4096xi32, #tpu.memory_space<vmem>>, vector<16xi32>,
      %gather3A_693 = tpu.vector_load_idx %arg15[%get3A_692] : memref<100000xf32, #tpu.memory_space<vmem>>[vector<16xi32>], vector<16xf32>,
      %swap3A_694 = arith.index_cast %add3A_690 : i32 to index
      %swap3A_695 = tpu.vector_load %arg22[%swap3A_694] {strides = array<i32>} : memref<4096xf32, #tpu.memory_space<vmem>>, vector<16xf32>,
      tpu.vector_store %arg22[%swap3A_694], %gather3A_693 {strides = array<i32>} : memref<4096xf32, #tpu.memory_space<vmem>>, vector<16xf32>,
      %add3A_696 = arith.constant 112 : i32
      %add3A_697 = arith.addi %mul3A_647, %add3A_696 : i32
      %get3A_698 = arith.index_cast %add3A_697 : i32 to index
      %get3A_699 = tpu.vector_load %arg19[%get3A_698] {strides = array<i32>} : memref<4096xi32, #tpu.memory_space<vmem>>, vector<16xi32>,
      %gather3A_700 = tpu.vector_load_idx %arg15[%get3A_699] : memref<100000xf32, #tpu.memory_space<vmem>>[vector<16xi32>], vector<16xf32>,
      %swap3A_701 = arith.index_cast %add3A_697 : i32 to index
      %swap3A_702 = tpu.vector_load %arg22[%swap3A_701] {strides = array<i32>} : memref<4096xf32, #tpu.memory_space<vmem>>, vector<16xf32>,
      tpu.vector_store %arg22[%swap3A_701], %gather3A_700 {strides = array<i32>} : memref<4096xf32, #tpu.memory_space<vmem>>, vector<16xf32>,
    }
    %scan3A_170 = arith.constant 32 : i32
    %dma_start3A_171 = arith.constant 0 : i32
    %dma_start3A_172 = tpu.memref_slice %arg11[%add3A, %dma_start3A_171] : memref<64x16384xf32, #tpu.memory_space<hbm>> -> memref<1x4096xf32, #tpu.memory_space<hbm>>
    %dma_start3A_173 = tpu.memref_squeeze %dma_start3A_172 : memref<1x4096xf32, #tpu.memory_space<hbm>> -> memref<4096xf32, #tpu.memory_space<hbm>>
    %dma_start3A_174 = arith.constant 0 : i32
    %dma_start3A_175 = tpu.memref_slice %arg11[%add3A, %dma_start3A_174] : memref<64x16384xf32, #tpu.memory_space<hbm>> -> memref<1x4096xf32, #tpu.memory_space<hbm>>
    %dma_start3A_176 = tpu.memref_squeeze %dma_start3A_175 : memref<1x4096xf32, #tpu.memory_space<hbm>> -> memref<4096xf32, #tpu.memory_space<hbm>>
    tpu.enqueue_dma source(%arg22 : memref<4096xf32, #tpu.memory_space<vmem>>) target(%dma_start3A_176 : memref<4096xf32, #tpu.memory_space<hbm>>) target_semaphore(%arg26 : memref<!tpu.dma_semaphore, #tpu.memory_space<semaphore_mem>>)
    %dma_start3A_177 = arith.constant 12288 : i32
    %dma_start3A_178 = tpu.memref_slice %arg3[%dma_start3A_177] : memref<16384xi32, #tpu.memory_space<hbm>> -> memref<4096xi32, #tpu.memory_space<hbm>>
    %dma_start3A_179 = arith.constant 12288 : i32
    %dma_start3A_180 = tpu.memref_slice %arg3[%dma_start3A_179] : memref<16384xi32, #tpu.memory_space<hbm>> -> memref<4096xi32, #tpu.memory_space<hbm>>
    tpu.enqueue_dma source(%dma_start3A_180 : memref<4096xi32, #tpu.memory_space<hbm>>) target(%arg19 : memref<4096xi32, #tpu.memory_space<vmem>>) target_semaphore(%arg25 : memref<!tpu.dma_semaphore, #tpu.memory_space<semaphore_mem>>)
    %dma_wait3A_181 = arith.constant 4096 : i32
    %dma_wait3A_182 = tpu.memref_slice %arg3[%dma_wait3A_181] : memref<16384xi32, #tpu.memory_space<hbm>> -> memref<4096xi32, #tpu.memory_space<hbm>>
    %dma_wait3A_183 = arith.constant 4096 : i32
    %dma_wait3A_184 = tpu.memref_slice %arg3[%dma_wait3A_183] : memref<16384xi32, #tpu.memory_space<hbm>> -> memref<4096xi32, #tpu.memory_space<hbm>>
    tpu.wait_dma2 semaphore(%arg25 : memref<!tpu.dma_semaphore, #tpu.memory_space<semaphore_mem>>) src(%dma_wait3A_184 : memref<4096xi32, #tpu.memory_space<hbm>>) dst(%arg20 : memref<4096xi32, #tpu.memory_space<vmem>>)
    %dma_wait3A_185 = arith.constant 8192 : i32
    %dma_wait3A_186 = tpu.memref_slice %arg10[%add3A, %dma_wait3A_185] : memref<32x16384xf32, #tpu.memory_space<hbm>> -> memref<1x4096xf32, #tpu.memory_space<hbm>>
    %dma_wait3A_187 = tpu.memref_squeeze %dma_wait3A_186 : memref<1x4096xf32, #tpu.memory_space<hbm>> -> memref<4096xf32, #tpu.memory_space<hbm>>
    %dma_wait3A_188 = arith.constant 8192 : i32
    %dma_wait3A_189 = tpu.memref_slice %arg10[%add3A, %dma_wait3A_188] : memref<32x16384xf32, #tpu.memory_space<hbm>> -> memref<1x4096xf32, #tpu.memory_space<hbm>>
    %dma_wait3A_190 = tpu.memref_squeeze %dma_wait3A_189 : memref<1x4096xf32, #tpu.memory_space<hbm>> -> memref<4096xf32, #tpu.memory_space<hbm>>
    tpu.wait_dma2 semaphore(%arg26 : memref<!tpu.dma_semaphore, #tpu.memory_space<semaphore_mem>>) src(%arg23 : memref<4096xf32, #tpu.memory_space<vmem>>) dst(%dma_wait3A_190 : memref<4096xf32, #tpu.memory_space<hbm>>)
    %scan3A_191 = arith.constant 0 : i32
    %scan3A_192 = arith.constant 0 : i32
    %scan3A_193 = arith.constant 32 : i32
    %scan3A_194 = arith.addi %scan3A_192, %scan3A_193 : i32
    %scan3A_195 = arith.constant 1 : i32
    scf.for %scan3A_645 = %scan3A_192 to %scan3A_194 step %scan3A_195  : i32 {
      %mul3A_646 = arith.constant 128 : i32
      %mul3A_647 = arith.muli %scan3A_645, %mul3A_646 : i32
      %add3A_648 = arith.constant 0 : i32
      %add3A_649 = arith.addi %mul3A_647, %add3A_648 : i32
      %get3A_650 = arith.index_cast %add3A_649 : i32 to index
      %get3A_651 = tpu.vector_load %arg20[%get3A_650] {strides = array<i32>} : memref<4096xi32, #tpu.memory_space<vmem>>, vector<16xi32>,
      %gather3A = tpu.vector_load_idx %arg15[%get3A_651] : memref<100000xf32, #tpu.memory_space<vmem>>[vector<16xi32>], vector<16xf32>,
      %swap3A_652 = arith.index_cast %add3A_649 : i32 to index
      %swap3A_653 = tpu.vector_load %arg23[%swap3A_652] {strides = array<i32>} : memref<4096xf32, #tpu.memory_space<vmem>>, vector<16xf32>,
      tpu.vector_store %arg23[%swap3A_652], %gather3A {strides = array<i32>} : memref<4096xf32, #tpu.memory_space<vmem>>, vector<16xf32>,
      %add3A_654 = arith.constant 16 : i32
      %add3A_655 = arith.addi %mul3A_647, %add3A_654 : i32
      %get3A_656 = arith.index_cast %add3A_655 : i32 to index
      %get3A_657 = tpu.vector_load %arg20[%get3A_656] {strides = array<i32>} : memref<4096xi32, #tpu.memory_space<vmem>>, vector<16xi32>,
      %gather3A_658 = tpu.vector_load_idx %arg15[%get3A_657] : memref<100000xf32, #tpu.memory_space<vmem>>[vector<16xi32>], vector<16xf32>,
      %swap3A_659 = arith.index_cast %add3A_655 : i32 to index
      %swap3A_660 = tpu.vector_load %arg23[%swap3A_659] {strides = array<i32>} : memref<4096xf32, #tpu.memory_space<vmem>>, vector<16xf32>,
      tpu.vector_store %arg23[%swap3A_659], %gather3A_658 {strides = array<i32>} : memref<4096xf32, #tpu.memory_space<vmem>>, vector<16xf32>,
      %add3A_661 = arith.constant 32 : i32
      %add3A_662 = arith.addi %mul3A_647, %add3A_661 : i32
      %get3A_663 = arith.index_cast %add3A_662 : i32 to index
      %get3A_664 = tpu.vector_load %arg20[%get3A_663] {strides = array<i32>} : memref<4096xi32, #tpu.memory_space<vmem>>, vector<16xi32>,
      %gather3A_665 = tpu.vector_load_idx %arg15[%get3A_664] : memref<100000xf32, #tpu.memory_space<vmem>>[vector<16xi32>], vector<16xf32>,
      %swap3A_666 = arith.index_cast %add3A_662 : i32 to index
      %swap3A_667 = tpu.vector_load %arg23[%swap3A_666] {strides = array<i32>} : memref<4096xf32, #tpu.memory_space<vmem>>, vector<16xf32>,
      tpu.vector_store %arg23[%swap3A_666], %gather3A_665 {strides = array<i32>} : memref<4096xf32, #tpu.memory_space<vmem>>, vector<16xf32>,
      %add3A_668 = arith.constant 48 : i32
      %add3A_669 = arith.addi %mul3A_647, %add3A_668 : i32
      %get3A_670 = arith.index_cast %add3A_669 : i32 to index
      %get3A_671 = tpu.vector_load %arg20[%get3A_670] {strides = array<i32>} : memref<4096xi32, #tpu.memory_space<vmem>>, vector<16xi32>,
      %gather3A_672 = tpu.vector_load_idx %arg15[%get3A_671] : memref<100000xf32, #tpu.memory_space<vmem>>[vector<16xi32>], vector<16xf32>,
      %swap3A_673 = arith.index_cast %add3A_669 : i32 to index
      %swap3A_674 = tpu.vector_load %arg23[%swap3A_673] {strides = array<i32>} : memref<4096xf32, #tpu.memory_space<vmem>>, vector<16xf32>,
      tpu.vector_store %arg23[%swap3A_673], %gather3A_672 {strides = array<i32>} : memref<4096xf32, #tpu.memory_space<vmem>>, vector<16xf32>,
      %add3A_675 = arith.constant 64 : i32
      %add3A_676 = arith.addi %mul3A_647, %add3A_675 : i32
      %get3A_677 = arith.index_cast %add3A_676 : i32 to index
      %get3A_678 = tpu.vector_load %arg20[%get3A_677] {strides = array<i32>} : memref<4096xi32, #tpu.memory_space<vmem>>, vector<16xi32>,
      %gather3A_679 = tpu.vector_load_idx %arg15[%get3A_678] : memref<100000xf32, #tpu.memory_space<vmem>>[vector<16xi32>], vector<16xf32>,
      %swap3A_680 = arith.index_cast %add3A_676 : i32 to index
      %swap3A_681 = tpu.vector_load %arg23[%swap3A_680] {strides = array<i32>} : memref<4096xf32, #tpu.memory_space<vmem>>, vector<16xf32>,
      tpu.vector_store %arg23[%swap3A_680], %gather3A_679 {strides = array<i32>} : memref<4096xf32, #tpu.memory_space<vmem>>, vector<16xf32>,
      %add3A_682 = arith.constant 80 : i32
      %add3A_683 = arith.addi %mul3A_647, %add3A_682 : i32
      %get3A_684 = arith.index_cast %add3A_683 : i32 to index
      %get3A_685 = tpu.vector_load %arg20[%get3A_684] {strides = array<i32>} : memref<4096xi32, #tpu.memory_space<vmem>>, vector<16xi32>,
      %gather3A_686 = tpu.vector_load_idx %arg15[%get3A_685] : memref<100000xf32, #tpu.memory_space<vmem>>[vector<16xi32>], vector<16xf32>,
      %swap3A_687 = arith.index_cast %add3A_683 : i32 to index
      %swap3A_688 = tpu.vector_load %arg23[%swap3A_687] {strides = array<i32>} : memref<4096xf32, #tpu.memory_space<vmem>>, vector<16xf32>,
      tpu.vector_store %arg23[%swap3A_687], %gather3A_686 {strides = array<i32>} : memref<4096xf32, #tpu.memory_space<vmem>>, vector<16xf32>,
      %add3A_689 = arith.constant 96 : i32
      %add3A_690 = arith.addi %mul3A_647, %add3A_689 : i32
      %get3A_691 = arith.index_cast %add3A_690 : i32 to index
      %get3A_692 = tpu.vector_load %arg20[%get3A_691] {strides = array<i32>} : memref<4096xi32, #tpu.memory_space<vmem>>, vector<16xi32>,
      %gather3A_693 = tpu.vector_load_idx %arg15[%get3A_692] : memref<100000xf32, #tpu.memory_space<vmem>>[vector<16xi32>], vector<16xf32>,
      %swap3A_694 = arith.index_cast %add3A_690 : i32 to index
      %swap3A_695 = tpu.vector_load %arg23[%swap3A_694] {strides = array<i32>} : memref<4096xf32, #tpu.memory_space<vmem>>, vector<16xf32>,
      tpu.vector_store %arg23[%swap3A_694], %gather3A_693 {strides = array<i32>} : memref<4096xf32, #tpu.memory_space<vmem>>, vector<16xf32>,
      %add3A_696 = arith.constant 112 : i32
      %add3A_697 = arith.addi %mul3A_647, %add3A_696 : i32
      %get3A_698 = arith.index_cast %add3A_697 : i32 to index
      %get3A_699 = tpu.vector_load %arg20[%get3A_698] {strides = array<i32>} : memref<4096xi32, #tpu.memory_space<vmem>>, vector<16xi32>,
      %gather3A_700 = tpu.vector_load_idx %arg15[%get3A_699] : memref<100000xf32, #tpu.memory_space<vmem>>[vector<16xi32>], vector<16xf32>,
      %swap3A_701 = arith.index_cast %add3A_697 : i32 to index
      %swap3A_702 = tpu.vector_load %arg23[%swap3A_701] {strides = array<i32>} : memref<4096xf32, #tpu.memory_space<vmem>>, vector<16xf32>,
      tpu.vector_store %arg23[%swap3A_701], %gather3A_700 {strides = array<i32>} : memref<4096xf32, #tpu.memory_space<vmem>>, vector<16xf32>,
    }
    %scan3A_196 = arith.constant 32 : i32
    %dma_start3A_197 = arith.constant 4096 : i32
    %dma_start3A_198 = tpu.memref_slice %arg11[%add3A, %dma_start3A_197] : memref<64x16384xf32, #tpu.memory_space<hbm>> -> memref<1x4096xf32, #tpu.memory_space<hbm>>
    %dma_start3A_199 = tpu.memref_squeeze %dma_start3A_198 : memref<1x4096xf32, #tpu.memory_space<hbm>> -> memref<4096xf32, #tpu.memory_space<hbm>>
    %dma_start3A_200 = arith.constant 4096 : i32
    %dma_start3A_201 = tpu.memref_slice %arg11[%add3A, %dma_start3A_200] : memref<64x16384xf32, #tpu.memory_space<hbm>> -> memref<1x4096xf32, #tpu.memory_space<hbm>>
    %dma_start3A_202 = tpu.memref_squeeze %dma_start3A_201 : memref<1x4096xf32, #tpu.memory_space<hbm>> -> memref<4096xf32, #tpu.memory_space<hbm>>
    tpu.enqueue_dma source(%arg23 : memref<4096xf32, #tpu.memory_space<vmem>>) target(%dma_start3A_202 : memref<4096xf32, #tpu.memory_space<hbm>>) target_semaphore(%arg26 : memref<!tpu.dma_semaphore, #tpu.memory_space<semaphore_mem>>)
    %dma_start3A_203 = arith.constant 0 : i32
    %dma_start3A_204 = tpu.memref_slice %arg4[%dma_start3A_203] : memref<16384xi32, #tpu.memory_space<hbm>> -> memref<4096xi32, #tpu.memory_space<hbm>>
    %dma_start3A_205 = arith.constant 0 : i32
    %dma_start3A_206 = tpu.memref_slice %arg4[%dma_start3A_205] : memref<16384xi32, #tpu.memory_space<hbm>> -> memref<4096xi32, #tpu.memory_space<hbm>>
    tpu.enqueue_dma source(%dma_start3A_206 : memref<4096xi32, #tpu.memory_space<hbm>>) target(%arg20 : memref<4096xi32, #tpu.memory_space<vmem>>) target_semaphore(%arg25 : memref<!tpu.dma_semaphore, #tpu.memory_space<semaphore_mem>>)
    %dma_wait3A_207 = arith.constant 8192 : i32
    %dma_wait3A_208 = tpu.memref_slice %arg3[%dma_wait3A_207] : memref<16384xi32, #tpu.memory_space<hbm>> -> memref<4096xi32, #tpu.memory_space<hbm>>
    %dma_wait3A_209 = arith.constant 8192 : i32
    %dma_wait3A_210 = tpu.memref_slice %arg3[%dma_wait3A_209] : memref<16384xi32, #tpu.memory_space<hbm>> -> memref<4096xi32, #tpu.memory_space<hbm>>
    tpu.wait_dma2 semaphore(%arg25 : memref<!tpu.dma_semaphore, #tpu.memory_space<semaphore_mem>>) src(%dma_wait3A_210 : memref<4096xi32, #tpu.memory_space<hbm>>) dst(%arg18 : memref<4096xi32, #tpu.memory_space<vmem>>)
    %dma_wait3A_211 = arith.constant 12288 : i32
    %dma_wait3A_212 = tpu.memref_slice %arg10[%add3A, %dma_wait3A_211] : memref<32x16384xf32, #tpu.memory_space<hbm>> -> memref<1x4096xf32, #tpu.memory_space<hbm>>
    %dma_wait3A_213 = tpu.memref_squeeze %dma_wait3A_212 : memref<1x4096xf32, #tpu.memory_space<hbm>> -> memref<4096xf32, #tpu.memory_space<hbm>>
    %dma_wait3A_214 = arith.constant 12288 : i32
    %dma_wait3A_215 = tpu.memref_slice %arg10[%add3A, %dma_wait3A_214] : memref<32x16384xf32, #tpu.memory_space<hbm>> -> memref<1x4096xf32, #tpu.memory_space<hbm>>
    %dma_wait3A_216 = tpu.memref_squeeze %dma_wait3A_215 : memref<1x4096xf32, #tpu.memory_space<hbm>> -> memref<4096xf32, #tpu.memory_space<hbm>>
    tpu.wait_dma2 semaphore(%arg26 : memref<!tpu.dma_semaphore, #tpu.memory_space<semaphore_mem>>) src(%arg21 : memref<4096xf32, #tpu.memory_space<vmem>>) dst(%dma_wait3A_216 : memref<4096xf32, #tpu.memory_space<hbm>>)
    %scan3A_217 = arith.constant 0 : i32
    %scan3A_218 = arith.constant 0 : i32
    %scan3A_219 = arith.constant 32 : i32
    %scan3A_220 = arith.addi %scan3A_218, %scan3A_219 : i32
    %scan3A_221 = arith.constant 1 : i32
    scf.for %scan3A_645 = %scan3A_218 to %scan3A_220 step %scan3A_221  : i32 {
      %mul3A_646 = arith.constant 128 : i32
      %mul3A_647 = arith.muli %scan3A_645, %mul3A_646 : i32
      %add3A_648 = arith.constant 0 : i32
      %add3A_649 = arith.addi %mul3A_647, %add3A_648 : i32
      %get3A_650 = arith.index_cast %add3A_649 : i32 to index
      %get3A_651 = tpu.vector_load %arg18[%get3A_650] {strides = array<i32>} : memref<4096xi32, #tpu.memory_space<vmem>>, vector<16xi32>,
      %gather3A = tpu.vector_load_idx %arg15[%get3A_651] : memref<100000xf32, #tpu.memory_space<vmem>>[vector<16xi32>], vector<16xf32>,
      %swap3A_652 = arith.index_cast %add3A_649 : i32 to index
      %swap3A_653 = tpu.vector_load %arg21[%swap3A_652] {strides = array<i32>} : memref<4096xf32, #tpu.memory_space<vmem>>, vector<16xf32>,
      tpu.vector_store %arg21[%swap3A_652], %gather3A {strides = array<i32>} : memref<4096xf32, #tpu.memory_space<vmem>>, vector<16xf32>,
      %add3A_654 = arith.constant 16 : i32
      %add3A_655 = arith.addi %mul3A_647, %add3A_654 : i32
      %get3A_656 = arith.index_cast %add3A_655 : i32 to index
      %get3A_657 = tpu.vector_load %arg18[%get3A_656] {strides = array<i32>} : memref<4096xi32, #tpu.memory_space<vmem>>, vector<16xi32>,
      %gather3A_658 = tpu.vector_load_idx %arg15[%get3A_657] : memref<100000xf32, #tpu.memory_space<vmem>>[vector<16xi32>], vector<16xf32>,
      %swap3A_659 = arith.index_cast %add3A_655 : i32 to index
      %swap3A_660 = tpu.vector_load %arg21[%swap3A_659] {strides = array<i32>} : memref<4096xf32, #tpu.memory_space<vmem>>, vector<16xf32>,
      tpu.vector_store %arg21[%swap3A_659], %gather3A_658 {strides = array<i32>} : memref<4096xf32, #tpu.memory_space<vmem>>, vector<16xf32>,
      %add3A_661 = arith.constant 32 : i32
      %add3A_662 = arith.addi %mul3A_647, %add3A_661 : i32
      %get3A_663 = arith.index_cast %add3A_662 : i32 to index
      %get3A_664 = tpu.vector_load %arg18[%get3A_663] {strides = array<i32>} : memref<4096xi32, #tpu.memory_space<vmem>>, vector<16xi32>,
      %gather3A_665 = tpu.vector_load_idx %arg15[%get3A_664] : memref<100000xf32, #tpu.memory_space<vmem>>[vector<16xi32>], vector<16xf32>,
      %swap3A_666 = arith.index_cast %add3A_662 : i32 to index
      %swap3A_667 = tpu.vector_load %arg21[%swap3A_666] {strides = array<i32>} : memref<4096xf32, #tpu.memory_space<vmem>>, vector<16xf32>,
      tpu.vector_store %arg21[%swap3A_666], %gather3A_665 {strides = array<i32>} : memref<4096xf32, #tpu.memory_space<vmem>>, vector<16xf32>,
      %add3A_668 = arith.constant 48 : i32
      %add3A_669 = arith.addi %mul3A_647, %add3A_668 : i32
      %get3A_670 = arith.index_cast %add3A_669 : i32 to index
      %get3A_671 = tpu.vector_load %arg18[%get3A_670] {strides = array<i32>} : memref<4096xi32, #tpu.memory_space<vmem>>, vector<16xi32>,
      %gather3A_672 = tpu.vector_load_idx %arg15[%get3A_671] : memref<100000xf32, #tpu.memory_space<vmem>>[vector<16xi32>], vector<16xf32>,
      %swap3A_673 = arith.index_cast %add3A_669 : i32 to index
      %swap3A_674 = tpu.vector_load %arg21[%swap3A_673] {strides = array<i32>} : memref<4096xf32, #tpu.memory_space<vmem>>, vector<16xf32>,
      tpu.vector_store %arg21[%swap3A_673], %gather3A_672 {strides = array<i32>} : memref<4096xf32, #tpu.memory_space<vmem>>, vector<16xf32>,
      %add3A_675 = arith.constant 64 : i32
      %add3A_676 = arith.addi %mul3A_647, %add3A_675 : i32
      %get3A_677 = arith.index_cast %add3A_676 : i32 to index
      %get3A_678 = tpu.vector_load %arg18[%get3A_677] {strides = array<i32>} : memref<4096xi32, #tpu.memory_space<vmem>>, vector<16xi32>,
      %gather3A_679 = tpu.vector_load_idx %arg15[%get3A_678] : memref<100000xf32, #tpu.memory_space<vmem>>[vector<16xi32>], vector<16xf32>,
      %swap3A_680 = arith.index_cast %add3A_676 : i32 to index
      %swap3A_681 = tpu.vector_load %arg21[%swap3A_680] {strides = array<i32>} : memref<4096xf32, #tpu.memory_space<vmem>>, vector<16xf32>,
      tpu.vector_store %arg21[%swap3A_680], %gather3A_679 {strides = array<i32>} : memref<4096xf32, #tpu.memory_space<vmem>>, vector<16xf32>,
      %add3A_682 = arith.constant 80 : i32
      %add3A_683 = arith.addi %mul3A_647, %add3A_682 : i32
      %get3A_684 = arith.index_cast %add3A_683 : i32 to index
      %get3A_685 = tpu.vector_load %arg18[%get3A_684] {strides = array<i32>} : memref<4096xi32, #tpu.memory_space<vmem>>, vector<16xi32>,
      %gather3A_686 = tpu.vector_load_idx %arg15[%get3A_685] : memref<100000xf32, #tpu.memory_space<vmem>>[vector<16xi32>], vector<16xf32>,
      %swap3A_687 = arith.index_cast %add3A_683 : i32 to index
      %swap3A_688 = tpu.vector_load %arg21[%swap3A_687] {strides = array<i32>} : memref<4096xf32, #tpu.memory_space<vmem>>, vector<16xf32>,
      tpu.vector_store %arg21[%swap3A_687], %gather3A_686 {strides = array<i32>} : memref<4096xf32, #tpu.memory_space<vmem>>, vector<16xf32>,
      %add3A_689 = arith.constant 96 : i32
      %add3A_690 = arith.addi %mul3A_647, %add3A_689 : i32
      %get3A_691 = arith.index_cast %add3A_690 : i32 to index
      %get3A_692 = tpu.vector_load %arg18[%get3A_691] {strides = array<i32>} : memref<4096xi32, #tpu.memory_space<vmem>>, vector<16xi32>,
      %gather3A_693 = tpu.vector_load_idx %arg15[%get3A_692] : memref<100000xf32, #tpu.memory_space<vmem>>[vector<16xi32>], vector<16xf32>,
      %swap3A_694 = arith.index_cast %add3A_690 : i32 to index
      %swap3A_695 = tpu.vector_load %arg21[%swap3A_694] {strides = array<i32>} : memref<4096xf32, #tpu.memory_space<vmem>>, vector<16xf32>,
      tpu.vector_store %arg21[%swap3A_694], %gather3A_693 {strides = array<i32>} : memref<4096xf32, #tpu.memory_space<vmem>>, vector<16xf32>,
      %add3A_696 = arith.constant 112 : i32
      %add3A_697 = arith.addi %mul3A_647, %add3A_696 : i32
      %get3A_698 = arith.index_cast %add3A_697 : i32 to index
      %get3A_699 = tpu.vector_load %arg18[%get3A_698] {strides = array<i32>} : memref<4096xi32, #tpu.memory_space<vmem>>, vector<16xi32>,
      %gather3A_700 = tpu.vector_load_idx %arg15[%get3A_699] : memref<100000xf32, #tpu.memory_space<vmem>>[vector<16xi32>], vector<16xf32>,
      %swap3A_701 = arith.index_cast %add3A_697 : i32 to index
      %swap3A_702 = tpu.vector_load %arg21[%swap3A_701] {strides = array<i32>} : memref<4096xf32, #tpu.memory_space<vmem>>, vector<16xf32>,
      tpu.vector_store %arg21[%swap3A_701], %gather3A_700 {strides = array<i32>} : memref<4096xf32, #tpu.memory_space<vmem>>, vector<16xf32>,
    }
    %scan3A_222 = arith.constant 32 : i32
    %dma_start3A_223 = arith.constant 8192 : i32
    %dma_start3A_224 = tpu.memref_slice %arg11[%add3A, %dma_start3A_223] : memref<64x16384xf32, #tpu.memory_space<hbm>> -> memref<1x4096xf32, #tpu.memory_space<hbm>>
    %dma_start3A_225 = tpu.memref_squeeze %dma_start3A_224 : memref<1x4096xf32, #tpu.memory_space<hbm>> -> memref<4096xf32, #tpu.memory_space<hbm>>
    %dma_start3A_226 = arith.constant 8192 : i32
    %dma_start3A_227 = tpu.memref_slice %arg11[%add3A, %dma_start3A_226] : memref<64x16384xf32, #tpu.memory_space<hbm>> -> memref<1x4096xf32, #tpu.memory_space<hbm>>
    %dma_start3A_228 = tpu.memref_squeeze %dma_start3A_227 : memref<1x4096xf32, #tpu.memory_space<hbm>> -> memref<4096xf32, #tpu.memory_space<hbm>>
    tpu.enqueue_dma source(%arg21 : memref<4096xf32, #tpu.memory_space<vmem>>) target(%dma_start3A_228 : memref<4096xf32, #tpu.memory_space<hbm>>) target_semaphore(%arg26 : memref<!tpu.dma_semaphore, #tpu.memory_space<semaphore_mem>>)
    %dma_start3A_229 = arith.constant 4096 : i32
    %dma_start3A_230 = tpu.memref_slice %arg4[%dma_start3A_229] : memref<16384xi32, #tpu.memory_space<hbm>> -> memref<4096xi32, #tpu.memory_space<hbm>>
    %dma_start3A_231 = arith.constant 4096 : i32
    %dma_start3A_232 = tpu.memref_slice %arg4[%dma_start3A_231] : memref<16384xi32, #tpu.memory_space<hbm>> -> memref<4096xi32, #tpu.memory_space<hbm>>
    tpu.enqueue_dma source(%dma_start3A_232 : memref<4096xi32, #tpu.memory_space<hbm>>) target(%arg18 : memref<4096xi32, #tpu.memory_space<vmem>>) target_semaphore(%arg25 : memref<!tpu.dma_semaphore, #tpu.memory_space<semaphore_mem>>)
    %dma_wait3A_233 = arith.constant 12288 : i32
    %dma_wait3A_234 = tpu.memref_slice %arg3[%dma_wait3A_233] : memref<16384xi32, #tpu.memory_space<hbm>> -> memref<4096xi32, #tpu.memory_space<hbm>>
    %dma_wait3A_235 = arith.constant 12288 : i32
    %dma_wait3A_236 = tpu.memref_slice %arg3[%dma_wait3A_235] : memref<16384xi32, #tpu.memory_space<hbm>> -> memref<4096xi32, #tpu.memory_space<hbm>>
    tpu.wait_dma2 semaphore(%arg25 : memref<!tpu.dma_semaphore, #tpu.memory_space<semaphore_mem>>) src(%dma_wait3A_236 : memref<4096xi32, #tpu.memory_space<hbm>>) dst(%arg19 : memref<4096xi32, #tpu.memory_space<vmem>>)
    %dma_wait3A_237 = arith.constant 0 : i32
    %dma_wait3A_238 = tpu.memref_slice %arg11[%add3A, %dma_wait3A_237] : memref<64x16384xf32, #tpu.memory_space<hbm>> -> memref<1x4096xf32, #tpu.memory_space<hbm>>
    %dma_wait3A_239 = tpu.memref_squeeze %dma_wait3A_238 : memref<1x4096xf32, #tpu.memory_space<hbm>> -> memref<4096xf32, #tpu.memory_space<hbm>>
    %dma_wait3A_240 = arith.constant 0 : i32
    %dma_wait3A_241 = tpu.memref_slice %arg11[%add3A, %dma_wait3A_240] : memref<64x16384xf32, #tpu.memory_space<hbm>> -> memref<1x4096xf32, #tpu.memory_space<hbm>>
    %dma_wait3A_242 = tpu.memref_squeeze %dma_wait3A_241 : memref<1x4096xf32, #tpu.memory_space<hbm>> -> memref<4096xf32, #tpu.memory_space<hbm>>
    tpu.wait_dma2 semaphore(%arg26 : memref<!tpu.dma_semaphore, #tpu.memory_space<semaphore_mem>>) src(%arg22 : memref<4096xf32, #tpu.memory_space<vmem>>) dst(%dma_wait3A_242 : memref<4096xf32, #tpu.memory_space<hbm>>)
    %scan3A_243 = arith.constant 0 : i32
    %scan3A_244 = arith.constant 0 : i32
    %scan3A_245 = arith.constant 32 : i32
    %scan3A_246 = arith.addi %scan3A_244, %scan3A_245 : i32
    %scan3A_247 = arith.constant 1 : i32
    scf.for %scan3A_645 = %scan3A_244 to %scan3A_246 step %scan3A_247  : i32 {
      %mul3A_646 = arith.constant 128 : i32
      %mul3A_647 = arith.muli %scan3A_645, %mul3A_646 : i32
      %add3A_648 = arith.constant 0 : i32
      %add3A_649 = arith.addi %mul3A_647, %add3A_648 : i32
      %get3A_650 = arith.index_cast %add3A_649 : i32 to index
      %get3A_651 = tpu.vector_load %arg19[%get3A_650] {strides = array<i32>} : memref<4096xi32, #tpu.memory_space<vmem>>, vector<16xi32>,
      %gather3A = tpu.vector_load_idx %arg15[%get3A_651] : memref<100000xf32, #tpu.memory_space<vmem>>[vector<16xi32>], vector<16xf32>,
      %swap3A_652 = arith.index_cast %add3A_649 : i32 to index
      %swap3A_653 = tpu.vector_load %arg22[%swap3A_652] {strides = array<i32>} : memref<4096xf32, #tpu.memory_space<vmem>>, vector<16xf32>,
      tpu.vector_store %arg22[%swap3A_652], %gather3A {strides = array<i32>} : memref<4096xf32, #tpu.memory_space<vmem>>, vector<16xf32>,
      %add3A_654 = arith.constant 16 : i32
      %add3A_655 = arith.addi %mul3A_647, %add3A_654 : i32
      %get3A_656 = arith.index_cast %add3A_655 : i32 to index
      %get3A_657 = tpu.vector_load %arg19[%get3A_656] {strides = array<i32>} : memref<4096xi32, #tpu.memory_space<vmem>>, vector<16xi32>,
      %gather3A_658 = tpu.vector_load_idx %arg15[%get3A_657] : memref<100000xf32, #tpu.memory_space<vmem>>[vector<16xi32>], vector<16xf32>,
      %swap3A_659 = arith.index_cast %add3A_655 : i32 to index
      %swap3A_660 = tpu.vector_load %arg22[%swap3A_659] {strides = array<i32>} : memref<4096xf32, #tpu.memory_space<vmem>>, vector<16xf32>,
      tpu.vector_store %arg22[%swap3A_659], %gather3A_658 {strides = array<i32>} : memref<4096xf32, #tpu.memory_space<vmem>>, vector<16xf32>,
      %add3A_661 = arith.constant 32 : i32
      %add3A_662 = arith.addi %mul3A_647, %add3A_661 : i32
      %get3A_663 = arith.index_cast %add3A_662 : i32 to index
      %get3A_664 = tpu.vector_load %arg19[%get3A_663] {strides = array<i32>} : memref<4096xi32, #tpu.memory_space<vmem>>, vector<16xi32>,
      %gather3A_665 = tpu.vector_load_idx %arg15[%get3A_664] : memref<100000xf32, #tpu.memory_space<vmem>>[vector<16xi32>], vector<16xf32>,
      %swap3A_666 = arith.index_cast %add3A_662 : i32 to index
      %swap3A_667 = tpu.vector_load %arg22[%swap3A_666] {strides = array<i32>} : memref<4096xf32, #tpu.memory_space<vmem>>, vector<16xf32>,
      tpu.vector_store %arg22[%swap3A_666], %gather3A_665 {strides = array<i32>} : memref<4096xf32, #tpu.memory_space<vmem>>, vector<16xf32>,
      %add3A_668 = arith.constant 48 : i32
      %add3A_669 = arith.addi %mul3A_647, %add3A_668 : i32
      %get3A_670 = arith.index_cast %add3A_669 : i32 to index
      %get3A_671 = tpu.vector_load %arg19[%get3A_670] {strides = array<i32>} : memref<4096xi32, #tpu.memory_space<vmem>>, vector<16xi32>,
      %gather3A_672 = tpu.vector_load_idx %arg15[%get3A_671] : memref<100000xf32, #tpu.memory_space<vmem>>[vector<16xi32>], vector<16xf32>,
      %swap3A_673 = arith.index_cast %add3A_669 : i32 to index
      %swap3A_674 = tpu.vector_load %arg22[%swap3A_673] {strides = array<i32>} : memref<4096xf32, #tpu.memory_space<vmem>>, vector<16xf32>,
      tpu.vector_store %arg22[%swap3A_673], %gather3A_672 {strides = array<i32>} : memref<4096xf32, #tpu.memory_space<vmem>>, vector<16xf32>,
      %add3A_675 = arith.constant 64 : i32
      %add3A_676 = arith.addi %mul3A_647, %add3A_675 : i32
      %get3A_677 = arith.index_cast %add3A_676 : i32 to index
      %get3A_678 = tpu.vector_load %arg19[%get3A_677] {strides = array<i32>} : memref<4096xi32, #tpu.memory_space<vmem>>, vector<16xi32>,
      %gather3A_679 = tpu.vector_load_idx %arg15[%get3A_678] : memref<100000xf32, #tpu.memory_space<vmem>>[vector<16xi32>], vector<16xf32>,
      %swap3A_680 = arith.index_cast %add3A_676 : i32 to index
      %swap3A_681 = tpu.vector_load %arg22[%swap3A_680] {strides = array<i32>} : memref<4096xf32, #tpu.memory_space<vmem>>, vector<16xf32>,
      tpu.vector_store %arg22[%swap3A_680], %gather3A_679 {strides = array<i32>} : memref<4096xf32, #tpu.memory_space<vmem>>, vector<16xf32>,
      %add3A_682 = arith.constant 80 : i32
      %add3A_683 = arith.addi %mul3A_647, %add3A_682 : i32
      %get3A_684 = arith.index_cast %add3A_683 : i32 to index
      %get3A_685 = tpu.vector_load %arg19[%get3A_684] {strides = array<i32>} : memref<4096xi32, #tpu.memory_space<vmem>>, vector<16xi32>,
      %gather3A_686 = tpu.vector_load_idx %arg15[%get3A_685] : memref<100000xf32, #tpu.memory_space<vmem>>[vector<16xi32>], vector<16xf32>,
      %swap3A_687 = arith.index_cast %add3A_683 : i32 to index
      %swap3A_688 = tpu.vector_load %arg22[%swap3A_687] {strides = array<i32>} : memref<4096xf32, #tpu.memory_space<vmem>>, vector<16xf32>,
      tpu.vector_store %arg22[%swap3A_687], %gather3A_686 {strides = array<i32>} : memref<4096xf32, #tpu.memory_space<vmem>>, vector<16xf32>,
      %add3A_689 = arith.constant 96 : i32
      %add3A_690 = arith.addi %mul3A_647, %add3A_689 : i32
      %get3A_691 = arith.index_cast %add3A_690 : i32 to index
      %get3A_692 = tpu.vector_load %arg19[%get3A_691] {strides = array<i32>} : memref<4096xi32, #tpu.memory_space<vmem>>, vector<16xi32>,
      %gather3A_693 = tpu.vector_load_idx %arg15[%get3A_692] : memref<100000xf32, #tpu.memory_space<vmem>>[vector<16xi32>], vector<16xf32>,
      %swap3A_694 = arith.index_cast %add3A_690 : i32 to index
      %swap3A_695 = tpu.vector_load %arg22[%swap3A_694] {strides = array<i32>} : memref<4096xf32, #tpu.memory_space<vmem>>, vector<16xf32>,
      tpu.vector_store %arg22[%swap3A_694], %gather3A_693 {strides = array<i32>} : memref<4096xf32, #tpu.memory_space<vmem>>, vector<16xf32>,
      %add3A_696 = arith.constant 112 : i32
      %add3A_697 = arith.addi %mul3A_647, %add3A_696 : i32
      %get3A_698 = arith.index_cast %add3A_697 : i32 to index
      %get3A_699 = tpu.vector_load %arg19[%get3A_698] {strides = array<i32>} : memref<4096xi32, #tpu.memory_space<vmem>>, vector<16xi32>,
      %gather3A_700 = tpu.vector_load_idx %arg15[%get3A_699] : memref<100000xf32, #tpu.memory_space<vmem>>[vector<16xi32>], vector<16xf32>,
      %swap3A_701 = arith.index_cast %add3A_697 : i32 to index
      %swap3A_702 = tpu.vector_load %arg22[%swap3A_701] {strides = array<i32>} : memref<4096xf32, #tpu.memory_space<vmem>>, vector<16xf32>,
      tpu.vector_store %arg22[%swap3A_701], %gather3A_700 {strides = array<i32>} : memref<4096xf32, #tpu.memory_space<vmem>>, vector<16xf32>,
    }
    %scan3A_248 = arith.constant 32 : i32
    %add3A_249 = arith.constant 32 : i32
    %add3A_250 = arith.addi %add3A, %add3A_249 : i32
    %dma_start3A_251 = arith.constant 0 : i32
    %dma_start3A_252 = tpu.memref_slice %arg7[%add3A_250, %dma_start3A_251] : memref<64x100000xf32, #tpu.memory_space<hbm>> -> memref<1x100000xf32, #tpu.memory_space<hbm>>
    %dma_start3A_253 = tpu.memref_squeeze %dma_start3A_252 : memref<1x100000xf32, #tpu.memory_space<hbm>> -> memref<100000xf32, #tpu.memory_space<hbm>>
    %dma_start3A_254 = arith.constant 0 : i32
    %dma_start3A_255 = tpu.memref_slice %arg7[%add3A_250, %dma_start3A_254] : memref<64x100000xf32, #tpu.memory_space<hbm>> -> memref<1x100000xf32, #tpu.memory_space<hbm>>
    %dma_start3A_256 = tpu.memref_squeeze %dma_start3A_255 : memref<1x100000xf32, #tpu.memory_space<hbm>> -> memref<100000xf32, #tpu.memory_space<hbm>>
    tpu.enqueue_dma source(%dma_start3A_256 : memref<100000xf32, #tpu.memory_space<hbm>>) target(%arg15 : memref<100000xf32, #tpu.memory_space<vmem>>) target_semaphore(%arg24 : memref<!tpu.dma_semaphore, #tpu.memory_space<semaphore_mem>>)
    %dma_start3A_257 = arith.constant 12288 : i32
    %dma_start3A_258 = tpu.memref_slice %arg11[%add3A, %dma_start3A_257] : memref<64x16384xf32, #tpu.memory_space<hbm>> -> memref<1x4096xf32, #tpu.memory_space<hbm>>
    %dma_start3A_259 = tpu.memref_squeeze %dma_start3A_258 : memref<1x4096xf32, #tpu.memory_space<hbm>> -> memref<4096xf32, #tpu.memory_space<hbm>>
    %dma_start3A_260 = arith.constant 12288 : i32
    %dma_start3A_261 = tpu.memref_slice %arg11[%add3A, %dma_start3A_260] : memref<64x16384xf32, #tpu.memory_space<hbm>> -> memref<1x4096xf32, #tpu.memory_space<hbm>>
    %dma_start3A_262 = tpu.memref_squeeze %dma_start3A_261 : memref<1x4096xf32, #tpu.memory_space<hbm>> -> memref<4096xf32, #tpu.memory_space<hbm>>
    tpu.enqueue_dma source(%arg22 : memref<4096xf32, #tpu.memory_space<vmem>>) target(%dma_start3A_262 : memref<4096xf32, #tpu.memory_space<hbm>>) target_semaphore(%arg26 : memref<!tpu.dma_semaphore, #tpu.memory_space<semaphore_mem>>)
    %dma_start3A_263 = arith.constant 8192 : i32
    %dma_start3A_264 = tpu.memref_slice %arg4[%dma_start3A_263] : memref<16384xi32, #tpu.memory_space<hbm>> -> memref<4096xi32, #tpu.memory_space<hbm>>
    %dma_start3A_265 = arith.constant 8192 : i32
    %dma_start3A_266 = tpu.memref_slice %arg4[%dma_start3A_265] : memref<16384xi32, #tpu.memory_space<hbm>> -> memref<4096xi32, #tpu.memory_space<hbm>>
    tpu.enqueue_dma source(%dma_start3A_266 : memref<4096xi32, #tpu.memory_space<hbm>>) target(%arg19 : memref<4096xi32, #tpu.memory_space<vmem>>) target_semaphore(%arg25 : memref<!tpu.dma_semaphore, #tpu.memory_space<semaphore_mem>>)
    %dma_wait3A_267 = arith.constant 0 : i32
    %dma_wait3A_268 = tpu.memref_slice %arg8[%add3A, %dma_wait3A_267] : memref<32x1000xf32, #tpu.memory_space<hbm>> -> memref<1x1000xf32, #tpu.memory_space<hbm>>
    %dma_wait3A_269 = tpu.memref_squeeze %dma_wait3A_268 : memref<1x1000xf32, #tpu.memory_space<hbm>> -> memref<1000xf32, #tpu.memory_space<hbm>>
    %dma_wait3A_270 = arith.constant 0 : i32
    %dma_wait3A_271 = tpu.memref_slice %arg8[%add3A, %dma_wait3A_270] : memref<32x1000xf32, #tpu.memory_space<hbm>> -> memref<1x1000xf32, #tpu.memory_space<hbm>>
    %dma_wait3A_272 = tpu.memref_squeeze %dma_wait3A_271 : memref<1x1000xf32, #tpu.memory_space<hbm>> -> memref<1000xf32, #tpu.memory_space<hbm>>
    tpu.wait_dma2 semaphore(%arg24 : memref<!tpu.dma_semaphore, #tpu.memory_space<semaphore_mem>>) src(%dma_wait3A_272 : memref<1000xf32, #tpu.memory_space<hbm>>) dst(%arg16 : memref<1000xf32, #tpu.memory_space<vmem>>)
    %iota3A_273 = tpu.iota {dimensions = array<i32: 0>} : vector<16xi32>
    %eq3A_274 = arith.constant 0 : i32
    %eq3A_275 = vector.broadcast %eq3A_274 : i32 to vector<16xi32>
    %eq3A_276 = arith.cmpi eq, %iota3A_273, %eq3A_275 : vector<16xi32>
    %jit3A_277 = arith.constant 0.000000e+00 : f32
    %jit3A_278 = arith.constant 1.000000e+00 : f32
    %broadcast_in_dim3A_279 = vector.broadcast %jit3A_277 : f32 to vector<16xf32>
    %broadcast_in_dim3A_280 = vector.broadcast %jit3A_278 : f32 to vector<16xf32>
    %select_n3A_281 = arith.select %eq3A_276, %broadcast_in_dim3A_279, %broadcast_in_dim3A_280 : vector<16xi1>, vector<16xf32>
    %get3A_282 = arith.constant 0 : index
    %get3A_283 = tpu.vector_load %arg16[%get3A_282] {strides = array<i32>} : memref<1000xf32, #tpu.memory_space<vmem>>, vector<16xf32>,
    %mul3A_284 = arith.mulf %get3A_283, %select_n3A_281 : vector<16xf32>
    %swap3A_285 = arith.constant 0 : index
    %swap3A_286 = tpu.vector_load %arg16[%swap3A_285] {strides = array<i32>} : memref<1000xf32, #tpu.memory_space<vmem>>, vector<16xf32>,
    tpu.vector_store %arg16[%swap3A_285], %mul3A_284 {strides = array<i32>} : memref<1000xf32, #tpu.memory_space<vmem>>, vector<16xf32>,
    %dma_wait3A_287 = arith.constant 0 : i32
    %dma_wait3A_288 = tpu.memref_slice %arg4[%dma_wait3A_287] : memref<16384xi32, #tpu.memory_space<hbm>> -> memref<4096xi32, #tpu.memory_space<hbm>>
    %dma_wait3A_289 = arith.constant 0 : i32
    %dma_wait3A_290 = tpu.memref_slice %arg4[%dma_wait3A_289] : memref<16384xi32, #tpu.memory_space<hbm>> -> memref<4096xi32, #tpu.memory_space<hbm>>
    tpu.wait_dma2 semaphore(%arg25 : memref<!tpu.dma_semaphore, #tpu.memory_space<semaphore_mem>>) src(%dma_wait3A_290 : memref<4096xi32, #tpu.memory_space<hbm>>) dst(%arg20 : memref<4096xi32, #tpu.memory_space<vmem>>)
    %dma_wait3A_291 = arith.constant 4096 : i32
    %dma_wait3A_292 = tpu.memref_slice %arg11[%add3A, %dma_wait3A_291] : memref<64x16384xf32, #tpu.memory_space<hbm>> -> memref<1x4096xf32, #tpu.memory_space<hbm>>
    %dma_wait3A_293 = tpu.memref_squeeze %dma_wait3A_292 : memref<1x4096xf32, #tpu.memory_space<hbm>> -> memref<4096xf32, #tpu.memory_space<hbm>>
    %dma_wait3A_294 = arith.constant 4096 : i32
    %dma_wait3A_295 = tpu.memref_slice %arg11[%add3A, %dma_wait3A_294] : memref<64x16384xf32, #tpu.memory_space<hbm>> -> memref<1x4096xf32, #tpu.memory_space<hbm>>
    %dma_wait3A_296 = tpu.memref_squeeze %dma_wait3A_295 : memref<1x4096xf32, #tpu.memory_space<hbm>> -> memref<4096xf32, #tpu.memory_space<hbm>>
    tpu.wait_dma2 semaphore(%arg26 : memref<!tpu.dma_semaphore, #tpu.memory_space<semaphore_mem>>) src(%arg23 : memref<4096xf32, #tpu.memory_space<vmem>>) dst(%dma_wait3A_296 : memref<4096xf32, #tpu.memory_space<hbm>>)
    %scan3A_297 = arith.constant 0 : i32
    %scan3A_298 = arith.constant 0 : i32
    %scan3A_299 = arith.constant 32 : i32
    %scan3A_300 = arith.addi %scan3A_298, %scan3A_299 : i32
    %scan3A_301 = arith.constant 1 : i32
    scf.for %scan3A_645 = %scan3A_298 to %scan3A_300 step %scan3A_301  : i32 {
      %mul3A_646 = arith.constant 128 : i32
      %mul3A_647 = arith.muli %scan3A_645, %mul3A_646 : i32
      %add3A_648 = arith.constant 0 : i32
      %add3A_649 = arith.addi %mul3A_647, %add3A_648 : i32
      %get3A_650 = arith.index_cast %add3A_649 : i32 to index
      %get3A_651 = tpu.vector_load %arg20[%get3A_650] {strides = array<i32>} : memref<4096xi32, #tpu.memory_space<vmem>>, vector<16xi32>,
      %gather3A = tpu.vector_load_idx %arg16[%get3A_651] : memref<1000xf32, #tpu.memory_space<vmem>>[vector<16xi32>], vector<16xf32>,
      %swap3A_652 = arith.index_cast %add3A_649 : i32 to index
      %swap3A_653 = tpu.vector_load %arg23[%swap3A_652] {strides = array<i32>} : memref<4096xf32, #tpu.memory_space<vmem>>, vector<16xf32>,
      tpu.vector_store %arg23[%swap3A_652], %gather3A {strides = array<i32>} : memref<4096xf32, #tpu.memory_space<vmem>>, vector<16xf32>,
      %add3A_654 = arith.constant 16 : i32
      %add3A_655 = arith.addi %mul3A_647, %add3A_654 : i32
      %get3A_656 = arith.index_cast %add3A_655 : i32 to index
      %get3A_657 = tpu.vector_load %arg20[%get3A_656] {strides = array<i32>} : memref<4096xi32, #tpu.memory_space<vmem>>, vector<16xi32>,
      %gather3A_658 = tpu.vector_load_idx %arg16[%get3A_657] : memref<1000xf32, #tpu.memory_space<vmem>>[vector<16xi32>], vector<16xf32>,
      %swap3A_659 = arith.index_cast %add3A_655 : i32 to index
      %swap3A_660 = tpu.vector_load %arg23[%swap3A_659] {strides = array<i32>} : memref<4096xf32, #tpu.memory_space<vmem>>, vector<16xf32>,
      tpu.vector_store %arg23[%swap3A_659], %gather3A_658 {strides = array<i32>} : memref<4096xf32, #tpu.memory_space<vmem>>, vector<16xf32>,
      %add3A_661 = arith.constant 32 : i32
      %add3A_662 = arith.addi %mul3A_647, %add3A_661 : i32
      %get3A_663 = arith.index_cast %add3A_662 : i32 to index
      %get3A_664 = tpu.vector_load %arg20[%get3A_663] {strides = array<i32>} : memref<4096xi32, #tpu.memory_space<vmem>>, vector<16xi32>,
      %gather3A_665 = tpu.vector_load_idx %arg16[%get3A_664] : memref<1000xf32, #tpu.memory_space<vmem>>[vector<16xi32>], vector<16xf32>,
      %swap3A_666 = arith.index_cast %add3A_662 : i32 to index
      %swap3A_667 = tpu.vector_load %arg23[%swap3A_666] {strides = array<i32>} : memref<4096xf32, #tpu.memory_space<vmem>>, vector<16xf32>,
      tpu.vector_store %arg23[%swap3A_666], %gather3A_665 {strides = array<i32>} : memref<4096xf32, #tpu.memory_space<vmem>>, vector<16xf32>,
      %add3A_668 = arith.constant 48 : i32
      %add3A_669 = arith.addi %mul3A_647, %add3A_668 : i32
      %get3A_670 = arith.index_cast %add3A_669 : i32 to index
      %get3A_671 = tpu.vector_load %arg20[%get3A_670] {strides = array<i32>} : memref<4096xi32, #tpu.memory_space<vmem>>, vector<16xi32>,
      %gather3A_672 = tpu.vector_load_idx %arg16[%get3A_671] : memref<1000xf32, #tpu.memory_space<vmem>>[vector<16xi32>], vector<16xf32>,
      %swap3A_673 = arith.index_cast %add3A_669 : i32 to index
      %swap3A_674 = tpu.vector_load %arg23[%swap3A_673] {strides = array<i32>} : memref<4096xf32, #tpu.memory_space<vmem>>, vector<16xf32>,
      tpu.vector_store %arg23[%swap3A_673], %gather3A_672 {strides = array<i32>} : memref<4096xf32, #tpu.memory_space<vmem>>, vector<16xf32>,
      %add3A_675 = arith.constant 64 : i32
      %add3A_676 = arith.addi %mul3A_647, %add3A_675 : i32
      %get3A_677 = arith.index_cast %add3A_676 : i32 to index
      %get3A_678 = tpu.vector_load %arg20[%get3A_677] {strides = array<i32>} : memref<4096xi32, #tpu.memory_space<vmem>>, vector<16xi32>,
      %gather3A_679 = tpu.vector_load_idx %arg16[%get3A_678] : memref<1000xf32, #tpu.memory_space<vmem>>[vector<16xi32>], vector<16xf32>,
      %swap3A_680 = arith.index_cast %add3A_676 : i32 to index
      %swap3A_681 = tpu.vector_load %arg23[%swap3A_680] {strides = array<i32>} : memref<4096xf32, #tpu.memory_space<vmem>>, vector<16xf32>,
      tpu.vector_store %arg23[%swap3A_680], %gather3A_679 {strides = array<i32>} : memref<4096xf32, #tpu.memory_space<vmem>>, vector<16xf32>,
      %add3A_682 = arith.constant 80 : i32
      %add3A_683 = arith.addi %mul3A_647, %add3A_682 : i32
      %get3A_684 = arith.index_cast %add3A_683 : i32 to index
      %get3A_685 = tpu.vector_load %arg20[%get3A_684] {strides = array<i32>} : memref<4096xi32, #tpu.memory_space<vmem>>, vector<16xi32>,
      %gather3A_686 = tpu.vector_load_idx %arg16[%get3A_685] : memref<1000xf32, #tpu.memory_space<vmem>>[vector<16xi32>], vector<16xf32>,
      %swap3A_687 = arith.index_cast %add3A_683 : i32 to index
      %swap3A_688 = tpu.vector_load %arg23[%swap3A_687] {strides = array<i32>} : memref<4096xf32, #tpu.memory_space<vmem>>, vector<16xf32>,
      tpu.vector_store %arg23[%swap3A_687], %gather3A_686 {strides = array<i32>} : memref<4096xf32, #tpu.memory_space<vmem>>, vector<16xf32>,
      %add3A_689 = arith.constant 96 : i32
      %add3A_690 = arith.addi %mul3A_647, %add3A_689 : i32
      %get3A_691 = arith.index_cast %add3A_690 : i32 to index
      %get3A_692 = tpu.vector_load %arg20[%get3A_691] {strides = array<i32>} : memref<4096xi32, #tpu.memory_space<vmem>>, vector<16xi32>,
      %gather3A_693 = tpu.vector_load_idx %arg16[%get3A_692] : memref<1000xf32, #tpu.memory_space<vmem>>[vector<16xi32>], vector<16xf32>,
      %swap3A_694 = arith.index_cast %add3A_690 : i32 to index
      %swap3A_695 = tpu.vector_load %arg23[%swap3A_694] {strides = array<i32>} : memref<4096xf32, #tpu.memory_space<vmem>>, vector<16xf32>,
      tpu.vector_store %arg23[%swap3A_694], %gather3A_693 {strides = array<i32>} : memref<4096xf32, #tpu.memory_space<vmem>>, vector<16xf32>,
      %add3A_696 = arith.constant 112 : i32
      %add3A_697 = arith.addi %mul3A_647, %add3A_696 : i32
      %get3A_698 = arith.index_cast %add3A_697 : i32 to index
      %get3A_699 = tpu.vector_load %arg20[%get3A_698] {strides = array<i32>} : memref<4096xi32, #tpu.memory_space<vmem>>, vector<16xi32>,
      %gather3A_700 = tpu.vector_load_idx %arg16[%get3A_699] : memref<1000xf32, #tpu.memory_space<vmem>>[vector<16xi32>], vector<16xf32>,
      %swap3A_701 = arith.index_cast %add3A_697 : i32 to index
      %swap3A_702 = tpu.vector_load %arg23[%swap3A_701] {strides = array<i32>} : memref<4096xf32, #tpu.memory_space<vmem>>, vector<16xf32>,
      tpu.vector_store %arg23[%swap3A_701], %gather3A_700 {strides = array<i32>} : memref<4096xf32, #tpu.memory_space<vmem>>, vector<16xf32>,
    }
    %scan3A_302 = arith.constant 32 : i32
    %dma_start3A_303 = arith.constant 0 : i32
    %dma_start3A_304 = tpu.memref_slice %arg12[%add3A, %dma_start3A_303] : memref<32x16384xf32, #tpu.memory_space<hbm>> -> memref<1x4096xf32, #tpu.memory_space<hbm>>
    %dma_start3A_305 = tpu.memref_squeeze %dma_start3A_304 : memref<1x4096xf32, #tpu.memory_space<hbm>> -> memref<4096xf32, #tpu.memory_space<hbm>>
    %dma_start3A_306 = arith.constant 0 : i32
    %dma_start3A_307 = tpu.memref_slice %arg12[%add3A, %dma_start3A_306] : memref<32x16384xf32, #tpu.memory_space<hbm>> -> memref<1x4096xf32, #tpu.memory_space<hbm>>
    %dma_start3A_308 = tpu.memref_squeeze %dma_start3A_307 : memref<1x4096xf32, #tpu.memory_space<hbm>> -> memref<4096xf32, #tpu.memory_space<hbm>>
    tpu.enqueue_dma source(%arg23 : memref<4096xf32, #tpu.memory_space<vmem>>) target(%dma_start3A_308 : memref<4096xf32, #tpu.memory_space<hbm>>) target_semaphore(%arg26 : memref<!tpu.dma_semaphore, #tpu.memory_space<semaphore_mem>>)
    %dma_start3A_309 = arith.constant 12288 : i32
    %dma_start3A_310 = tpu.memref_slice %arg4[%dma_start3A_309] : memref<16384xi32, #tpu.memory_space<hbm>> -> memref<4096xi32, #tpu.memory_space<hbm>>
    %dma_start3A_311 = arith.constant 12288 : i32
    %dma_start3A_312 = tpu.memref_slice %arg4[%dma_start3A_311] : memref<16384xi32, #tpu.memory_space<hbm>> -> memref<4096xi32, #tpu.memory_space<hbm>>
    tpu.enqueue_dma source(%dma_start3A_312 : memref<4096xi32, #tpu.memory_space<hbm>>) target(%arg20 : memref<4096xi32, #tpu.memory_space<vmem>>) target_semaphore(%arg25 : memref<!tpu.dma_semaphore, #tpu.memory_space<semaphore_mem>>)
    %dma_wait3A_313 = arith.constant 4096 : i32
    %dma_wait3A_314 = tpu.memref_slice %arg4[%dma_wait3A_313] : memref<16384xi32, #tpu.memory_space<hbm>> -> memref<4096xi32, #tpu.memory_space<hbm>>
    %dma_wait3A_315 = arith.constant 4096 : i32
    %dma_wait3A_316 = tpu.memref_slice %arg4[%dma_wait3A_315] : memref<16384xi32, #tpu.memory_space<hbm>> -> memref<4096xi32, #tpu.memory_space<hbm>>
    tpu.wait_dma2 semaphore(%arg25 : memref<!tpu.dma_semaphore, #tpu.memory_space<semaphore_mem>>) src(%dma_wait3A_316 : memref<4096xi32, #tpu.memory_space<hbm>>) dst(%arg18 : memref<4096xi32, #tpu.memory_space<vmem>>)
    %dma_wait3A_317 = arith.constant 8192 : i32
    %dma_wait3A_318 = tpu.memref_slice %arg11[%add3A, %dma_wait3A_317] : memref<64x16384xf32, #tpu.memory_space<hbm>> -> memref<1x4096xf32, #tpu.memory_space<hbm>>
    %dma_wait3A_319 = tpu.memref_squeeze %dma_wait3A_318 : memref<1x4096xf32, #tpu.memory_space<hbm>> -> memref<4096xf32, #tpu.memory_space<hbm>>
    %dma_wait3A_320 = arith.constant 8192 : i32
    %dma_wait3A_321 = tpu.memref_slice %arg11[%add3A, %dma_wait3A_320] : memref<64x16384xf32, #tpu.memory_space<hbm>> -> memref<1x4096xf32, #tpu.memory_space<hbm>>
    %dma_wait3A_322 = tpu.memref_squeeze %dma_wait3A_321 : memref<1x4096xf32, #tpu.memory_space<hbm>> -> memref<4096xf32, #tpu.memory_space<hbm>>
    tpu.wait_dma2 semaphore(%arg26 : memref<!tpu.dma_semaphore, #tpu.memory_space<semaphore_mem>>) src(%arg21 : memref<4096xf32, #tpu.memory_space<vmem>>) dst(%dma_wait3A_322 : memref<4096xf32, #tpu.memory_space<hbm>>)
    %scan3A_323 = arith.constant 0 : i32
    %scan3A_324 = arith.constant 0 : i32
    %scan3A_325 = arith.constant 32 : i32
    %scan3A_326 = arith.addi %scan3A_324, %scan3A_325 : i32
    %scan3A_327 = arith.constant 1 : i32
    scf.for %scan3A_645 = %scan3A_324 to %scan3A_326 step %scan3A_327  : i32 {
      %mul3A_646 = arith.constant 128 : i32
      %mul3A_647 = arith.muli %scan3A_645, %mul3A_646 : i32
      %add3A_648 = arith.constant 0 : i32
      %add3A_649 = arith.addi %mul3A_647, %add3A_648 : i32
      %get3A_650 = arith.index_cast %add3A_649 : i32 to index
      %get3A_651 = tpu.vector_load %arg18[%get3A_650] {strides = array<i32>} : memref<4096xi32, #tpu.memory_space<vmem>>, vector<16xi32>,
      %gather3A = tpu.vector_load_idx %arg16[%get3A_651] : memref<1000xf32, #tpu.memory_space<vmem>>[vector<16xi32>], vector<16xf32>,
      %swap3A_652 = arith.index_cast %add3A_649 : i32 to index
      %swap3A_653 = tpu.vector_load %arg21[%swap3A_652] {strides = array<i32>} : memref<4096xf32, #tpu.memory_space<vmem>>, vector<16xf32>,
      tpu.vector_store %arg21[%swap3A_652], %gather3A {strides = array<i32>} : memref<4096xf32, #tpu.memory_space<vmem>>, vector<16xf32>,
      %add3A_654 = arith.constant 16 : i32
      %add3A_655 = arith.addi %mul3A_647, %add3A_654 : i32
      %get3A_656 = arith.index_cast %add3A_655 : i32 to index
      %get3A_657 = tpu.vector_load %arg18[%get3A_656] {strides = array<i32>} : memref<4096xi32, #tpu.memory_space<vmem>>, vector<16xi32>,
      %gather3A_658 = tpu.vector_load_idx %arg16[%get3A_657] : memref<1000xf32, #tpu.memory_space<vmem>>[vector<16xi32>], vector<16xf32>,
      %swap3A_659 = arith.index_cast %add3A_655 : i32 to index
      %swap3A_660 = tpu.vector_load %arg21[%swap3A_659] {strides = array<i32>} : memref<4096xf32, #tpu.memory_space<vmem>>, vector<16xf32>,
      tpu.vector_store %arg21[%swap3A_659], %gather3A_658 {strides = array<i32>} : memref<4096xf32, #tpu.memory_space<vmem>>, vector<16xf32>,
      %add3A_661 = arith.constant 32 : i32
      %add3A_662 = arith.addi %mul3A_647, %add3A_661 : i32
      %get3A_663 = arith.index_cast %add3A_662 : i32 to index
      %get3A_664 = tpu.vector_load %arg18[%get3A_663] {strides = array<i32>} : memref<4096xi32, #tpu.memory_space<vmem>>, vector<16xi32>,
      %gather3A_665 = tpu.vector_load_idx %arg16[%get3A_664] : memref<1000xf32, #tpu.memory_space<vmem>>[vector<16xi32>], vector<16xf32>,
      %swap3A_666 = arith.index_cast %add3A_662 : i32 to index
      %swap3A_667 = tpu.vector_load %arg21[%swap3A_666] {strides = array<i32>} : memref<4096xf32, #tpu.memory_space<vmem>>, vector<16xf32>,
      tpu.vector_store %arg21[%swap3A_666], %gather3A_665 {strides = array<i32>} : memref<4096xf32, #tpu.memory_space<vmem>>, vector<16xf32>,
      %add3A_668 = arith.constant 48 : i32
      %add3A_669 = arith.addi %mul3A_647, %add3A_668 : i32
      %get3A_670 = arith.index_cast %add3A_669 : i32 to index
      %get3A_671 = tpu.vector_load %arg18[%get3A_670] {strides = array<i32>} : memref<4096xi32, #tpu.memory_space<vmem>>, vector<16xi32>,
      %gather3A_672 = tpu.vector_load_idx %arg16[%get3A_671] : memref<1000xf32, #tpu.memory_space<vmem>>[vector<16xi32>], vector<16xf32>,
      %swap3A_673 = arith.index_cast %add3A_669 : i32 to index
      %swap3A_674 = tpu.vector_load %arg21[%swap3A_673] {strides = array<i32>} : memref<4096xf32, #tpu.memory_space<vmem>>, vector<16xf32>,
      tpu.vector_store %arg21[%swap3A_673], %gather3A_672 {strides = array<i32>} : memref<4096xf32, #tpu.memory_space<vmem>>, vector<16xf32>,
      %add3A_675 = arith.constant 64 : i32
      %add3A_676 = arith.addi %mul3A_647, %add3A_675 : i32
      %get3A_677 = arith.index_cast %add3A_676 : i32 to index
      %get3A_678 = tpu.vector_load %arg18[%get3A_677] {strides = array<i32>} : memref<4096xi32, #tpu.memory_space<vmem>>, vector<16xi32>,
      %gather3A_679 = tpu.vector_load_idx %arg16[%get3A_678] : memref<1000xf32, #tpu.memory_space<vmem>>[vector<16xi32>], vector<16xf32>,
      %swap3A_680 = arith.index_cast %add3A_676 : i32 to index
      %swap3A_681 = tpu.vector_load %arg21[%swap3A_680] {strides = array<i32>} : memref<4096xf32, #tpu.memory_space<vmem>>, vector<16xf32>,
      tpu.vector_store %arg21[%swap3A_680], %gather3A_679 {strides = array<i32>} : memref<4096xf32, #tpu.memory_space<vmem>>, vector<16xf32>,
      %add3A_682 = arith.constant 80 : i32
      %add3A_683 = arith.addi %mul3A_647, %add3A_682 : i32
      %get3A_684 = arith.index_cast %add3A_683 : i32 to index
      %get3A_685 = tpu.vector_load %arg18[%get3A_684] {strides = array<i32>} : memref<4096xi32, #tpu.memory_space<vmem>>, vector<16xi32>,
      %gather3A_686 = tpu.vector_load_idx %arg16[%get3A_685] : memref<1000xf32, #tpu.memory_space<vmem>>[vector<16xi32>], vector<16xf32>,
      %swap3A_687 = arith.index_cast %add3A_683 : i32 to index
      %swap3A_688 = tpu.vector_load %arg21[%swap3A_687] {strides = array<i32>} : memref<4096xf32, #tpu.memory_space<vmem>>, vector<16xf32>,
      tpu.vector_store %arg21[%swap3A_687], %gather3A_686 {strides = array<i32>} : memref<4096xf32, #tpu.memory_space<vmem>>, vector<16xf32>,
      %add3A_689 = arith.constant 96 : i32
      %add3A_690 = arith.addi %mul3A_647, %add3A_689 : i32
      %get3A_691 = arith.index_cast %add3A_690 : i32 to index
      %get3A_692 = tpu.vector_load %arg18[%get3A_691] {strides = array<i32>} : memref<4096xi32, #tpu.memory_space<vmem>>, vector<16xi32>,
      %gather3A_693 = tpu.vector_load_idx %arg16[%get3A_692] : memref<1000xf32, #tpu.memory_space<vmem>>[vector<16xi32>], vector<16xf32>,
      %swap3A_694 = arith.index_cast %add3A_690 : i32 to index
      %swap3A_695 = tpu.vector_load %arg21[%swap3A_694] {strides = array<i32>} : memref<4096xf32, #tpu.memory_space<vmem>>, vector<16xf32>,
      tpu.vector_store %arg21[%swap3A_694], %gather3A_693 {strides = array<i32>} : memref<4096xf32, #tpu.memory_space<vmem>>, vector<16xf32>,
      %add3A_696 = arith.constant 112 : i32
      %add3A_697 = arith.addi %mul3A_647, %add3A_696 : i32
      %get3A_698 = arith.index_cast %add3A_697 : i32 to index
      %get3A_699 = tpu.vector_load %arg18[%get3A_698] {strides = array<i32>} : memref<4096xi32, #tpu.memory_space<vmem>>, vector<16xi32>,
      %gather3A_700 = tpu.vector_load_idx %arg16[%get3A_699] : memref<1000xf32, #tpu.memory_space<vmem>>[vector<16xi32>], vector<16xf32>,
      %swap3A_701 = arith.index_cast %add3A_697 : i32 to index
      %swap3A_702 = tpu.vector_load %arg21[%swap3A_701] {strides = array<i32>} : memref<4096xf32, #tpu.memory_space<vmem>>, vector<16xf32>,
      tpu.vector_store %arg21[%swap3A_701], %gather3A_700 {strides = array<i32>} : memref<4096xf32, #tpu.memory_space<vmem>>, vector<16xf32>,
    }
    %scan3A_328 = arith.constant 32 : i32
    %dma_start3A_329 = arith.constant 4096 : i32
    %dma_start3A_330 = tpu.memref_slice %arg12[%add3A, %dma_start3A_329] : memref<32x16384xf32, #tpu.memory_space<hbm>> -> memref<1x4096xf32, #tpu.memory_space<hbm>>
    %dma_start3A_331 = tpu.memref_squeeze %dma_start3A_330 : memref<1x4096xf32, #tpu.memory_space<hbm>> -> memref<4096xf32, #tpu.memory_space<hbm>>
    %dma_start3A_332 = arith.constant 4096 : i32
    %dma_start3A_333 = tpu.memref_slice %arg12[%add3A, %dma_start3A_332] : memref<32x16384xf32, #tpu.memory_space<hbm>> -> memref<1x4096xf32, #tpu.memory_space<hbm>>
    %dma_start3A_334 = tpu.memref_squeeze %dma_start3A_333 : memref<1x4096xf32, #tpu.memory_space<hbm>> -> memref<4096xf32, #tpu.memory_space<hbm>>
    tpu.enqueue_dma source(%arg21 : memref<4096xf32, #tpu.memory_space<vmem>>) target(%dma_start3A_334 : memref<4096xf32, #tpu.memory_space<hbm>>) target_semaphore(%arg26 : memref<!tpu.dma_semaphore, #tpu.memory_space<semaphore_mem>>)
    %dma_start3A_335 = arith.constant 0 : i32
    %dma_start3A_336 = tpu.memref_slice %arg5[%dma_start3A_335] : memref<16384xi32, #tpu.memory_space<hbm>> -> memref<4096xi32, #tpu.memory_space<hbm>>
    %dma_start3A_337 = arith.constant 0 : i32
    %dma_start3A_338 = tpu.memref_slice %arg5[%dma_start3A_337] : memref<16384xi32, #tpu.memory_space<hbm>> -> memref<4096xi32, #tpu.memory_space<hbm>>
    tpu.enqueue_dma source(%dma_start3A_338 : memref<4096xi32, #tpu.memory_space<hbm>>) target(%arg18 : memref<4096xi32, #tpu.memory_space<vmem>>) target_semaphore(%arg25 : memref<!tpu.dma_semaphore, #tpu.memory_space<semaphore_mem>>)
    %dma_wait3A_339 = arith.constant 8192 : i32
    %dma_wait3A_340 = tpu.memref_slice %arg4[%dma_wait3A_339] : memref<16384xi32, #tpu.memory_space<hbm>> -> memref<4096xi32, #tpu.memory_space<hbm>>
    %dma_wait3A_341 = arith.constant 8192 : i32
    %dma_wait3A_342 = tpu.memref_slice %arg4[%dma_wait3A_341] : memref<16384xi32, #tpu.memory_space<hbm>> -> memref<4096xi32, #tpu.memory_space<hbm>>
    tpu.wait_dma2 semaphore(%arg25 : memref<!tpu.dma_semaphore, #tpu.memory_space<semaphore_mem>>) src(%dma_wait3A_342 : memref<4096xi32, #tpu.memory_space<hbm>>) dst(%arg19 : memref<4096xi32, #tpu.memory_space<vmem>>)
    %dma_wait3A_343 = arith.constant 12288 : i32
    %dma_wait3A_344 = tpu.memref_slice %arg11[%add3A, %dma_wait3A_343] : memref<64x16384xf32, #tpu.memory_space<hbm>> -> memref<1x4096xf32, #tpu.memory_space<hbm>>
    %dma_wait3A_345 = tpu.memref_squeeze %dma_wait3A_344 : memref<1x4096xf32, #tpu.memory_space<hbm>> -> memref<4096xf32, #tpu.memory_space<hbm>>
    %dma_wait3A_346 = arith.constant 12288 : i32
    %dma_wait3A_347 = tpu.memref_slice %arg11[%add3A, %dma_wait3A_346] : memref<64x16384xf32, #tpu.memory_space<hbm>> -> memref<1x4096xf32, #tpu.memory_space<hbm>>
    %dma_wait3A_348 = tpu.memref_squeeze %dma_wait3A_347 : memref<1x4096xf32, #tpu.memory_space<hbm>> -> memref<4096xf32, #tpu.memory_space<hbm>>
    tpu.wait_dma2 semaphore(%arg26 : memref<!tpu.dma_semaphore, #tpu.memory_space<semaphore_mem>>) src(%arg22 : memref<4096xf32, #tpu.memory_space<vmem>>) dst(%dma_wait3A_348 : memref<4096xf32, #tpu.memory_space<hbm>>)
    %scan3A_349 = arith.constant 0 : i32
    %scan3A_350 = arith.constant 0 : i32
    %scan3A_351 = arith.constant 32 : i32
    %scan3A_352 = arith.addi %scan3A_350, %scan3A_351 : i32
    %scan3A_353 = arith.constant 1 : i32
    scf.for %scan3A_645 = %scan3A_350 to %scan3A_352 step %scan3A_353  : i32 {
      %mul3A_646 = arith.constant 128 : i32
      %mul3A_647 = arith.muli %scan3A_645, %mul3A_646 : i32
      %add3A_648 = arith.constant 0 : i32
      %add3A_649 = arith.addi %mul3A_647, %add3A_648 : i32
      %get3A_650 = arith.index_cast %add3A_649 : i32 to index
      %get3A_651 = tpu.vector_load %arg19[%get3A_650] {strides = array<i32>} : memref<4096xi32, #tpu.memory_space<vmem>>, vector<16xi32>,
      %gather3A = tpu.vector_load_idx %arg16[%get3A_651] : memref<1000xf32, #tpu.memory_space<vmem>>[vector<16xi32>], vector<16xf32>,
      %swap3A_652 = arith.index_cast %add3A_649 : i32 to index
      %swap3A_653 = tpu.vector_load %arg22[%swap3A_652] {strides = array<i32>} : memref<4096xf32, #tpu.memory_space<vmem>>, vector<16xf32>,
      tpu.vector_store %arg22[%swap3A_652], %gather3A {strides = array<i32>} : memref<4096xf32, #tpu.memory_space<vmem>>, vector<16xf32>,
      %add3A_654 = arith.constant 16 : i32
      %add3A_655 = arith.addi %mul3A_647, %add3A_654 : i32
      %get3A_656 = arith.index_cast %add3A_655 : i32 to index
      %get3A_657 = tpu.vector_load %arg19[%get3A_656] {strides = array<i32>} : memref<4096xi32, #tpu.memory_space<vmem>>, vector<16xi32>,
      %gather3A_658 = tpu.vector_load_idx %arg16[%get3A_657] : memref<1000xf32, #tpu.memory_space<vmem>>[vector<16xi32>], vector<16xf32>,
      %swap3A_659 = arith.index_cast %add3A_655 : i32 to index
      %swap3A_660 = tpu.vector_load %arg22[%swap3A_659] {strides = array<i32>} : memref<4096xf32, #tpu.memory_space<vmem>>, vector<16xf32>,
      tpu.vector_store %arg22[%swap3A_659], %gather3A_658 {strides = array<i32>} : memref<4096xf32, #tpu.memory_space<vmem>>, vector<16xf32>,
      %add3A_661 = arith.constant 32 : i32
      %add3A_662 = arith.addi %mul3A_647, %add3A_661 : i32
      %get3A_663 = arith.index_cast %add3A_662 : i32 to index
      %get3A_664 = tpu.vector_load %arg19[%get3A_663] {strides = array<i32>} : memref<4096xi32, #tpu.memory_space<vmem>>, vector<16xi32>,
      %gather3A_665 = tpu.vector_load_idx %arg16[%get3A_664] : memref<1000xf32, #tpu.memory_space<vmem>>[vector<16xi32>], vector<16xf32>,
      %swap3A_666 = arith.index_cast %add3A_662 : i32 to index
      %swap3A_667 = tpu.vector_load %arg22[%swap3A_666] {strides = array<i32>} : memref<4096xf32, #tpu.memory_space<vmem>>, vector<16xf32>,
      tpu.vector_store %arg22[%swap3A_666], %gather3A_665 {strides = array<i32>} : memref<4096xf32, #tpu.memory_space<vmem>>, vector<16xf32>,
      %add3A_668 = arith.constant 48 : i32
      %add3A_669 = arith.addi %mul3A_647, %add3A_668 : i32
      %get3A_670 = arith.index_cast %add3A_669 : i32 to index
      %get3A_671 = tpu.vector_load %arg19[%get3A_670] {strides = array<i32>} : memref<4096xi32, #tpu.memory_space<vmem>>, vector<16xi32>,
      %gather3A_672 = tpu.vector_load_idx %arg16[%get3A_671] : memref<1000xf32, #tpu.memory_space<vmem>>[vector<16xi32>], vector<16xf32>,
      %swap3A_673 = arith.index_cast %add3A_669 : i32 to index
      %swap3A_674 = tpu.vector_load %arg22[%swap3A_673] {strides = array<i32>} : memref<4096xf32, #tpu.memory_space<vmem>>, vector<16xf32>,
      tpu.vector_store %arg22[%swap3A_673], %gather3A_672 {strides = array<i32>} : memref<4096xf32, #tpu.memory_space<vmem>>, vector<16xf32>,
      %add3A_675 = arith.constant 64 : i32
      %add3A_676 = arith.addi %mul3A_647, %add3A_675 : i32
      %get3A_677 = arith.index_cast %add3A_676 : i32 to index
      %get3A_678 = tpu.vector_load %arg19[%get3A_677] {strides = array<i32>} : memref<4096xi32, #tpu.memory_space<vmem>>, vector<16xi32>,
      %gather3A_679 = tpu.vector_load_idx %arg16[%get3A_678] : memref<1000xf32, #tpu.memory_space<vmem>>[vector<16xi32>], vector<16xf32>,
      %swap3A_680 = arith.index_cast %add3A_676 : i32 to index
      %swap3A_681 = tpu.vector_load %arg22[%swap3A_680] {strides = array<i32>} : memref<4096xf32, #tpu.memory_space<vmem>>, vector<16xf32>,
      tpu.vector_store %arg22[%swap3A_680], %gather3A_679 {strides = array<i32>} : memref<4096xf32, #tpu.memory_space<vmem>>, vector<16xf32>,
      %add3A_682 = arith.constant 80 : i32
      %add3A_683 = arith.addi %mul3A_647, %add3A_682 : i32
      %get3A_684 = arith.index_cast %add3A_683 : i32 to index
      %get3A_685 = tpu.vector_load %arg19[%get3A_684] {strides = array<i32>} : memref<4096xi32, #tpu.memory_space<vmem>>, vector<16xi32>,
      %gather3A_686 = tpu.vector_load_idx %arg16[%get3A_685] : memref<1000xf32, #tpu.memory_space<vmem>>[vector<16xi32>], vector<16xf32>,
      %swap3A_687 = arith.index_cast %add3A_683 : i32 to index
      %swap3A_688 = tpu.vector_load %arg22[%swap3A_687] {strides = array<i32>} : memref<4096xf32, #tpu.memory_space<vmem>>, vector<16xf32>,
      tpu.vector_store %arg22[%swap3A_687], %gather3A_686 {strides = array<i32>} : memref<4096xf32, #tpu.memory_space<vmem>>, vector<16xf32>,
      %add3A_689 = arith.constant 96 : i32
      %add3A_690 = arith.addi %mul3A_647, %add3A_689 : i32
      %get3A_691 = arith.index_cast %add3A_690 : i32 to index
      %get3A_692 = tpu.vector_load %arg19[%get3A_691] {strides = array<i32>} : memref<4096xi32, #tpu.memory_space<vmem>>, vector<16xi32>,
      %gather3A_693 = tpu.vector_load_idx %arg16[%get3A_692] : memref<1000xf32, #tpu.memory_space<vmem>>[vector<16xi32>], vector<16xf32>,
      %swap3A_694 = arith.index_cast %add3A_690 : i32 to index
      %swap3A_695 = tpu.vector_load %arg22[%swap3A_694] {strides = array<i32>} : memref<4096xf32, #tpu.memory_space<vmem>>, vector<16xf32>,
      tpu.vector_store %arg22[%swap3A_694], %gather3A_693 {strides = array<i32>} : memref<4096xf32, #tpu.memory_space<vmem>>, vector<16xf32>,
      %add3A_696 = arith.constant 112 : i32
      %add3A_697 = arith.addi %mul3A_647, %add3A_696 : i32
      %get3A_698 = arith.index_cast %add3A_697 : i32 to index
      %get3A_699 = tpu.vector_load %arg19[%get3A_698] {strides = array<i32>} : memref<4096xi32, #tpu.memory_space<vmem>>, vector<16xi32>,
      %gather3A_700 = tpu.vector_load_idx %arg16[%get3A_699] : memref<1000xf32, #tpu.memory_space<vmem>>[vector<16xi32>], vector<16xf32>,
      %swap3A_701 = arith.index_cast %add3A_697 : i32 to index
      %swap3A_702 = tpu.vector_load %arg22[%swap3A_701] {strides = array<i32>} : memref<4096xf32, #tpu.memory_space<vmem>>, vector<16xf32>,
      tpu.vector_store %arg22[%swap3A_701], %gather3A_700 {strides = array<i32>} : memref<4096xf32, #tpu.memory_space<vmem>>, vector<16xf32>,
    }
    %scan3A_354 = arith.constant 32 : i32
    %dma_start3A_355 = arith.constant 8192 : i32
    %dma_start3A_356 = tpu.memref_slice %arg12[%add3A, %dma_start3A_355] : memref<32x16384xf32, #tpu.memory_space<hbm>> -> memref<1x4096xf32, #tpu.memory_space<hbm>>
    %dma_start3A_357 = tpu.memref_squeeze %dma_start3A_356 : memref<1x4096xf32, #tpu.memory_space<hbm>> -> memref<4096xf32, #tpu.memory_space<hbm>>
    %dma_start3A_358 = arith.constant 8192 : i32
    %dma_start3A_359 = tpu.memref_slice %arg12[%add3A, %dma_start3A_358] : memref<32x16384xf32, #tpu.memory_space<hbm>> -> memref<1x4096xf32, #tpu.memory_space<hbm>>
    %dma_start3A_360 = tpu.memref_squeeze %dma_start3A_359 : memref<1x4096xf32, #tpu.memory_space<hbm>> -> memref<4096xf32, #tpu.memory_space<hbm>>
    tpu.enqueue_dma source(%arg22 : memref<4096xf32, #tpu.memory_space<vmem>>) target(%dma_start3A_360 : memref<4096xf32, #tpu.memory_space<hbm>>) target_semaphore(%arg26 : memref<!tpu.dma_semaphore, #tpu.memory_space<semaphore_mem>>)
    %dma_start3A_361 = arith.constant 4096 : i32
    %dma_start3A_362 = tpu.memref_slice %arg5[%dma_start3A_361] : memref<16384xi32, #tpu.memory_space<hbm>> -> memref<4096xi32, #tpu.memory_space<hbm>>
    %dma_start3A_363 = arith.constant 4096 : i32
    %dma_start3A_364 = tpu.memref_slice %arg5[%dma_start3A_363] : memref<16384xi32, #tpu.memory_space<hbm>> -> memref<4096xi32, #tpu.memory_space<hbm>>
    tpu.enqueue_dma source(%dma_start3A_364 : memref<4096xi32, #tpu.memory_space<hbm>>) target(%arg19 : memref<4096xi32, #tpu.memory_space<vmem>>) target_semaphore(%arg25 : memref<!tpu.dma_semaphore, #tpu.memory_space<semaphore_mem>>)
    %dma_wait3A_365 = arith.constant 12288 : i32
    %dma_wait3A_366 = tpu.memref_slice %arg4[%dma_wait3A_365] : memref<16384xi32, #tpu.memory_space<hbm>> -> memref<4096xi32, #tpu.memory_space<hbm>>
    %dma_wait3A_367 = arith.constant 12288 : i32
    %dma_wait3A_368 = tpu.memref_slice %arg4[%dma_wait3A_367] : memref<16384xi32, #tpu.memory_space<hbm>> -> memref<4096xi32, #tpu.memory_space<hbm>>
    tpu.wait_dma2 semaphore(%arg25 : memref<!tpu.dma_semaphore, #tpu.memory_space<semaphore_mem>>) src(%dma_wait3A_368 : memref<4096xi32, #tpu.memory_space<hbm>>) dst(%arg20 : memref<4096xi32, #tpu.memory_space<vmem>>)
    %dma_wait3A_369 = arith.constant 0 : i32
    %dma_wait3A_370 = tpu.memref_slice %arg12[%add3A, %dma_wait3A_369] : memref<32x16384xf32, #tpu.memory_space<hbm>> -> memref<1x4096xf32, #tpu.memory_space<hbm>>
    %dma_wait3A_371 = tpu.memref_squeeze %dma_wait3A_370 : memref<1x4096xf32, #tpu.memory_space<hbm>> -> memref<4096xf32, #tpu.memory_space<hbm>>
    %dma_wait3A_372 = arith.constant 0 : i32
    %dma_wait3A_373 = tpu.memref_slice %arg12[%add3A, %dma_wait3A_372] : memref<32x16384xf32, #tpu.memory_space<hbm>> -> memref<1x4096xf32, #tpu.memory_space<hbm>>
    %dma_wait3A_374 = tpu.memref_squeeze %dma_wait3A_373 : memref<1x4096xf32, #tpu.memory_space<hbm>> -> memref<4096xf32, #tpu.memory_space<hbm>>
    tpu.wait_dma2 semaphore(%arg26 : memref<!tpu.dma_semaphore, #tpu.memory_space<semaphore_mem>>) src(%arg23 : memref<4096xf32, #tpu.memory_space<vmem>>) dst(%dma_wait3A_374 : memref<4096xf32, #tpu.memory_space<hbm>>)
    %scan3A_375 = arith.constant 0 : i32
    %scan3A_376 = arith.constant 0 : i32
    %scan3A_377 = arith.constant 32 : i32
    %scan3A_378 = arith.addi %scan3A_376, %scan3A_377 : i32
    %scan3A_379 = arith.constant 1 : i32
    scf.for %scan3A_645 = %scan3A_376 to %scan3A_378 step %scan3A_379  : i32 {
      %mul3A_646 = arith.constant 128 : i32
      %mul3A_647 = arith.muli %scan3A_645, %mul3A_646 : i32
      %add3A_648 = arith.constant 0 : i32
      %add3A_649 = arith.addi %mul3A_647, %add3A_648 : i32
      %get3A_650 = arith.index_cast %add3A_649 : i32 to index
      %get3A_651 = tpu.vector_load %arg20[%get3A_650] {strides = array<i32>} : memref<4096xi32, #tpu.memory_space<vmem>>, vector<16xi32>,
      %gather3A = tpu.vector_load_idx %arg16[%get3A_651] : memref<1000xf32, #tpu.memory_space<vmem>>[vector<16xi32>], vector<16xf32>,
      %swap3A_652 = arith.index_cast %add3A_649 : i32 to index
      %swap3A_653 = tpu.vector_load %arg23[%swap3A_652] {strides = array<i32>} : memref<4096xf32, #tpu.memory_space<vmem>>, vector<16xf32>,
      tpu.vector_store %arg23[%swap3A_652], %gather3A {strides = array<i32>} : memref<4096xf32, #tpu.memory_space<vmem>>, vector<16xf32>,
      %add3A_654 = arith.constant 16 : i32
      %add3A_655 = arith.addi %mul3A_647, %add3A_654 : i32
      %get3A_656 = arith.index_cast %add3A_655 : i32 to index
      %get3A_657 = tpu.vector_load %arg20[%get3A_656] {strides = array<i32>} : memref<4096xi32, #tpu.memory_space<vmem>>, vector<16xi32>,
      %gather3A_658 = tpu.vector_load_idx %arg16[%get3A_657] : memref<1000xf32, #tpu.memory_space<vmem>>[vector<16xi32>], vector<16xf32>,
      %swap3A_659 = arith.index_cast %add3A_655 : i32 to index
      %swap3A_660 = tpu.vector_load %arg23[%swap3A_659] {strides = array<i32>} : memref<4096xf32, #tpu.memory_space<vmem>>, vector<16xf32>,
      tpu.vector_store %arg23[%swap3A_659], %gather3A_658 {strides = array<i32>} : memref<4096xf32, #tpu.memory_space<vmem>>, vector<16xf32>,
      %add3A_661 = arith.constant 32 : i32
      %add3A_662 = arith.addi %mul3A_647, %add3A_661 : i32
      %get3A_663 = arith.index_cast %add3A_662 : i32 to index
      %get3A_664 = tpu.vector_load %arg20[%get3A_663] {strides = array<i32>} : memref<4096xi32, #tpu.memory_space<vmem>>, vector<16xi32>,
      %gather3A_665 = tpu.vector_load_idx %arg16[%get3A_664] : memref<1000xf32, #tpu.memory_space<vmem>>[vector<16xi32>], vector<16xf32>,
      %swap3A_666 = arith.index_cast %add3A_662 : i32 to index
      %swap3A_667 = tpu.vector_load %arg23[%swap3A_666] {strides = array<i32>} : memref<4096xf32, #tpu.memory_space<vmem>>, vector<16xf32>,
      tpu.vector_store %arg23[%swap3A_666], %gather3A_665 {strides = array<i32>} : memref<4096xf32, #tpu.memory_space<vmem>>, vector<16xf32>,
      %add3A_668 = arith.constant 48 : i32
      %add3A_669 = arith.addi %mul3A_647, %add3A_668 : i32
      %get3A_670 = arith.index_cast %add3A_669 : i32 to index
      %get3A_671 = tpu.vector_load %arg20[%get3A_670] {strides = array<i32>} : memref<4096xi32, #tpu.memory_space<vmem>>, vector<16xi32>,
      %gather3A_672 = tpu.vector_load_idx %arg16[%get3A_671] : memref<1000xf32, #tpu.memory_space<vmem>>[vector<16xi32>], vector<16xf32>,
      %swap3A_673 = arith.index_cast %add3A_669 : i32 to index
      %swap3A_674 = tpu.vector_load %arg23[%swap3A_673] {strides = array<i32>} : memref<4096xf32, #tpu.memory_space<vmem>>, vector<16xf32>,
      tpu.vector_store %arg23[%swap3A_673], %gather3A_672 {strides = array<i32>} : memref<4096xf32, #tpu.memory_space<vmem>>, vector<16xf32>,
      %add3A_675 = arith.constant 64 : i32
      %add3A_676 = arith.addi %mul3A_647, %add3A_675 : i32
      %get3A_677 = arith.index_cast %add3A_676 : i32 to index
      %get3A_678 = tpu.vector_load %arg20[%get3A_677] {strides = array<i32>} : memref<4096xi32, #tpu.memory_space<vmem>>, vector<16xi32>,
      %gather3A_679 = tpu.vector_load_idx %arg16[%get3A_678] : memref<1000xf32, #tpu.memory_space<vmem>>[vector<16xi32>], vector<16xf32>,
      %swap3A_680 = arith.index_cast %add3A_676 : i32 to index
      %swap3A_681 = tpu.vector_load %arg23[%swap3A_680] {strides = array<i32>} : memref<4096xf32, #tpu.memory_space<vmem>>, vector<16xf32>,
      tpu.vector_store %arg23[%swap3A_680], %gather3A_679 {strides = array<i32>} : memref<4096xf32, #tpu.memory_space<vmem>>, vector<16xf32>,
      %add3A_682 = arith.constant 80 : i32
      %add3A_683 = arith.addi %mul3A_647, %add3A_682 : i32
      %get3A_684 = arith.index_cast %add3A_683 : i32 to index
      %get3A_685 = tpu.vector_load %arg20[%get3A_684] {strides = array<i32>} : memref<4096xi32, #tpu.memory_space<vmem>>, vector<16xi32>,
      %gather3A_686 = tpu.vector_load_idx %arg16[%get3A_685] : memref<1000xf32, #tpu.memory_space<vmem>>[vector<16xi32>], vector<16xf32>,
      %swap3A_687 = arith.index_cast %add3A_683 : i32 to index
      %swap3A_688 = tpu.vector_load %arg23[%swap3A_687] {strides = array<i32>} : memref<4096xf32, #tpu.memory_space<vmem>>, vector<16xf32>,
      tpu.vector_store %arg23[%swap3A_687], %gather3A_686 {strides = array<i32>} : memref<4096xf32, #tpu.memory_space<vmem>>, vector<16xf32>,
      %add3A_689 = arith.constant 96 : i32
      %add3A_690 = arith.addi %mul3A_647, %add3A_689 : i32
      %get3A_691 = arith.index_cast %add3A_690 : i32 to index
      %get3A_692 = tpu.vector_load %arg20[%get3A_691] {strides = array<i32>} : memref<4096xi32, #tpu.memory_space<vmem>>, vector<16xi32>,
      %gather3A_693 = tpu.vector_load_idx %arg16[%get3A_692] : memref<1000xf32, #tpu.memory_space<vmem>>[vector<16xi32>], vector<16xf32>,
      %swap3A_694 = arith.index_cast %add3A_690 : i32 to index
      %swap3A_695 = tpu.vector_load %arg23[%swap3A_694] {strides = array<i32>} : memref<4096xf32, #tpu.memory_space<vmem>>, vector<16xf32>,
      tpu.vector_store %arg23[%swap3A_694], %gather3A_693 {strides = array<i32>} : memref<4096xf32, #tpu.memory_space<vmem>>, vector<16xf32>,
      %add3A_696 = arith.constant 112 : i32
      %add3A_697 = arith.addi %mul3A_647, %add3A_696 : i32
      %get3A_698 = arith.index_cast %add3A_697 : i32 to index
      %get3A_699 = tpu.vector_load %arg20[%get3A_698] {strides = array<i32>} : memref<4096xi32, #tpu.memory_space<vmem>>, vector<16xi32>,
      %gather3A_700 = tpu.vector_load_idx %arg16[%get3A_699] : memref<1000xf32, #tpu.memory_space<vmem>>[vector<16xi32>], vector<16xf32>,
      %swap3A_701 = arith.index_cast %add3A_697 : i32 to index
      %swap3A_702 = tpu.vector_load %arg23[%swap3A_701] {strides = array<i32>} : memref<4096xf32, #tpu.memory_space<vmem>>, vector<16xf32>,
      tpu.vector_store %arg23[%swap3A_701], %gather3A_700 {strides = array<i32>} : memref<4096xf32, #tpu.memory_space<vmem>>, vector<16xf32>,
    }
    %scan3A_380 = arith.constant 32 : i32
    %dma_start3A_381 = arith.constant 12288 : i32
    %dma_start3A_382 = tpu.memref_slice %arg12[%add3A, %dma_start3A_381] : memref<32x16384xf32, #tpu.memory_space<hbm>> -> memref<1x4096xf32, #tpu.memory_space<hbm>>
    %dma_start3A_383 = tpu.memref_squeeze %dma_start3A_382 : memref<1x4096xf32, #tpu.memory_space<hbm>> -> memref<4096xf32, #tpu.memory_space<hbm>>
    %dma_start3A_384 = arith.constant 12288 : i32
    %dma_start3A_385 = tpu.memref_slice %arg12[%add3A, %dma_start3A_384] : memref<32x16384xf32, #tpu.memory_space<hbm>> -> memref<1x4096xf32, #tpu.memory_space<hbm>>
    %dma_start3A_386 = tpu.memref_squeeze %dma_start3A_385 : memref<1x4096xf32, #tpu.memory_space<hbm>> -> memref<4096xf32, #tpu.memory_space<hbm>>
    tpu.enqueue_dma source(%arg23 : memref<4096xf32, #tpu.memory_space<vmem>>) target(%dma_start3A_386 : memref<4096xf32, #tpu.memory_space<hbm>>) target_semaphore(%arg26 : memref<!tpu.dma_semaphore, #tpu.memory_space<semaphore_mem>>)
    %dma_start3A_387 = arith.constant 8192 : i32
    %dma_start3A_388 = tpu.memref_slice %arg5[%dma_start3A_387] : memref<16384xi32, #tpu.memory_space<hbm>> -> memref<4096xi32, #tpu.memory_space<hbm>>
    %dma_start3A_389 = arith.constant 8192 : i32
    %dma_start3A_390 = tpu.memref_slice %arg5[%dma_start3A_389] : memref<16384xi32, #tpu.memory_space<hbm>> -> memref<4096xi32, #tpu.memory_space<hbm>>
    tpu.enqueue_dma source(%dma_start3A_390 : memref<4096xi32, #tpu.memory_space<hbm>>) target(%arg20 : memref<4096xi32, #tpu.memory_space<vmem>>) target_semaphore(%arg25 : memref<!tpu.dma_semaphore, #tpu.memory_space<semaphore_mem>>)
    %dma_wait3A_391 = arith.constant 0 : i32
    %dma_wait3A_392 = tpu.memref_slice %arg9[%add3A, %dma_wait3A_391] : memref<32x1000xf32, #tpu.memory_space<hbm>> -> memref<1x1000xf32, #tpu.memory_space<hbm>>
    %dma_wait3A_393 = tpu.memref_squeeze %dma_wait3A_392 : memref<1x1000xf32, #tpu.memory_space<hbm>> -> memref<1000xf32, #tpu.memory_space<hbm>>
    %dma_wait3A_394 = arith.constant 0 : i32
    %dma_wait3A_395 = tpu.memref_slice %arg9[%add3A, %dma_wait3A_394] : memref<32x1000xf32, #tpu.memory_space<hbm>> -> memref<1x1000xf32, #tpu.memory_space<hbm>>
    %dma_wait3A_396 = tpu.memref_squeeze %dma_wait3A_395 : memref<1x1000xf32, #tpu.memory_space<hbm>> -> memref<1000xf32, #tpu.memory_space<hbm>>
    tpu.wait_dma2 semaphore(%arg24 : memref<!tpu.dma_semaphore, #tpu.memory_space<semaphore_mem>>) src(%dma_wait3A_396 : memref<1000xf32, #tpu.memory_space<hbm>>) dst(%arg17 : memref<1000xf32, #tpu.memory_space<vmem>>)
    %iota3A_397 = tpu.iota {dimensions = array<i32: 0>} : vector<16xi32>
    %eq3A_398 = arith.constant 0 : i32
    %eq3A_399 = vector.broadcast %eq3A_398 : i32 to vector<16xi32>
    %eq3A_400 = arith.cmpi eq, %iota3A_397, %eq3A_399 : vector<16xi32>
    %jit3A_401 = arith.constant 0.000000e+00 : f32
    %jit3A_402 = arith.constant 1.000000e+00 : f32
    %broadcast_in_dim3A_403 = vector.broadcast %jit3A_401 : f32 to vector<16xf32>
    %broadcast_in_dim3A_404 = vector.broadcast %jit3A_402 : f32 to vector<16xf32>
    %select_n3A_405 = arith.select %eq3A_400, %broadcast_in_dim3A_403, %broadcast_in_dim3A_404 : vector<16xi1>, vector<16xf32>
    %get3A_406 = arith.constant 0 : index
    %get3A_407 = tpu.vector_load %arg17[%get3A_406] {strides = array<i32>} : memref<1000xf32, #tpu.memory_space<vmem>>, vector<16xf32>,
    %mul3A_408 = arith.mulf %get3A_407, %select_n3A_405 : vector<16xf32>
    %swap3A_409 = arith.constant 0 : index
    %swap3A_410 = tpu.vector_load %arg17[%swap3A_409] {strides = array<i32>} : memref<1000xf32, #tpu.memory_space<vmem>>, vector<16xf32>,
    tpu.vector_store %arg17[%swap3A_409], %mul3A_408 {strides = array<i32>} : memref<1000xf32, #tpu.memory_space<vmem>>, vector<16xf32>,
    %dma_wait3A_411 = arith.constant 0 : i32
    %dma_wait3A_412 = tpu.memref_slice %arg5[%dma_wait3A_411] : memref<16384xi32, #tpu.memory_space<hbm>> -> memref<4096xi32, #tpu.memory_space<hbm>>
    %dma_wait3A_413 = arith.constant 0 : i32
    %dma_wait3A_414 = tpu.memref_slice %arg5[%dma_wait3A_413] : memref<16384xi32, #tpu.memory_space<hbm>> -> memref<4096xi32, #tpu.memory_space<hbm>>
    tpu.wait_dma2 semaphore(%arg25 : memref<!tpu.dma_semaphore, #tpu.memory_space<semaphore_mem>>) src(%dma_wait3A_414 : memref<4096xi32, #tpu.memory_space<hbm>>) dst(%arg18 : memref<4096xi32, #tpu.memory_space<vmem>>)
    %dma_wait3A_415 = arith.constant 4096 : i32
    %dma_wait3A_416 = tpu.memref_slice %arg12[%add3A, %dma_wait3A_415] : memref<32x16384xf32, #tpu.memory_space<hbm>> -> memref<1x4096xf32, #tpu.memory_space<hbm>>
    %dma_wait3A_417 = tpu.memref_squeeze %dma_wait3A_416 : memref<1x4096xf32, #tpu.memory_space<hbm>> -> memref<4096xf32, #tpu.memory_space<hbm>>
    %dma_wait3A_418 = arith.constant 4096 : i32
    %dma_wait3A_419 = tpu.memref_slice %arg12[%add3A, %dma_wait3A_418] : memref<32x16384xf32, #tpu.memory_space<hbm>> -> memref<1x4096xf32, #tpu.memory_space<hbm>>
    %dma_wait3A_420 = tpu.memref_squeeze %dma_wait3A_419 : memref<1x4096xf32, #tpu.memory_space<hbm>> -> memref<4096xf32, #tpu.memory_space<hbm>>
    tpu.wait_dma2 semaphore(%arg26 : memref<!tpu.dma_semaphore, #tpu.memory_space<semaphore_mem>>) src(%arg21 : memref<4096xf32, #tpu.memory_space<vmem>>) dst(%dma_wait3A_420 : memref<4096xf32, #tpu.memory_space<hbm>>)
    %scan3A_421 = arith.constant 0 : i32
    %scan3A_422 = arith.constant 0 : i32
    %scan3A_423 = arith.constant 32 : i32
    %scan3A_424 = arith.addi %scan3A_422, %scan3A_423 : i32
    %scan3A_425 = arith.constant 1 : i32
    scf.for %scan3A_645 = %scan3A_422 to %scan3A_424 step %scan3A_425  : i32 {
      %mul3A_646 = arith.constant 128 : i32
      %mul3A_647 = arith.muli %scan3A_645, %mul3A_646 : i32
      %add3A_648 = arith.constant 0 : i32
      %add3A_649 = arith.addi %mul3A_647, %add3A_648 : i32
      %get3A_650 = arith.index_cast %add3A_649 : i32 to index
      %get3A_651 = tpu.vector_load %arg18[%get3A_650] {strides = array<i32>} : memref<4096xi32, #tpu.memory_space<vmem>>, vector<16xi32>,
      %gather3A = tpu.vector_load_idx %arg17[%get3A_651] : memref<1000xf32, #tpu.memory_space<vmem>>[vector<16xi32>], vector<16xf32>,
      %swap3A_652 = arith.index_cast %add3A_649 : i32 to index
      %swap3A_653 = tpu.vector_load %arg21[%swap3A_652] {strides = array<i32>} : memref<4096xf32, #tpu.memory_space<vmem>>, vector<16xf32>,
      tpu.vector_store %arg21[%swap3A_652], %gather3A {strides = array<i32>} : memref<4096xf32, #tpu.memory_space<vmem>>, vector<16xf32>,
      %add3A_654 = arith.constant 16 : i32
      %add3A_655 = arith.addi %mul3A_647, %add3A_654 : i32
      %get3A_656 = arith.index_cast %add3A_655 : i32 to index
      %get3A_657 = tpu.vector_load %arg18[%get3A_656] {strides = array<i32>} : memref<4096xi32, #tpu.memory_space<vmem>>, vector<16xi32>,
      %gather3A_658 = tpu.vector_load_idx %arg17[%get3A_657] : memref<1000xf32, #tpu.memory_space<vmem>>[vector<16xi32>], vector<16xf32>,
      %swap3A_659 = arith.index_cast %add3A_655 : i32 to index
      %swap3A_660 = tpu.vector_load %arg21[%swap3A_659] {strides = array<i32>} : memref<4096xf32, #tpu.memory_space<vmem>>, vector<16xf32>,
      tpu.vector_store %arg21[%swap3A_659], %gather3A_658 {strides = array<i32>} : memref<4096xf32, #tpu.memory_space<vmem>>, vector<16xf32>,
      %add3A_661 = arith.constant 32 : i32
      %add3A_662 = arith.addi %mul3A_647, %add3A_661 : i32
      %get3A_663 = arith.index_cast %add3A_662 : i32 to index
      %get3A_664 = tpu.vector_load %arg18[%get3A_663] {strides = array<i32>} : memref<4096xi32, #tpu.memory_space<vmem>>, vector<16xi32>,
      %gather3A_665 = tpu.vector_load_idx %arg17[%get3A_664] : memref<1000xf32, #tpu.memory_space<vmem>>[vector<16xi32>], vector<16xf32>,
      %swap3A_666 = arith.index_cast %add3A_662 : i32 to index
      %swap3A_667 = tpu.vector_load %arg21[%swap3A_666] {strides = array<i32>} : memref<4096xf32, #tpu.memory_space<vmem>>, vector<16xf32>,
      tpu.vector_store %arg21[%swap3A_666], %gather3A_665 {strides = array<i32>} : memref<4096xf32, #tpu.memory_space<vmem>>, vector<16xf32>,
      %add3A_668 = arith.constant 48 : i32
      %add3A_669 = arith.addi %mul3A_647, %add3A_668 : i32
      %get3A_670 = arith.index_cast %add3A_669 : i32 to index
      %get3A_671 = tpu.vector_load %arg18[%get3A_670] {strides = array<i32>} : memref<4096xi32, #tpu.memory_space<vmem>>, vector<16xi32>,
      %gather3A_672 = tpu.vector_load_idx %arg17[%get3A_671] : memref<1000xf32, #tpu.memory_space<vmem>>[vector<16xi32>], vector<16xf32>,
      %swap3A_673 = arith.index_cast %add3A_669 : i32 to index
      %swap3A_674 = tpu.vector_load %arg21[%swap3A_673] {strides = array<i32>} : memref<4096xf32, #tpu.memory_space<vmem>>, vector<16xf32>,
      tpu.vector_store %arg21[%swap3A_673], %gather3A_672 {strides = array<i32>} : memref<4096xf32, #tpu.memory_space<vmem>>, vector<16xf32>,
      %add3A_675 = arith.constant 64 : i32
      %add3A_676 = arith.addi %mul3A_647, %add3A_675 : i32
      %get3A_677 = arith.index_cast %add3A_676 : i32 to index
      %get3A_678 = tpu.vector_load %arg18[%get3A_677] {strides = array<i32>} : memref<4096xi32, #tpu.memory_space<vmem>>, vector<16xi32>,
      %gather3A_679 = tpu.vector_load_idx %arg17[%get3A_678] : memref<1000xf32, #tpu.memory_space<vmem>>[vector<16xi32>], vector<16xf32>,
      %swap3A_680 = arith.index_cast %add3A_676 : i32 to index
      %swap3A_681 = tpu.vector_load %arg21[%swap3A_680] {strides = array<i32>} : memref<4096xf32, #tpu.memory_space<vmem>>, vector<16xf32>,
      tpu.vector_store %arg21[%swap3A_680], %gather3A_679 {strides = array<i32>} : memref<4096xf32, #tpu.memory_space<vmem>>, vector<16xf32>,
      %add3A_682 = arith.constant 80 : i32
      %add3A_683 = arith.addi %mul3A_647, %add3A_682 : i32
      %get3A_684 = arith.index_cast %add3A_683 : i32 to index
      %get3A_685 = tpu.vector_load %arg18[%get3A_684] {strides = array<i32>} : memref<4096xi32, #tpu.memory_space<vmem>>, vector<16xi32>,
      %gather3A_686 = tpu.vector_load_idx %arg17[%get3A_685] : memref<1000xf32, #tpu.memory_space<vmem>>[vector<16xi32>], vector<16xf32>,
      %swap3A_687 = arith.index_cast %add3A_683 : i32 to index
      %swap3A_688 = tpu.vector_load %arg21[%swap3A_687] {strides = array<i32>} : memref<4096xf32, #tpu.memory_space<vmem>>, vector<16xf32>,
      tpu.vector_store %arg21[%swap3A_687], %gather3A_686 {strides = array<i32>} : memref<4096xf32, #tpu.memory_space<vmem>>, vector<16xf32>,
      %add3A_689 = arith.constant 96 : i32
      %add3A_690 = arith.addi %mul3A_647, %add3A_689 : i32
      %get3A_691 = arith.index_cast %add3A_690 : i32 to index
      %get3A_692 = tpu.vector_load %arg18[%get3A_691] {strides = array<i32>} : memref<4096xi32, #tpu.memory_space<vmem>>, vector<16xi32>,
      %gather3A_693 = tpu.vector_load_idx %arg17[%get3A_692] : memref<1000xf32, #tpu.memory_space<vmem>>[vector<16xi32>], vector<16xf32>,
      %swap3A_694 = arith.index_cast %add3A_690 : i32 to index
      %swap3A_695 = tpu.vector_load %arg21[%swap3A_694] {strides = array<i32>} : memref<4096xf32, #tpu.memory_space<vmem>>, vector<16xf32>,
      tpu.vector_store %arg21[%swap3A_694], %gather3A_693 {strides = array<i32>} : memref<4096xf32, #tpu.memory_space<vmem>>, vector<16xf32>,
      %add3A_696 = arith.constant 112 : i32
      %add3A_697 = arith.addi %mul3A_647, %add3A_696 : i32
      %get3A_698 = arith.index_cast %add3A_697 : i32 to index
      %get3A_699 = tpu.vector_load %arg18[%get3A_698] {strides = array<i32>} : memref<4096xi32, #tpu.memory_space<vmem>>, vector<16xi32>,
      %gather3A_700 = tpu.vector_load_idx %arg17[%get3A_699] : memref<1000xf32, #tpu.memory_space<vmem>>[vector<16xi32>], vector<16xf32>,
      %swap3A_701 = arith.index_cast %add3A_697 : i32 to index
      %swap3A_702 = tpu.vector_load %arg21[%swap3A_701] {strides = array<i32>} : memref<4096xf32, #tpu.memory_space<vmem>>, vector<16xf32>,
      tpu.vector_store %arg21[%swap3A_701], %gather3A_700 {strides = array<i32>} : memref<4096xf32, #tpu.memory_space<vmem>>, vector<16xf32>,
    }
    %scan3A_426 = arith.constant 32 : i32
    %dma_start3A_427 = arith.constant 0 : i32
    %dma_start3A_428 = tpu.memref_slice %arg13[%add3A, %dma_start3A_427] : memref<32x16384xf32, #tpu.memory_space<hbm>> -> memref<1x4096xf32, #tpu.memory_space<hbm>>
    %dma_start3A_429 = tpu.memref_squeeze %dma_start3A_428 : memref<1x4096xf32, #tpu.memory_space<hbm>> -> memref<4096xf32, #tpu.memory_space<hbm>>
    %dma_start3A_430 = arith.constant 0 : i32
    %dma_start3A_431 = tpu.memref_slice %arg13[%add3A, %dma_start3A_430] : memref<32x16384xf32, #tpu.memory_space<hbm>> -> memref<1x4096xf32, #tpu.memory_space<hbm>>
    %dma_start3A_432 = tpu.memref_squeeze %dma_start3A_431 : memref<1x4096xf32, #tpu.memory_space<hbm>> -> memref<4096xf32, #tpu.memory_space<hbm>>
    tpu.enqueue_dma source(%arg21 : memref<4096xf32, #tpu.memory_space<vmem>>) target(%dma_start3A_432 : memref<4096xf32, #tpu.memory_space<hbm>>) target_semaphore(%arg26 : memref<!tpu.dma_semaphore, #tpu.memory_space<semaphore_mem>>)
    %dma_start3A_433 = arith.constant 12288 : i32
    %dma_start3A_434 = tpu.memref_slice %arg5[%dma_start3A_433] : memref<16384xi32, #tpu.memory_space<hbm>> -> memref<4096xi32, #tpu.memory_space<hbm>>
    %dma_start3A_435 = arith.constant 12288 : i32
    %dma_start3A_436 = tpu.memref_slice %arg5[%dma_start3A_435] : memref<16384xi32, #tpu.memory_space<hbm>> -> memref<4096xi32, #tpu.memory_space<hbm>>
    tpu.enqueue_dma source(%dma_start3A_436 : memref<4096xi32, #tpu.memory_space<hbm>>) target(%arg18 : memref<4096xi32, #tpu.memory_space<vmem>>) target_semaphore(%arg25 : memref<!tpu.dma_semaphore, #tpu.memory_space<semaphore_mem>>)
    %dma_wait3A_437 = arith.constant 4096 : i32
    %dma_wait3A_438 = tpu.memref_slice %arg5[%dma_wait3A_437] : memref<16384xi32, #tpu.memory_space<hbm>> -> memref<4096xi32, #tpu.memory_space<hbm>>
    %dma_wait3A_439 = arith.constant 4096 : i32
    %dma_wait3A_440 = tpu.memref_slice %arg5[%dma_wait3A_439] : memref<16384xi32, #tpu.memory_space<hbm>> -> memref<4096xi32, #tpu.memory_space<hbm>>
    tpu.wait_dma2 semaphore(%arg25 : memref<!tpu.dma_semaphore, #tpu.memory_space<semaphore_mem>>) src(%dma_wait3A_440 : memref<4096xi32, #tpu.memory_space<hbm>>) dst(%arg19 : memref<4096xi32, #tpu.memory_space<vmem>>)
    %dma_wait3A_441 = arith.constant 8192 : i32
    %dma_wait3A_442 = tpu.memref_slice %arg12[%add3A, %dma_wait3A_441] : memref<32x16384xf32, #tpu.memory_space<hbm>> -> memref<1x4096xf32, #tpu.memory_space<hbm>>
    %dma_wait3A_443 = tpu.memref_squeeze %dma_wait3A_442 : memref<1x4096xf32, #tpu.memory_space<hbm>> -> memref<4096xf32, #tpu.memory_space<hbm>>
    %dma_wait3A_444 = arith.constant 8192 : i32
    %dma_wait3A_445 = tpu.memref_slice %arg12[%add3A, %dma_wait3A_444] : memref<32x16384xf32, #tpu.memory_space<hbm>> -> memref<1x4096xf32, #tpu.memory_space<hbm>>
    %dma_wait3A_446 = tpu.memref_squeeze %dma_wait3A_445 : memref<1x4096xf32, #tpu.memory_space<hbm>> -> memref<4096xf32, #tpu.memory_space<hbm>>
    tpu.wait_dma2 semaphore(%arg26 : memref<!tpu.dma_semaphore, #tpu.memory_space<semaphore_mem>>) src(%arg22 : memref<4096xf32, #tpu.memory_space<vmem>>) dst(%dma_wait3A_446 : memref<4096xf32, #tpu.memory_space<hbm>>)
    %scan3A_447 = arith.constant 0 : i32
    %scan3A_448 = arith.constant 0 : i32
    %scan3A_449 = arith.constant 32 : i32
    %scan3A_450 = arith.addi %scan3A_448, %scan3A_449 : i32
    %scan3A_451 = arith.constant 1 : i32
    scf.for %scan3A_645 = %scan3A_448 to %scan3A_450 step %scan3A_451  : i32 {
      %mul3A_646 = arith.constant 128 : i32
      %mul3A_647 = arith.muli %scan3A_645, %mul3A_646 : i32
      %add3A_648 = arith.constant 0 : i32
      %add3A_649 = arith.addi %mul3A_647, %add3A_648 : i32
      %get3A_650 = arith.index_cast %add3A_649 : i32 to index
      %get3A_651 = tpu.vector_load %arg19[%get3A_650] {strides = array<i32>} : memref<4096xi32, #tpu.memory_space<vmem>>, vector<16xi32>,
      %gather3A = tpu.vector_load_idx %arg17[%get3A_651] : memref<1000xf32, #tpu.memory_space<vmem>>[vector<16xi32>], vector<16xf32>,
      %swap3A_652 = arith.index_cast %add3A_649 : i32 to index
      %swap3A_653 = tpu.vector_load %arg22[%swap3A_652] {strides = array<i32>} : memref<4096xf32, #tpu.memory_space<vmem>>, vector<16xf32>,
      tpu.vector_store %arg22[%swap3A_652], %gather3A {strides = array<i32>} : memref<4096xf32, #tpu.memory_space<vmem>>, vector<16xf32>,
      %add3A_654 = arith.constant 16 : i32
      %add3A_655 = arith.addi %mul3A_647, %add3A_654 : i32
      %get3A_656 = arith.index_cast %add3A_655 : i32 to index
      %get3A_657 = tpu.vector_load %arg19[%get3A_656] {strides = array<i32>} : memref<4096xi32, #tpu.memory_space<vmem>>, vector<16xi32>,
      %gather3A_658 = tpu.vector_load_idx %arg17[%get3A_657] : memref<1000xf32, #tpu.memory_space<vmem>>[vector<16xi32>], vector<16xf32>,
      %swap3A_659 = arith.index_cast %add3A_655 : i32 to index
      %swap3A_660 = tpu.vector_load %arg22[%swap3A_659] {strides = array<i32>} : memref<4096xf32, #tpu.memory_space<vmem>>, vector<16xf32>,
      tpu.vector_store %arg22[%swap3A_659], %gather3A_658 {strides = array<i32>} : memref<4096xf32, #tpu.memory_space<vmem>>, vector<16xf32>,
      %add3A_661 = arith.constant 32 : i32
      %add3A_662 = arith.addi %mul3A_647, %add3A_661 : i32
      %get3A_663 = arith.index_cast %add3A_662 : i32 to index
      %get3A_664 = tpu.vector_load %arg19[%get3A_663] {strides = array<i32>} : memref<4096xi32, #tpu.memory_space<vmem>>, vector<16xi32>,
      %gather3A_665 = tpu.vector_load_idx %arg17[%get3A_664] : memref<1000xf32, #tpu.memory_space<vmem>>[vector<16xi32>], vector<16xf32>,
      %swap3A_666 = arith.index_cast %add3A_662 : i32 to index
      %swap3A_667 = tpu.vector_load %arg22[%swap3A_666] {strides = array<i32>} : memref<4096xf32, #tpu.memory_space<vmem>>, vector<16xf32>,
      tpu.vector_store %arg22[%swap3A_666], %gather3A_665 {strides = array<i32>} : memref<4096xf32, #tpu.memory_space<vmem>>, vector<16xf32>,
      %add3A_668 = arith.constant 48 : i32
      %add3A_669 = arith.addi %mul3A_647, %add3A_668 : i32
      %get3A_670 = arith.index_cast %add3A_669 : i32 to index
      %get3A_671 = tpu.vector_load %arg19[%get3A_670] {strides = array<i32>} : memref<4096xi32, #tpu.memory_space<vmem>>, vector<16xi32>,
      %gather3A_672 = tpu.vector_load_idx %arg17[%get3A_671] : memref<1000xf32, #tpu.memory_space<vmem>>[vector<16xi32>], vector<16xf32>,
      %swap3A_673 = arith.index_cast %add3A_669 : i32 to index
      %swap3A_674 = tpu.vector_load %arg22[%swap3A_673] {strides = array<i32>} : memref<4096xf32, #tpu.memory_space<vmem>>, vector<16xf32>,
      tpu.vector_store %arg22[%swap3A_673], %gather3A_672 {strides = array<i32>} : memref<4096xf32, #tpu.memory_space<vmem>>, vector<16xf32>,
      %add3A_675 = arith.constant 64 : i32
      %add3A_676 = arith.addi %mul3A_647, %add3A_675 : i32
      %get3A_677 = arith.index_cast %add3A_676 : i32 to index
      %get3A_678 = tpu.vector_load %arg19[%get3A_677] {strides = array<i32>} : memref<4096xi32, #tpu.memory_space<vmem>>, vector<16xi32>,
      %gather3A_679 = tpu.vector_load_idx %arg17[%get3A_678] : memref<1000xf32, #tpu.memory_space<vmem>>[vector<16xi32>], vector<16xf32>,
      %swap3A_680 = arith.index_cast %add3A_676 : i32 to index
      %swap3A_681 = tpu.vector_load %arg22[%swap3A_680] {strides = array<i32>} : memref<4096xf32, #tpu.memory_space<vmem>>, vector<16xf32>,
      tpu.vector_store %arg22[%swap3A_680], %gather3A_679 {strides = array<i32>} : memref<4096xf32, #tpu.memory_space<vmem>>, vector<16xf32>,
      %add3A_682 = arith.constant 80 : i32
      %add3A_683 = arith.addi %mul3A_647, %add3A_682 : i32
      %get3A_684 = arith.index_cast %add3A_683 : i32 to index
      %get3A_685 = tpu.vector_load %arg19[%get3A_684] {strides = array<i32>} : memref<4096xi32, #tpu.memory_space<vmem>>, vector<16xi32>,
      %gather3A_686 = tpu.vector_load_idx %arg17[%get3A_685] : memref<1000xf32, #tpu.memory_space<vmem>>[vector<16xi32>], vector<16xf32>,
      %swap3A_687 = arith.index_cast %add3A_683 : i32 to index
      %swap3A_688 = tpu.vector_load %arg22[%swap3A_687] {strides = array<i32>} : memref<4096xf32, #tpu.memory_space<vmem>>, vector<16xf32>,
      tpu.vector_store %arg22[%swap3A_687], %gather3A_686 {strides = array<i32>} : memref<4096xf32, #tpu.memory_space<vmem>>, vector<16xf32>,
      %add3A_689 = arith.constant 96 : i32
      %add3A_690 = arith.addi %mul3A_647, %add3A_689 : i32
      %get3A_691 = arith.index_cast %add3A_690 : i32 to index
      %get3A_692 = tpu.vector_load %arg19[%get3A_691] {strides = array<i32>} : memref<4096xi32, #tpu.memory_space<vmem>>, vector<16xi32>,
      %gather3A_693 = tpu.vector_load_idx %arg17[%get3A_692] : memref<1000xf32, #tpu.memory_space<vmem>>[vector<16xi32>], vector<16xf32>,
      %swap3A_694 = arith.index_cast %add3A_690 : i32 to index
      %swap3A_695 = tpu.vector_load %arg22[%swap3A_694] {strides = array<i32>} : memref<4096xf32, #tpu.memory_space<vmem>>, vector<16xf32>,
      tpu.vector_store %arg22[%swap3A_694], %gather3A_693 {strides = array<i32>} : memref<4096xf32, #tpu.memory_space<vmem>>, vector<16xf32>,
      %add3A_696 = arith.constant 112 : i32
      %add3A_697 = arith.addi %mul3A_647, %add3A_696 : i32
      %get3A_698 = arith.index_cast %add3A_697 : i32 to index
      %get3A_699 = tpu.vector_load %arg19[%get3A_698] {strides = array<i32>} : memref<4096xi32, #tpu.memory_space<vmem>>, vector<16xi32>,
      %gather3A_700 = tpu.vector_load_idx %arg17[%get3A_699] : memref<1000xf32, #tpu.memory_space<vmem>>[vector<16xi32>], vector<16xf32>,
      %swap3A_701 = arith.index_cast %add3A_697 : i32 to index
      %swap3A_702 = tpu.vector_load %arg22[%swap3A_701] {strides = array<i32>} : memref<4096xf32, #tpu.memory_space<vmem>>, vector<16xf32>,
      tpu.vector_store %arg22[%swap3A_701], %gather3A_700 {strides = array<i32>} : memref<4096xf32, #tpu.memory_space<vmem>>, vector<16xf32>,
    }
    %scan3A_452 = arith.constant 32 : i32
    %dma_start3A_453 = arith.constant 4096 : i32
    %dma_start3A_454 = tpu.memref_slice %arg13[%add3A, %dma_start3A_453] : memref<32x16384xf32, #tpu.memory_space<hbm>> -> memref<1x4096xf32, #tpu.memory_space<hbm>>
    %dma_start3A_455 = tpu.memref_squeeze %dma_start3A_454 : memref<1x4096xf32, #tpu.memory_space<hbm>> -> memref<4096xf32, #tpu.memory_space<hbm>>
    %dma_start3A_456 = arith.constant 4096 : i32
    %dma_start3A_457 = tpu.memref_slice %arg13[%add3A, %dma_start3A_456] : memref<32x16384xf32, #tpu.memory_space<hbm>> -> memref<1x4096xf32, #tpu.memory_space<hbm>>
    %dma_start3A_458 = tpu.memref_squeeze %dma_start3A_457 : memref<1x4096xf32, #tpu.memory_space<hbm>> -> memref<4096xf32, #tpu.memory_space<hbm>>
    tpu.enqueue_dma source(%arg22 : memref<4096xf32, #tpu.memory_space<vmem>>) target(%dma_start3A_458 : memref<4096xf32, #tpu.memory_space<hbm>>) target_semaphore(%arg26 : memref<!tpu.dma_semaphore, #tpu.memory_space<semaphore_mem>>)
    %dma_start3A_459 = arith.constant 0 : i32
    %dma_start3A_460 = tpu.memref_slice %arg3[%dma_start3A_459] : memref<16384xi32, #tpu.memory_space<hbm>> -> memref<4096xi32, #tpu.memory_space<hbm>>
    %dma_start3A_461 = arith.constant 0 : i32
    %dma_start3A_462 = tpu.memref_slice %arg3[%dma_start3A_461] : memref<16384xi32, #tpu.memory_space<hbm>> -> memref<4096xi32, #tpu.memory_space<hbm>>
    tpu.enqueue_dma source(%dma_start3A_462 : memref<4096xi32, #tpu.memory_space<hbm>>) target(%arg19 : memref<4096xi32, #tpu.memory_space<vmem>>) target_semaphore(%arg25 : memref<!tpu.dma_semaphore, #tpu.memory_space<semaphore_mem>>)
    %dma_wait3A_463 = arith.constant 8192 : i32
    %dma_wait3A_464 = tpu.memref_slice %arg5[%dma_wait3A_463] : memref<16384xi32, #tpu.memory_space<hbm>> -> memref<4096xi32, #tpu.memory_space<hbm>>
    %dma_wait3A_465 = arith.constant 8192 : i32
    %dma_wait3A_466 = tpu.memref_slice %arg5[%dma_wait3A_465] : memref<16384xi32, #tpu.memory_space<hbm>> -> memref<4096xi32, #tpu.memory_space<hbm>>
    tpu.wait_dma2 semaphore(%arg25 : memref<!tpu.dma_semaphore, #tpu.memory_space<semaphore_mem>>) src(%dma_wait3A_466 : memref<4096xi32, #tpu.memory_space<hbm>>) dst(%arg20 : memref<4096xi32, #tpu.memory_space<vmem>>)
    %dma_wait3A_467 = arith.constant 12288 : i32
    %dma_wait3A_468 = tpu.memref_slice %arg12[%add3A, %dma_wait3A_467] : memref<32x16384xf32, #tpu.memory_space<hbm>> -> memref<1x4096xf32, #tpu.memory_space<hbm>>
    %dma_wait3A_469 = tpu.memref_squeeze %dma_wait3A_468 : memref<1x4096xf32, #tpu.memory_space<hbm>> -> memref<4096xf32, #tpu.memory_space<hbm>>
    %dma_wait3A_470 = arith.constant 12288 : i32
    %dma_wait3A_471 = tpu.memref_slice %arg12[%add3A, %dma_wait3A_470] : memref<32x16384xf32, #tpu.memory_space<hbm>> -> memref<1x4096xf32, #tpu.memory_space<hbm>>
    %dma_wait3A_472 = tpu.memref_squeeze %dma_wait3A_471 : memref<1x4096xf32, #tpu.memory_space<hbm>> -> memref<4096xf32, #tpu.memory_space<hbm>>
    tpu.wait_dma2 semaphore(%arg26 : memref<!tpu.dma_semaphore, #tpu.memory_space<semaphore_mem>>) src(%arg23 : memref<4096xf32, #tpu.memory_space<vmem>>) dst(%dma_wait3A_472 : memref<4096xf32, #tpu.memory_space<hbm>>)
    %scan3A_473 = arith.constant 0 : i32
    %scan3A_474 = arith.constant 0 : i32
    %scan3A_475 = arith.constant 32 : i32
    %scan3A_476 = arith.addi %scan3A_474, %scan3A_475 : i32
    %scan3A_477 = arith.constant 1 : i32
    scf.for %scan3A_645 = %scan3A_474 to %scan3A_476 step %scan3A_477  : i32 {
      %mul3A_646 = arith.constant 128 : i32
      %mul3A_647 = arith.muli %scan3A_645, %mul3A_646 : i32
      %add3A_648 = arith.constant 0 : i32
      %add3A_649 = arith.addi %mul3A_647, %add3A_648 : i32
      %get3A_650 = arith.index_cast %add3A_649 : i32 to index
      %get3A_651 = tpu.vector_load %arg20[%get3A_650] {strides = array<i32>} : memref<4096xi32, #tpu.memory_space<vmem>>, vector<16xi32>,
      %gather3A = tpu.vector_load_idx %arg17[%get3A_651] : memref<1000xf32, #tpu.memory_space<vmem>>[vector<16xi32>], vector<16xf32>,
      %swap3A_652 = arith.index_cast %add3A_649 : i32 to index
      %swap3A_653 = tpu.vector_load %arg23[%swap3A_652] {strides = array<i32>} : memref<4096xf32, #tpu.memory_space<vmem>>, vector<16xf32>,
      tpu.vector_store %arg23[%swap3A_652], %gather3A {strides = array<i32>} : memref<4096xf32, #tpu.memory_space<vmem>>, vector<16xf32>,
      %add3A_654 = arith.constant 16 : i32
      %add3A_655 = arith.addi %mul3A_647, %add3A_654 : i32
      %get3A_656 = arith.index_cast %add3A_655 : i32 to index
      %get3A_657 = tpu.vector_load %arg20[%get3A_656] {strides = array<i32>} : memref<4096xi32, #tpu.memory_space<vmem>>, vector<16xi32>,
      %gather3A_658 = tpu.vector_load_idx %arg17[%get3A_657] : memref<1000xf32, #tpu.memory_space<vmem>>[vector<16xi32>], vector<16xf32>,
      %swap3A_659 = arith.index_cast %add3A_655 : i32 to index
      %swap3A_660 = tpu.vector_load %arg23[%swap3A_659] {strides = array<i32>} : memref<4096xf32, #tpu.memory_space<vmem>>, vector<16xf32>,
      tpu.vector_store %arg23[%swap3A_659], %gather3A_658 {strides = array<i32>} : memref<4096xf32, #tpu.memory_space<vmem>>, vector<16xf32>,
      %add3A_661 = arith.constant 32 : i32
      %add3A_662 = arith.addi %mul3A_647, %add3A_661 : i32
      %get3A_663 = arith.index_cast %add3A_662 : i32 to index
      %get3A_664 = tpu.vector_load %arg20[%get3A_663] {strides = array<i32>} : memref<4096xi32, #tpu.memory_space<vmem>>, vector<16xi32>,
      %gather3A_665 = tpu.vector_load_idx %arg17[%get3A_664] : memref<1000xf32, #tpu.memory_space<vmem>>[vector<16xi32>], vector<16xf32>,
      %swap3A_666 = arith.index_cast %add3A_662 : i32 to index
      %swap3A_667 = tpu.vector_load %arg23[%swap3A_666] {strides = array<i32>} : memref<4096xf32, #tpu.memory_space<vmem>>, vector<16xf32>,
      tpu.vector_store %arg23[%swap3A_666], %gather3A_665 {strides = array<i32>} : memref<4096xf32, #tpu.memory_space<vmem>>, vector<16xf32>,
      %add3A_668 = arith.constant 48 : i32
      %add3A_669 = arith.addi %mul3A_647, %add3A_668 : i32
      %get3A_670 = arith.index_cast %add3A_669 : i32 to index
      %get3A_671 = tpu.vector_load %arg20[%get3A_670] {strides = array<i32>} : memref<4096xi32, #tpu.memory_space<vmem>>, vector<16xi32>,
      %gather3A_672 = tpu.vector_load_idx %arg17[%get3A_671] : memref<1000xf32, #tpu.memory_space<vmem>>[vector<16xi32>], vector<16xf32>,
      %swap3A_673 = arith.index_cast %add3A_669 : i32 to index
      %swap3A_674 = tpu.vector_load %arg23[%swap3A_673] {strides = array<i32>} : memref<4096xf32, #tpu.memory_space<vmem>>, vector<16xf32>,
      tpu.vector_store %arg23[%swap3A_673], %gather3A_672 {strides = array<i32>} : memref<4096xf32, #tpu.memory_space<vmem>>, vector<16xf32>,
      %add3A_675 = arith.constant 64 : i32
      %add3A_676 = arith.addi %mul3A_647, %add3A_675 : i32
      %get3A_677 = arith.index_cast %add3A_676 : i32 to index
      %get3A_678 = tpu.vector_load %arg20[%get3A_677] {strides = array<i32>} : memref<4096xi32, #tpu.memory_space<vmem>>, vector<16xi32>,
      %gather3A_679 = tpu.vector_load_idx %arg17[%get3A_678] : memref<1000xf32, #tpu.memory_space<vmem>>[vector<16xi32>], vector<16xf32>,
      %swap3A_680 = arith.index_cast %add3A_676 : i32 to index
      %swap3A_681 = tpu.vector_load %arg23[%swap3A_680] {strides = array<i32>} : memref<4096xf32, #tpu.memory_space<vmem>>, vector<16xf32>,
      tpu.vector_store %arg23[%swap3A_680], %gather3A_679 {strides = array<i32>} : memref<4096xf32, #tpu.memory_space<vmem>>, vector<16xf32>,
      %add3A_682 = arith.constant 80 : i32
      %add3A_683 = arith.addi %mul3A_647, %add3A_682 : i32
      %get3A_684 = arith.index_cast %add3A_683 : i32 to index
      %get3A_685 = tpu.vector_load %arg20[%get3A_684] {strides = array<i32>} : memref<4096xi32, #tpu.memory_space<vmem>>, vector<16xi32>,
      %gather3A_686 = tpu.vector_load_idx %arg17[%get3A_685] : memref<1000xf32, #tpu.memory_space<vmem>>[vector<16xi32>], vector<16xf32>,
      %swap3A_687 = arith.index_cast %add3A_683 : i32 to index
      %swap3A_688 = tpu.vector_load %arg23[%swap3A_687] {strides = array<i32>} : memref<4096xf32, #tpu.memory_space<vmem>>, vector<16xf32>,
      tpu.vector_store %arg23[%swap3A_687], %gather3A_686 {strides = array<i32>} : memref<4096xf32, #tpu.memory_space<vmem>>, vector<16xf32>,
      %add3A_689 = arith.constant 96 : i32
      %add3A_690 = arith.addi %mul3A_647, %add3A_689 : i32
      %get3A_691 = arith.index_cast %add3A_690 : i32 to index
      %get3A_692 = tpu.vector_load %arg20[%get3A_691] {strides = array<i32>} : memref<4096xi32, #tpu.memory_space<vmem>>, vector<16xi32>,
      %gather3A_693 = tpu.vector_load_idx %arg17[%get3A_692] : memref<1000xf32, #tpu.memory_space<vmem>>[vector<16xi32>], vector<16xf32>,
      %swap3A_694 = arith.index_cast %add3A_690 : i32 to index
      %swap3A_695 = tpu.vector_load %arg23[%swap3A_694] {strides = array<i32>} : memref<4096xf32, #tpu.memory_space<vmem>>, vector<16xf32>,
      tpu.vector_store %arg23[%swap3A_694], %gather3A_693 {strides = array<i32>} : memref<4096xf32, #tpu.memory_space<vmem>>, vector<16xf32>,
      %add3A_696 = arith.constant 112 : i32
      %add3A_697 = arith.addi %mul3A_647, %add3A_696 : i32
      %get3A_698 = arith.index_cast %add3A_697 : i32 to index
      %get3A_699 = tpu.vector_load %arg20[%get3A_698] {strides = array<i32>} : memref<4096xi32, #tpu.memory_space<vmem>>, vector<16xi32>,
      %gather3A_700 = tpu.vector_load_idx %arg17[%get3A_699] : memref<1000xf32, #tpu.memory_space<vmem>>[vector<16xi32>], vector<16xf32>,
      %swap3A_701 = arith.index_cast %add3A_697 : i32 to index
      %swap3A_702 = tpu.vector_load %arg23[%swap3A_701] {strides = array<i32>} : memref<4096xf32, #tpu.memory_space<vmem>>, vector<16xf32>,
      tpu.vector_store %arg23[%swap3A_701], %gather3A_700 {strides = array<i32>} : memref<4096xf32, #tpu.memory_space<vmem>>, vector<16xf32>,
    }
    %scan3A_478 = arith.constant 32 : i32
    %dma_start3A_479 = arith.constant 8192 : i32
    %dma_start3A_480 = tpu.memref_slice %arg13[%add3A, %dma_start3A_479] : memref<32x16384xf32, #tpu.memory_space<hbm>> -> memref<1x4096xf32, #tpu.memory_space<hbm>>
    %dma_start3A_481 = tpu.memref_squeeze %dma_start3A_480 : memref<1x4096xf32, #tpu.memory_space<hbm>> -> memref<4096xf32, #tpu.memory_space<hbm>>
    %dma_start3A_482 = arith.constant 8192 : i32
    %dma_start3A_483 = tpu.memref_slice %arg13[%add3A, %dma_start3A_482] : memref<32x16384xf32, #tpu.memory_space<hbm>> -> memref<1x4096xf32, #tpu.memory_space<hbm>>
    %dma_start3A_484 = tpu.memref_squeeze %dma_start3A_483 : memref<1x4096xf32, #tpu.memory_space<hbm>> -> memref<4096xf32, #tpu.memory_space<hbm>>
    tpu.enqueue_dma source(%arg23 : memref<4096xf32, #tpu.memory_space<vmem>>) target(%dma_start3A_484 : memref<4096xf32, #tpu.memory_space<hbm>>) target_semaphore(%arg26 : memref<!tpu.dma_semaphore, #tpu.memory_space<semaphore_mem>>)
    %dma_start3A_485 = arith.constant 4096 : i32
    %dma_start3A_486 = tpu.memref_slice %arg3[%dma_start3A_485] : memref<16384xi32, #tpu.memory_space<hbm>> -> memref<4096xi32, #tpu.memory_space<hbm>>
    %dma_start3A_487 = arith.constant 4096 : i32
    %dma_start3A_488 = tpu.memref_slice %arg3[%dma_start3A_487] : memref<16384xi32, #tpu.memory_space<hbm>> -> memref<4096xi32, #tpu.memory_space<hbm>>
    tpu.enqueue_dma source(%dma_start3A_488 : memref<4096xi32, #tpu.memory_space<hbm>>) target(%arg20 : memref<4096xi32, #tpu.memory_space<vmem>>) target_semaphore(%arg25 : memref<!tpu.dma_semaphore, #tpu.memory_space<semaphore_mem>>)
    %dma_wait3A_489 = arith.constant 12288 : i32
    %dma_wait3A_490 = tpu.memref_slice %arg5[%dma_wait3A_489] : memref<16384xi32, #tpu.memory_space<hbm>> -> memref<4096xi32, #tpu.memory_space<hbm>>
    %dma_wait3A_491 = arith.constant 12288 : i32
    %dma_wait3A_492 = tpu.memref_slice %arg5[%dma_wait3A_491] : memref<16384xi32, #tpu.memory_space<hbm>> -> memref<4096xi32, #tpu.memory_space<hbm>>
    tpu.wait_dma2 semaphore(%arg25 : memref<!tpu.dma_semaphore, #tpu.memory_space<semaphore_mem>>) src(%dma_wait3A_492 : memref<4096xi32, #tpu.memory_space<hbm>>) dst(%arg18 : memref<4096xi32, #tpu.memory_space<vmem>>)
    %dma_wait3A_493 = arith.constant 0 : i32
    %dma_wait3A_494 = tpu.memref_slice %arg13[%add3A, %dma_wait3A_493] : memref<32x16384xf32, #tpu.memory_space<hbm>> -> memref<1x4096xf32, #tpu.memory_space<hbm>>
    %dma_wait3A_495 = tpu.memref_squeeze %dma_wait3A_494 : memref<1x4096xf32, #tpu.memory_space<hbm>> -> memref<4096xf32, #tpu.memory_space<hbm>>
    %dma_wait3A_496 = arith.constant 0 : i32
    %dma_wait3A_497 = tpu.memref_slice %arg13[%add3A, %dma_wait3A_496] : memref<32x16384xf32, #tpu.memory_space<hbm>> -> memref<1x4096xf32, #tpu.memory_space<hbm>>
    %dma_wait3A_498 = tpu.memref_squeeze %dma_wait3A_497 : memref<1x4096xf32, #tpu.memory_space<hbm>> -> memref<4096xf32, #tpu.memory_space<hbm>>
    tpu.wait_dma2 semaphore(%arg26 : memref<!tpu.dma_semaphore, #tpu.memory_space<semaphore_mem>>) src(%arg21 : memref<4096xf32, #tpu.memory_space<vmem>>) dst(%dma_wait3A_498 : memref<4096xf32, #tpu.memory_space<hbm>>)
    %scan3A_499 = arith.constant 0 : i32
    %scan3A_500 = arith.constant 0 : i32
    %scan3A_501 = arith.constant 32 : i32
    %scan3A_502 = arith.addi %scan3A_500, %scan3A_501 : i32
    %scan3A_503 = arith.constant 1 : i32
    scf.for %scan3A_645 = %scan3A_500 to %scan3A_502 step %scan3A_503  : i32 {
      %mul3A_646 = arith.constant 128 : i32
      %mul3A_647 = arith.muli %scan3A_645, %mul3A_646 : i32
      %add3A_648 = arith.constant 0 : i32
      %add3A_649 = arith.addi %mul3A_647, %add3A_648 : i32
      %get3A_650 = arith.index_cast %add3A_649 : i32 to index
      %get3A_651 = tpu.vector_load %arg18[%get3A_650] {strides = array<i32>} : memref<4096xi32, #tpu.memory_space<vmem>>, vector<16xi32>,
      %gather3A = tpu.vector_load_idx %arg17[%get3A_651] : memref<1000xf32, #tpu.memory_space<vmem>>[vector<16xi32>], vector<16xf32>,
      %swap3A_652 = arith.index_cast %add3A_649 : i32 to index
      %swap3A_653 = tpu.vector_load %arg21[%swap3A_652] {strides = array<i32>} : memref<4096xf32, #tpu.memory_space<vmem>>, vector<16xf32>,
      tpu.vector_store %arg21[%swap3A_652], %gather3A {strides = array<i32>} : memref<4096xf32, #tpu.memory_space<vmem>>, vector<16xf32>,
      %add3A_654 = arith.constant 16 : i32
      %add3A_655 = arith.addi %mul3A_647, %add3A_654 : i32
      %get3A_656 = arith.index_cast %add3A_655 : i32 to index
      %get3A_657 = tpu.vector_load %arg18[%get3A_656] {strides = array<i32>} : memref<4096xi32, #tpu.memory_space<vmem>>, vector<16xi32>,
      %gather3A_658 = tpu.vector_load_idx %arg17[%get3A_657] : memref<1000xf32, #tpu.memory_space<vmem>>[vector<16xi32>], vector<16xf32>,
      %swap3A_659 = arith.index_cast %add3A_655 : i32 to index
      %swap3A_660 = tpu.vector_load %arg21[%swap3A_659] {strides = array<i32>} : memref<4096xf32, #tpu.memory_space<vmem>>, vector<16xf32>,
      tpu.vector_store %arg21[%swap3A_659], %gather3A_658 {strides = array<i32>} : memref<4096xf32, #tpu.memory_space<vmem>>, vector<16xf32>,
      %add3A_661 = arith.constant 32 : i32
      %add3A_662 = arith.addi %mul3A_647, %add3A_661 : i32
      %get3A_663 = arith.index_cast %add3A_662 : i32 to index
      %get3A_664 = tpu.vector_load %arg18[%get3A_663] {strides = array<i32>} : memref<4096xi32, #tpu.memory_space<vmem>>, vector<16xi32>,
      %gather3A_665 = tpu.vector_load_idx %arg17[%get3A_664] : memref<1000xf32, #tpu.memory_space<vmem>>[vector<16xi32>], vector<16xf32>,
      %swap3A_666 = arith.index_cast %add3A_662 : i32 to index
      %swap3A_667 = tpu.vector_load %arg21[%swap3A_666] {strides = array<i32>} : memref<4096xf32, #tpu.memory_space<vmem>>, vector<16xf32>,
      tpu.vector_store %arg21[%swap3A_666], %gather3A_665 {strides = array<i32>} : memref<4096xf32, #tpu.memory_space<vmem>>, vector<16xf32>,
      %add3A_668 = arith.constant 48 : i32
      %add3A_669 = arith.addi %mul3A_647, %add3A_668 : i32
      %get3A_670 = arith.index_cast %add3A_669 : i32 to index
      %get3A_671 = tpu.vector_load %arg18[%get3A_670] {strides = array<i32>} : memref<4096xi32, #tpu.memory_space<vmem>>, vector<16xi32>,
      %gather3A_672 = tpu.vector_load_idx %arg17[%get3A_671] : memref<1000xf32, #tpu.memory_space<vmem>>[vector<16xi32>], vector<16xf32>,
      %swap3A_673 = arith.index_cast %add3A_669 : i32 to index
      %swap3A_674 = tpu.vector_load %arg21[%swap3A_673] {strides = array<i32>} : memref<4096xf32, #tpu.memory_space<vmem>>, vector<16xf32>,
      tpu.vector_store %arg21[%swap3A_673], %gather3A_672 {strides = array<i32>} : memref<4096xf32, #tpu.memory_space<vmem>>, vector<16xf32>,
      %add3A_675 = arith.constant 64 : i32
      %add3A_676 = arith.addi %mul3A_647, %add3A_675 : i32
      %get3A_677 = arith.index_cast %add3A_676 : i32 to index
      %get3A_678 = tpu.vector_load %arg18[%get3A_677] {strides = array<i32>} : memref<4096xi32, #tpu.memory_space<vmem>>, vector<16xi32>,
      %gather3A_679 = tpu.vector_load_idx %arg17[%get3A_678] : memref<1000xf32, #tpu.memory_space<vmem>>[vector<16xi32>], vector<16xf32>,
      %swap3A_680 = arith.index_cast %add3A_676 : i32 to index
      %swap3A_681 = tpu.vector_load %arg21[%swap3A_680] {strides = array<i32>} : memref<4096xf32, #tpu.memory_space<vmem>>, vector<16xf32>,
      tpu.vector_store %arg21[%swap3A_680], %gather3A_679 {strides = array<i32>} : memref<4096xf32, #tpu.memory_space<vmem>>, vector<16xf32>,
      %add3A_682 = arith.constant 80 : i32
      %add3A_683 = arith.addi %mul3A_647, %add3A_682 : i32
      %get3A_684 = arith.index_cast %add3A_683 : i32 to index
      %get3A_685 = tpu.vector_load %arg18[%get3A_684] {strides = array<i32>} : memref<4096xi32, #tpu.memory_space<vmem>>, vector<16xi32>,
      %gather3A_686 = tpu.vector_load_idx %arg17[%get3A_685] : memref<1000xf32, #tpu.memory_space<vmem>>[vector<16xi32>], vector<16xf32>,
      %swap3A_687 = arith.index_cast %add3A_683 : i32 to index
      %swap3A_688 = tpu.vector_load %arg21[%swap3A_687] {strides = array<i32>} : memref<4096xf32, #tpu.memory_space<vmem>>, vector<16xf32>,
      tpu.vector_store %arg21[%swap3A_687], %gather3A_686 {strides = array<i32>} : memref<4096xf32, #tpu.memory_space<vmem>>, vector<16xf32>,
      %add3A_689 = arith.constant 96 : i32
      %add3A_690 = arith.addi %mul3A_647, %add3A_689 : i32
      %get3A_691 = arith.index_cast %add3A_690 : i32 to index
      %get3A_692 = tpu.vector_load %arg18[%get3A_691] {strides = array<i32>} : memref<4096xi32, #tpu.memory_space<vmem>>, vector<16xi32>,
      %gather3A_693 = tpu.vector_load_idx %arg17[%get3A_692] : memref<1000xf32, #tpu.memory_space<vmem>>[vector<16xi32>], vector<16xf32>,
      %swap3A_694 = arith.index_cast %add3A_690 : i32 to index
      %swap3A_695 = tpu.vector_load %arg21[%swap3A_694] {strides = array<i32>} : memref<4096xf32, #tpu.memory_space<vmem>>, vector<16xf32>,
      tpu.vector_store %arg21[%swap3A_694], %gather3A_693 {strides = array<i32>} : memref<4096xf32, #tpu.memory_space<vmem>>, vector<16xf32>,
      %add3A_696 = arith.constant 112 : i32
      %add3A_697 = arith.addi %mul3A_647, %add3A_696 : i32
      %get3A_698 = arith.index_cast %add3A_697 : i32 to index
      %get3A_699 = tpu.vector_load %arg18[%get3A_698] {strides = array<i32>} : memref<4096xi32, #tpu.memory_space<vmem>>, vector<16xi32>,
      %gather3A_700 = tpu.vector_load_idx %arg17[%get3A_699] : memref<1000xf32, #tpu.memory_space<vmem>>[vector<16xi32>], vector<16xf32>,
      %swap3A_701 = arith.index_cast %add3A_697 : i32 to index
      %swap3A_702 = tpu.vector_load %arg21[%swap3A_701] {strides = array<i32>} : memref<4096xf32, #tpu.memory_space<vmem>>, vector<16xf32>,
      tpu.vector_store %arg21[%swap3A_701], %gather3A_700 {strides = array<i32>} : memref<4096xf32, #tpu.memory_space<vmem>>, vector<16xf32>,
    }
    %scan3A_504 = arith.constant 32 : i32
    %dma_start3A_505 = arith.constant 12288 : i32
    %dma_start3A_506 = tpu.memref_slice %arg13[%add3A, %dma_start3A_505] : memref<32x16384xf32, #tpu.memory_space<hbm>> -> memref<1x4096xf32, #tpu.memory_space<hbm>>
    %dma_start3A_507 = tpu.memref_squeeze %dma_start3A_506 : memref<1x4096xf32, #tpu.memory_space<hbm>> -> memref<4096xf32, #tpu.memory_space<hbm>>
    %dma_start3A_508 = arith.constant 12288 : i32
    %dma_start3A_509 = tpu.memref_slice %arg13[%add3A, %dma_start3A_508] : memref<32x16384xf32, #tpu.memory_space<hbm>> -> memref<1x4096xf32, #tpu.memory_space<hbm>>
    %dma_start3A_510 = tpu.memref_squeeze %dma_start3A_509 : memref<1x4096xf32, #tpu.memory_space<hbm>> -> memref<4096xf32, #tpu.memory_space<hbm>>
    tpu.enqueue_dma source(%arg21 : memref<4096xf32, #tpu.memory_space<vmem>>) target(%dma_start3A_510 : memref<4096xf32, #tpu.memory_space<hbm>>) target_semaphore(%arg26 : memref<!tpu.dma_semaphore, #tpu.memory_space<semaphore_mem>>)
    %dma_start3A_511 = arith.constant 8192 : i32
    %dma_start3A_512 = tpu.memref_slice %arg3[%dma_start3A_511] : memref<16384xi32, #tpu.memory_space<hbm>> -> memref<4096xi32, #tpu.memory_space<hbm>>
    %dma_start3A_513 = arith.constant 8192 : i32
    %dma_start3A_514 = tpu.memref_slice %arg3[%dma_start3A_513] : memref<16384xi32, #tpu.memory_space<hbm>> -> memref<4096xi32, #tpu.memory_space<hbm>>
    tpu.enqueue_dma source(%dma_start3A_514 : memref<4096xi32, #tpu.memory_space<hbm>>) target(%arg18 : memref<4096xi32, #tpu.memory_space<vmem>>) target_semaphore(%arg25 : memref<!tpu.dma_semaphore, #tpu.memory_space<semaphore_mem>>)
    %dma_wait3A_515 = arith.constant 0 : i32
    %dma_wait3A_516 = tpu.memref_slice %arg7[%add3A_250, %dma_wait3A_515] : memref<64x100000xf32, #tpu.memory_space<hbm>> -> memref<1x100000xf32, #tpu.memory_space<hbm>>
    %dma_wait3A_517 = tpu.memref_squeeze %dma_wait3A_516 : memref<1x100000xf32, #tpu.memory_space<hbm>> -> memref<100000xf32, #tpu.memory_space<hbm>>
    %dma_wait3A_518 = arith.constant 0 : i32
    %dma_wait3A_519 = tpu.memref_slice %arg7[%add3A_250, %dma_wait3A_518] : memref<64x100000xf32, #tpu.memory_space<hbm>> -> memref<1x100000xf32, #tpu.memory_space<hbm>>
    %dma_wait3A_520 = tpu.memref_squeeze %dma_wait3A_519 : memref<1x100000xf32, #tpu.memory_space<hbm>> -> memref<100000xf32, #tpu.memory_space<hbm>>
    tpu.wait_dma2 semaphore(%arg24 : memref<!tpu.dma_semaphore, #tpu.memory_space<semaphore_mem>>) src(%dma_wait3A_520 : memref<100000xf32, #tpu.memory_space<hbm>>) dst(%arg15 : memref<100000xf32, #tpu.memory_space<vmem>>)
    %iota3A_521 = tpu.iota {dimensions = array<i32: 0>} : vector<16xi32>
    %eq3A_522 = arith.constant 0 : i32
    %eq3A_523 = vector.broadcast %eq3A_522 : i32 to vector<16xi32>
    %eq3A_524 = arith.cmpi eq, %iota3A_521, %eq3A_523 : vector<16xi32>
    %jit3A_525 = arith.constant 0.000000e+00 : f32
    %jit3A_526 = arith.constant 1.000000e+00 : f32
    %broadcast_in_dim3A_527 = vector.broadcast %jit3A_525 : f32 to vector<16xf32>
    %broadcast_in_dim3A_528 = vector.broadcast %jit3A_526 : f32 to vector<16xf32>
    %select_n3A_529 = arith.select %eq3A_524, %broadcast_in_dim3A_527, %broadcast_in_dim3A_528 : vector<16xi1>, vector<16xf32>
    %get3A_530 = arith.constant 0 : index
    %get3A_531 = tpu.vector_load %arg15[%get3A_530] {strides = array<i32>} : memref<100000xf32, #tpu.memory_space<vmem>>, vector<16xf32>,
    %mul3A_532 = arith.mulf %get3A_531, %select_n3A_529 : vector<16xf32>
    %swap3A_533 = arith.constant 0 : index
    %swap3A_534 = tpu.vector_load %arg15[%swap3A_533] {strides = array<i32>} : memref<100000xf32, #tpu.memory_space<vmem>>, vector<16xf32>,
    tpu.vector_store %arg15[%swap3A_533], %mul3A_532 {strides = array<i32>} : memref<100000xf32, #tpu.memory_space<vmem>>, vector<16xf32>,
    %dma_wait3A_535 = arith.constant 0 : i32
    %dma_wait3A_536 = tpu.memref_slice %arg3[%dma_wait3A_535] : memref<16384xi32, #tpu.memory_space<hbm>> -> memref<4096xi32, #tpu.memory_space<hbm>>
    %dma_wait3A_537 = arith.constant 0 : i32
    %dma_wait3A_538 = tpu.memref_slice %arg3[%dma_wait3A_537] : memref<16384xi32, #tpu.memory_space<hbm>> -> memref<4096xi32, #tpu.memory_space<hbm>>
    tpu.wait_dma2 semaphore(%arg25 : memref<!tpu.dma_semaphore, #tpu.memory_space<semaphore_mem>>) src(%dma_wait3A_538 : memref<4096xi32, #tpu.memory_space<hbm>>) dst(%arg19 : memref<4096xi32, #tpu.memory_space<vmem>>)
    %dma_wait3A_539 = arith.constant 4096 : i32
    %dma_wait3A_540 = tpu.memref_slice %arg13[%add3A, %dma_wait3A_539] : memref<32x16384xf32, #tpu.memory_space<hbm>> -> memref<1x4096xf32, #tpu.memory_space<hbm>>
    %dma_wait3A_541 = tpu.memref_squeeze %dma_wait3A_540 : memref<1x4096xf32, #tpu.memory_space<hbm>> -> memref<4096xf32, #tpu.memory_space<hbm>>
    %dma_wait3A_542 = arith.constant 4096 : i32
    %dma_wait3A_543 = tpu.memref_slice %arg13[%add3A, %dma_wait3A_542] : memref<32x16384xf32, #tpu.memory_space<hbm>> -> memref<1x4096xf32, #tpu.memory_space<hbm>>
    %dma_wait3A_544 = tpu.memref_squeeze %dma_wait3A_543 : memref<1x4096xf32, #tpu.memory_space<hbm>> -> memref<4096xf32, #tpu.memory_space<hbm>>
    tpu.wait_dma2 semaphore(%arg26 : memref<!tpu.dma_semaphore, #tpu.memory_space<semaphore_mem>>) src(%arg22 : memref<4096xf32, #tpu.memory_space<vmem>>) dst(%dma_wait3A_544 : memref<4096xf32, #tpu.memory_space<hbm>>)
    %scan3A_545 = arith.constant 0 : i32
    %scan3A_546 = arith.constant 0 : i32
    %scan3A_547 = arith.constant 32 : i32
    %scan3A_548 = arith.addi %scan3A_546, %scan3A_547 : i32
    %scan3A_549 = arith.constant 1 : i32
    scf.for %scan3A_645 = %scan3A_546 to %scan3A_548 step %scan3A_549  : i32 {
      %mul3A_646 = arith.constant 128 : i32
      %mul3A_647 = arith.muli %scan3A_645, %mul3A_646 : i32
      %add3A_648 = arith.constant 0 : i32
      %add3A_649 = arith.addi %mul3A_647, %add3A_648 : i32
      %get3A_650 = arith.index_cast %add3A_649 : i32 to index
      %get3A_651 = tpu.vector_load %arg19[%get3A_650] {strides = array<i32>} : memref<4096xi32, #tpu.memory_space<vmem>>, vector<16xi32>,
      %gather3A = tpu.vector_load_idx %arg15[%get3A_651] : memref<100000xf32, #tpu.memory_space<vmem>>[vector<16xi32>], vector<16xf32>,
      %swap3A_652 = arith.index_cast %add3A_649 : i32 to index
      %swap3A_653 = tpu.vector_load %arg22[%swap3A_652] {strides = array<i32>} : memref<4096xf32, #tpu.memory_space<vmem>>, vector<16xf32>,
      tpu.vector_store %arg22[%swap3A_652], %gather3A {strides = array<i32>} : memref<4096xf32, #tpu.memory_space<vmem>>, vector<16xf32>,
      %add3A_654 = arith.constant 16 : i32
      %add3A_655 = arith.addi %mul3A_647, %add3A_654 : i32
      %get3A_656 = arith.index_cast %add3A_655 : i32 to index
      %get3A_657 = tpu.vector_load %arg19[%get3A_656] {strides = array<i32>} : memref<4096xi32, #tpu.memory_space<vmem>>, vector<16xi32>,
      %gather3A_658 = tpu.vector_load_idx %arg15[%get3A_657] : memref<100000xf32, #tpu.memory_space<vmem>>[vector<16xi32>], vector<16xf32>,
      %swap3A_659 = arith.index_cast %add3A_655 : i32 to index
      %swap3A_660 = tpu.vector_load %arg22[%swap3A_659] {strides = array<i32>} : memref<4096xf32, #tpu.memory_space<vmem>>, vector<16xf32>,
      tpu.vector_store %arg22[%swap3A_659], %gather3A_658 {strides = array<i32>} : memref<4096xf32, #tpu.memory_space<vmem>>, vector<16xf32>,
      %add3A_661 = arith.constant 32 : i32
      %add3A_662 = arith.addi %mul3A_647, %add3A_661 : i32
      %get3A_663 = arith.index_cast %add3A_662 : i32 to index
      %get3A_664 = tpu.vector_load %arg19[%get3A_663] {strides = array<i32>} : memref<4096xi32, #tpu.memory_space<vmem>>, vector<16xi32>,
      %gather3A_665 = tpu.vector_load_idx %arg15[%get3A_664] : memref<100000xf32, #tpu.memory_space<vmem>>[vector<16xi32>], vector<16xf32>,
      %swap3A_666 = arith.index_cast %add3A_662 : i32 to index
      %swap3A_667 = tpu.vector_load %arg22[%swap3A_666] {strides = array<i32>} : memref<4096xf32, #tpu.memory_space<vmem>>, vector<16xf32>,
      tpu.vector_store %arg22[%swap3A_666], %gather3A_665 {strides = array<i32>} : memref<4096xf32, #tpu.memory_space<vmem>>, vector<16xf32>,
      %add3A_668 = arith.constant 48 : i32
      %add3A_669 = arith.addi %mul3A_647, %add3A_668 : i32
      %get3A_670 = arith.index_cast %add3A_669 : i32 to index
      %get3A_671 = tpu.vector_load %arg19[%get3A_670] {strides = array<i32>} : memref<4096xi32, #tpu.memory_space<vmem>>, vector<16xi32>,
      %gather3A_672 = tpu.vector_load_idx %arg15[%get3A_671] : memref<100000xf32, #tpu.memory_space<vmem>>[vector<16xi32>], vector<16xf32>,
      %swap3A_673 = arith.index_cast %add3A_669 : i32 to index
      %swap3A_674 = tpu.vector_load %arg22[%swap3A_673] {strides = array<i32>} : memref<4096xf32, #tpu.memory_space<vmem>>, vector<16xf32>,
      tpu.vector_store %arg22[%swap3A_673], %gather3A_672 {strides = array<i32>} : memref<4096xf32, #tpu.memory_space<vmem>>, vector<16xf32>,
      %add3A_675 = arith.constant 64 : i32
      %add3A_676 = arith.addi %mul3A_647, %add3A_675 : i32
      %get3A_677 = arith.index_cast %add3A_676 : i32 to index
      %get3A_678 = tpu.vector_load %arg19[%get3A_677] {strides = array<i32>} : memref<4096xi32, #tpu.memory_space<vmem>>, vector<16xi32>,
      %gather3A_679 = tpu.vector_load_idx %arg15[%get3A_678] : memref<100000xf32, #tpu.memory_space<vmem>>[vector<16xi32>], vector<16xf32>,
      %swap3A_680 = arith.index_cast %add3A_676 : i32 to index
      %swap3A_681 = tpu.vector_load %arg22[%swap3A_680] {strides = array<i32>} : memref<4096xf32, #tpu.memory_space<vmem>>, vector<16xf32>,
      tpu.vector_store %arg22[%swap3A_680], %gather3A_679 {strides = array<i32>} : memref<4096xf32, #tpu.memory_space<vmem>>, vector<16xf32>,
      %add3A_682 = arith.constant 80 : i32
      %add3A_683 = arith.addi %mul3A_647, %add3A_682 : i32
      %get3A_684 = arith.index_cast %add3A_683 : i32 to index
      %get3A_685 = tpu.vector_load %arg19[%get3A_684] {strides = array<i32>} : memref<4096xi32, #tpu.memory_space<vmem>>, vector<16xi32>,
      %gather3A_686 = tpu.vector_load_idx %arg15[%get3A_685] : memref<100000xf32, #tpu.memory_space<vmem>>[vector<16xi32>], vector<16xf32>,
      %swap3A_687 = arith.index_cast %add3A_683 : i32 to index
      %swap3A_688 = tpu.vector_load %arg22[%swap3A_687] {strides = array<i32>} : memref<4096xf32, #tpu.memory_space<vmem>>, vector<16xf32>,
      tpu.vector_store %arg22[%swap3A_687], %gather3A_686 {strides = array<i32>} : memref<4096xf32, #tpu.memory_space<vmem>>, vector<16xf32>,
      %add3A_689 = arith.constant 96 : i32
      %add3A_690 = arith.addi %mul3A_647, %add3A_689 : i32
      %get3A_691 = arith.index_cast %add3A_690 : i32 to index
      %get3A_692 = tpu.vector_load %arg19[%get3A_691] {strides = array<i32>} : memref<4096xi32, #tpu.memory_space<vmem>>, vector<16xi32>,
      %gather3A_693 = tpu.vector_load_idx %arg15[%get3A_692] : memref<100000xf32, #tpu.memory_space<vmem>>[vector<16xi32>], vector<16xf32>,
      %swap3A_694 = arith.index_cast %add3A_690 : i32 to index
      %swap3A_695 = tpu.vector_load %arg22[%swap3A_694] {strides = array<i32>} : memref<4096xf32, #tpu.memory_space<vmem>>, vector<16xf32>,
      tpu.vector_store %arg22[%swap3A_694], %gather3A_693 {strides = array<i32>} : memref<4096xf32, #tpu.memory_space<vmem>>, vector<16xf32>,
      %add3A_696 = arith.constant 112 : i32
      %add3A_697 = arith.addi %mul3A_647, %add3A_696 : i32
      %get3A_698 = arith.index_cast %add3A_697 : i32 to index
      %get3A_699 = tpu.vector_load %arg19[%get3A_698] {strides = array<i32>} : memref<4096xi32, #tpu.memory_space<vmem>>, vector<16xi32>,
      %gather3A_700 = tpu.vector_load_idx %arg15[%get3A_699] : memref<100000xf32, #tpu.memory_space<vmem>>[vector<16xi32>], vector<16xf32>,
      %swap3A_701 = arith.index_cast %add3A_697 : i32 to index
      %swap3A_702 = tpu.vector_load %arg22[%swap3A_701] {strides = array<i32>} : memref<4096xf32, #tpu.memory_space<vmem>>, vector<16xf32>,
      tpu.vector_store %arg22[%swap3A_701], %gather3A_700 {strides = array<i32>} : memref<4096xf32, #tpu.memory_space<vmem>>, vector<16xf32>,
    }
    %scan3A_550 = arith.constant 32 : i32
    %dma_start3A_551 = arith.constant 0 : i32
    %dma_start3A_552 = tpu.memref_slice %arg11[%add3A_25, %dma_start3A_551] : memref<64x16384xf32, #tpu.memory_space<hbm>> -> memref<1x4096xf32, #tpu.memory_space<hbm>>
    %dma_start3A_553 = tpu.memref_squeeze %dma_start3A_552 : memref<1x4096xf32, #tpu.memory_space<hbm>> -> memref<4096xf32, #tpu.memory_space<hbm>>
    %dma_start3A_554 = arith.constant 0 : i32
    %dma_start3A_555 = tpu.memref_slice %arg11[%add3A_25, %dma_start3A_554] : memref<64x16384xf32, #tpu.memory_space<hbm>> -> memref<1x4096xf32, #tpu.memory_space<hbm>>
    %dma_start3A_556 = tpu.memref_squeeze %dma_start3A_555 : memref<1x4096xf32, #tpu.memory_space<hbm>> -> memref<4096xf32, #tpu.memory_space<hbm>>
    tpu.enqueue_dma source(%arg22 : memref<4096xf32, #tpu.memory_space<vmem>>) target(%dma_start3A_556 : memref<4096xf32, #tpu.memory_space<hbm>>) target_semaphore(%arg26 : memref<!tpu.dma_semaphore, #tpu.memory_space<semaphore_mem>>)
    %dma_start3A_557 = arith.constant 12288 : i32
    %dma_start3A_558 = tpu.memref_slice %arg3[%dma_start3A_557] : memref<16384xi32, #tpu.memory_space<hbm>> -> memref<4096xi32, #tpu.memory_space<hbm>>
    %dma_start3A_559 = arith.constant 12288 : i32
    %dma_start3A_560 = tpu.memref_slice %arg3[%dma_start3A_559] : memref<16384xi32, #tpu.memory_space<hbm>> -> memref<4096xi32, #tpu.memory_space<hbm>>
    tpu.enqueue_dma source(%dma_start3A_560 : memref<4096xi32, #tpu.memory_space<hbm>>) target(%arg19 : memref<4096xi32, #tpu.memory_space<vmem>>) target_semaphore(%arg25 : memref<!tpu.dma_semaphore, #tpu.memory_space<semaphore_mem>>)
    %dma_wait3A_561 = arith.constant 4096 : i32
    %dma_wait3A_562 = tpu.memref_slice %arg3[%dma_wait3A_561] : memref<16384xi32, #tpu.memory_space<hbm>> -> memref<4096xi32, #tpu.memory_space<hbm>>
    %dma_wait3A_563 = arith.constant 4096 : i32
    %dma_wait3A_564 = tpu.memref_slice %arg3[%dma_wait3A_563] : memref<16384xi32, #tpu.memory_space<hbm>> -> memref<4096xi32, #tpu.memory_space<hbm>>
    tpu.wait_dma2 semaphore(%arg25 : memref<!tpu.dma_semaphore, #tpu.memory_space<semaphore_mem>>) src(%dma_wait3A_564 : memref<4096xi32, #tpu.memory_space<hbm>>) dst(%arg20 : memref<4096xi32, #tpu.memory_space<vmem>>)
    %dma_wait3A_565 = arith.constant 8192 : i32
    %dma_wait3A_566 = tpu.memref_slice %arg13[%add3A, %dma_wait3A_565] : memref<32x16384xf32, #tpu.memory_space<hbm>> -> memref<1x4096xf32, #tpu.memory_space<hbm>>
    %dma_wait3A_567 = tpu.memref_squeeze %dma_wait3A_566 : memref<1x4096xf32, #tpu.memory_space<hbm>> -> memref<4096xf32, #tpu.memory_space<hbm>>
    %dma_wait3A_568 = arith.constant 8192 : i32
    %dma_wait3A_569 = tpu.memref_slice %arg13[%add3A, %dma_wait3A_568] : memref<32x16384xf32, #tpu.memory_space<hbm>> -> memref<1x4096xf32, #tpu.memory_space<hbm>>
    %dma_wait3A_570 = tpu.memref_squeeze %dma_wait3A_569 : memref<1x4096xf32, #tpu.memory_space<hbm>> -> memref<4096xf32, #tpu.memory_space<hbm>>
    tpu.wait_dma2 semaphore(%arg26 : memref<!tpu.dma_semaphore, #tpu.memory_space<semaphore_mem>>) src(%arg23 : memref<4096xf32, #tpu.memory_space<vmem>>) dst(%dma_wait3A_570 : memref<4096xf32, #tpu.memory_space<hbm>>)
    %scan3A_571 = arith.constant 0 : i32
    %scan3A_572 = arith.constant 0 : i32
    %scan3A_573 = arith.constant 32 : i32
    %scan3A_574 = arith.addi %scan3A_572, %scan3A_573 : i32
    %scan3A_575 = arith.constant 1 : i32
    scf.for %scan3A_645 = %scan3A_572 to %scan3A_574 step %scan3A_575  : i32 {
      %mul3A_646 = arith.constant 128 : i32
      %mul3A_647 = arith.muli %scan3A_645, %mul3A_646 : i32
      %add3A_648 = arith.constant 0 : i32
      %add3A_649 = arith.addi %mul3A_647, %add3A_648 : i32
      %get3A_650 = arith.index_cast %add3A_649 : i32 to index
      %get3A_651 = tpu.vector_load %arg20[%get3A_650] {strides = array<i32>} : memref<4096xi32, #tpu.memory_space<vmem>>, vector<16xi32>,
      %gather3A = tpu.vector_load_idx %arg15[%get3A_651] : memref<100000xf32, #tpu.memory_space<vmem>>[vector<16xi32>], vector<16xf32>,
      %swap3A_652 = arith.index_cast %add3A_649 : i32 to index
      %swap3A_653 = tpu.vector_load %arg23[%swap3A_652] {strides = array<i32>} : memref<4096xf32, #tpu.memory_space<vmem>>, vector<16xf32>,
      tpu.vector_store %arg23[%swap3A_652], %gather3A {strides = array<i32>} : memref<4096xf32, #tpu.memory_space<vmem>>, vector<16xf32>,
      %add3A_654 = arith.constant 16 : i32
      %add3A_655 = arith.addi %mul3A_647, %add3A_654 : i32
      %get3A_656 = arith.index_cast %add3A_655 : i32 to index
      %get3A_657 = tpu.vector_load %arg20[%get3A_656] {strides = array<i32>} : memref<4096xi32, #tpu.memory_space<vmem>>, vector<16xi32>,
      %gather3A_658 = tpu.vector_load_idx %arg15[%get3A_657] : memref<100000xf32, #tpu.memory_space<vmem>>[vector<16xi32>], vector<16xf32>,
      %swap3A_659 = arith.index_cast %add3A_655 : i32 to index
      %swap3A_660 = tpu.vector_load %arg23[%swap3A_659] {strides = array<i32>} : memref<4096xf32, #tpu.memory_space<vmem>>, vector<16xf32>,
      tpu.vector_store %arg23[%swap3A_659], %gather3A_658 {strides = array<i32>} : memref<4096xf32, #tpu.memory_space<vmem>>, vector<16xf32>,
      %add3A_661 = arith.constant 32 : i32
      %add3A_662 = arith.addi %mul3A_647, %add3A_661 : i32
      %get3A_663 = arith.index_cast %add3A_662 : i32 to index
      %get3A_664 = tpu.vector_load %arg20[%get3A_663] {strides = array<i32>} : memref<4096xi32, #tpu.memory_space<vmem>>, vector<16xi32>,
      %gather3A_665 = tpu.vector_load_idx %arg15[%get3A_664] : memref<100000xf32, #tpu.memory_space<vmem>>[vector<16xi32>], vector<16xf32>,
      %swap3A_666 = arith.index_cast %add3A_662 : i32 to index
      %swap3A_667 = tpu.vector_load %arg23[%swap3A_666] {strides = array<i32>} : memref<4096xf32, #tpu.memory_space<vmem>>, vector<16xf32>,
      tpu.vector_store %arg23[%swap3A_666], %gather3A_665 {strides = array<i32>} : memref<4096xf32, #tpu.memory_space<vmem>>, vector<16xf32>,
      %add3A_668 = arith.constant 48 : i32
      %add3A_669 = arith.addi %mul3A_647, %add3A_668 : i32
      %get3A_670 = arith.index_cast %add3A_669 : i32 to index
      %get3A_671 = tpu.vector_load %arg20[%get3A_670] {strides = array<i32>} : memref<4096xi32, #tpu.memory_space<vmem>>, vector<16xi32>,
      %gather3A_672 = tpu.vector_load_idx %arg15[%get3A_671] : memref<100000xf32, #tpu.memory_space<vmem>>[vector<16xi32>], vector<16xf32>,
      %swap3A_673 = arith.index_cast %add3A_669 : i32 to index
      %swap3A_674 = tpu.vector_load %arg23[%swap3A_673] {strides = array<i32>} : memref<4096xf32, #tpu.memory_space<vmem>>, vector<16xf32>,
      tpu.vector_store %arg23[%swap3A_673], %gather3A_672 {strides = array<i32>} : memref<4096xf32, #tpu.memory_space<vmem>>, vector<16xf32>,
      %add3A_675 = arith.constant 64 : i32
      %add3A_676 = arith.addi %mul3A_647, %add3A_675 : i32
      %get3A_677 = arith.index_cast %add3A_676 : i32 to index
      %get3A_678 = tpu.vector_load %arg20[%get3A_677] {strides = array<i32>} : memref<4096xi32, #tpu.memory_space<vmem>>, vector<16xi32>,
      %gather3A_679 = tpu.vector_load_idx %arg15[%get3A_678] : memref<100000xf32, #tpu.memory_space<vmem>>[vector<16xi32>], vector<16xf32>,
      %swap3A_680 = arith.index_cast %add3A_676 : i32 to index
      %swap3A_681 = tpu.vector_load %arg23[%swap3A_680] {strides = array<i32>} : memref<4096xf32, #tpu.memory_space<vmem>>, vector<16xf32>,
      tpu.vector_store %arg23[%swap3A_680], %gather3A_679 {strides = array<i32>} : memref<4096xf32, #tpu.memory_space<vmem>>, vector<16xf32>,
      %add3A_682 = arith.constant 80 : i32
      %add3A_683 = arith.addi %mul3A_647, %add3A_682 : i32
      %get3A_684 = arith.index_cast %add3A_683 : i32 to index
      %get3A_685 = tpu.vector_load %arg20[%get3A_684] {strides = array<i32>} : memref<4096xi32, #tpu.memory_space<vmem>>, vector<16xi32>,
      %gather3A_686 = tpu.vector_load_idx %arg15[%get3A_685] : memref<100000xf32, #tpu.memory_space<vmem>>[vector<16xi32>], vector<16xf32>,
      %swap3A_687 = arith.index_cast %add3A_683 : i32 to index
      %swap3A_688 = tpu.vector_load %arg23[%swap3A_687] {strides = array<i32>} : memref<4096xf32, #tpu.memory_space<vmem>>, vector<16xf32>,
      tpu.vector_store %arg23[%swap3A_687], %gather3A_686 {strides = array<i32>} : memref<4096xf32, #tpu.memory_space<vmem>>, vector<16xf32>,
      %add3A_689 = arith.constant 96 : i32
      %add3A_690 = arith.addi %mul3A_647, %add3A_689 : i32
      %get3A_691 = arith.index_cast %add3A_690 : i32 to index
      %get3A_692 = tpu.vector_load %arg20[%get3A_691] {strides = array<i32>} : memref<4096xi32, #tpu.memory_space<vmem>>, vector<16xi32>,
      %gather3A_693 = tpu.vector_load_idx %arg15[%get3A_692] : memref<100000xf32, #tpu.memory_space<vmem>>[vector<16xi32>], vector<16xf32>,
      %swap3A_694 = arith.index_cast %add3A_690 : i32 to index
      %swap3A_695 = tpu.vector_load %arg23[%swap3A_694] {strides = array<i32>} : memref<4096xf32, #tpu.memory_space<vmem>>, vector<16xf32>,
      tpu.vector_store %arg23[%swap3A_694], %gather3A_693 {strides = array<i32>} : memref<4096xf32, #tpu.memory_space<vmem>>, vector<16xf32>,
      %add3A_696 = arith.constant 112 : i32
      %add3A_697 = arith.addi %mul3A_647, %add3A_696 : i32
      %get3A_698 = arith.index_cast %add3A_697 : i32 to index
      %get3A_699 = tpu.vector_load %arg20[%get3A_698] {strides = array<i32>} : memref<4096xi32, #tpu.memory_space<vmem>>, vector<16xi32>,
      %gather3A_700 = tpu.vector_load_idx %arg15[%get3A_699] : memref<100000xf32, #tpu.memory_space<vmem>>[vector<16xi32>], vector<16xf32>,
      %swap3A_701 = arith.index_cast %add3A_697 : i32 to index
      %swap3A_702 = tpu.vector_load %arg23[%swap3A_701] {strides = array<i32>} : memref<4096xf32, #tpu.memory_space<vmem>>, vector<16xf32>,
      tpu.vector_store %arg23[%swap3A_701], %gather3A_700 {strides = array<i32>} : memref<4096xf32, #tpu.memory_space<vmem>>, vector<16xf32>,
    }
    %scan3A_576 = arith.constant 32 : i32
    %dma_start3A_577 = arith.constant 4096 : i32
    %dma_start3A_578 = tpu.memref_slice %arg11[%add3A_25, %dma_start3A_577] : memref<64x16384xf32, #tpu.memory_space<hbm>> -> memref<1x4096xf32, #tpu.memory_space<hbm>>
    %dma_start3A_579 = tpu.memref_squeeze %dma_start3A_578 : memref<1x4096xf32, #tpu.memory_space<hbm>> -> memref<4096xf32, #tpu.memory_space<hbm>>
    %dma_start3A_580 = arith.constant 4096 : i32
    %dma_start3A_581 = tpu.memref_slice %arg11[%add3A_25, %dma_start3A_580] : memref<64x16384xf32, #tpu.memory_space<hbm>> -> memref<1x4096xf32, #tpu.memory_space<hbm>>
    %dma_start3A_582 = tpu.memref_squeeze %dma_start3A_581 : memref<1x4096xf32, #tpu.memory_space<hbm>> -> memref<4096xf32, #tpu.memory_space<hbm>>
    tpu.enqueue_dma source(%arg23 : memref<4096xf32, #tpu.memory_space<vmem>>) target(%dma_start3A_582 : memref<4096xf32, #tpu.memory_space<hbm>>) target_semaphore(%arg26 : memref<!tpu.dma_semaphore, #tpu.memory_space<semaphore_mem>>)
    %dma_wait3A_583 = arith.constant 8192 : i32
    %dma_wait3A_584 = tpu.memref_slice %arg3[%dma_wait3A_583] : memref<16384xi32, #tpu.memory_space<hbm>> -> memref<4096xi32, #tpu.memory_space<hbm>>
    %dma_wait3A_585 = arith.constant 8192 : i32
    %dma_wait3A_586 = tpu.memref_slice %arg3[%dma_wait3A_585] : memref<16384xi32, #tpu.memory_space<hbm>> -> memref<4096xi32, #tpu.memory_space<hbm>>
    tpu.wait_dma2 semaphore(%arg25 : memref<!tpu.dma_semaphore, #tpu.memory_space<semaphore_mem>>) src(%dma_wait3A_586 : memref<4096xi32, #tpu.memory_space<hbm>>) dst(%arg18 : memref<4096xi32, #tpu.memory_space<vmem>>)
    %dma_wait3A_587 = arith.constant 12288 : i32
    %dma_wait3A_588 = tpu.memref_slice %arg13[%add3A, %dma_wait3A_587] : memref<32x16384xf32, #tpu.memory_space<hbm>> -> memref<1x4096xf32, #tpu.memory_space<hbm>>
    %dma_wait3A_589 = tpu.memref_squeeze %dma_wait3A_588 : memref<1x4096xf32, #tpu.memory_space<hbm>> -> memref<4096xf32, #tpu.memory_space<hbm>>
    %dma_wait3A_590 = arith.constant 12288 : i32
    %dma_wait3A_591 = tpu.memref_slice %arg13[%add3A, %dma_wait3A_590] : memref<32x16384xf32, #tpu.memory_space<hbm>> -> memref<1x4096xf32, #tpu.memory_space<hbm>>
    %dma_wait3A_592 = tpu.memref_squeeze %dma_wait3A_591 : memref<1x4096xf32, #tpu.memory_space<hbm>> -> memref<4096xf32, #tpu.memory_space<hbm>>
    tpu.wait_dma2 semaphore(%arg26 : memref<!tpu.dma_semaphore, #tpu.memory_space<semaphore_mem>>) src(%arg21 : memref<4096xf32, #tpu.memory_space<vmem>>) dst(%dma_wait3A_592 : memref<4096xf32, #tpu.memory_space<hbm>>)
    %scan3A_593 = arith.constant 0 : i32
    %scan3A_594 = arith.constant 0 : i32
    %scan3A_595 = arith.constant 32 : i32
    %scan3A_596 = arith.addi %scan3A_594, %scan3A_595 : i32
    %scan3A_597 = arith.constant 1 : i32
    scf.for %scan3A_645 = %scan3A_594 to %scan3A_596 step %scan3A_597  : i32 {
      %mul3A_646 = arith.constant 128 : i32
      %mul3A_647 = arith.muli %scan3A_645, %mul3A_646 : i32
      %add3A_648 = arith.constant 0 : i32
      %add3A_649 = arith.addi %mul3A_647, %add3A_648 : i32
      %get3A_650 = arith.index_cast %add3A_649 : i32 to index
      %get3A_651 = tpu.vector_load %arg18[%get3A_650] {strides = array<i32>} : memref<4096xi32, #tpu.memory_space<vmem>>, vector<16xi32>,
      %gather3A = tpu.vector_load_idx %arg15[%get3A_651] : memref<100000xf32, #tpu.memory_space<vmem>>[vector<16xi32>], vector<16xf32>,
      %swap3A_652 = arith.index_cast %add3A_649 : i32 to index
      %swap3A_653 = tpu.vector_load %arg21[%swap3A_652] {strides = array<i32>} : memref<4096xf32, #tpu.memory_space<vmem>>, vector<16xf32>,
      tpu.vector_store %arg21[%swap3A_652], %gather3A {strides = array<i32>} : memref<4096xf32, #tpu.memory_space<vmem>>, vector<16xf32>,
      %add3A_654 = arith.constant 16 : i32
      %add3A_655 = arith.addi %mul3A_647, %add3A_654 : i32
      %get3A_656 = arith.index_cast %add3A_655 : i32 to index
      %get3A_657 = tpu.vector_load %arg18[%get3A_656] {strides = array<i32>} : memref<4096xi32, #tpu.memory_space<vmem>>, vector<16xi32>,
      %gather3A_658 = tpu.vector_load_idx %arg15[%get3A_657] : memref<100000xf32, #tpu.memory_space<vmem>>[vector<16xi32>], vector<16xf32>,
      %swap3A_659 = arith.index_cast %add3A_655 : i32 to index
      %swap3A_660 = tpu.vector_load %arg21[%swap3A_659] {strides = array<i32>} : memref<4096xf32, #tpu.memory_space<vmem>>, vector<16xf32>,
      tpu.vector_store %arg21[%swap3A_659], %gather3A_658 {strides = array<i32>} : memref<4096xf32, #tpu.memory_space<vmem>>, vector<16xf32>,
      %add3A_661 = arith.constant 32 : i32
      %add3A_662 = arith.addi %mul3A_647, %add3A_661 : i32
      %get3A_663 = arith.index_cast %add3A_662 : i32 to index
      %get3A_664 = tpu.vector_load %arg18[%get3A_663] {strides = array<i32>} : memref<4096xi32, #tpu.memory_space<vmem>>, vector<16xi32>,
      %gather3A_665 = tpu.vector_load_idx %arg15[%get3A_664] : memref<100000xf32, #tpu.memory_space<vmem>>[vector<16xi32>], vector<16xf32>,
      %swap3A_666 = arith.index_cast %add3A_662 : i32 to index
      %swap3A_667 = tpu.vector_load %arg21[%swap3A_666] {strides = array<i32>} : memref<4096xf32, #tpu.memory_space<vmem>>, vector<16xf32>,
      tpu.vector_store %arg21[%swap3A_666], %gather3A_665 {strides = array<i32>} : memref<4096xf32, #tpu.memory_space<vmem>>, vector<16xf32>,
      %add3A_668 = arith.constant 48 : i32
      %add3A_669 = arith.addi %mul3A_647, %add3A_668 : i32
      %get3A_670 = arith.index_cast %add3A_669 : i32 to index
      %get3A_671 = tpu.vector_load %arg18[%get3A_670] {strides = array<i32>} : memref<4096xi32, #tpu.memory_space<vmem>>, vector<16xi32>,
      %gather3A_672 = tpu.vector_load_idx %arg15[%get3A_671] : memref<100000xf32, #tpu.memory_space<vmem>>[vector<16xi32>], vector<16xf32>,
      %swap3A_673 = arith.index_cast %add3A_669 : i32 to index
      %swap3A_674 = tpu.vector_load %arg21[%swap3A_673] {strides = array<i32>} : memref<4096xf32, #tpu.memory_space<vmem>>, vector<16xf32>,
      tpu.vector_store %arg21[%swap3A_673], %gather3A_672 {strides = array<i32>} : memref<4096xf32, #tpu.memory_space<vmem>>, vector<16xf32>,
      %add3A_675 = arith.constant 64 : i32
      %add3A_676 = arith.addi %mul3A_647, %add3A_675 : i32
      %get3A_677 = arith.index_cast %add3A_676 : i32 to index
      %get3A_678 = tpu.vector_load %arg18[%get3A_677] {strides = array<i32>} : memref<4096xi32, #tpu.memory_space<vmem>>, vector<16xi32>,
      %gather3A_679 = tpu.vector_load_idx %arg15[%get3A_678] : memref<100000xf32, #tpu.memory_space<vmem>>[vector<16xi32>], vector<16xf32>,
      %swap3A_680 = arith.index_cast %add3A_676 : i32 to index
      %swap3A_681 = tpu.vector_load %arg21[%swap3A_680] {strides = array<i32>} : memref<4096xf32, #tpu.memory_space<vmem>>, vector<16xf32>,
      tpu.vector_store %arg21[%swap3A_680], %gather3A_679 {strides = array<i32>} : memref<4096xf32, #tpu.memory_space<vmem>>, vector<16xf32>,
      %add3A_682 = arith.constant 80 : i32
      %add3A_683 = arith.addi %mul3A_647, %add3A_682 : i32
      %get3A_684 = arith.index_cast %add3A_683 : i32 to index
      %get3A_685 = tpu.vector_load %arg18[%get3A_684] {strides = array<i32>} : memref<4096xi32, #tpu.memory_space<vmem>>, vector<16xi32>,
      %gather3A_686 = tpu.vector_load_idx %arg15[%get3A_685] : memref<100000xf32, #tpu.memory_space<vmem>>[vector<16xi32>], vector<16xf32>,
      %swap3A_687 = arith.index_cast %add3A_683 : i32 to index
      %swap3A_688 = tpu.vector_load %arg21[%swap3A_687] {strides = array<i32>} : memref<4096xf32, #tpu.memory_space<vmem>>, vector<16xf32>,
      tpu.vector_store %arg21[%swap3A_687], %gather3A_686 {strides = array<i32>} : memref<4096xf32, #tpu.memory_space<vmem>>, vector<16xf32>,
      %add3A_689 = arith.constant 96 : i32
      %add3A_690 = arith.addi %mul3A_647, %add3A_689 : i32
      %get3A_691 = arith.index_cast %add3A_690 : i32 to index
      %get3A_692 = tpu.vector_load %arg18[%get3A_691] {strides = array<i32>} : memref<4096xi32, #tpu.memory_space<vmem>>, vector<16xi32>,
      %gather3A_693 = tpu.vector_load_idx %arg15[%get3A_692] : memref<100000xf32, #tpu.memory_space<vmem>>[vector<16xi32>], vector<16xf32>,
      %swap3A_694 = arith.index_cast %add3A_690 : i32 to index
      %swap3A_695 = tpu.vector_load %arg21[%swap3A_694] {strides = array<i32>} : memref<4096xf32, #tpu.memory_space<vmem>>, vector<16xf32>,
      tpu.vector_store %arg21[%swap3A_694], %gather3A_693 {strides = array<i32>} : memref<4096xf32, #tpu.memory_space<vmem>>, vector<16xf32>,
      %add3A_696 = arith.constant 112 : i32
      %add3A_697 = arith.addi %mul3A_647, %add3A_696 : i32
      %get3A_698 = arith.index_cast %add3A_697 : i32 to index
      %get3A_699 = tpu.vector_load %arg18[%get3A_698] {strides = array<i32>} : memref<4096xi32, #tpu.memory_space<vmem>>, vector<16xi32>,
      %gather3A_700 = tpu.vector_load_idx %arg15[%get3A_699] : memref<100000xf32, #tpu.memory_space<vmem>>[vector<16xi32>], vector<16xf32>,
      %swap3A_701 = arith.index_cast %add3A_697 : i32 to index
      %swap3A_702 = tpu.vector_load %arg21[%swap3A_701] {strides = array<i32>} : memref<4096xf32, #tpu.memory_space<vmem>>, vector<16xf32>,
      tpu.vector_store %arg21[%swap3A_701], %gather3A_700 {strides = array<i32>} : memref<4096xf32, #tpu.memory_space<vmem>>, vector<16xf32>,
    }
    %scan3A_598 = arith.constant 32 : i32
    %dma_start3A_599 = arith.constant 8192 : i32
    %dma_start3A_600 = tpu.memref_slice %arg11[%add3A_25, %dma_start3A_599] : memref<64x16384xf32, #tpu.memory_space<hbm>> -> memref<1x4096xf32, #tpu.memory_space<hbm>>
    %dma_start3A_601 = tpu.memref_squeeze %dma_start3A_600 : memref<1x4096xf32, #tpu.memory_space<hbm>> -> memref<4096xf32, #tpu.memory_space<hbm>>
    %dma_start3A_602 = arith.constant 8192 : i32
    %dma_start3A_603 = tpu.memref_slice %arg11[%add3A_25, %dma_start3A_602] : memref<64x16384xf32, #tpu.memory_space<hbm>> -> memref<1x4096xf32, #tpu.memory_space<hbm>>
    %dma_start3A_604 = tpu.memref_squeeze %dma_start3A_603 : memref<1x4096xf32, #tpu.memory_space<hbm>> -> memref<4096xf32, #tpu.memory_space<hbm>>
    tpu.enqueue_dma source(%arg21 : memref<4096xf32, #tpu.memory_space<vmem>>) target(%dma_start3A_604 : memref<4096xf32, #tpu.memory_space<hbm>>) target_semaphore(%arg26 : memref<!tpu.dma_semaphore, #tpu.memory_space<semaphore_mem>>)
    %dma_wait3A_605 = arith.constant 12288 : i32
    %dma_wait3A_606 = tpu.memref_slice %arg3[%dma_wait3A_605] : memref<16384xi32, #tpu.memory_space<hbm>> -> memref<4096xi32, #tpu.memory_space<hbm>>
    %dma_wait3A_607 = arith.constant 12288 : i32
    %dma_wait3A_608 = tpu.memref_slice %arg3[%dma_wait3A_607] : memref<16384xi32, #tpu.memory_space<hbm>> -> memref<4096xi32, #tpu.memory_space<hbm>>
    tpu.wait_dma2 semaphore(%arg25 : memref<!tpu.dma_semaphore, #tpu.memory_space<semaphore_mem>>) src(%dma_wait3A_608 : memref<4096xi32, #tpu.memory_space<hbm>>) dst(%arg19 : memref<4096xi32, #tpu.memory_space<vmem>>)
    %dma_wait3A_609 = arith.constant 0 : i32
    %dma_wait3A_610 = tpu.memref_slice %arg11[%add3A_25, %dma_wait3A_609] : memref<64x16384xf32, #tpu.memory_space<hbm>> -> memref<1x4096xf32, #tpu.memory_space<hbm>>
    %dma_wait3A_611 = tpu.memref_squeeze %dma_wait3A_610 : memref<1x4096xf32, #tpu.memory_space<hbm>> -> memref<4096xf32, #tpu.memory_space<hbm>>
    %dma_wait3A_612 = arith.constant 0 : i32
    %dma_wait3A_613 = tpu.memref_slice %arg11[%add3A_25, %dma_wait3A_612] : memref<64x16384xf32, #tpu.memory_space<hbm>> -> memref<1x4096xf32, #tpu.memory_space<hbm>>
    %dma_wait3A_614 = tpu.memref_squeeze %dma_wait3A_613 : memref<1x4096xf32, #tpu.memory_space<hbm>> -> memref<4096xf32, #tpu.memory_space<hbm>>
    tpu.wait_dma2 semaphore(%arg26 : memref<!tpu.dma_semaphore, #tpu.memory_space<semaphore_mem>>) src(%arg22 : memref<4096xf32, #tpu.memory_space<vmem>>) dst(%dma_wait3A_614 : memref<4096xf32, #tpu.memory_space<hbm>>)
    %scan3A_615 = arith.constant 0 : i32
    %scan3A_616 = arith.constant 0 : i32
    %scan3A_617 = arith.constant 32 : i32
    %scan3A_618 = arith.addi %scan3A_616, %scan3A_617 : i32
    %scan3A_619 = arith.constant 1 : i32
    scf.for %scan3A_645 = %scan3A_616 to %scan3A_618 step %scan3A_619  : i32 {
      %mul3A_646 = arith.constant 128 : i32
      %mul3A_647 = arith.muli %scan3A_645, %mul3A_646 : i32
      %add3A_648 = arith.constant 0 : i32
      %add3A_649 = arith.addi %mul3A_647, %add3A_648 : i32
      %get3A_650 = arith.index_cast %add3A_649 : i32 to index
      %get3A_651 = tpu.vector_load %arg19[%get3A_650] {strides = array<i32>} : memref<4096xi32, #tpu.memory_space<vmem>>, vector<16xi32>,
      %gather3A = tpu.vector_load_idx %arg15[%get3A_651] : memref<100000xf32, #tpu.memory_space<vmem>>[vector<16xi32>], vector<16xf32>,
      %swap3A_652 = arith.index_cast %add3A_649 : i32 to index
      %swap3A_653 = tpu.vector_load %arg22[%swap3A_652] {strides = array<i32>} : memref<4096xf32, #tpu.memory_space<vmem>>, vector<16xf32>,
      tpu.vector_store %arg22[%swap3A_652], %gather3A {strides = array<i32>} : memref<4096xf32, #tpu.memory_space<vmem>>, vector<16xf32>,
      %add3A_654 = arith.constant 16 : i32
      %add3A_655 = arith.addi %mul3A_647, %add3A_654 : i32
      %get3A_656 = arith.index_cast %add3A_655 : i32 to index
      %get3A_657 = tpu.vector_load %arg19[%get3A_656] {strides = array<i32>} : memref<4096xi32, #tpu.memory_space<vmem>>, vector<16xi32>,
      %gather3A_658 = tpu.vector_load_idx %arg15[%get3A_657] : memref<100000xf32, #tpu.memory_space<vmem>>[vector<16xi32>], vector<16xf32>,
      %swap3A_659 = arith.index_cast %add3A_655 : i32 to index
      %swap3A_660 = tpu.vector_load %arg22[%swap3A_659] {strides = array<i32>} : memref<4096xf32, #tpu.memory_space<vmem>>, vector<16xf32>,
      tpu.vector_store %arg22[%swap3A_659], %gather3A_658 {strides = array<i32>} : memref<4096xf32, #tpu.memory_space<vmem>>, vector<16xf32>,
      %add3A_661 = arith.constant 32 : i32
      %add3A_662 = arith.addi %mul3A_647, %add3A_661 : i32
      %get3A_663 = arith.index_cast %add3A_662 : i32 to index
      %get3A_664 = tpu.vector_load %arg19[%get3A_663] {strides = array<i32>} : memref<4096xi32, #tpu.memory_space<vmem>>, vector<16xi32>,
      %gather3A_665 = tpu.vector_load_idx %arg15[%get3A_664] : memref<100000xf32, #tpu.memory_space<vmem>>[vector<16xi32>], vector<16xf32>,
      %swap3A_666 = arith.index_cast %add3A_662 : i32 to index
      %swap3A_667 = tpu.vector_load %arg22[%swap3A_666] {strides = array<i32>} : memref<4096xf32, #tpu.memory_space<vmem>>, vector<16xf32>,
      tpu.vector_store %arg22[%swap3A_666], %gather3A_665 {strides = array<i32>} : memref<4096xf32, #tpu.memory_space<vmem>>, vector<16xf32>,
      %add3A_668 = arith.constant 48 : i32
      %add3A_669 = arith.addi %mul3A_647, %add3A_668 : i32
      %get3A_670 = arith.index_cast %add3A_669 : i32 to index
      %get3A_671 = tpu.vector_load %arg19[%get3A_670] {strides = array<i32>} : memref<4096xi32, #tpu.memory_space<vmem>>, vector<16xi32>,
      %gather3A_672 = tpu.vector_load_idx %arg15[%get3A_671] : memref<100000xf32, #tpu.memory_space<vmem>>[vector<16xi32>], vector<16xf32>,
      %swap3A_673 = arith.index_cast %add3A_669 : i32 to index
      %swap3A_674 = tpu.vector_load %arg22[%swap3A_673] {strides = array<i32>} : memref<4096xf32, #tpu.memory_space<vmem>>, vector<16xf32>,
      tpu.vector_store %arg22[%swap3A_673], %gather3A_672 {strides = array<i32>} : memref<4096xf32, #tpu.memory_space<vmem>>, vector<16xf32>,
      %add3A_675 = arith.constant 64 : i32
      %add3A_676 = arith.addi %mul3A_647, %add3A_675 : i32
      %get3A_677 = arith.index_cast %add3A_676 : i32 to index
      %get3A_678 = tpu.vector_load %arg19[%get3A_677] {strides = array<i32>} : memref<4096xi32, #tpu.memory_space<vmem>>, vector<16xi32>,
      %gather3A_679 = tpu.vector_load_idx %arg15[%get3A_678] : memref<100000xf32, #tpu.memory_space<vmem>>[vector<16xi32>], vector<16xf32>,
      %swap3A_680 = arith.index_cast %add3A_676 : i32 to index
      %swap3A_681 = tpu.vector_load %arg22[%swap3A_680] {strides = array<i32>} : memref<4096xf32, #tpu.memory_space<vmem>>, vector<16xf32>,
      tpu.vector_store %arg22[%swap3A_680], %gather3A_679 {strides = array<i32>} : memref<4096xf32, #tpu.memory_space<vmem>>, vector<16xf32>,
      %add3A_682 = arith.constant 80 : i32
      %add3A_683 = arith.addi %mul3A_647, %add3A_682 : i32
      %get3A_684 = arith.index_cast %add3A_683 : i32 to index
      %get3A_685 = tpu.vector_load %arg19[%get3A_684] {strides = array<i32>} : memref<4096xi32, #tpu.memory_space<vmem>>, vector<16xi32>,
      %gather3A_686 = tpu.vector_load_idx %arg15[%get3A_685] : memref<100000xf32, #tpu.memory_space<vmem>>[vector<16xi32>], vector<16xf32>,
      %swap3A_687 = arith.index_cast %add3A_683 : i32 to index
      %swap3A_688 = tpu.vector_load %arg22[%swap3A_687] {strides = array<i32>} : memref<4096xf32, #tpu.memory_space<vmem>>, vector<16xf32>,
      tpu.vector_store %arg22[%swap3A_687], %gather3A_686 {strides = array<i32>} : memref<4096xf32, #tpu.memory_space<vmem>>, vector<16xf32>,
      %add3A_689 = arith.constant 96 : i32
      %add3A_690 = arith.addi %mul3A_647, %add3A_689 : i32
      %get3A_691 = arith.index_cast %add3A_690 : i32 to index
      %get3A_692 = tpu.vector_load %arg19[%get3A_691] {strides = array<i32>} : memref<4096xi32, #tpu.memory_space<vmem>>, vector<16xi32>,
      %gather3A_693 = tpu.vector_load_idx %arg15[%get3A_692] : memref<100000xf32, #tpu.memory_space<vmem>>[vector<16xi32>], vector<16xf32>,
      %swap3A_694 = arith.index_cast %add3A_690 : i32 to index
      %swap3A_695 = tpu.vector_load %arg22[%swap3A_694] {strides = array<i32>} : memref<4096xf32, #tpu.memory_space<vmem>>, vector<16xf32>,
      tpu.vector_store %arg22[%swap3A_694], %gather3A_693 {strides = array<i32>} : memref<4096xf32, #tpu.memory_space<vmem>>, vector<16xf32>,
      %add3A_696 = arith.constant 112 : i32
      %add3A_697 = arith.addi %mul3A_647, %add3A_696 : i32
      %get3A_698 = arith.index_cast %add3A_697 : i32 to index
      %get3A_699 = tpu.vector_load %arg19[%get3A_698] {strides = array<i32>} : memref<4096xi32, #tpu.memory_space<vmem>>, vector<16xi32>,
      %gather3A_700 = tpu.vector_load_idx %arg15[%get3A_699] : memref<100000xf32, #tpu.memory_space<vmem>>[vector<16xi32>], vector<16xf32>,
      %swap3A_701 = arith.index_cast %add3A_697 : i32 to index
      %swap3A_702 = tpu.vector_load %arg22[%swap3A_701] {strides = array<i32>} : memref<4096xf32, #tpu.memory_space<vmem>>, vector<16xf32>,
      tpu.vector_store %arg22[%swap3A_701], %gather3A_700 {strides = array<i32>} : memref<4096xf32, #tpu.memory_space<vmem>>, vector<16xf32>,
    }
    %scan3A_620 = arith.constant 32 : i32
    %dma_start3A_621 = arith.constant 12288 : i32
    %dma_start3A_622 = tpu.memref_slice %arg11[%add3A_25, %dma_start3A_621] : memref<64x16384xf32, #tpu.memory_space<hbm>> -> memref<1x4096xf32, #tpu.memory_space<hbm>>
    %dma_start3A_623 = tpu.memref_squeeze %dma_start3A_622 : memref<1x4096xf32, #tpu.memory_space<hbm>> -> memref<4096xf32, #tpu.memory_space<hbm>>
    %dma_start3A_624 = arith.constant 12288 : i32
    %dma_start3A_625 = tpu.memref_slice %arg11[%add3A_25, %dma_start3A_624] : memref<64x16384xf32, #tpu.memory_space<hbm>> -> memref<1x4096xf32, #tpu.memory_space<hbm>>
    %dma_start3A_626 = tpu.memref_squeeze %dma_start3A_625 : memref<1x4096xf32, #tpu.memory_space<hbm>> -> memref<4096xf32, #tpu.memory_space<hbm>>
    tpu.enqueue_dma source(%arg22 : memref<4096xf32, #tpu.memory_space<vmem>>) target(%dma_start3A_626 : memref<4096xf32, #tpu.memory_space<hbm>>) target_semaphore(%arg26 : memref<!tpu.dma_semaphore, #tpu.memory_space<semaphore_mem>>)
    %dma_wait3A_627 = arith.constant 4096 : i32
    %dma_wait3A_628 = tpu.memref_slice %arg11[%add3A_25, %dma_wait3A_627] : memref<64x16384xf32, #tpu.memory_space<hbm>> -> memref<1x4096xf32, #tpu.memory_space<hbm>>
    %dma_wait3A_629 = tpu.memref_squeeze %dma_wait3A_628 : memref<1x4096xf32, #tpu.memory_space<hbm>> -> memref<4096xf32, #tpu.memory_space<hbm>>
    %dma_wait3A_630 = arith.constant 4096 : i32
    %dma_wait3A_631 = tpu.memref_slice %arg11[%add3A_25, %dma_wait3A_630] : memref<64x16384xf32, #tpu.memory_space<hbm>> -> memref<1x4096xf32, #tpu.memory_space<hbm>>
    %dma_wait3A_632 = tpu.memref_squeeze %dma_wait3A_631 : memref<1x4096xf32, #tpu.memory_space<hbm>> -> memref<4096xf32, #tpu.memory_space<hbm>>
    tpu.wait_dma2 semaphore(%arg26 : memref<!tpu.dma_semaphore, #tpu.memory_space<semaphore_mem>>) src(%arg23 : memref<4096xf32, #tpu.memory_space<vmem>>) dst(%dma_wait3A_632 : memref<4096xf32, #tpu.memory_space<hbm>>)
    %dma_wait3A_633 = arith.constant 8192 : i32
    %dma_wait3A_634 = tpu.memref_slice %arg11[%add3A_25, %dma_wait3A_633] : memref<64x16384xf32, #tpu.memory_space<hbm>> -> memref<1x4096xf32, #tpu.memory_space<hbm>>
    %dma_wait3A_635 = tpu.memref_squeeze %dma_wait3A_634 : memref<1x4096xf32, #tpu.memory_space<hbm>> -> memref<4096xf32, #tpu.memory_space<hbm>>
    %dma_wait3A_636 = arith.constant 8192 : i32
    %dma_wait3A_637 = tpu.memref_slice %arg11[%add3A_25, %dma_wait3A_636] : memref<64x16384xf32, #tpu.memory_space<hbm>> -> memref<1x4096xf32, #tpu.memory_space<hbm>>
    %dma_wait3A_638 = tpu.memref_squeeze %dma_wait3A_637 : memref<1x4096xf32, #tpu.memory_space<hbm>> -> memref<4096xf32, #tpu.memory_space<hbm>>
    tpu.wait_dma2 semaphore(%arg26 : memref<!tpu.dma_semaphore, #tpu.memory_space<semaphore_mem>>) src(%arg21 : memref<4096xf32, #tpu.memory_space<vmem>>) dst(%dma_wait3A_638 : memref<4096xf32, #tpu.memory_space<hbm>>)
    %dma_wait3A_639 = arith.constant 12288 : i32
    %dma_wait3A_640 = tpu.memref_slice %arg11[%add3A_25, %dma_wait3A_639] : memref<64x16384xf32, #tpu.memory_space<hbm>> -> memref<1x4096xf32, #tpu.memory_space<hbm>>
    %dma_wait3A_641 = tpu.memref_squeeze %dma_wait3A_640 : memref<1x4096xf32, #tpu.memory_space<hbm>> -> memref<4096xf32, #tpu.memory_space<hbm>>
    %dma_wait3A_642 = arith.constant 12288 : i32
    %dma_wait3A_643 = tpu.memref_slice %arg11[%add3A_25, %dma_wait3A_642] : memref<64x16384xf32, #tpu.memory_space<hbm>> -> memref<1x4096xf32, #tpu.memory_space<hbm>>
    %dma_wait3A_644 = tpu.memref_squeeze %dma_wait3A_643 : memref<1x4096xf32, #tpu.memory_space<hbm>> -> memref<4096xf32, #tpu.memory_space<hbm>>
    tpu.wait_dma2 semaphore(%arg26 : memref<!tpu.dma_semaphore, #tpu.memory_space<semaphore_mem>>) src(%arg22 : memref<4096xf32, #tpu.memory_space<vmem>>) dst(%dma_wait3A_644 : memref<4096xf32, #tpu.memory_space<hbm>>)
    return
  }
}

module attributes {stable_mosaic.version = 14 : i64} {
  func.func @_lin_body(%arg0: i32, %arg1: memref<2048xf32, #tpu.memory_space<vmem>>, %arg2: memref<2048xf32, #tpu.memory_space<vmem>>, %arg3: memref<2048xf32, #tpu.memory_space<vmem>>, %arg4: memref<2048xf32, #tpu.memory_space<vmem>>, %arg5: memref<2048xf32, #tpu.memory_space<vmem>>, %arg6: memref<5x32x1xf32, #tpu.memory_space<vmem>>, %arg7: memref<5x32x1xf32, #tpu.memory_space<vmem>>, %arg8: memref<32x2048xf32, #tpu.memory_space<vmem>>, %arg9: memref<32x2048xf32, #tpu.memory_space<vmem>>, %arg10: memref<32x2048xf32, #tpu.memory_space<vmem>>, %arg11: memref<32x2048xf32, #tpu.memory_space<vmem>>, %arg12: memref<32x2048xf32, #tpu.memory_space<vmem>>) attributes {dimension_semantics = [#tpu.dimension_semantics<arbitrary>], iteration_bounds = array<i64: 8>, scalar_prefetch = 0 : i64, scratch_operands = 0 : i64, tpu.core_type = #tpu.core_type<tc>, window_params = [{transform_indices = @transform_0, window_bounds = array<i64: 2048>}, {transform_indices = @transform_1, window_bounds = array<i64: 2048>}, {transform_indices = @transform_2, window_bounds = array<i64: 2048>}, {transform_indices = @transform_3, window_bounds = array<i64: 2048>}, {transform_indices = @transform_4, window_bounds = array<i64: 2048>}, {pipeline_mode = #tpu.pipeline_mode<synchronous>, transform_indices = @transform_5, window_bounds = array<i64: 5, 32, 1>}, {pipeline_mode = #tpu.pipeline_mode<synchronous>, transform_indices = @transform_6, window_bounds = array<i64: 5, 32, 1>}, {transform_indices = @transform_7, window_bounds = array<i64: 32, 2048>}, {transform_indices = @transform_8, window_bounds = array<i64: 32, 2048>}, {transform_indices = @transform_9, window_bounds = array<i64: 32, 2048>}, {transform_indices = @transform_10, window_bounds = array<i64: 32, 2048>}, {transform_indices = @transform_11, window_bounds = array<i64: 32, 2048>}]} {
    %get3A = arith.constant 0 : index
    %get3A_0 = arith.constant 0 : index
    %get3A_1 = arith.constant 0 : index
    %get3A_2 = vector.load %arg6[%get3A, %get3A_0, %get3A_1] : memref<5x32x1xf32, #tpu.memory_space<vmem>>, vector<1x32x1xf32>
    %get3A_3 = vector.shape_cast %get3A_2 : vector<1x32x1xf32> to vector<32x1xf32>
    %get3A_4 = arith.constant 0 : index
    %get3A_5 = vector.load %arg1[%get3A_4] : memref<2048xf32, #tpu.memory_space<vmem>>, vector<2048xf32>
    %broadcast_in_dim3A = vector.shape_cast %get3A_5 : vector<2048xf32> to vector<1x2048xf32>
    %mul3A = vector.broadcast %get3A_3 : vector<32x1xf32> to vector<32x2048xf32>
    %mul3A_6 = vector.broadcast %broadcast_in_dim3A : vector<1x2048xf32> to vector<32x2048xf32>
    %mul3A_7 = arith.mulf %mul3A, %mul3A_6 : vector<32x2048xf32>
    %get3A_8 = arith.constant 0 : index
    %get3A_9 = arith.constant 0 : index
    %get3A_10 = arith.constant 0 : index
    %get3A_11 = vector.load %arg7[%get3A_8, %get3A_9, %get3A_10] : memref<5x32x1xf32, #tpu.memory_space<vmem>>, vector<1x32x1xf32>
    %get3A_12 = vector.shape_cast %get3A_11 : vector<1x32x1xf32> to vector<32x1xf32>
    %add3A = vector.broadcast %get3A_12 : vector<32x1xf32> to vector<32x2048xf32>
    %add3A_13 = arith.addf %mul3A_7, %add3A : vector<32x2048xf32>
    %swap3A = arith.constant 0 : index
    %swap3A_14 = arith.constant 0 : index
    %swap3A_15 = vector.load %arg8[%swap3A, %swap3A_14] : memref<32x2048xf32, #tpu.memory_space<vmem>>, vector<32x2048xf32>
    tpu.vector_store %arg8[%swap3A, %swap3A_14], %add3A_13 {strides = array<i32>} : memref<32x2048xf32, #tpu.memory_space<vmem>>, vector<32x2048xf32>,
    %get3A_16 = arith.constant 1 : index
    %get3A_17 = arith.constant 0 : index
    %get3A_18 = arith.constant 0 : index
    %get3A_19 = vector.load %arg6[%get3A_16, %get3A_17, %get3A_18] : memref<5x32x1xf32, #tpu.memory_space<vmem>>, vector<1x32x1xf32>
    %get3A_20 = vector.shape_cast %get3A_19 : vector<1x32x1xf32> to vector<32x1xf32>
    %get3A_21 = arith.constant 0 : index
    %get3A_22 = vector.load %arg2[%get3A_21] : memref<2048xf32, #tpu.memory_space<vmem>>, vector<2048xf32>
    %broadcast_in_dim3A_23 = vector.shape_cast %get3A_22 : vector<2048xf32> to vector<1x2048xf32>
    %mul3A_24 = vector.broadcast %get3A_20 : vector<32x1xf32> to vector<32x2048xf32>
    %mul3A_25 = vector.broadcast %broadcast_in_dim3A_23 : vector<1x2048xf32> to vector<32x2048xf32>
    %mul3A_26 = arith.mulf %mul3A_24, %mul3A_25 : vector<32x2048xf32>
    %get3A_27 = arith.constant 1 : index
    %get3A_28 = arith.constant 0 : index
    %get3A_29 = arith.constant 0 : index
    %get3A_30 = vector.load %arg7[%get3A_27, %get3A_28, %get3A_29] : memref<5x32x1xf32, #tpu.memory_space<vmem>>, vector<1x32x1xf32>
    %get3A_31 = vector.shape_cast %get3A_30 : vector<1x32x1xf32> to vector<32x1xf32>
    %add3A_32 = vector.broadcast %get3A_31 : vector<32x1xf32> to vector<32x2048xf32>
    %add3A_33 = arith.addf %mul3A_26, %add3A_32 : vector<32x2048xf32>
    %swap3A_34 = arith.constant 0 : index
    %swap3A_35 = arith.constant 0 : index
    %swap3A_36 = vector.load %arg9[%swap3A_34, %swap3A_35] : memref<32x2048xf32, #tpu.memory_space<vmem>>, vector<32x2048xf32>
    tpu.vector_store %arg9[%swap3A_34, %swap3A_35], %add3A_33 {strides = array<i32>} : memref<32x2048xf32, #tpu.memory_space<vmem>>, vector<32x2048xf32>,
    %get3A_37 = arith.constant 2 : index
    %get3A_38 = arith.constant 0 : index
    %get3A_39 = arith.constant 0 : index
    %get3A_40 = vector.load %arg6[%get3A_37, %get3A_38, %get3A_39] : memref<5x32x1xf32, #tpu.memory_space<vmem>>, vector<1x32x1xf32>
    %get3A_41 = vector.shape_cast %get3A_40 : vector<1x32x1xf32> to vector<32x1xf32>
    %get3A_42 = arith.constant 0 : index
    %get3A_43 = vector.load %arg3[%get3A_42] : memref<2048xf32, #tpu.memory_space<vmem>>, vector<2048xf32>
    %broadcast_in_dim3A_44 = vector.shape_cast %get3A_43 : vector<2048xf32> to vector<1x2048xf32>
    %mul3A_45 = vector.broadcast %get3A_41 : vector<32x1xf32> to vector<32x2048xf32>
    %mul3A_46 = vector.broadcast %broadcast_in_dim3A_44 : vector<1x2048xf32> to vector<32x2048xf32>
    %mul3A_47 = arith.mulf %mul3A_45, %mul3A_46 : vector<32x2048xf32>
    %get3A_48 = arith.constant 2 : index
    %get3A_49 = arith.constant 0 : index
    %get3A_50 = arith.constant 0 : index
    %get3A_51 = vector.load %arg7[%get3A_48, %get3A_49, %get3A_50] : memref<5x32x1xf32, #tpu.memory_space<vmem>>, vector<1x32x1xf32>
    %get3A_52 = vector.shape_cast %get3A_51 : vector<1x32x1xf32> to vector<32x1xf32>
    %add3A_53 = vector.broadcast %get3A_52 : vector<32x1xf32> to vector<32x2048xf32>
    %add3A_54 = arith.addf %mul3A_47, %add3A_53 : vector<32x2048xf32>
    %swap3A_55 = arith.constant 0 : index
    %swap3A_56 = arith.constant 0 : index
    %swap3A_57 = vector.load %arg10[%swap3A_55, %swap3A_56] : memref<32x2048xf32, #tpu.memory_space<vmem>>, vector<32x2048xf32>
    tpu.vector_store %arg10[%swap3A_55, %swap3A_56], %add3A_54 {strides = array<i32>} : memref<32x2048xf32, #tpu.memory_space<vmem>>, vector<32x2048xf32>,
    %get3A_58 = arith.constant 3 : index
    %get3A_59 = arith.constant 0 : index
    %get3A_60 = arith.constant 0 : index
    %get3A_61 = vector.load %arg6[%get3A_58, %get3A_59, %get3A_60] : memref<5x32x1xf32, #tpu.memory_space<vmem>>, vector<1x32x1xf32>
    %get3A_62 = vector.shape_cast %get3A_61 : vector<1x32x1xf32> to vector<32x1xf32>
    %get3A_63 = arith.constant 0 : index
    %get3A_64 = vector.load %arg4[%get3A_63] : memref<2048xf32, #tpu.memory_space<vmem>>, vector<2048xf32>
    %broadcast_in_dim3A_65 = vector.shape_cast %get3A_64 : vector<2048xf32> to vector<1x2048xf32>
    %mul3A_66 = vector.broadcast %get3A_62 : vector<32x1xf32> to vector<32x2048xf32>
    %mul3A_67 = vector.broadcast %broadcast_in_dim3A_65 : vector<1x2048xf32> to vector<32x2048xf32>
    %mul3A_68 = arith.mulf %mul3A_66, %mul3A_67 : vector<32x2048xf32>
    %get3A_69 = arith.constant 3 : index
    %get3A_70 = arith.constant 0 : index
    %get3A_71 = arith.constant 0 : index
    %get3A_72 = vector.load %arg7[%get3A_69, %get3A_70, %get3A_71] : memref<5x32x1xf32, #tpu.memory_space<vmem>>, vector<1x32x1xf32>
    %get3A_73 = vector.shape_cast %get3A_72 : vector<1x32x1xf32> to vector<32x1xf32>
    %add3A_74 = vector.broadcast %get3A_73 : vector<32x1xf32> to vector<32x2048xf32>
    %add3A_75 = arith.addf %mul3A_68, %add3A_74 : vector<32x2048xf32>
    %swap3A_76 = arith.constant 0 : index
    %swap3A_77 = arith.constant 0 : index
    %swap3A_78 = vector.load %arg11[%swap3A_76, %swap3A_77] : memref<32x2048xf32, #tpu.memory_space<vmem>>, vector<32x2048xf32>
    tpu.vector_store %arg11[%swap3A_76, %swap3A_77], %add3A_75 {strides = array<i32>} : memref<32x2048xf32, #tpu.memory_space<vmem>>, vector<32x2048xf32>,
    %get3A_79 = arith.constant 4 : index
    %get3A_80 = arith.constant 0 : index
    %get3A_81 = arith.constant 0 : index
    %get3A_82 = vector.load %arg6[%get3A_79, %get3A_80, %get3A_81] : memref<5x32x1xf32, #tpu.memory_space<vmem>>, vector<1x32x1xf32>
    %get3A_83 = vector.shape_cast %get3A_82 : vector<1x32x1xf32> to vector<32x1xf32>
    %get3A_84 = arith.constant 0 : index
    %get3A_85 = vector.load %arg5[%get3A_84] : memref<2048xf32, #tpu.memory_space<vmem>>, vector<2048xf32>
    %broadcast_in_dim3A_86 = vector.shape_cast %get3A_85 : vector<2048xf32> to vector<1x2048xf32>
    %mul3A_87 = vector.broadcast %get3A_83 : vector<32x1xf32> to vector<32x2048xf32>
    %mul3A_88 = vector.broadcast %broadcast_in_dim3A_86 : vector<1x2048xf32> to vector<32x2048xf32>
    %mul3A_89 = arith.mulf %mul3A_87, %mul3A_88 : vector<32x2048xf32>
    %get3A_90 = arith.constant 4 : index
    %get3A_91 = arith.constant 0 : index
    %get3A_92 = arith.constant 0 : index
    %get3A_93 = vector.load %arg7[%get3A_90, %get3A_91, %get3A_92] : memref<5x32x1xf32, #tpu.memory_space<vmem>>, vector<1x32x1xf32>
    %get3A_94 = vector.shape_cast %get3A_93 : vector<1x32x1xf32> to vector<32x1xf32>
    %add3A_95 = vector.broadcast %get3A_94 : vector<32x1xf32> to vector<32x2048xf32>
    %add3A_96 = arith.addf %mul3A_89, %add3A_95 : vector<32x2048xf32>
    %swap3A_97 = arith.constant 0 : index
    %swap3A_98 = arith.constant 0 : index
    %swap3A_99 = vector.load %arg12[%swap3A_97, %swap3A_98] : memref<32x2048xf32, #tpu.memory_space<vmem>>, vector<32x2048xf32>
    tpu.vector_store %arg12[%swap3A_97, %swap3A_98], %add3A_96 {strides = array<i32>} : memref<32x2048xf32, #tpu.memory_space<vmem>>, vector<32x2048xf32>,
    return
  }
  func.func @transform_0(%arg0: i32) -> i32 {
    %c0_i32 = arith.constant 0 : i32
    return %arg0 : i32
  }
  func.func @transform_1(%arg0: i32) -> i32 {
    %c0_i32 = arith.constant 0 : i32
    return %arg0 : i32
  }
  func.func @transform_2(%arg0: i32) -> i32 {
    %c0_i32 = arith.constant 0 : i32
    return %arg0 : i32
  }
  func.func @transform_3(%arg0: i32) -> i32 {
    %c0_i32 = arith.constant 0 : i32
    return %arg0 : i32
  }
  func.func @transform_4(%arg0: i32) -> i32 {
    %c0_i32 = arith.constant 0 : i32
    return %arg0 : i32
  }
  func.func @transform_5(%arg0: i32) -> (i32, i32, i32) {
    %c0_i32 = arith.constant 0 : i32
    %c0_i32_0 = arith.constant 0 : i32
    %c0_i32_1 = arith.constant 0 : i32
    %c0_i32_2 = arith.constant 0 : i32
    return %c0_i32, %c0_i32_0, %c0_i32_1 : i32, i32, i32
  }
  func.func @transform_6(%arg0: i32) -> (i32, i32, i32) {
    %c0_i32 = arith.constant 0 : i32
    %c0_i32_0 = arith.constant 0 : i32
    %c0_i32_1 = arith.constant 0 : i32
    %c0_i32_2 = arith.constant 0 : i32
    return %c0_i32, %c0_i32_0, %c0_i32_1 : i32, i32, i32
  }
  func.func @transform_7(%arg0: i32) -> (i32, i32) {
    %c0_i32 = arith.constant 0 : i32
    %c0_i32_0 = arith.constant 0 : i32
    return %c0_i32, %arg0 : i32, i32
  }
  func.func @transform_8(%arg0: i32) -> (i32, i32) {
    %c0_i32 = arith.constant 0 : i32
    %c0_i32_0 = arith.constant 0 : i32
    return %c0_i32, %arg0 : i32, i32
  }
  func.func @transform_9(%arg0: i32) -> (i32, i32) {
    %c0_i32 = arith.constant 0 : i32
    %c0_i32_0 = arith.constant 0 : i32
    return %c0_i32, %arg0 : i32, i32
  }
  func.func @transform_10(%arg0: i32) -> (i32, i32) {
    %c0_i32 = arith.constant 0 : i32
    %c0_i32_0 = arith.constant 0 : i32
    return %c0_i32, %arg0 : i32, i32
  }
  func.func @transform_11(%arg0: i32) -> (i32, i32) {
    %c0_i32 = arith.constant 0 : i32
    %c0_i32_0 = arith.constant 0 : i32
    return %c0_i32, %arg0 : i32, i32
  }
}

</mosaic_0001>

<sc_bundles>
// kernel: kernel.4.cloned.1.call-start
scs
__scs_entry_jumppad:
0x0: {  	(pc) =	sbr.rel $0x88, $3  }
0x1: {  	(tag) =	ssettag $0x0;
	lr =	simm.s32 $0x1  }
0x2: {  	[smem:$0x3F8A] =	sst lr;
	_ =	strace $0xD0000000  }
0x3: {  	_ = 	snop  }
0x4: {  	_ = 	snop  }
0x5: {  	_ = 	snop  }
0x6: {  	_ = 	snop  }
0x7: {  	_ = 	snop  }
__scs_overlays_trampoline_lowered:
0x8: {  	[smem:$0x3F99] =	sst s0  }
0x9: {  	[smem:$0x3F9A] =	sst s1  }
0xa: {  	[smem:$0x3F9B] =	sst s2  }
0xb: {  	[smem:$0x3F9C] =	sst s3  }
0xc: {  	[smem:$0x3F9D] =	sst s4  }
0xd: {  	[smem:$0x3F9E] =	sst s5  }
0xe: {  	[smem:$0x3F9F] =	sst s6  }
0xf: {  	[smem:$0x3FA0] =	sst s7  }
0x10: {  	[smem:$0x3FA1] =	sst s8  }
0x11: {  	[smem:$0x3FA2] =	sst s9;
	s0 =	simm.s32 @!p0 $0x0  }
0x12: {  	s1 =	sld [smem:$0x3F88];
	s0 =	simm.s32 @p0 $0x1  }
0x13: {  	[smem:$0x3FA3] =	sst s0;
	s0 =	simm.s32 @!p1 $0x0  }
0x14: {  	s2 =	sld [smem:$0x3F87];
	s0 =	simm.s32 @p1 $0x1  }
0x15: {  	[smem:$0x3FA4] =	sst s0;
	s0 =	simm.s32 @!p2 $0x0  }
0x16: {  	s3 =	sld [smem:$0x3FDB];
	s0 =	simm.s32 @p2 $0x1  }
0x17: {  	s4 =	simm.s32 $0x1BF5;
	[smem:$0x3FA6] =	sst s0  }
0x18: {  	s0 =	sld [smem:$0x3F89];
	_ =	swait.ge [sflag:s4], $0x0  }
0x19: {  	s7 =	sld [smem:$0x3F8A]  }
0x1a: {  	s8 =	sadd.s32 $0xFFFFE003, lr  }
0x1b: {  	s9 =	sadd.s32 $0xFFFFFEF7, lr;
	s5 =	simm.s32 $0xFFFFFFFF;
	p2 =	slt.u32 s8, $0xFFFFF086  }
0x1c: {  	p1 =	slt.u32 s9, $0xF7A;
	s5 =	simm.s32 @!p2 $0x0  }
0x1d: {  	s5 =	simm.s32 @p1 $0x1;
	p0 =	seq.s32 s7, s2  }
0x1e: {  	s7 =	smul.u32 @!p0 $0xF7A, s2;
	p2 =	seq.s32 @!p0 s5, $0x0  }
0x1f: {  	s9 =	smul.u32 $0xF7A, s1;
	s8 =	simm.s32 @!p0 $0x1BF5;
	p2 =	por !p2, p0  }
0x20: {  	[sflag:s8] =	ssyncset.s32 @!p0 $0xFFFFF086;
	s6 =	sadd.s32 @!p0 s3, s7;
	s7 =	simm.s32 @!p0 $0x108  }
0x21: {  	s3 =	sadd.s32 s3, s9;
	s6 =	sadd.s32 @!p0 $0x88, s6;
	s7 =	simm.s32 @p2 $0x1082  }
0x22: {  	[simem:s7], [sflag:s8] =	dma.local @!p0 [hbm:s6], $0xF7A  }
0x23: {  	s9 =	sor.u32 $0xD0000000, s2;
	s6 =	simm.s32 $0x108;
	_ =	swait.ge @!p0 [sflag:s8], $0x0  }
0x24: {  	s3 =	sadd.s32 $0x88, s3;
	s6 =	simm.s32 @!p1 $0x1082;
	[sflag:s4] =	ssyncset.s32 $0xFFFFF086  }
0x25: {  	[simem:s6], [sflag:s4] =	dma.local [hbm:s3], $0xF7A  }
0x26: {  	[smem:$0x3F8A] =	sst s1;
	(tag) =	ssettag s2;
	_ =	strace s9  }
0x27: {  	s1 =	sld [smem:$0x3F9A]  }
0x28: {  	s2 =	sld [smem:$0x3F9B]  }
0x29: {  	s4 =	sld [smem:$0x3F9D]  }
0x2a: {  	p0 =	seq.s32 s5, $0x0;
	s5 =	sld [smem:$0x3F9E]  }
0x2b: {  	s6 =	sld [smem:$0x3F9F]  }
0x2c: {  	s7 =	sld [smem:$0x3FA0]  }
0x2d: {  	s3 =	simm.s32 $0x108;
	s8 =	sld [smem:$0x3FA1]  }
0x2e: {  	s3 =	simm.s32 @!p0 $0x1082;
	s9 =	sld [smem:$0x3FA2]  }
0x2f: {  	lr =	sadd.s32 s0, s3;
	s0 =	sld [smem:$0x3F99]  }
0x30: {  	s3 =	sld [smem:$0x3F9C]  }
0x31: {  	[smem:$0x3FA5] =	sst s10  }
0x32: {  	s10 =	sld [smem:$0x3FA3];
	_ =	sdelay $0x3  }
0x33: {  	p0 =	seq.s32 s10, $0x1;
	s10 =	sld [smem:$0x3FA5];
	_ =	sdelay $0x3  }
0x34: {  	[smem:$0x3FA5] =	sst s10  }
0x35: {  	s10 =	sld [smem:$0x3FA4];
	_ =	sdelay $0x3  }
0x36: {  	p1 =	seq.s32 s10, $0x1;
	s10 =	sld [smem:$0x3FA5];
	_ =	sdelay $0x3  }
0x37: {  	[smem:$0x3FA5] =	sst s10  }
0x38: {  	s10 =	sld [smem:$0x3FA6]  }
0x39: {  	_ = 	snop;
	(pc) =	sbr.ind lr, $3  }
0x3a: {  	_ = 	snop  }
0x3b: {  	_ = 	snop  }
0x3c: {  	p2 =	seq.s32 s10, $0x1;
	s10 =	sld [smem:$0x3FA5]  }
0x3d: {  	_ =	shalt  }
0x3e: {  	_ =	shalt  }
0x3f: {  	_ =	shalt  }
0x40: {  	_ =	shalt  }
0x41: {  	_ =	shalt  }
0x42: {  	_ =	shalt  }
0x43: {  	_ =	shalt  }
0x44: {  	_ =	shalt  }
0x45: {  	_ =	shalt  }
0x46: {  	_ =	shalt  }
0x47: {  	_ =	shalt  }
0x48: {  	_ =	shalt  }
0x49: {  	_ =	shalt  }
0x4a: {  	_ =	shalt  }
0x4b: {  	_ =	shalt  }
0x4c: {  	_ =	shalt  }
0x4d: {  	_ =	shalt  }
0x4e: {  	_ =	shalt  }
0x4f: {  	_ =	shalt  }
0x50: {  	_ =	shalt  }
0x51: {  	_ =	shalt  }
0x52: {  	_ =	shalt  }
0x53: {  	_ =	shalt  }
0x54: {  	_ =	shalt  }
0x55: {  	_ =	shalt  }
0x56: {  	_ =	shalt  }
0x57: {  	_ =	shalt  }
0x58: {  	_ =	shalt  }
0x59: {  	_ =	shalt  }
0x5a: {  	_ =	shalt  }
0x5b: {  	_ =	shalt  }
0x5c: {  	_ =	shalt  }
0x5d: {  	_ =	shalt  }
0x5e: {  	_ =	shalt  }
0x5f: {  	_ =	shalt  }
0x60: {  	_ =	shalt  }
0x61: {  	_ =	shalt  }
0x62: {  	_ =	shalt  }
0x63: {  	_ =	shalt  }
0x64: {  	_ =	shalt  }
0x65: {  	_ =	shalt  }
0x66: {  	_ =	shalt  }
0x67: {  	_ =	shalt  }
0x68: {  	_ =	shalt  }
0x69: {  	_ =	shalt  }
0x6a: {  	_ =	shalt  }
0x6b: {  	_ =	shalt  }
0x6c: {  	_ =	shalt  }
0x6d: {  	_ =	shalt  }
0x6e: {  	_ =	shalt  }
0x6f: {  	_ =	shalt  }
0x70: {  	_ =	shalt  }
0x71: {  	_ =	shalt  }
0x72: {  	_ =	shalt  }
0x73: {  	_ =	shalt  }
0x74: {  	_ =	shalt  }
0x75: {  	_ =	shalt  }
0x76: {  	_ =	shalt  }
0x77: {  	_ =	shalt  }
0x78: {  	_ =	shalt  }
0x79: {  	_ =	shalt  }
0x7a: {  	_ =	shalt  }
0x7b: {  	_ =	shalt  }
0x7c: {  	_ =	shalt  }
0x7d: {  	_ =	shalt  }
0x7e: {  	_ =	shalt  }
0x7f: {  	_ =	shalt  }
0x80: {  	_ =	shalt  }
0x81: {  	_ =	shalt  }
0x82: {  	_ =	shalt  }
0x83: {  	_ =	shalt  }
0x84: {  	_ =	shalt  }
0x85: {  	_ =	shalt  }
0x86: {  	_ =	shalt  }
0x87: {  	_ =	shalt  }
.Lfunc_end0:
.L_simem_size_0:
called_computation_lowered:
.L_overlay_start_0:
0x88: {  	s2 =	sld [smem:$0x3FD9]  }
0x89: {  	s3 =	sld [smem:$0x3FFE];
	_ =	sdelay $0x1  }
0x8a: {  	s1 =	srdreg.scid  }
0x8b: {  	s0 =	sand.u32 $0x1, s1  }
0x8c: {  	s29 =	sshll.u32 s0, $0xA;
	s2 =	sadd.s32 s3, s2  }
0x8d: {  	s2 =	sadd.s32 s2, s29  }
0x8e: {  	[smem:$0x3FB1] =	sst s2  }
0x8f: {  	_ = 	snop  }
0x90: {  	s2 =	sld [smem:$0x3FC9]  }
0x91: {  	s30 =	sld [smem:$0x3FC4]  }
0x92: {  	s4 =	sld [smem:$0x3FC2]  }
0x93: {  	s5 =	sld [smem:$0x3FC1]  }
0x94: {  	s6 =	sld [smem:$0x3FC0]  }
0x95: {  	s10 =	sld [smem:$0x3FD0]  }
0x96: {  	s7 =	sld [smem:$0x3FBF]  }
0x97: {  	s8 =	sld [smem:$0x3FBE]  }
0x98: {  	s11 =	simm.s32 $0xA;
	s12 =	simm.s32 $0x10;
	s9 =	sld [smem:$0x3FBD]  }
0x99: {  	[smem:s12], [sflag:s11] =	dma.local [hbm:s10], $0x1  }
0x9a: {  	_ =	swait.eq [sflag:s11], $0x1  }
0x9b: {  	s13 =	sld [smem:$0x10];
	[sflag:s11] =	ssyncset.done $0x0  }
0x9c: {  	s14 =	sld [smem:$0x15];
	[sflag:s11] =	ssyncadd.s32 $0xFFFFFFFF  }
0x9d: {  	s10 =	sadd.s32 $0x1, s10;
	s15 =	sld [smem:$0x17]  }
0x9e: {  	[smem:s12], [sflag:s11] =	dma.local [hbm:s10], $0x1  }
0x9f: {  	_ =	swait.eq [sflag:s11], $0x1  }
0xa0: {  	[sflag:s11] =	ssyncset.done $0x0  }
0xa1: {  	[sflag:s11] =	ssyncadd.s32 $0xFFFFFFFF  }
0xa2: {  	s31 =	sld [smem:$0x10];
	(tm) =	ssettm $0x1  }
0xa3: {  	s18 =	sld [smem:$0x3FFB];
	_ =	sdelay $0x3  }
0xa4: {  	_ =	strace s18  }
0xa5: {  	s11 =	sld [smem:$0x3FFC];
	_ =	sdelay $0x3  }
0xa6: {  	_ =	strace s11  }
0xa7: {  	s11 =	sld [smem:$0x3FFD];
	_ =	sdelay $0x3  }
0xa8: {  	_ =	strace s11  }
0xa9: {  	_ =	strace $0x8FFFFFFF  }
0xaa: {  	s19 =	sld [smem:$0x3FDB];
	_ =	sdelay $0x1  }
0xab: {  	s20 =	simm.s32 $_scs_section_size  }
0xac: {  	s16 =	simm.s32 $_size__tile_overlayer_lowered;
	s17 =	simm.s32 $_tile_overlayer_lowered  }
0xad: {  	s23 =	simm.s32 $0x1BFF;
	s22 =	sshll.u32 s17, $0x1;
	s11 =	sadd.s32 s20, s19  }
0xae: {  	s21 =	sshll.u32 s16, $0x1;
	s18 =	simm.s32 $0x0;
	s16 =	sadd.s32 s22, s11  }
0xaf: {  	[timem:s18], [sflag:s23] =	dma.local [hbm:s16], s21  }
0xb0: {  	_ =	swait.ge [sflag:s23], s21  }
0xb1: {  	s12 =	ssub.s32 $0x0, s21;
	[sflag:s23] =	ssyncset.done $0x0  }
0xb2: {  	[sflag:s23] =	ssyncadd.s32 s12;
	_ =	sdelay $0x1  }
0xb3: {  	s24 =	simm.s32 $0x1B8B  }
0xb4: {  	_ =	swait.ge [sflag:s24], $0x1  }
0xb5: {  	[sflag:s24] =	ssyncset.done $0x0  }
0xb6: {  	s25 =	simm.s32 $0x1B8E;
	[sflag:s24] =	ssyncadd.s32 $0xFFFFFFFF  }
0xb7: {  	s26 =	simm.s32 $execute0_lowered;
	[smem:$0x3FD2] =	sst s25  }
0xb8: {  	s12 =	sshll.u32 s26, $0x1;
	_ =	strace $0x80000046;
	[dreg:$0x1] =	wrdreg $0xFFFFFFFF  }
0xb9: {  	s28 =	simm.s32 $_size_execute0_lowered;
	s11 =	sadd.s32 s11, s12;
	[dreg:$0x0] =	wrdreg $0x0  }
0xba: {  	s12 =	sshll.u32 s28, $0x1;
	[dreg:$0x2] =	wrdreg s11  }
0xbb: {  	[dreg:$0x3] =	wrdreg s12  }
0xbc: {  	[dreg:$0x4] =	wrdreg $0xC0  }
0xbd: {  	_ =	task [dreg:s18], $0x5FFFF  }
0xbe: {  	[dreg:$0x1] =	wrdreg $0xFFFFFFFF  }
0xbf: {  	[dreg:$0x0] =	wrdreg $0x60  }
0xc0: {  	[dreg:$0x2] =	wrdreg s2  }
0xc1: {  	[dreg:$0x3] =	wrdreg s30  }
0xc2: {  	[dreg:$0x4] =	wrdreg s4  }
0xc3: {  	[dreg:$0x5] =	wrdreg s5  }
0xc4: {  	[dreg:$0x6] =	wrdreg s6  }
0xc5: {  	[dreg:$0x7] =	wrdreg s7  }
0xc6: {  	[dreg:$0x8] =	wrdreg s8  }
0xc7: {  	[dreg:$0x9] =	wrdreg s9  }
0xc8: {  	[dreg:$0xa] =	wrdreg s13  }
0xc9: {  	[dreg:$0xb] =	wrdreg s14  }
0xca: {  	[dreg:$0xc] =	wrdreg s15  }
0xcb: {  	[dreg:$0xd] =	wrdreg s31  }
0xcc: {  	[dreg:$0xe] =	wrdreg $0x9  }
0xcd: {  	_ =	task.clear_ibuf [dreg:s18], $0xFFFFF;
	_ =	strace $0x90000046  }
0xce: {  	s29 =	simm.s32 $0x9;
	_ =	strace $0x80000048  }
0xcf: {  	_ =	swait.ge [sflag:s29], $0x1  }
0xd0: {  	[sflag:s29] =	ssyncadd.s32 $0xFFFFFFFF  }
0xd1: {  	_ =	strace $0x90000048  }
0xd2: {  	_ =	sfence  }
0xd3: {  	s30 =	sld [smem:$0x0];
	_ =	sdelay $0x2  }
0xd4: {  	s31 =	sshll.u32 s1, $0xD;
	s1 =	sshrl.u32 s1, $0x2  }
0xd5: {  	s3 =	sand.u32 $0x4000, s31;
	s1 =	sadd.s32 s1, s30  }
0xd6: {  	s0 =	sor.u32 s3, s0;
	s1 =	sshll.u32 s1, $0x11  }
0xd7: {  	s0 =	sor.u32 s1, s0  }
0xd8: {  	s0 =	sadd.s32 $0x8F2B, s0  }
0xd9: {  	[sflag:s0] =	ssyncadd.remote.s32 $0x1  }
0xda: {  	_ =	sfence.sel $0xFFFF  }
0xdb: {  	[dreg:$0x0] =	wrdreg $0xFFFFFFFF;
	(pc) =	sbr.abs _section_cstart, $3  }
0xdc: {  	[dreg:$0x1] =	wrdreg $0xFFFFFFFF  }
0xdd: {  	_ =	task.clear_ibuf [dreg:s18], $0x2FFFF;
	_ =	strace $0x9FFFFFFF  }
0xde: {  	(tm) =	ssettm $0x7FFFFFFF  }
0xdf: {  	_ =	shalt  }
tec
execute0_lowered:
.L_overlay_start_1:
0x0: {  	(tag) =	ssettag $0x1  }
0x1: {  	s16 =	rddreg [dreg:$0x0]  }
0x2: {  	s1 =	rddreg [dreg:$0x1]  }
0x3: {  	s0 =	rddreg [dreg:$0x4]  }
0x4: {  	s2 =	rddreg [dreg:$0x5]  }
0x5: {  	s4 =	rddreg [dreg:$0x6]  }
0x6: {  	s5 =	rddreg [dreg:$0x7]  }
0x7: {  	s6 =	rddreg [dreg:$0x8]  }
0x8: {  	s7 =	rddreg [dreg:$0x9]  }
0x9: {  	s3 =	srdreg.scid;
	s8 =	rddreg [dreg:$0xa]  }
0xa: {  	s10 =	rddreg [dreg:$0xb];
	s14 =	stileid.u32;
	s9 =	sand.u32 $0x1, s3  }
0xb: {  	s3 =	simm.s32 $0x0;
	s13 =	sshll.u32 s14, $0x8;
	s14 =	sshrl.u32 s14, $0x2  }
0xc: {  	s11 =	ssub.s32 $0x2, s9;
	s9 =	sshll.u32 s9, $0x7;
	s13 =	sand.u32 $0x300, s13  }
0xd: {  	s20 =	sshll.u32 s14, $0xD;
	s15 =	smul.u32 $0xC3800, s14;
	s26 =	sor.u32 $0x4, s14  }
0xe: {  	s23 =	sshll.u32 s14, $0x11;
	s9 =	sor.u32 s9, s13;
	s14 =	smul.u32 $0xC3800, s26  }
0xf: {  	[smem:$0x7FF] =	sst s3;
	s12 =	sshrl.u32 s11, $0x1;
	s21 =	sor.u32 s20, s9  }
0x10: {  	s11 =	ssub.s32 s11, s12;
	s12 =	sshrl.u32 s21, $0x3;
	s14 =	sor.u32 s9, s14  }
0x11: {  	s0 =	sadd.s32 s0, s12;
	s21 =	sshrl.u32 s14, $0x3;
	s14 =	rddreg [dreg:$0x2]  }
0x12: {  	s22 =	sor.u32 s15, s9;
	s4 =	sadd.s32 s4, s12;
	[dreg:$0xd] =	wrdreg s0  }
0x13: {  	s24 =	sshrl.u32 s22, $0x3;
	s5 =	sadd.s32 s5, s12;
	[dreg:$0xf] =	wrdreg s4  }
0x14: {  	s25 =	sor.u32 s23, s9;
	s0 =	sadd.s32 s2, s24;
	[dreg:$0x10] =	wrdreg s5  }
0x15: {  	s2 =	sadd.s32 s2, s21;
	[dreg:$0xe] =	wrdreg s0;
	s0 =	sshrl.u32 s25, $0x3  }
0x16: {  	[dreg:$0x16] =	wrdreg s2;
	s17 =	sadd.s32 s6, s0  }
0x17: {  	s4 =	sor.u32 $0x1000, s0;
	s22 =	sadd.s32 s7, s0;
	[dreg:$0x11] =	wrdreg s17  }
0x18: {  	s19 =	sor.u32 $0x2000, s0;
	s24 =	sadd.s32 s8, s0;
	[dreg:$0x15] =	wrdreg s22  }
0x19: {  	s12 =	sor.u32 $0x3000, s0;
	s0 =	sadd.s32 s10, s0;
	[dreg:$0x17] =	wrdreg s24  }
0x1a: {  	s18 =	sadd.s32 s6, s4;
	[dreg:$0x1b] =	wrdreg s0  }
0x1b: {  	s20 =	sadd.s32 s6, s19;
	[dreg:$0x12] =	wrdreg s18  }
0x1c: {  	s6 =	sadd.s32 s6, s12;
	[dreg:$0x13] =	wrdreg s20  }
0x1d: {  	s28 =	simm.s32 $0x1E300;
	s25 =	sadd.s32 s8, s4;
	[dreg:$0x14] =	wrdreg s6  }
0x1e: {  	s23 =	sshll.u32 s26, $0x11;
	s26 =	sadd.s32 s8, s19;
	[dreg:$0x18] =	wrdreg s25  }
0x1f: {  	s30 =	simm.s32 $0x3;
	s8 =	sadd.s32 s8, s12;
	[dreg:$0x19] =	wrdreg s26  }
0x20: {  	s2 =	sor.u32 s9, s23;
	s9 =	sadd.s32 s7, s4;
	[dreg:$0x1a] =	wrdreg s8  }
0x21: {  	s31 =	simm.s32 $0x0;
	s13 =	sadd.s32 s10, s4;
	[dreg:$0x1c] =	wrdreg s9  }
0x22: {  	s5 =	sadd.s32 $0x400, s14;
	s15 =	sadd.s32 s7, s19;
	[dreg:$0x1d] =	wrdreg s13  }
0x23: {  	s23 =	sadd.s32 $0x200, s16;
	s17 =	sadd.s32 s10, s19;
	[dreg:$0x1e] =	wrdreg s15  }
0x24: {  	s19 =	sadd.s32 s10, s12;
	s21 =	sadd.s32 s7, s12;
	[dreg:$0x1f] =	wrdreg s17  }
0x25: {  	s22 =	smax.u32 s11, $0x1;
	s24 =	sadd.s32 $0x400, s16;
	s18 =	rddreg [dreg:$0x3]  }
0x26: {  	s0 =	sadd.s32 $0x200, s1;
	[smem:$0x7F7] =	sst s19;
	s20 =	sshrl.u32 s2, $0x3  }
0x27: {  	[smem:$0x7F8] =	sst s21;
	s25 =	sadd.s32 $0x600, s16;
	s26 =	sadd.s32 $0x200, s14  }
0x28: {  	s6 =	sadd.s32 $0x600, s14;
	s13 =	simm.s32 $0x80;
	s14 =	simm.s32 $0x400  }
0x29: {  	s15 =	simm.s32 $0x18B00;
	_ =	strace $0x80000047;
	[smem:$0x7F9] =	sst s22  }
0x2a: {  	s16 =	simm.s32 $0x18F00;
	s17 =	simm.s32 $0x19300;
	[smem:$0x7FA] =	sst s23  }
0x2b: {  	s19 =	simm.s32 $0x1B300;
	s29 =	sadd.s32 s7, s20;
	[smem:$0x7FB] =	sst s24  }
0x2c: {  	[smem:$0x7FC] =	sst s25;
	s22 =	sadd.s32 $0x400, s1;
	s25 =	sadd.s32 $0x600, s1  }
0x2d: {  	[smem:$0x7FD] =	sst s26;
	s7 =	sadd.s32 $0x200, s18;
	s8 =	sadd.s32 $0x400, s18  }
0x2e: {  	s9 =	sadd.s32 $0x600, s18;
	s18 =	simm.s32 $0x1A300;
	s20 =	simm.s32 $0x1  }
0x2f: {  	v0 =	vimm.f32 $1.000000000e+00;
	vm0 =	vcmask $0x300;
	s23 =	simm.s32 $0x2;
	s24 =	simm.s32 $0x1C300;
	s26 =	simm.s32 $0x1D300  }
0x30: {  	v0 =	vsel vm0, $0x0, v0;
	s10 =	sadd.s32 $0x1000, s29;
	s11 =	sadd.s32 $0x2000, s29;
	s12 =	sadd.s32 $0x3000, s29  }
.LBB2_1:
0x31: {  	s2 =	rddreg [dreg:$0xd]  }
0x32: {  	s4 =	rddreg [dreg:$0xe]  }
0x33: {  	[tilespmem:s3], [sflag:$0x1] =	stream.strided.gather [hbm4b:s2+s13], $0x400, s14, s13, $0x38;
	[tilespmem:$0x1F300] =	vst v63  }
0x34: {  	s21 =	rddreg [dreg:$0xf]  }
0x35: {  	[tilespmem:s14], [sflag:$0x1] =	stream.strided.gather [hbm4b:s4+s13], $0x18700, s14, s13, $0x38;
	[tilespmem:$0x1F300] =	vst v63  }
0x36: {  	s4 =	rddreg [dreg:$0x10]  }
0x37: {  	[tilespmem:s15], [sflag:$0x1] =	stream.strided.gather [hbm4b:s21+s13], $0x400, s14, s13, $0x38;
	[tilespmem:$0x1F300] =	vst v63  }
0x38: {  	s21 =	rddreg [dreg:$0x0]  }
0x39: {  	[tilespmem:s16], [sflag:$0x1] =	stream.strided.gather [hbm4b:s4+s13], $0x400, s14, s13, $0x38;
	[tilespmem:$0x1F300] =	vst v63  }
0x3a: {  	s4 =	sld [smem:$0x7FA]  }
0x3b: {  	[tilespmem:s17], [sflag:$0x2] =	stream.linear.gather [hbm4b:s21+s3], $0x1000, $0x38;
	[tilespmem:$0x1F300] =	vst v63  }
0x3c: {  	s21 =	sld [smem:$0x7FB]  }
0x3d: {  	[tilespmem:s18], [sflag:$0x2] =	stream.linear.gather [hbm4b:s4+s3], $0x1000, $0x38;
	[tilespmem:$0x1F300] =	vst v63  }
0x3e: {  	_ = 	snop  }
0x3f: {  	[tilespmem:s19], [sflag:$0x2] =	stream.linear.gather [hbm4b:s21+s3], $0x1000, $0x38;
	[tilespmem:$0x1F300] =	vst v63  }
0x40: {  	_ =	swait.ge [sflag:s20], $0x400  }
0x41: {  	[sflag:s20] =	ssyncset.done $0x0  }
0x42: {  	[sflag:s20] =	ssyncadd.s32 $0xFFFFFC00  }
0x43: {  	v1 =	vld [tilespmem:$0x0];
	_ =	sdelay $0x4  }
0x44: {  	v1 =	vmul.f32 v0, v1;
	_ =	sdelay $0x1  }
0x45: {  	[tilespmem:$0x0] =	vst v1  }
0x46: {  	_ =	swait.ge [sflag:s23], $0x1000  }
0x47: {  	[sflag:s23] =	ssyncset.done $0x0  }
0x48: {  	s21 =	simm.s32 $0x0;
	[sflag:s23] =	ssyncadd.s32 $0xFFFFF000  }
0x49: {  	v1 =	vld [tilespmem:s21+$0x19300];
	_ =	sdelay $0x5  }
0x4a: {  	v2 =	vld [tilespmem:s21+$0x19310];
	_ =	sdelay $0x1  }
0x4b: {  	v1 =	vld.idx.msk [tilespmem:v1+s3+$0x0], $0xffff;
	_ =	sdelay $0x4  }
0x4c: {  	[tilespmem:s21+$0x1C300] =	vst v1;
	v1 =	vld [tilespmem:s21+$0x19320]  }
0x4d: {  	v2 =	vld.idx.msk [tilespmem:v2+s3+$0x0], $0xffff;
	_ =	sdelay $0x4  }
0x4e: {  	[tilespmem:s21+$0x1C310] =	vst v2;
	v2 =	vld [tilespmem:s21+$0x19330];
	_ =	sdelay $0x1  }
0x4f: {  	v1 =	vld.idx.msk [tilespmem:v1+s3+$0x0], $0xffff;
	_ =	sdelay $0x4  }
0x50: {  	[tilespmem:s21+$0x1C320] =	vst v1;
	v1 =	vld [tilespmem:s21+$0x19340]  }
0x51: {  	v2 =	vld.idx.msk [tilespmem:v2+s3+$0x0], $0xffff;
	_ =	sdelay $0x4  }
0x52: {  	[tilespmem:s21+$0x1C330] =	vst v2;
	v2 =	vld [tilespmem:s21+$0x19350];
	_ =	sdelay $0x1  }
0x53: {  	v1 =	vld.idx.msk [tilespmem:v1+s3+$0x0], $0xffff;
	_ =	sdelay $0x4  }
0x54: {  	v3 =	vld [tilespmem:s21+$0x19360];
	[tilespmem:s21+$0x1C340] =	vst v1  }
0x55: {  	v1 =	vld.idx.msk [tilespmem:v2+s3+$0x0], $0xffff;
	_ =	sdelay $0x4  }
0x56: {  	[tilespmem:s21+$0x1C350] =	vst v1;
	v1 =	vld [tilespmem:s21+$0x19370];
	_ =	sdelay $0x1  }
0x57: {  	v2 =	vld.idx.msk [tilespmem:v3+s3+$0x0], $0xffff;
	_ =	sdelay $0x3  }
0x58: {  	s2 =	simm.s32 $0x400;
	s4 =	simm.s32 $0x80  }
.LBB2_2:
0x59: {  	p0 =	sne.s32 s2, $0x3E00;
	v3 =	vld [tilespmem:s4+$0x19300];
	[tilespmem:s21+$0x1C360] =	vst v2  }
0x5a: {  	v1 =	vld.idx.msk [tilespmem:v1+s3+$0x0], $0xffff;
	_ =	sdelay $0x5  }
0x5b: {  	v2 =	vld [tilespmem:s4+$0x19310];
	[tilespmem:s21+$0x1C370] =	vst v1;
	s21 =	smov.u32 s4  }
0x5c: {  	v1 =	vld.idx.msk [tilespmem:v3+s3+$0x0], $0xffff;
	_ =	sdelay $0x5  }
0x5d: {  	[tilespmem:s21+$0x1C300] =	vst v1;
	v1 =	vld [tilespmem:s21+$0x19320]  }
0x5e: {  	v2 =	vld.idx.msk [tilespmem:v2+s3+$0x0], $0xffff;
	_ =	sdelay $0x5  }
0x5f: {  	[tilespmem:s21+$0x1C310] =	vst v2;
	v2 =	vld [tilespmem:s21+$0x19330]  }
0x60: {  	v1 =	vld.idx.msk [tilespmem:v1+s3+$0x0], $0xffff;
	_ =	sdelay $0x5  }
0x61: {  	[tilespmem:s21+$0x1C320] =	vst v1;
	v1 =	vld [tilespmem:s21+$0x19340]  }
0x62: {  	v2 =	vld.idx.msk [tilespmem:v2+s3+$0x0], $0xffff;
	_ =	sdelay $0x5  }
0x63: {  	[tilespmem:s21+$0x1C330] =	vst v2;
	v2 =	vld [tilespmem:s21+$0x19350]  }
0x64: {  	v1 =	vld.idx.msk [tilespmem:v1+s3+$0x0], $0xffff;
	_ =	sdelay $0x5  }
0x65: {  	[tilespmem:s21+$0x1C340] =	vst v1;
	v3 =	vld [tilespmem:s21+$0x19360]  }
0x66: {  	v1 =	vld.idx.msk [tilespmem:v2+s3+$0x0], $0xffff;
	_ =	sdelay $0x5  }
0x67: {  	[tilespmem:s21+$0x1C350] =	vst v1;
	v1 =	vld [tilespmem:s21+$0x19370]  }
0x68: {  	v2 =	vld.idx.msk [tilespmem:v3+s3+$0x0], $0xffff  }
.Ltmp0:
0x69: {  	(pc) =	sbr.rel @p0 .LBB2_2-.Ltmp0, $2  }
0x6a: {  	_ =	sdelay $0x2  }
0x6b: {  	s4 =	sshra.s32 s2, $0x2;
	s2 =	sadd.s32 $0x200, s2  }
0x6c: {  	_ =	sdelay $0x1  }
0x6d: {  	v3 =	vld [tilespmem:s4+$0x19300]  }
0x6e: {  	[tilespmem:s21+$0x1C360] =	vst v2  }
0x6f: {  	v1 =	vld.idx.msk [tilespmem:v1+s3+$0x0], $0xffff;
	_ =	sdelay $0x3  }
0x70: {  	v2 =	vld [tilespmem:s4+$0x19310]  }
0x71: {  	[tilespmem:s21+$0x1C370] =	vst v1  }
0x72: {  	v1 =	vld.idx.msk [tilespmem:v3+s3+$0x0], $0xffff;
	_ =	sdelay $0x4  }
0x73: {  	[tilespmem:s4+$0x1C300] =	vst v1;
	v1 =	vld [tilespmem:s4+$0x19320]  }
0x74: {  	v2 =	vld.idx.msk [tilespmem:v2+s3+$0x0], $0xffff;
	_ =	sdelay $0x4  }
0x75: {  	[tilespmem:s4+$0x1C310] =	vst v2;
	v2 =	vld [tilespmem:s4+$0x19330];
	_ =	sdelay $0x1  }
0x76: {  	v1 =	vld.idx.msk [tilespmem:v1+s3+$0x0], $0xffff;
	_ =	sdelay $0x4  }
0x77: {  	[tilespmem:s4+$0x1C320] =	vst v1;
	v1 =	vld [tilespmem:s4+$0x19340]  }
0x78: {  	v2 =	vld.idx.msk [tilespmem:v2+s3+$0x0], $0xffff;
	_ =	sdelay $0x4  }
0x79: {  	[tilespmem:s4+$0x1C330] =	vst v2;
	v2 =	vld [tilespmem:s4+$0x19350];
	_ =	sdelay $0x1  }
0x7a: {  	v1 =	vld.idx.msk [tilespmem:v1+s3+$0x0], $0xffff;
	_ =	sdelay $0x4  }
0x7b: {  	[tilespmem:s4+$0x1C340] =	vst v1;
	v1 =	vld [tilespmem:s4+$0x19360]  }
0x7c: {  	v2 =	vld.idx.msk [tilespmem:v2+s3+$0x0], $0xffff;
	_ =	sdelay $0x4  }
0x7d: {  	[tilespmem:s4+$0x1C350] =	vst v2;
	v2 =	vld [tilespmem:s4+$0x19370];
	_ =	sdelay $0x1  }
0x7e: {  	v1 =	vld.idx.msk [tilespmem:v1+s3+$0x0], $0xffff;
	_ =	sdelay $0x4  }
0x7f: {  	[tilespmem:s4+$0x1C360] =	vst v1  }
0x80: {  	v1 =	vld.idx.msk [tilespmem:v2+s3+$0x0], $0xffff;
	_ =	sdelay $0x3  }
0x81: {  	s2 =	rddreg [dreg:$0x11]  }
0x82: {  	s21 =	sld [smem:$0x7FC];
	[tilespmem:s4+$0x1C370] =	vst v1  }
0x83: {  	[hbm4b:s2+s13] =	stream.strided.scatter [tilespmem:s24], [sflag:$0x3], $0x1000, s14, s13, $0x38;
	[tilespmem:$0x1F300] =	vst v63  }
0x84: {  	s4 =	simm.s32 $0x0  }
0x85: {  	[tilespmem:s17], [sflag:$0x2] =	stream.linear.gather [hbm4b:s21+s4], $0x1000, $0x38;
	[tilespmem:$0x1F300] =	vst v63  }
0x86: {  	_ =	swait.ge [sflag:s23], $0x1000  }
0x87: {  	[sflag:s23] =	ssyncset.done $0x0  }
0x88: {  	s21 =	simm.s32 $0x0;
	[sflag:s23] =	ssyncadd.s32 $0xFFFFF000  }
0x89: {  	v1 =	vld [tilespmem:s21+$0x1A300];
	_ =	sdelay $0x5  }
0x8a: {  	v2 =	vld [tilespmem:s21+$0x1A310];
	_ =	sdelay $0x1  }
0x8b: {  	v1 =	vld.idx.msk [tilespmem:v1+s3+$0x0], $0xffff;
	_ =	sdelay $0x4  }
0x8c: {  	[tilespmem:s21+$0x1D300] =	vst v1;
	v1 =	vld [tilespmem:s21+$0x1A320]  }
0x8d: {  	v2 =	vld.idx.msk [tilespmem:v2+s3+$0x0], $0xffff;
	_ =	sdelay $0x4  }
0x8e: {  	[tilespmem:s21+$0x1D310] =	vst v2;
	v2 =	vld [tilespmem:s21+$0x1A330];
	_ =	sdelay $0x1  }
0x8f: {  	v1 =	vld.idx.msk [tilespmem:v1+s3+$0x0], $0xffff;
	_ =	sdelay $0x4  }
0x90: {  	[tilespmem:s21+$0x1D320] =	vst v1;
	v1 =	vld [tilespmem:s21+$0x1A340]  }
0x91: {  	v2 =	vld.idx.msk [tilespmem:v2+s3+$0x0], $0xffff;
	_ =	sdelay $0x4  }
0x92: {  	[tilespmem:s21+$0x1D330] =	vst v2;
	v2 =	vld [tilespmem:s21+$0x1A350];
	_ =	sdelay $0x1  }
0x93: {  	v1 =	vld.idx.msk [tilespmem:v1+s3+$0x0], $0xffff;
	_ =	sdelay $0x4  }
0x94: {  	v3 =	vld [tilespmem:s21+$0x1A360];
	[tilespmem:s21+$0x1D340] =	vst v1  }
0x95: {  	v1 =	vld.idx.msk [tilespmem:v2+s3+$0x0], $0xffff;
	_ =	sdelay $0x4  }
0x96: {  	[tilespmem:s21+$0x1D350] =	vst v1;
	v1 =	vld [tilespmem:s21+$0x1A370];
	_ =	sdelay $0x1  }
0x97: {  	v2 =	vld.idx.msk [tilespmem:v3+s3+$0x0], $0xffff;
	_ =	sdelay $0x3  }
0x98: {  	s2 =	simm.s32 $0x400;
	s4 =	simm.s32 $0x80  }
.LBB2_4:
0x99: {  	p0 =	sne.s32 s2, $0x3E00;
	v3 =	vld [tilespmem:s4+$0x1A300];
	[tilespmem:s21+$0x1D360] =	vst v2  }
0x9a: {  	v1 =	vld.idx.msk [tilespmem:v1+s3+$0x0], $0xffff;
	_ =	sdelay $0x5  }
0x9b: {  	v2 =	vld [tilespmem:s4+$0x1A310];
	[tilespmem:s21+$0x1D370] =	vst v1;
	s21 =	smov.u32 s4  }
0x9c: {  	v1 =	vld.idx.msk [tilespmem:v3+s3+$0x0], $0xffff;
	_ =	sdelay $0x5  }
0x9d: {  	[tilespmem:s21+$0x1D300] =	vst v1;
	v1 =	vld [tilespmem:s21+$0x1A320]  }
0x9e: {  	v2 =	vld.idx.msk [tilespmem:v2+s3+$0x0], $0xffff;
	_ =	sdelay $0x5  }
0x9f: {  	[tilespmem:s21+$0x1D310] =	vst v2;
	v2 =	vld [tilespmem:s21+$0x1A330]  }
0xa0: {  	v1 =	vld.idx.msk [tilespmem:v1+s3+$0x0], $0xffff;
	_ =	sdelay $0x5  }
0xa1: {  	[tilespmem:s21+$0x1D320] =	vst v1;
	v1 =	vld [tilespmem:s21+$0x1A340]  }
0xa2: {  	v2 =	vld.idx.msk [tilespmem:v2+s3+$0x0], $0xffff;
	_ =	sdelay $0x5  }
0xa3: {  	[tilespmem:s21+$0x1D330] =	vst v2;
	v2 =	vld [tilespmem:s21+$0x1A350]  }
0xa4: {  	v1 =	vld.idx.msk [tilespmem:v1+s3+$0x0], $0xffff;
	_ =	sdelay $0x5  }
0xa5: {  	[tilespmem:s21+$0x1D340] =	vst v1;
	v3 =	vld [tilespmem:s21+$0x1A360]  }
0xa6: {  	v1 =	vld.idx.msk [tilespmem:v2+s3+$0x0], $0xffff;
	_ =	sdelay $0x5  }
0xa7: {  	[tilespmem:s21+$0x1D350] =	vst v1;
	v1 =	vld [tilespmem:s21+$0x1A370]  }
0xa8: {  	v2 =	vld.idx.msk [tilespmem:v3+s3+$0x0], $0xffff  }
.Ltmp1:
0xa9: {  	(pc) =	sbr.rel @p0 .LBB2_4-.Ltmp1, $2  }
0xaa: {  	_ =	sdelay $0x2  }
0xab: {  	s4 =	sshra.s32 s2, $0x2;
	s2 =	sadd.s32 $0x200, s2  }
0xac: {  	_ =	sdelay $0x1  }
0xad: {  	v3 =	vld [tilespmem:s4+$0x1A300]  }
0xae: {  	[tilespmem:s21+$0x1D360] =	vst v2  }
0xaf: {  	v1 =	vld.idx.msk [tilespmem:v1+s3+$0x0], $0xffff;
	_ =	sdelay $0x3  }
0xb0: {  	v2 =	vld [tilespmem:s4+$0x1A310]  }
0xb1: {  	[tilespmem:s21+$0x1D370] =	vst v1  }
0xb2: {  	v1 =	vld.idx.msk [tilespmem:v3+s3+$0x0], $0xffff;
	_ =	sdelay $0x4  }
0xb3: {  	[tilespmem:s4+$0x1D300] =	vst v1;
	v1 =	vld [tilespmem:s4+$0x1A320]  }
0xb4: {  	v2 =	vld.idx.msk [tilespmem:v2+s3+$0x0], $0xffff;
	_ =	sdelay $0x4  }
0xb5: {  	[tilespmem:s4+$0x1D310] =	vst v2;
	v2 =	vld [tilespmem:s4+$0x1A330];
	_ =	sdelay $0x1  }
0xb6: {  	v1 =	vld.idx.msk [tilespmem:v1+s3+$0x0], $0xffff;
	_ =	sdelay $0x4  }
0xb7: {  	[tilespmem:s4+$0x1D320] =	vst v1;
	v1 =	vld [tilespmem:s4+$0x1A340]  }
0xb8: {  	v2 =	vld.idx.msk [tilespmem:v2+s3+$0x0], $0xffff;
	_ =	sdelay $0x4  }
0xb9: {  	[tilespmem:s4+$0x1D330] =	vst v2;
	v2 =	vld [tilespmem:s4+$0x1A350];
	_ =	sdelay $0x1  }
0xba: {  	v1 =	vld.idx.msk [tilespmem:v1+s3+$0x0], $0xffff;
	_ =	sdelay $0x4  }
0xbb: {  	[tilespmem:s4+$0x1D340] =	vst v1;
	v1 =	vld [tilespmem:s4+$0x1A360]  }
0xbc: {  	v2 =	vld.idx.msk [tilespmem:v2+s3+$0x0], $0xffff;
	_ =	sdelay $0x4  }
0xbd: {  	[tilespmem:s4+$0x1D350] =	vst v2;
	v2 =	vld [tilespmem:s4+$0x1A370];
	_ =	sdelay $0x1  }
0xbe: {  	v1 =	vld.idx.msk [tilespmem:v1+s3+$0x0], $0xffff;
	_ =	sdelay $0x4  }
0xbf: {  	[tilespmem:s4+$0x1D360] =	vst v1  }
0xc0: {  	v1 =	vld.idx.msk [tilespmem:v2+s3+$0x0], $0xffff;
	_ =	sdelay $0x4  }
0xc1: {  	s2 =	rddreg [dreg:$0x12];
	[tilespmem:s4+$0x1D370] =	vst v1  }
0xc2: {  	[hbm4b:s2+s13] =	stream.strided.scatter [tilespmem:s26], [sflag:$0x3], $0x1000, s14, s13, $0x38;
	[tilespmem:$0x1F300] =	vst v63  }
0xc3: {  	s21 =	simm.s32 $0x0  }
0xc4: {  	[tilespmem:s18], [sflag:$0x2] =	stream.linear.gather [hbm4b:s1+s21], $0x1000, $0x38;
	[tilespmem:$0x1F300] =	vst v63  }
0xc5: {  	_ =	swait.ge [sflag:s23], $0x1000  }
0xc6: {  	[sflag:s23] =	ssyncset.done $0x0  }
0xc7: {  	s21 =	simm.s32 $0x0;
	[sflag:s23] =	ssyncadd.s32 $0xFFFFF000  }
0xc8: {  	v1 =	vld [tilespmem:s21+$0x1B300];
	_ =	sdelay $0x5  }
0xc9: {  	v2 =	vld [tilespmem:s21+$0x1B310];
	_ =	sdelay $0x1  }
0xca: {  	v1 =	vld.idx.msk [tilespmem:v1+s3+$0x0], $0xffff;
	_ =	sdelay $0x4  }
0xcb: {  	[tilespmem:s21+$0x1E300] =	vst v1;
	v1 =	vld [tilespmem:s21+$0x1B320]  }
0xcc: {  	v2 =	vld.idx.msk [tilespmem:v2+s3+$0x0], $0xffff;
	_ =	sdelay $0x4  }
0xcd: {  	[tilespmem:s21+$0x1E310] =	vst v2;
	v2 =	vld [tilespmem:s21+$0x1B330];
	_ =	sdelay $0x1  }
0xce: {  	v1 =	vld.idx.msk [tilespmem:v1+s3+$0x0], $0xffff;
	_ =	sdelay $0x4  }
0xcf: {  	[tilespmem:s21+$0x1E320] =	vst v1;
	v1 =	vld [tilespmem:s21+$0x1B340]  }
0xd0: {  	v2 =	vld.idx.msk [tilespmem:v2+s3+$0x0], $0xffff;
	_ =	sdelay $0x4  }
0xd1: {  	[tilespmem:s21+$0x1E330] =	vst v2;
	v2 =	vld [tilespmem:s21+$0x1B350];
	_ =	sdelay $0x1  }
0xd2: {  	v1 =	vld.idx.msk [tilespmem:v1+s3+$0x0], $0xffff;
	_ =	sdelay $0x4  }
0xd3: {  	v3 =	vld [tilespmem:s21+$0x1B360];
	[tilespmem:s21+$0x1E340] =	vst v1  }
0xd4: {  	v1 =	vld.idx.msk [tilespmem:v2+s3+$0x0], $0xffff;
	_ =	sdelay $0x4  }
0xd5: {  	[tilespmem:s21+$0x1E350] =	vst v1;
	v1 =	vld [tilespmem:s21+$0x1B370];
	_ =	sdelay $0x1  }
0xd6: {  	v2 =	vld.idx.msk [tilespmem:v3+s3+$0x0], $0xffff;
	_ =	sdelay $0x3  }
0xd7: {  	s4 =	simm.s32 $0x80;
	s2 =	simm.s32 $0x400  }
.LBB2_6:
0xd8: {  	p0 =	sne.s32 s2, $0x3E00;
	v3 =	vld [tilespmem:s4+$0x1B300];
	[tilespmem:s21+$0x1E360] =	vst v2  }
0xd9: {  	v1 =	vld.idx.msk [tilespmem:v1+s3+$0x0], $0xffff;
	_ =	sdelay $0x5  }
0xda: {  	v2 =	vld [tilespmem:s4+$0x1B310];
	[tilespmem:s21+$0x1E370] =	vst v1;
	s21 =	smov.u32 s4  }
0xdb: {  	v1 =	vld.idx.msk [tilespmem:v3+s3+$0x0], $0xffff;
	_ =	sdelay $0x5  }
0xdc: {  	[tilespmem:s21+$0x1E300] =	vst v1;
	v1 =	vld [tilespmem:s21+$0x1B320]  }
0xdd: {  	v2 =	vld.idx.msk [tilespmem:v2+s3+$0x0], $0xffff;
	_ =	sdelay $0x5  }
0xde: {  	[tilespmem:s21+$0x1E310] =	vst v2;
	v2 =	vld [tilespmem:s21+$0x1B330]  }
0xdf: {  	v1 =	vld.idx.msk [tilespmem:v1+s3+$0x0], $0xffff;
	_ =	sdelay $0x5  }
0xe0: {  	[tilespmem:s21+$0x1E320] =	vst v1;
	v1 =	vld [tilespmem:s21+$0x1B340]  }
0xe1: {  	v2 =	vld.idx.msk [tilespmem:v2+s3+$0x0], $0xffff;
	_ =	sdelay $0x5  }
0xe2: {  	[tilespmem:s21+$0x1E330] =	vst v2;
	v2 =	vld [tilespmem:s21+$0x1B350]  }
0xe3: {  	v1 =	vld.idx.msk [tilespmem:v1+s3+$0x0], $0xffff;
	_ =	sdelay $0x5  }
0xe4: {  	[tilespmem:s21+$0x1E340] =	vst v1;
	v3 =	vld [tilespmem:s21+$0x1B360]  }
0xe5: {  	v1 =	vld.idx.msk [tilespmem:v2+s3+$0x0], $0xffff;
	_ =	sdelay $0x5  }
0xe6: {  	[tilespmem:s21+$0x1E350] =	vst v1;
	v1 =	vld [tilespmem:s21+$0x1B370]  }
0xe7: {  	v2 =	vld.idx.msk [tilespmem:v3+s3+$0x0], $0xffff  }
.Ltmp2:
0xe8: {  	(pc) =	sbr.rel @p0 .LBB2_6-.Ltmp2, $2  }
0xe9: {  	_ =	sdelay $0x2  }
0xea: {  	s4 =	sshra.s32 s2, $0x2;
	s2 =	sadd.s32 $0x200, s2  }
0xeb: {  	_ =	sdelay $0x1  }
0xec: {  	v3 =	vld [tilespmem:s4+$0x1B300]  }
0xed: {  	[tilespmem:s21+$0x1E360] =	vst v2  }
0xee: {  	v1 =	vld.idx.msk [tilespmem:v1+s3+$0x0], $0xffff;
	_ =	sdelay $0x3  }
0xef: {  	v2 =	vld [tilespmem:s4+$0x1B310]  }
0xf0: {  	[tilespmem:s21+$0x1E370] =	vst v1  }
0xf1: {  	v1 =	vld.idx.msk [tilespmem:v3+s3+$0x0], $0xffff;
	_ =	sdelay $0x4  }
0xf2: {  	[tilespmem:s4+$0x1E300] =	vst v1;
	v1 =	vld [tilespmem:s4+$0x1B320]  }
0xf3: {  	v2 =	vld.idx.msk [tilespmem:v2+s3+$0x0], $0xffff;
	_ =	sdelay $0x4  }
0xf4: {  	[tilespmem:s4+$0x1E310] =	vst v2;
	v2 =	vld [tilespmem:s4+$0x1B330];
	_ =	sdelay $0x1  }
0xf5: {  	v1 =	vld.idx.msk [tilespmem:v1+s3+$0x0], $0xffff;
	_ =	sdelay $0x4  }
0xf6: {  	[tilespmem:s4+$0x1E320] =	vst v1;
	v1 =	vld [tilespmem:s4+$0x1B340]  }
0xf7: {  	v2 =	vld.idx.msk [tilespmem:v2+s3+$0x0], $0xffff;
	_ =	sdelay $0x4  }
0xf8: {  	[tilespmem:s4+$0x1E330] =	vst v2;
	v2 =	vld [tilespmem:s4+$0x1B350];
	_ =	sdelay $0x1  }
0xf9: {  	v1 =	vld.idx.msk [tilespmem:v1+s3+$0x0], $0xffff;
	_ =	sdelay $0x4  }
0xfa: {  	[tilespmem:s4+$0x1E340] =	vst v1;
	v1 =	vld [tilespmem:s4+$0x1B360]  }
0xfb: {  	v2 =	vld.idx.msk [tilespmem:v2+s3+$0x0], $0xffff;
	_ =	sdelay $0x4  }
0xfc: {  	[tilespmem:s4+$0x1E350] =	vst v2;
	v2 =	vld [tilespmem:s4+$0x1B370];
	_ =	sdelay $0x1  }
0xfd: {  	v1 =	vld.idx.msk [tilespmem:v1+s3+$0x0], $0xffff;
	_ =	sdelay $0x4  }
0xfe: {  	[tilespmem:s4+$0x1E360] =	vst v1  }
0xff: {  	v1 =	vld.idx.msk [tilespmem:v2+s3+$0x0], $0xffff;
	_ =	sdelay $0x4  }
0x100: {  	s2 =	rddreg [dreg:$0x13];
	[tilespmem:s4+$0x1E370] =	vst v1  }
0x101: {  	[hbm4b:s2+s13] =	stream.strided.scatter [tilespmem:s28], [sflag:$0x3], $0x1000, s14, s13, $0x38;
	[tilespmem:$0x1F300] =	vst v63  }
0x102: {  	s21 =	simm.s32 $0x0  }
0x103: {  	[tilespmem:s19], [sflag:$0x2] =	stream.linear.gather [hbm4b:s0+s21], $0x1000, $0x38;
	[tilespmem:$0x1F300] =	vst v63  }
0x104: {  	_ =	swait.ge [sflag:s23], $0x1000  }
0x105: {  	[sflag:s23] =	ssyncset.done $0x0  }
0x106: {  	[sflag:s23] =	ssyncadd.s32 $0xFFFFF000  }
0x107: {  	_ =	swait.ge [sflag:s30], $0x1000  }
0x108: {  	[sflag:s30] =	ssyncset.done $0x0  }
0x109: {  	s21 =	simm.s32 $0x0;
	[sflag:s30] =	ssyncadd.s32 $0xFFFFF000  }
0x10a: {  	v1 =	vld [tilespmem:s21+$0x19300];
	_ =	sdelay $0x5  }
0x10b: {  	v2 =	vld [tilespmem:s21+$0x19310];
	_ =	sdelay $0x1  }
0x10c: {  	v1 =	vld.idx.msk [tilespmem:v1+s3+$0x0], $0xffff;
	_ =	sdelay $0x4  }
0x10d: {  	[tilespmem:s21+$0x1C300] =	vst v1;
	v1 =	vld [tilespmem:s21+$0x19320]  }
0x10e: {  	v2 =	vld.idx.msk [tilespmem:v2+s3+$0x0], $0xffff;
	_ =	sdelay $0x4  }
0x10f: {  	[tilespmem:s21+$0x1C310] =	vst v2;
	v2 =	vld [tilespmem:s21+$0x19330];
	_ =	sdelay $0x1  }
0x110: {  	v1 =	vld.idx.msk [tilespmem:v1+s3+$0x0], $0xffff;
	_ =	sdelay $0x4  }
0x111: {  	[tilespmem:s21+$0x1C320] =	vst v1;
	v1 =	vld [tilespmem:s21+$0x19340]  }
0x112: {  	v2 =	vld.idx.msk [tilespmem:v2+s3+$0x0], $0xffff;
	_ =	sdelay $0x4  }
0x113: {  	[tilespmem:s21+$0x1C330] =	vst v2;
	v2 =	vld [tilespmem:s21+$0x19350];
	_ =	sdelay $0x1  }
0x114: {  	v1 =	vld.idx.msk [tilespmem:v1+s3+$0x0], $0xffff;
	_ =	sdelay $0x4  }
0x115: {  	v3 =	vld [tilespmem:s21+$0x19360];
	[tilespmem:s21+$0x1C340] =	vst v1  }
0x116: {  	v1 =	vld.idx.msk [tilespmem:v2+s3+$0x0], $0xffff;
	_ =	sdelay $0x4  }
0x117: {  	[tilespmem:s21+$0x1C350] =	vst v1;
	v1 =	vld [tilespmem:s21+$0x19370];
	_ =	sdelay $0x1  }
0x118: {  	v2 =	vld.idx.msk [tilespmem:v3+s3+$0x0], $0xffff;
	_ =	sdelay $0x3  }
0x119: {  	s4 =	simm.s32 $0x80;
	s2 =	simm.s32 $0x400  }
.LBB2_8:
0x11a: {  	p0 =	sne.s32 s2, $0x3E00;
	v3 =	vld [tilespmem:s4+$0x19300];
	[tilespmem:s21+$0x1C360] =	vst v2  }
0x11b: {  	v1 =	vld.idx.msk [tilespmem:v1+s3+$0x0], $0xffff;
	_ =	sdelay $0x5  }
0x11c: {  	v2 =	vld [tilespmem:s4+$0x19310];
	[tilespmem:s21+$0x1C370] =	vst v1;
	s21 =	smov.u32 s4  }
0x11d: {  	v1 =	vld.idx.msk [tilespmem:v3+s3+$0x0], $0xffff;
	_ =	sdelay $0x5  }
0x11e: {  	[tilespmem:s21+$0x1C300] =	vst v1;
	v1 =	vld [tilespmem:s21+$0x19320]  }
0x11f: {  	v2 =	vld.idx.msk [tilespmem:v2+s3+$0x0], $0xffff;
	_ =	sdelay $0x5  }
0x120: {  	[tilespmem:s21+$0x1C310] =	vst v2;
	v2 =	vld [tilespmem:s21+$0x19330]  }
0x121: {  	v1 =	vld.idx.msk [tilespmem:v1+s3+$0x0], $0xffff;
	_ =	sdelay $0x5  }
0x122: {  	[tilespmem:s21+$0x1C320] =	vst v1;
	v1 =	vld [tilespmem:s21+$0x19340]  }
0x123: {  	v2 =	vld.idx.msk [tilespmem:v2+s3+$0x0], $0xffff;
	_ =	sdelay $0x5  }
0x124: {  	[tilespmem:s21+$0x1C330] =	vst v2;
	v2 =	vld [tilespmem:s21+$0x19350]  }
0x125: {  	v1 =	vld.idx.msk [tilespmem:v1+s3+$0x0], $0xffff;
	_ =	sdelay $0x5  }
0x126: {  	[tilespmem:s21+$0x1C340] =	vst v1;
	v3 =	vld [tilespmem:s21+$0x19360]  }
0x127: {  	v1 =	vld.idx.msk [tilespmem:v2+s3+$0x0], $0xffff;
	_ =	sdelay $0x5  }
0x128: {  	[tilespmem:s21+$0x1C350] =	vst v1;
	v1 =	vld [tilespmem:s21+$0x19370]  }
0x129: {  	v2 =	vld.idx.msk [tilespmem:v3+s3+$0x0], $0xffff  }
.Ltmp3:
0x12a: {  	(pc) =	sbr.rel @p0 .LBB2_8-.Ltmp3, $2  }
0x12b: {  	_ =	sdelay $0x2  }
0x12c: {  	s4 =	sshra.s32 s2, $0x2;
	s2 =	sadd.s32 $0x200, s2  }
0x12d: {  	_ =	sdelay $0x1  }
0x12e: {  	v3 =	vld [tilespmem:s4+$0x19300]  }
0x12f: {  	[tilespmem:s21+$0x1C360] =	vst v2  }
0x130: {  	v1 =	vld.idx.msk [tilespmem:v1+s3+$0x0], $0xffff;
	_ =	sdelay $0x3  }
0x131: {  	v2 =	vld [tilespmem:s4+$0x19310]  }
0x132: {  	[tilespmem:s21+$0x1C370] =	vst v1  }
0x133: {  	v1 =	vld.idx.msk [tilespmem:v3+s3+$0x0], $0xffff;
	_ =	sdelay $0x4  }
0x134: {  	[tilespmem:s4+$0x1C300] =	vst v1;
	v1 =	vld [tilespmem:s4+$0x19320]  }
0x135: {  	v2 =	vld.idx.msk [tilespmem:v2+s3+$0x0], $0xffff;
	_ =	sdelay $0x4  }
0x136: {  	[tilespmem:s4+$0x1C310] =	vst v2;
	v2 =	vld [tilespmem:s4+$0x19330];
	_ =	sdelay $0x1  }
0x137: {  	v1 =	vld.idx.msk [tilespmem:v1+s3+$0x0], $0xffff;
	_ =	sdelay $0x4  }
0x138: {  	[tilespmem:s4+$0x1C320] =	vst v1;
	v1 =	vld [tilespmem:s4+$0x19340]  }
0x139: {  	v2 =	vld.idx.msk [tilespmem:v2+s3+$0x0], $0xffff;
	_ =	sdelay $0x4  }
0x13a: {  	[tilespmem:s4+$0x1C330] =	vst v2;
	v2 =	vld [tilespmem:s4+$0x19350];
	_ =	sdelay $0x1  }
0x13b: {  	v1 =	vld.idx.msk [tilespmem:v1+s3+$0x0], $0xffff;
	_ =	sdelay $0x4  }
0x13c: {  	[tilespmem:s4+$0x1C340] =	vst v1;
	v1 =	vld [tilespmem:s4+$0x19360]  }
0x13d: {  	v2 =	vld.idx.msk [tilespmem:v2+s3+$0x0], $0xffff;
	_ =	sdelay $0x4  }
0x13e: {  	[tilespmem:s4+$0x1C350] =	vst v2;
	v2 =	vld [tilespmem:s4+$0x19370];
	_ =	sdelay $0x1  }
0x13f: {  	v1 =	vld.idx.msk [tilespmem:v1+s3+$0x0], $0xffff;
	_ =	sdelay $0x4  }
0x140: {  	[tilespmem:s4+$0x1C360] =	vst v1  }
0x141: {  	v1 =	vld.idx.msk [tilespmem:v2+s3+$0x0], $0xffff;
	_ =	sdelay $0x4  }
0x142: {  	s2 =	rddreg [dreg:$0x14];
	[tilespmem:s4+$0x1C370] =	vst v1  }
0x143: {  	[hbm4b:s2+s13] =	stream.strided.scatter [tilespmem:s24], [sflag:$0x3], $0x1000, s14, s13, $0x38;
	[tilespmem:$0x1F300] =	vst v63  }
0x144: {  	s21 =	simm.s32 $0x0  }
0x145: {  	[tilespmem:s17], [sflag:$0x2] =	stream.linear.gather [hbm4b:s22+s21], $0x1000, $0x38;
	[tilespmem:$0x1F300] =	vst v63  }
0x146: {  	_ =	swait.ge [sflag:s20], $0x18700  }
0x147: {  	[sflag:s20] =	ssyncset.done $0x0  }
0x148: {  	[sflag:s20] =	ssyncadd.s32 $0xFFFE7900  }
0x149: {  	v1 =	vld [tilespmem:$0x400];
	_ =	sdelay $0x4  }
0x14a: {  	v1 =	vmul.f32 v0, v1;
	_ =	sdelay $0x1  }
0x14b: {  	[tilespmem:$0x400] =	vst v1  }
0x14c: {  	_ =	swait.ge [sflag:s23], $0x1000  }
0x14d: {  	[sflag:s23] =	ssyncset.done $0x0  }
0x14e: {  	[sflag:s23] =	ssyncadd.s32 $0xFFFFF000  }
0x14f: {  	_ =	swait.ge [sflag:s30], $0x1000  }
0x150: {  	[sflag:s30] =	ssyncset.done $0x0  }
0x151: {  	s21 =	simm.s32 $0x0;
	[sflag:s30] =	ssyncadd.s32 $0xFFFFF000  }
0x152: {  	v1 =	vld [tilespmem:s21+$0x1A300];
	_ =	sdelay $0x5  }
0x153: {  	v2 =	vld [tilespmem:s21+$0x1A310];
	_ =	sdelay $0x1  }
0x154: {  	v1 =	vld.idx.msk [tilespmem:v1+s14+$0x0], $0xffff;
	_ =	sdelay $0x4  }
0x155: {  	[tilespmem:s21+$0x1D300] =	vst v1;
	v1 =	vld [tilespmem:s21+$0x1A320]  }
0x156: {  	v2 =	vld.idx.msk [tilespmem:v2+s14+$0x0], $0xffff;
	_ =	sdelay $0x4  }
0x157: {  	[tilespmem:s21+$0x1D310] =	vst v2;
	v2 =	vld [tilespmem:s21+$0x1A330];
	_ =	sdelay $0x1  }
0x158: {  	v1 =	vld.idx.msk [tilespmem:v1+s14+$0x0], $0xffff;
	_ =	sdelay $0x4  }
0x159: {  	[tilespmem:s21+$0x1D320] =	vst v1;
	v1 =	vld [tilespmem:s21+$0x1A340]  }
0x15a: {  	v2 =	vld.idx.msk [tilespmem:v2+s14+$0x0], $0xffff;
	_ =	sdelay $0x4  }
0x15b: {  	[tilespmem:s21+$0x1D330] =	vst v2;
	v2 =	vld [tilespmem:s21+$0x1A350];
	_ =	sdelay $0x1  }
0x15c: {  	v1 =	vld.idx.msk [tilespmem:v1+s14+$0x0], $0xffff;
	_ =	sdelay $0x4  }
0x15d: {  	v3 =	vld [tilespmem:s21+$0x1A360];
	[tilespmem:s21+$0x1D340] =	vst v1  }
0x15e: {  	v1 =	vld.idx.msk [tilespmem:v2+s14+$0x0], $0xffff;
	_ =	sdelay $0x4  }
0x15f: {  	[tilespmem:s21+$0x1D350] =	vst v1;
	v1 =	vld [tilespmem:s21+$0x1A370];
	_ =	sdelay $0x1  }
0x160: {  	v2 =	vld.idx.msk [tilespmem:v3+s14+$0x0], $0xffff;
	_ =	sdelay $0x3  }
0x161: {  	s4 =	simm.s32 $0x80;
	s2 =	simm.s32 $0x400  }
.LBB2_10:
0x162: {  	p0 =	sne.s32 s2, $0x3E00;
	v3 =	vld [tilespmem:s4+$0x1A300];
	[tilespmem:s21+$0x1D360] =	vst v2  }
0x163: {  	v1 =	vld.idx.msk [tilespmem:v1+s14+$0x0], $0xffff;
	_ =	sdelay $0x5  }
0x164: {  	v2 =	vld [tilespmem:s4+$0x1A310];
	[tilespmem:s21+$0x1D370] =	vst v1;
	s21 =	smov.u32 s4  }
0x165: {  	v1 =	vld.idx.msk [tilespmem:v3+s14+$0x0], $0xffff;
	_ =	sdelay $0x5  }
0x166: {  	[tilespmem:s21+$0x1D300] =	vst v1;
	v1 =	vld [tilespmem:s21+$0x1A320]  }
0x167: {  	v2 =	vld.idx.msk [tilespmem:v2+s14+$0x0], $0xffff;
	_ =	sdelay $0x5  }
0x168: {  	[tilespmem:s21+$0x1D310] =	vst v2;
	v2 =	vld [tilespmem:s21+$0x1A330]  }
0x169: {  	v1 =	vld.idx.msk [tilespmem:v1+s14+$0x0], $0xffff;
	_ =	sdelay $0x5  }
0x16a: {  	[tilespmem:s21+$0x1D320] =	vst v1;
	v1 =	vld [tilespmem:s21+$0x1A340]  }
0x16b: {  	v2 =	vld.idx.msk [tilespmem:v2+s14+$0x0], $0xffff;
	_ =	sdelay $0x5  }
0x16c: {  	[tilespmem:s21+$0x1D330] =	vst v2;
	v2 =	vld [tilespmem:s21+$0x1A350]  }
0x16d: {  	v1 =	vld.idx.msk [tilespmem:v1+s14+$0x0], $0xffff;
	_ =	sdelay $0x5  }
0x16e: {  	[tilespmem:s21+$0x1D340] =	vst v1;
	v3 =	vld [tilespmem:s21+$0x1A360]  }
0x16f: {  	v1 =	vld.idx.msk [tilespmem:v2+s14+$0x0], $0xffff;
	_ =	sdelay $0x5  }
0x170: {  	[tilespmem:s21+$0x1D350] =	vst v1;
	v1 =	vld [tilespmem:s21+$0x1A370]  }
0x171: {  	v2 =	vld.idx.msk [tilespmem:v3+s14+$0x0], $0xffff  }
.Ltmp4:
0x172: {  	(pc) =	sbr.rel @p0 .LBB2_10-.Ltmp4, $2  }
0x173: {  	_ =	sdelay $0x2  }
0x174: {  	s4 =	sshra.s32 s2, $0x2;
	s2 =	sadd.s32 $0x200, s2  }
0x175: {  	_ =	sdelay $0x1  }
0x176: {  	v3 =	vld [tilespmem:s4+$0x1A300]  }
0x177: {  	[tilespmem:s21+$0x1D360] =	vst v2  }
0x178: {  	v1 =	vld.idx.msk [tilespmem:v1+s14+$0x0], $0xffff;
	_ =	sdelay $0x3  }
0x179: {  	v2 =	vld [tilespmem:s4+$0x1A310]  }
0x17a: {  	[tilespmem:s21+$0x1D370] =	vst v1  }
0x17b: {  	v1 =	vld.idx.msk [tilespmem:v3+s14+$0x0], $0xffff;
	_ =	sdelay $0x4  }
0x17c: {  	[tilespmem:s4+$0x1D300] =	vst v1;
	v1 =	vld [tilespmem:s4+$0x1A320]  }
0x17d: {  	v2 =	vld.idx.msk [tilespmem:v2+s14+$0x0], $0xffff;
	_ =	sdelay $0x4  }
0x17e: {  	[tilespmem:s4+$0x1D310] =	vst v2;
	v2 =	vld [tilespmem:s4+$0x1A330];
	_ =	sdelay $0x1  }
0x17f: {  	v1 =	vld.idx.msk [tilespmem:v1+s14+$0x0], $0xffff;
	_ =	sdelay $0x4  }
0x180: {  	[tilespmem:s4+$0x1D320] =	vst v1;
	v1 =	vld [tilespmem:s4+$0x1A340]  }
0x181: {  	v2 =	vld.idx.msk [tilespmem:v2+s14+$0x0], $0xffff;
	_ =	sdelay $0x4  }
0x182: {  	[tilespmem:s4+$0x1D330] =	vst v2;
	v2 =	vld [tilespmem:s4+$0x1A350];
	_ =	sdelay $0x1  }
0x183: {  	v1 =	vld.idx.msk [tilespmem:v1+s14+$0x0], $0xffff;
	_ =	sdelay $0x4  }
0x184: {  	[tilespmem:s4+$0x1D340] =	vst v1;
	v1 =	vld [tilespmem:s4+$0x1A360]  }
0x185: {  	v2 =	vld.idx.msk [tilespmem:v2+s14+$0x0], $0xffff;
	_ =	sdelay $0x4  }
0x186: {  	[tilespmem:s4+$0x1D350] =	vst v2;
	v2 =	vld [tilespmem:s4+$0x1A370];
	_ =	sdelay $0x1  }
0x187: {  	v1 =	vld.idx.msk [tilespmem:v1+s14+$0x0], $0xffff;
	_ =	sdelay $0x4  }
0x188: {  	[tilespmem:s4+$0x1D360] =	vst v1  }
0x189: {  	v1 =	vld.idx.msk [tilespmem:v2+s14+$0x0], $0xffff;
	_ =	sdelay $0x4  }
0x18a: {  	s2 =	rddreg [dreg:$0x15];
	[tilespmem:s4+$0x1D370] =	vst v1  }
0x18b: {  	[hbm4b:s2+s13] =	stream.strided.scatter [tilespmem:s26], [sflag:$0x3], $0x1000, s14, s13, $0x38;
	[tilespmem:$0x1F300] =	vst v63  }
0x18c: {  	s21 =	simm.s32 $0x0  }
0x18d: {  	[tilespmem:s18], [sflag:$0x2] =	stream.linear.gather [hbm4b:s25+s21], $0x1000, $0x38;
	[tilespmem:$0x1F300] =	vst v63  }
0x18e: {  	_ =	swait.ge [sflag:s23], $0x1000  }
0x18f: {  	[sflag:s23] =	ssyncset.done $0x0  }
0x190: {  	[sflag:s23] =	ssyncadd.s32 $0xFFFFF000  }
0x191: {  	_ =	swait.ge [sflag:s30], $0x1000  }
0x192: {  	[sflag:s30] =	ssyncset.done $0x0  }
0x193: {  	s21 =	simm.s32 $0x0;
	[sflag:s30] =	ssyncadd.s32 $0xFFFFF000  }
0x194: {  	v1 =	vld [tilespmem:s21+$0x1B300];
	_ =	sdelay $0x5  }
0x195: {  	v2 =	vld [tilespmem:s21+$0x1B310];
	_ =	sdelay $0x1  }
0x196: {  	v1 =	vld.idx.msk [tilespmem:v1+s14+$0x0], $0xffff;
	_ =	sdelay $0x4  }
0x197: {  	[tilespmem:s21+$0x1E300] =	vst v1;
	v1 =	vld [tilespmem:s21+$0x1B320]  }
0x198: {  	v2 =	vld.idx.msk [tilespmem:v2+s14+$0x0], $0xffff;
	_ =	sdelay $0x4  }
0x199: {  	[tilespmem:s21+$0x1E310] =	vst v2;
	v2 =	vld [tilespmem:s21+$0x1B330];
	_ =	sdelay $0x1  }
0x19a: {  	v1 =	vld.idx.msk [tilespmem:v1+s14+$0x0], $0xffff;
	_ =	sdelay $0x4  }
0x19b: {  	[tilespmem:s21+$0x1E320] =	vst v1;
	v1 =	vld [tilespmem:s21+$0x1B340]  }
0x19c: {  	v2 =	vld.idx.msk [tilespmem:v2+s14+$0x0], $0xffff;
	_ =	sdelay $0x4  }
0x19d: {  	[tilespmem:s21+$0x1E330] =	vst v2;
	v2 =	vld [tilespmem:s21+$0x1B350];
	_ =	sdelay $0x1  }
0x19e: {  	v1 =	vld.idx.msk [tilespmem:v1+s14+$0x0], $0xffff;
	_ =	sdelay $0x4  }
0x19f: {  	v3 =	vld [tilespmem:s21+$0x1B360];
	[tilespmem:s21+$0x1E340] =	vst v1  }
0x1a0: {  	v1 =	vld.idx.msk [tilespmem:v2+s14+$0x0], $0xffff;
	_ =	sdelay $0x4  }
0x1a1: {  	[tilespmem:s21+$0x1E350] =	vst v1;
	v1 =	vld [tilespmem:s21+$0x1B370];
	_ =	sdelay $0x1  }
0x1a2: {  	v2 =	vld.idx.msk [tilespmem:v3+s14+$0x0], $0xffff;
	_ =	sdelay $0x3  }
0x1a3: {  	s4 =	simm.s32 $0x80;
	s2 =	simm.s32 $0x400  }
.LBB2_12:
0x1a4: {  	p0 =	sne.s32 s2, $0x3E00;
	v3 =	vld [tilespmem:s4+$0x1B300];
	[tilespmem:s21+$0x1E360] =	vst v2  }
0x1a5: {  	v1 =	vld.idx.msk [tilespmem:v1+s14+$0x0], $0xffff;
	_ =	sdelay $0x5  }
0x1a6: {  	v2 =	vld [tilespmem:s4+$0x1B310];
	[tilespmem:s21+$0x1E370] =	vst v1;
	s21 =	smov.u32 s4  }
0x1a7: {  	v1 =	vld.idx.msk [tilespmem:v3+s14+$0x0], $0xffff;
	_ =	sdelay $0x5  }
0x1a8: {  	[tilespmem:s21+$0x1E300] =	vst v1;
	v1 =	vld [tilespmem:s21+$0x1B320]  }
0x1a9: {  	v2 =	vld.idx.msk [tilespmem:v2+s14+$0x0], $0xffff;
	_ =	sdelay $0x5  }
0x1aa: {  	[tilespmem:s21+$0x1E310] =	vst v2;
	v2 =	vld [tilespmem:s21+$0x1B330]  }
0x1ab: {  	v1 =	vld.idx.msk [tilespmem:v1+s14+$0x0], $0xffff;
	_ =	sdelay $0x5  }
0x1ac: {  	[tilespmem:s21+$0x1E320] =	vst v1;
	v1 =	vld [tilespmem:s21+$0x1B340]  }
0x1ad: {  	v2 =	vld.idx.msk [tilespmem:v2+s14+$0x0], $0xffff;
	_ =	sdelay $0x5  }
0x1ae: {  	[tilespmem:s21+$0x1E330] =	vst v2;
	v2 =	vld [tilespmem:s21+$0x1B350]  }
0x1af: {  	v1 =	vld.idx.msk [tilespmem:v1+s14+$0x0], $0xffff;
	_ =	sdelay $0x5  }
0x1b0: {  	[tilespmem:s21+$0x1E340] =	vst v1;
	v3 =	vld [tilespmem:s21+$0x1B360]  }
0x1b1: {  	v1 =	vld.idx.msk [tilespmem:v2+s14+$0x0], $0xffff;
	_ =	sdelay $0x5  }
0x1b2: {  	[tilespmem:s21+$0x1E350] =	vst v1;
	v1 =	vld [tilespmem:s21+$0x1B370]  }
0x1b3: {  	v2 =	vld.idx.msk [tilespmem:v3+s14+$0x0], $0xffff  }
.Ltmp5:
0x1b4: {  	(pc) =	sbr.rel @p0 .LBB2_12-.Ltmp5, $2  }
0x1b5: {  	_ =	sdelay $0x2  }
0x1b6: {  	s4 =	sshra.s32 s2, $0x2;
	s2 =	sadd.s32 $0x200, s2  }
0x1b7: {  	_ =	sdelay $0x1  }
0x1b8: {  	v3 =	vld [tilespmem:s4+$0x1B300]  }
0x1b9: {  	[tilespmem:s21+$0x1E360] =	vst v2  }
0x1ba: {  	v1 =	vld.idx.msk [tilespmem:v1+s14+$0x0], $0xffff;
	_ =	sdelay $0x3  }
0x1bb: {  	v2 =	vld [tilespmem:s4+$0x1B310]  }
0x1bc: {  	[tilespmem:s21+$0x1E370] =	vst v1  }
0x1bd: {  	v1 =	vld.idx.msk [tilespmem:v3+s14+$0x0], $0xffff;
	_ =	sdelay $0x4  }
0x1be: {  	[tilespmem:s4+$0x1E300] =	vst v1;
	v1 =	vld [tilespmem:s4+$0x1B320]  }
0x1bf: {  	v2 =	vld.idx.msk [tilespmem:v2+s14+$0x0], $0xffff;
	_ =	sdelay $0x4  }
0x1c0: {  	[tilespmem:s4+$0x1E310] =	vst v2;
	v2 =	vld [tilespmem:s4+$0x1B330];
	_ =	sdelay $0x1  }
0x1c1: {  	v1 =	vld.idx.msk [tilespmem:v1+s14+$0x0], $0xffff;
	_ =	sdelay $0x4  }
0x1c2: {  	[tilespmem:s4+$0x1E320] =	vst v1;
	v1 =	vld [tilespmem:s4+$0x1B340]  }
0x1c3: {  	v2 =	vld.idx.msk [tilespmem:v2+s14+$0x0], $0xffff;
	_ =	sdelay $0x4  }
0x1c4: {  	[tilespmem:s4+$0x1E330] =	vst v2;
	v2 =	vld [tilespmem:s4+$0x1B350];
	_ =	sdelay $0x1  }
0x1c5: {  	v1 =	vld.idx.msk [tilespmem:v1+s14+$0x0], $0xffff;
	_ =	sdelay $0x4  }
0x1c6: {  	[tilespmem:s4+$0x1E340] =	vst v1;
	v1 =	vld [tilespmem:s4+$0x1B360]  }
0x1c7: {  	v2 =	vld.idx.msk [tilespmem:v2+s14+$0x0], $0xffff;
	_ =	sdelay $0x4  }
0x1c8: {  	[tilespmem:s4+$0x1E350] =	vst v2;
	v2 =	vld [tilespmem:s4+$0x1B370];
	_ =	sdelay $0x1  }
0x1c9: {  	v1 =	vld.idx.msk [tilespmem:v1+s14+$0x0], $0xffff;
	_ =	sdelay $0x4  }
0x1ca: {  	[tilespmem:s4+$0x1E360] =	vst v1  }
0x1cb: {  	v1 =	vld.idx.msk [tilespmem:v2+s14+$0x0], $0xffff;
	_ =	sdelay $0x4  }
0x1cc: {  	s2 =	rddreg [dreg:$0x1c];
	[tilespmem:s4+$0x1E370] =	vst v1  }
0x1cd: {  	[hbm4b:s2+s13] =	stream.strided.scatter [tilespmem:s28], [sflag:$0x3], $0x1000, s14, s13, $0x38;
	[tilespmem:$0x1F300] =	vst v63  }
0x1ce: {  	s21 =	rddreg [dreg:$0x2];
	s4 =	simm.s32 $0x0  }
0x1cf: {  	[tilespmem:s19], [sflag:$0x2] =	stream.linear.gather [hbm4b:s21+s4], $0x1000, $0x38;
	[tilespmem:$0x1F300] =	vst v63  }
0x1d0: {  	_ =	swait.ge [sflag:s23], $0x1000  }
0x1d1: {  	[sflag:s23] =	ssyncset.done $0x0  }
0x1d2: {  	[sflag:s23] =	ssyncadd.s32 $0xFFFFF000  }
0x1d3: {  	_ =	swait.ge [sflag:s30], $0x1000  }
0x1d4: {  	[sflag:s30] =	ssyncset.done $0x0  }
0x1d5: {  	s21 =	simm.s32 $0x0;
	[sflag:s30] =	ssyncadd.s32 $0xFFFFF000  }
0x1d6: {  	v1 =	vld [tilespmem:s21+$0x19300];
	_ =	sdelay $0x5  }
0x1d7: {  	v2 =	vld [tilespmem:s21+$0x19310];
	_ =	sdelay $0x1  }
0x1d8: {  	v1 =	vld.idx.msk [tilespmem:v1+s14+$0x0], $0xffff;
	_ =	sdelay $0x4  }
0x1d9: {  	[tilespmem:s21+$0x1C300] =	vst v1;
	v1 =	vld [tilespmem:s21+$0x19320]  }
0x1da: {  	v2 =	vld.idx.msk [tilespmem:v2+s14+$0x0], $0xffff;
	_ =	sdelay $0x4  }
0x1db: {  	[tilespmem:s21+$0x1C310] =	vst v2;
	v2 =	vld [tilespmem:s21+$0x19330];
	_ =	sdelay $0x1  }
0x1dc: {  	v1 =	vld.idx.msk [tilespmem:v1+s14+$0x0], $0xffff;
	_ =	sdelay $0x4  }
0x1dd: {  	[tilespmem:s21+$0x1C320] =	vst v1;
	v1 =	vld [tilespmem:s21+$0x19340]  }
0x1de: {  	v2 =	vld.idx.msk [tilespmem:v2+s14+$0x0], $0xffff;
	_ =	sdelay $0x4  }
0x1df: {  	[tilespmem:s21+$0x1C330] =	vst v2;
	v2 =	vld [tilespmem:s21+$0x19350];
	_ =	sdelay $0x1  }
0x1e0: {  	v1 =	vld.idx.msk [tilespmem:v1+s14+$0x0], $0xffff;
	_ =	sdelay $0x4  }
0x1e1: {  	v3 =	vld [tilespmem:s21+$0x19360];
	[tilespmem:s21+$0x1C340] =	vst v1  }
0x1e2: {  	v1 =	vld.idx.msk [tilespmem:v2+s14+$0x0], $0xffff;
	_ =	sdelay $0x4  }
0x1e3: {  	[tilespmem:s21+$0x1C350] =	vst v1;
	v1 =	vld [tilespmem:s21+$0x19370];
	_ =	sdelay $0x1  }
0x1e4: {  	v2 =	vld.idx.msk [tilespmem:v3+s14+$0x0], $0xffff;
	_ =	sdelay $0x3  }
0x1e5: {  	s2 =	simm.s32 $0x400;
	s4 =	simm.s32 $0x80  }
.LBB2_14:
0x1e6: {  	p0 =	sne.s32 s2, $0x3E00;
	v3 =	vld [tilespmem:s4+$0x19300];
	[tilespmem:s21+$0x1C360] =	vst v2  }
0x1e7: {  	v1 =	vld.idx.msk [tilespmem:v1+s14+$0x0], $0xffff;
	_ =	sdelay $0x5  }
0x1e8: {  	v2 =	vld [tilespmem:s4+$0x19310];
	[tilespmem:s21+$0x1C370] =	vst v1;
	s21 =	smov.u32 s4  }
0x1e9: {  	v1 =	vld.idx.msk [tilespmem:v3+s14+$0x0], $0xffff;
	_ =	sdelay $0x5  }
0x1ea: {  	[tilespmem:s21+$0x1C300] =	vst v1;
	v1 =	vld [tilespmem:s21+$0x19320]  }
0x1eb: {  	v2 =	vld.idx.msk [tilespmem:v2+s14+$0x0], $0xffff;
	_ =	sdelay $0x5  }
0x1ec: {  	[tilespmem:s21+$0x1C310] =	vst v2;
	v2 =	vld [tilespmem:s21+$0x19330]  }
0x1ed: {  	v1 =	vld.idx.msk [tilespmem:v1+s14+$0x0], $0xffff;
	_ =	sdelay $0x5  }
0x1ee: {  	[tilespmem:s21+$0x1C320] =	vst v1;
	v1 =	vld [tilespmem:s21+$0x19340]  }
0x1ef: {  	v2 =	vld.idx.msk [tilespmem:v2+s14+$0x0], $0xffff;
	_ =	sdelay $0x5  }
0x1f0: {  	[tilespmem:s21+$0x1C330] =	vst v2;
	v2 =	vld [tilespmem:s21+$0x19350]  }
0x1f1: {  	v1 =	vld.idx.msk [tilespmem:v1+s14+$0x0], $0xffff;
	_ =	sdelay $0x5  }
0x1f2: {  	[tilespmem:s21+$0x1C340] =	vst v1;
	v3 =	vld [tilespmem:s21+$0x19360]  }
0x1f3: {  	v1 =	vld.idx.msk [tilespmem:v2+s14+$0x0], $0xffff;
	_ =	sdelay $0x5  }
0x1f4: {  	[tilespmem:s21+$0x1C350] =	vst v1;
	v1 =	vld [tilespmem:s21+$0x19370]  }
0x1f5: {  	v2 =	vld.idx.msk [tilespmem:v3+s14+$0x0], $0xffff  }
.Ltmp6:
0x1f6: {  	(pc) =	sbr.rel @p0 .LBB2_14-.Ltmp6, $2  }
0x1f7: {  	_ =	sdelay $0x2  }
0x1f8: {  	s4 =	sshra.s32 s2, $0x2;
	s2 =	sadd.s32 $0x200, s2  }
0x1f9: {  	_ =	sdelay $0x1  }
0x1fa: {  	v3 =	vld [tilespmem:s4+$0x19300]  }
0x1fb: {  	[tilespmem:s21+$0x1C360] =	vst v2  }
0x1fc: {  	v1 =	vld.idx.msk [tilespmem:v1+s14+$0x0], $0xffff;
	_ =	sdelay $0x3  }
0x1fd: {  	v2 =	vld [tilespmem:s4+$0x19310]  }
0x1fe: {  	[tilespmem:s21+$0x1C370] =	vst v1  }
0x1ff: {  	v1 =	vld.idx.msk [tilespmem:v3+s14+$0x0], $0xffff;
	_ =	sdelay $0x4  }
0x200: {  	[tilespmem:s4+$0x1C300] =	vst v1;
	v1 =	vld [tilespmem:s4+$0x19320]  }
0x201: {  	v2 =	vld.idx.msk [tilespmem:v2+s14+$0x0], $0xffff;
	_ =	sdelay $0x4  }
0x202: {  	[tilespmem:s4+$0x1C310] =	vst v2;
	v2 =	vld [tilespmem:s4+$0x19330];
	_ =	sdelay $0x1  }
0x203: {  	v1 =	vld.idx.msk [tilespmem:v1+s14+$0x0], $0xffff;
	_ =	sdelay $0x4  }
0x204: {  	[tilespmem:s4+$0x1C320] =	vst v1;
	v1 =	vld [tilespmem:s4+$0x19340]  }
0x205: {  	v2 =	vld.idx.msk [tilespmem:v2+s14+$0x0], $0xffff;
	_ =	sdelay $0x4  }
0x206: {  	[tilespmem:s4+$0x1C330] =	vst v2;
	v2 =	vld [tilespmem:s4+$0x19350];
	_ =	sdelay $0x1  }
0x207: {  	v1 =	vld.idx.msk [tilespmem:v1+s14+$0x0], $0xffff;
	_ =	sdelay $0x4  }
0x208: {  	[tilespmem:s4+$0x1C340] =	vst v1;
	v1 =	vld [tilespmem:s4+$0x19360]  }
0x209: {  	v2 =	vld.idx.msk [tilespmem:v2+s14+$0x0], $0xffff;
	_ =	sdelay $0x4  }
0x20a: {  	[tilespmem:s4+$0x1C350] =	vst v2;
	v2 =	vld [tilespmem:s4+$0x19370];
	_ =	sdelay $0x1  }
0x20b: {  	v1 =	vld.idx.msk [tilespmem:v1+s14+$0x0], $0xffff;
	_ =	sdelay $0x4  }
0x20c: {  	[tilespmem:s4+$0x1C360] =	vst v1  }
0x20d: {  	v1 =	vld.idx.msk [tilespmem:v2+s14+$0x0], $0xffff;
	_ =	sdelay $0x3  }
0x20e: {  	s2 =	rddreg [dreg:$0x1e]  }
0x20f: {  	s21 =	sld [smem:$0x7FD];
	[tilespmem:s4+$0x1C370] =	vst v1  }
0x210: {  	[hbm4b:s2+s13] =	stream.strided.scatter [tilespmem:s24], [sflag:$0x3], $0x1000, s14, s13, $0x38;
	[tilespmem:$0x1F300] =	vst v63  }
0x211: {  	s4 =	simm.s32 $0x0  }
0x212: {  	[tilespmem:s17], [sflag:$0x2] =	stream.linear.gather [hbm4b:s21+s4], $0x1000, $0x38;
	[tilespmem:$0x1F300] =	vst v63  }
0x213: {  	_ =	swait.ge [sflag:s23], $0x1000  }
0x214: {  	[sflag:s23] =	ssyncset.done $0x0  }
0x215: {  	[sflag:s23] =	ssyncadd.s32 $0xFFFFF000  }
0x216: {  	_ =	swait.ge [sflag:s30], $0x1000  }
0x217: {  	[sflag:s30] =	ssyncset.done $0x0  }
0x218: {  	s21 =	simm.s32 $0x0;
	[sflag:s30] =	ssyncadd.s32 $0xFFFFF000  }
0x219: {  	v1 =	vld [tilespmem:s21+$0x1A300];
	_ =	sdelay $0x5  }
0x21a: {  	v2 =	vld [tilespmem:s21+$0x1A310];
	_ =	sdelay $0x1  }
0x21b: {  	v1 =	vld.idx.msk [tilespmem:v1+s14+$0x0], $0xffff;
	_ =	sdelay $0x4  }
0x21c: {  	[tilespmem:s21+$0x1D300] =	vst v1;
	v1 =	vld [tilespmem:s21+$0x1A320]  }
0x21d: {  	v2 =	vld.idx.msk [tilespmem:v2+s14+$0x0], $0xffff;
	_ =	sdelay $0x4  }
0x21e: {  	[tilespmem:s21+$0x1D310] =	vst v2;
	v2 =	vld [tilespmem:s21+$0x1A330];
	_ =	sdelay $0x1  }
0x21f: {  	v1 =	vld.idx.msk [tilespmem:v1+s14+$0x0], $0xffff;
	_ =	sdelay $0x4  }
0x220: {  	[tilespmem:s21+$0x1D320] =	vst v1;
	v1 =	vld [tilespmem:s21+$0x1A340]  }
0x221: {  	v2 =	vld.idx.msk [tilespmem:v2+s14+$0x0], $0xffff;
	_ =	sdelay $0x4  }
0x222: {  	[tilespmem:s21+$0x1D330] =	vst v2;
	v2 =	vld [tilespmem:s21+$0x1A350];
	_ =	sdelay $0x1  }
0x223: {  	v1 =	vld.idx.msk [tilespmem:v1+s14+$0x0], $0xffff;
	_ =	sdelay $0x4  }
0x224: {  	v3 =	vld [tilespmem:s21+$0x1A360];
	[tilespmem:s21+$0x1D340] =	vst v1  }
0x225: {  	v1 =	vld.idx.msk [tilespmem:v2+s14+$0x0], $0xffff;
	_ =	sdelay $0x4  }
0x226: {  	[tilespmem:s21+$0x1D350] =	vst v1;
	v1 =	vld [tilespmem:s21+$0x1A370];
	_ =	sdelay $0x1  }
0x227: {  	v2 =	vld.idx.msk [tilespmem:v3+s14+$0x0], $0xffff;
	_ =	sdelay $0x3  }
0x228: {  	s2 =	simm.s32 $0x400;
	s4 =	simm.s32 $0x80  }
.LBB2_16:
0x229: {  	p0 =	sne.s32 s2, $0x3E00;
	v3 =	vld [tilespmem:s4+$0x1A300];
	[tilespmem:s21+$0x1D360] =	vst v2  }
0x22a: {  	v1 =	vld.idx.msk [tilespmem:v1+s14+$0x0], $0xffff;
	_ =	sdelay $0x5  }
0x22b: {  	v2 =	vld [tilespmem:s4+$0x1A310];
	[tilespmem:s21+$0x1D370] =	vst v1;
	s21 =	smov.u32 s4  }
0x22c: {  	v1 =	vld.idx.msk [tilespmem:v3+s14+$0x0], $0xffff;
	_ =	sdelay $0x5  }
0x22d: {  	[tilespmem:s21+$0x1D300] =	vst v1;
	v1 =	vld [tilespmem:s21+$0x1A320]  }
0x22e: {  	v2 =	vld.idx.msk [tilespmem:v2+s14+$0x0], $0xffff;
	_ =	sdelay $0x5  }
0x22f: {  	[tilespmem:s21+$0x1D310] =	vst v2;
	v2 =	vld [tilespmem:s21+$0x1A330]  }
0x230: {  	v1 =	vld.idx.msk [tilespmem:v1+s14+$0x0], $0xffff;
	_ =	sdelay $0x5  }
0x231: {  	[tilespmem:s21+$0x1D320] =	vst v1;
	v1 =	vld [tilespmem:s21+$0x1A340]  }
0x232: {  	v2 =	vld.idx.msk [tilespmem:v2+s14+$0x0], $0xffff;
	_ =	sdelay $0x5  }
0x233: {  	[tilespmem:s21+$0x1D330] =	vst v2;
	v2 =	vld [tilespmem:s21+$0x1A350]  }
0x234: {  	v1 =	vld.idx.msk [tilespmem:v1+s14+$0x0], $0xffff;
	_ =	sdelay $0x5  }
0x235: {  	[tilespmem:s21+$0x1D340] =	vst v1;
	v3 =	vld [tilespmem:s21+$0x1A360]  }
0x236: {  	v1 =	vld.idx.msk [tilespmem:v2+s14+$0x0], $0xffff;
	_ =	sdelay $0x5  }
0x237: {  	[tilespmem:s21+$0x1D350] =	vst v1;
	v1 =	vld [tilespmem:s21+$0x1A370]  }
0x238: {  	v2 =	vld.idx.msk [tilespmem:v3+s14+$0x0], $0xffff  }
.Ltmp7:
0x239: {  	(pc) =	sbr.rel @p0 .LBB2_16-.Ltmp7, $2  }
0x23a: {  	_ =	sdelay $0x2  }
0x23b: {  	s4 =	sshra.s32 s2, $0x2;
	s2 =	sadd.s32 $0x200, s2  }
0x23c: {  	_ =	sdelay $0x1  }
0x23d: {  	v3 =	vld [tilespmem:s4+$0x1A300]  }
0x23e: {  	[tilespmem:s21+$0x1D360] =	vst v2  }
0x23f: {  	v1 =	vld.idx.msk [tilespmem:v1+s14+$0x0], $0xffff;
	_ =	sdelay $0x3  }
0x240: {  	v2 =	vld [tilespmem:s4+$0x1A310]  }
0x241: {  	[tilespmem:s21+$0x1D370] =	vst v1  }
0x242: {  	v1 =	vld.idx.msk [tilespmem:v3+s14+$0x0], $0xffff;
	_ =	sdelay $0x4  }
0x243: {  	[tilespmem:s4+$0x1D300] =	vst v1;
	v1 =	vld [tilespmem:s4+$0x1A320]  }
0x244: {  	v2 =	vld.idx.msk [tilespmem:v2+s14+$0x0], $0xffff;
	_ =	sdelay $0x4  }
0x245: {  	[tilespmem:s4+$0x1D310] =	vst v2;
	v2 =	vld [tilespmem:s4+$0x1A330];
	_ =	sdelay $0x1  }
0x246: {  	v1 =	vld.idx.msk [tilespmem:v1+s14+$0x0], $0xffff;
	_ =	sdelay $0x4  }
0x247: {  	[tilespmem:s4+$0x1D320] =	vst v1;
	v1 =	vld [tilespmem:s4+$0x1A340]  }
0x248: {  	v2 =	vld.idx.msk [tilespmem:v2+s14+$0x0], $0xffff;
	_ =	sdelay $0x4  }
0x249: {  	[tilespmem:s4+$0x1D330] =	vst v2;
	v2 =	vld [tilespmem:s4+$0x1A350];
	_ =	sdelay $0x1  }
0x24a: {  	v1 =	vld.idx.msk [tilespmem:v1+s14+$0x0], $0xffff;
	_ =	sdelay $0x4  }
0x24b: {  	[tilespmem:s4+$0x1D340] =	vst v1;
	v1 =	vld [tilespmem:s4+$0x1A360]  }
0x24c: {  	v2 =	vld.idx.msk [tilespmem:v2+s14+$0x0], $0xffff;
	_ =	sdelay $0x4  }
0x24d: {  	[tilespmem:s4+$0x1D350] =	vst v2;
	v2 =	vld [tilespmem:s4+$0x1A370];
	_ =	sdelay $0x1  }
0x24e: {  	v1 =	vld.idx.msk [tilespmem:v1+s14+$0x0], $0xffff;
	_ =	sdelay $0x4  }
0x24f: {  	[tilespmem:s4+$0x1D360] =	vst v1  }
0x250: {  	v1 =	vld.idx.msk [tilespmem:v2+s14+$0x0], $0xffff;
	_ =	sdelay $0x3  }
0x251: {  	s2 =	rddreg [dreg:$0x16]  }
0x252: {  	[tilespmem:s4+$0x1D370] =	vst v1;
	s4 =	sld [smem:$0x7F8]  }
0x253: {  	[tilespmem:s14], [sflag:$0x1] =	stream.strided.gather [hbm4b:s2+s13], $0x18700, s14, s13, $0x38;
	[tilespmem:$0x1F300] =	vst v63  }
0x254: {  	_ = 	snop  }
0x255: {  	[hbm4b:s4+s13] =	stream.strided.scatter [tilespmem:s26], [sflag:$0x3], $0x1000, s14, s13, $0x38;
	[tilespmem:$0x1F300] =	vst v63  }
0x256: {  	s21 =	simm.s32 $0x0  }
0x257: {  	[tilespmem:s18], [sflag:$0x2] =	stream.linear.gather [hbm4b:s5+s21], $0x1000, $0x38;
	[tilespmem:$0x1F300] =	vst v63  }
0x258: {  	_ =	swait.ge [sflag:s20], $0x400  }
0x259: {  	[sflag:s20] =	ssyncset.done $0x0  }
0x25a: {  	[sflag:s20] =	ssyncadd.s32 $0xFFFFFC00  }
0x25b: {  	v1 =	vld [tilespmem:$0x18B00];
	_ =	sdelay $0x4  }
0x25c: {  	v1 =	vmul.f32 v0, v1;
	_ =	sdelay $0x1  }
0x25d: {  	[tilespmem:$0x18B00] =	vst v1  }
0x25e: {  	_ =	swait.ge [sflag:s23], $0x1000  }
0x25f: {  	[sflag:s23] =	ssyncset.done $0x0  }
0x260: {  	[sflag:s23] =	ssyncadd.s32 $0xFFFFF000  }
0x261: {  	_ =	swait.ge [sflag:s30], $0x1000  }
0x262: {  	[sflag:s30] =	ssyncset.done $0x0  }
0x263: {  	s21 =	simm.s32 $0x0;
	[sflag:s30] =	ssyncadd.s32 $0xFFFFF000  }
0x264: {  	v1 =	vld [tilespmem:s21+$0x1B300];
	_ =	sdelay $0x5  }
0x265: {  	v2 =	vld [tilespmem:s21+$0x1B310];
	_ =	sdelay $0x1  }
0x266: {  	v1 =	vld.idx.msk [tilespmem:v1+s15+$0x0], $0xffff;
	_ =	sdelay $0x4  }
0x267: {  	[tilespmem:s21+$0x1E300] =	vst v1;
	v1 =	vld [tilespmem:s21+$0x1B320]  }
0x268: {  	v2 =	vld.idx.msk [tilespmem:v2+s15+$0x0], $0xffff;
	_ =	sdelay $0x4  }
0x269: {  	[tilespmem:s21+$0x1E310] =	vst v2;
	v2 =	vld [tilespmem:s21+$0x1B330];
	_ =	sdelay $0x1  }
0x26a: {  	v1 =	vld.idx.msk [tilespmem:v1+s15+$0x0], $0xffff;
	_ =	sdelay $0x4  }
0x26b: {  	[tilespmem:s21+$0x1E320] =	vst v1;
	v1 =	vld [tilespmem:s21+$0x1B340]  }
0x26c: {  	v2 =	vld.idx.msk [tilespmem:v2+s15+$0x0], $0xffff;
	_ =	sdelay $0x4  }
0x26d: {  	[tilespmem:s21+$0x1E330] =	vst v2;
	v2 =	vld [tilespmem:s21+$0x1B350];
	_ =	sdelay $0x1  }
0x26e: {  	v1 =	vld.idx.msk [tilespmem:v1+s15+$0x0], $0xffff;
	_ =	sdelay $0x4  }
0x26f: {  	v3 =	vld [tilespmem:s21+$0x1B360];
	[tilespmem:s21+$0x1E340] =	vst v1  }
0x270: {  	v1 =	vld.idx.msk [tilespmem:v2+s15+$0x0], $0xffff;
	_ =	sdelay $0x4  }
0x271: {  	[tilespmem:s21+$0x1E350] =	vst v1;
	v1 =	vld [tilespmem:s21+$0x1B370];
	_ =	sdelay $0x1  }
0x272: {  	v2 =	vld.idx.msk [tilespmem:v3+s15+$0x0], $0xffff;
	_ =	sdelay $0x3  }
0x273: {  	s2 =	simm.s32 $0x400;
	s4 =	simm.s32 $0x80  }
.LBB2_18:
0x274: {  	p0 =	sne.s32 s2, $0x3E00;
	v3 =	vld [tilespmem:s4+$0x1B300];
	[tilespmem:s21+$0x1E360] =	vst v2  }
0x275: {  	v1 =	vld.idx.msk [tilespmem:v1+s15+$0x0], $0xffff;
	_ =	sdelay $0x5  }
0x276: {  	v2 =	vld [tilespmem:s4+$0x1B310];
	[tilespmem:s21+$0x1E370] =	vst v1;
	s21 =	smov.u32 s4  }
0x277: {  	v1 =	vld.idx.msk [tilespmem:v3+s15+$0x0], $0xffff;
	_ =	sdelay $0x5  }
0x278: {  	[tilespmem:s21+$0x1E300] =	vst v1;
	v1 =	vld [tilespmem:s21+$0x1B320]  }
0x279: {  	v2 =	vld.idx.msk [tilespmem:v2+s15+$0x0], $0xffff;
	_ =	sdelay $0x5  }
0x27a: {  	[tilespmem:s21+$0x1E310] =	vst v2;
	v2 =	vld [tilespmem:s21+$0x1B330]  }
0x27b: {  	v1 =	vld.idx.msk [tilespmem:v1+s15+$0x0], $0xffff;
	_ =	sdelay $0x5  }
0x27c: {  	[tilespmem:s21+$0x1E320] =	vst v1;
	v1 =	vld [tilespmem:s21+$0x1B340]  }
0x27d: {  	v2 =	vld.idx.msk [tilespmem:v2+s15+$0x0], $0xffff;
	_ =	sdelay $0x5  }
0x27e: {  	[tilespmem:s21+$0x1E330] =	vst v2;
	v2 =	vld [tilespmem:s21+$0x1B350]  }
0x27f: {  	v1 =	vld.idx.msk [tilespmem:v1+s15+$0x0], $0xffff;
	_ =	sdelay $0x5  }
0x280: {  	[tilespmem:s21+$0x1E340] =	vst v1;
	v3 =	vld [tilespmem:s21+$0x1B360]  }
0x281: {  	v1 =	vld.idx.msk [tilespmem:v2+s15+$0x0], $0xffff;
	_ =	sdelay $0x5  }
0x282: {  	[tilespmem:s21+$0x1E350] =	vst v1;
	v1 =	vld [tilespmem:s21+$0x1B370]  }
0x283: {  	v2 =	vld.idx.msk [tilespmem:v3+s15+$0x0], $0xffff  }
.Ltmp8:
0x284: {  	(pc) =	sbr.rel @p0 .LBB2_18-.Ltmp8, $2  }
0x285: {  	_ =	sdelay $0x2  }
0x286: {  	s4 =	sshra.s32 s2, $0x2;
	s2 =	sadd.s32 $0x200, s2  }
0x287: {  	_ =	sdelay $0x1  }
0x288: {  	v3 =	vld [tilespmem:s4+$0x1B300]  }
0x289: {  	[tilespmem:s21+$0x1E360] =	vst v2  }
0x28a: {  	v1 =	vld.idx.msk [tilespmem:v1+s15+$0x0], $0xffff;
	_ =	sdelay $0x3  }
0x28b: {  	v2 =	vld [tilespmem:s4+$0x1B310]  }
0x28c: {  	[tilespmem:s21+$0x1E370] =	vst v1  }
0x28d: {  	v1 =	vld.idx.msk [tilespmem:v3+s15+$0x0], $0xffff;
	_ =	sdelay $0x4  }
0x28e: {  	[tilespmem:s4+$0x1E300] =	vst v1;
	v1 =	vld [tilespmem:s4+$0x1B320]  }
0x28f: {  	v2 =	vld.idx.msk [tilespmem:v2+s15+$0x0], $0xffff;
	_ =	sdelay $0x4  }
0x290: {  	[tilespmem:s4+$0x1E310] =	vst v2;
	v2 =	vld [tilespmem:s4+$0x1B330];
	_ =	sdelay $0x1  }
0x291: {  	v1 =	vld.idx.msk [tilespmem:v1+s15+$0x0], $0xffff;
	_ =	sdelay $0x4  }
0x292: {  	[tilespmem:s4+$0x1E320] =	vst v1;
	v1 =	vld [tilespmem:s4+$0x1B340]  }
0x293: {  	v2 =	vld.idx.msk [tilespmem:v2+s15+$0x0], $0xffff;
	_ =	sdelay $0x4  }
0x294: {  	[tilespmem:s4+$0x1E330] =	vst v2;
	v2 =	vld [tilespmem:s4+$0x1B350];
	_ =	sdelay $0x1  }
0x295: {  	v1 =	vld.idx.msk [tilespmem:v1+s15+$0x0], $0xffff;
	_ =	sdelay $0x4  }
0x296: {  	[tilespmem:s4+$0x1E340] =	vst v1;
	v1 =	vld [tilespmem:s4+$0x1B360]  }
0x297: {  	v2 =	vld.idx.msk [tilespmem:v2+s15+$0x0], $0xffff;
	_ =	sdelay $0x4  }
0x298: {  	[tilespmem:s4+$0x1E350] =	vst v2;
	v2 =	vld [tilespmem:s4+$0x1B370];
	_ =	sdelay $0x1  }
0x299: {  	v1 =	vld.idx.msk [tilespmem:v1+s15+$0x0], $0xffff;
	_ =	sdelay $0x4  }
0x29a: {  	[tilespmem:s4+$0x1E360] =	vst v1  }
0x29b: {  	v1 =	vld.idx.msk [tilespmem:v2+s15+$0x0], $0xffff;
	_ =	sdelay $0x4  }
0x29c: {  	s2 =	rddreg [dreg:$0x17];
	[tilespmem:s4+$0x1E370] =	vst v1  }
0x29d: {  	[hbm4b:s2+s13] =	stream.strided.scatter [tilespmem:s28], [sflag:$0x3], $0x1000, s14, s13, $0x38;
	[tilespmem:$0x1F300] =	vst v63  }
0x29e: {  	s21 =	simm.s32 $0x0  }
0x29f: {  	[tilespmem:s19], [sflag:$0x2] =	stream.linear.gather [hbm4b:s6+s21], $0x1000, $0x38;
	[tilespmem:$0x1F300] =	vst v63  }
0x2a0: {  	_ =	swait.ge [sflag:s23], $0x1000  }
0x2a1: {  	[sflag:s23] =	ssyncset.done $0x0  }
0x2a2: {  	[sflag:s23] =	ssyncadd.s32 $0xFFFFF000  }
0x2a3: {  	_ =	swait.ge [sflag:s30], $0x1000  }
0x2a4: {  	[sflag:s30] =	ssyncset.done $0x0  }
0x2a5: {  	s21 =	simm.s32 $0x0;
	[sflag:s30] =	ssyncadd.s32 $0xFFFFF000  }
0x2a6: {  	v1 =	vld [tilespmem:s21+$0x19300];
	_ =	sdelay $0x5  }
0x2a7: {  	v2 =	vld [tilespmem:s21+$0x19310];
	_ =	sdelay $0x1  }
0x2a8: {  	v1 =	vld.idx.msk [tilespmem:v1+s15+$0x0], $0xffff;
	_ =	sdelay $0x4  }
0x2a9: {  	[tilespmem:s21+$0x1C300] =	vst v1;
	v1 =	vld [tilespmem:s21+$0x19320]  }
0x2aa: {  	v2 =	vld.idx.msk [tilespmem:v2+s15+$0x0], $0xffff;
	_ =	sdelay $0x4  }
0x2ab: {  	[tilespmem:s21+$0x1C310] =	vst v2;
	v2 =	vld [tilespmem:s21+$0x19330];
	_ =	sdelay $0x1  }
0x2ac: {  	v1 =	vld.idx.msk [tilespmem:v1+s15+$0x0], $0xffff;
	_ =	sdelay $0x4  }
0x2ad: {  	[tilespmem:s21+$0x1C320] =	vst v1;
	v1 =	vld [tilespmem:s21+$0x19340]  }
0x2ae: {  	v2 =	vld.idx.msk [tilespmem:v2+s15+$0x0], $0xffff;
	_ =	sdelay $0x4  }
0x2af: {  	[tilespmem:s21+$0x1C330] =	vst v2;
	v2 =	vld [tilespmem:s21+$0x19350];
	_ =	sdelay $0x1  }
0x2b0: {  	v1 =	vld.idx.msk [tilespmem:v1+s15+$0x0], $0xffff;
	_ =	sdelay $0x4  }
0x2b1: {  	v3 =	vld [tilespmem:s21+$0x19360];
	[tilespmem:s21+$0x1C340] =	vst v1  }
0x2b2: {  	v1 =	vld.idx.msk [tilespmem:v2+s15+$0x0], $0xffff;
	_ =	sdelay $0x4  }
0x2b3: {  	[tilespmem:s21+$0x1C350] =	vst v1;
	v1 =	vld [tilespmem:s21+$0x19370];
	_ =	sdelay $0x1  }
0x2b4: {  	v2 =	vld.idx.msk [tilespmem:v3+s15+$0x0], $0xffff;
	_ =	sdelay $0x3  }
0x2b5: {  	s4 =	simm.s32 $0x80;
	s2 =	simm.s32 $0x400  }
.LBB2_20:
0x2b6: {  	p0 =	sne.s32 s2, $0x3E00;
	v3 =	vld [tilespmem:s4+$0x19300];
	[tilespmem:s21+$0x1C360] =	vst v2  }
0x2b7: {  	v1 =	vld.idx.msk [tilespmem:v1+s15+$0x0], $0xffff;
	_ =	sdelay $0x5  }
0x2b8: {  	v2 =	vld [tilespmem:s4+$0x19310];
	[tilespmem:s21+$0x1C370] =	vst v1;
	s21 =	smov.u32 s4  }
0x2b9: {  	v1 =	vld.idx.msk [tilespmem:v3+s15+$0x0], $0xffff;
	_ =	sdelay $0x5  }
0x2ba: {  	[tilespmem:s21+$0x1C300] =	vst v1;
	v1 =	vld [tilespmem:s21+$0x19320]  }
0x2bb: {  	v2 =	vld.idx.msk [tilespmem:v2+s15+$0x0], $0xffff;
	_ =	sdelay $0x5  }
0x2bc: {  	[tilespmem:s21+$0x1C310] =	vst v2;
	v2 =	vld [tilespmem:s21+$0x19330]  }
0x2bd: {  	v1 =	vld.idx.msk [tilespmem:v1+s15+$0x0], $0xffff;
	_ =	sdelay $0x5  }
0x2be: {  	[tilespmem:s21+$0x1C320] =	vst v1;
	v1 =	vld [tilespmem:s21+$0x19340]  }
0x2bf: {  	v2 =	vld.idx.msk [tilespmem:v2+s15+$0x0], $0xffff;
	_ =	sdelay $0x5  }
0x2c0: {  	[tilespmem:s21+$0x1C330] =	vst v2;
	v2 =	vld [tilespmem:s21+$0x19350]  }
0x2c1: {  	v1 =	vld.idx.msk [tilespmem:v1+s15+$0x0], $0xffff;
	_ =	sdelay $0x5  }
0x2c2: {  	[tilespmem:s21+$0x1C340] =	vst v1;
	v3 =	vld [tilespmem:s21+$0x19360]  }
0x2c3: {  	v1 =	vld.idx.msk [tilespmem:v2+s15+$0x0], $0xffff;
	_ =	sdelay $0x5  }
0x2c4: {  	[tilespmem:s21+$0x1C350] =	vst v1;
	v1 =	vld [tilespmem:s21+$0x19370]  }
0x2c5: {  	v2 =	vld.idx.msk [tilespmem:v3+s15+$0x0], $0xffff  }
.Ltmp9:
0x2c6: {  	(pc) =	sbr.rel @p0 .LBB2_20-.Ltmp9, $2  }
0x2c7: {  	_ =	sdelay $0x2  }
0x2c8: {  	s4 =	sshra.s32 s2, $0x2;
	s2 =	sadd.s32 $0x200, s2  }
0x2c9: {  	_ =	sdelay $0x1  }
0x2ca: {  	v3 =	vld [tilespmem:s4+$0x19300]  }
0x2cb: {  	[tilespmem:s21+$0x1C360] =	vst v2  }
0x2cc: {  	v1 =	vld.idx.msk [tilespmem:v1+s15+$0x0], $0xffff;
	_ =	sdelay $0x3  }
0x2cd: {  	v2 =	vld [tilespmem:s4+$0x19310]  }
0x2ce: {  	[tilespmem:s21+$0x1C370] =	vst v1  }
0x2cf: {  	v1 =	vld.idx.msk [tilespmem:v3+s15+$0x0], $0xffff;
	_ =	sdelay $0x4  }
0x2d0: {  	[tilespmem:s4+$0x1C300] =	vst v1;
	v1 =	vld [tilespmem:s4+$0x19320]  }
0x2d1: {  	v2 =	vld.idx.msk [tilespmem:v2+s15+$0x0], $0xffff;
	_ =	sdelay $0x4  }
0x2d2: {  	[tilespmem:s4+$0x1C310] =	vst v2;
	v2 =	vld [tilespmem:s4+$0x19330];
	_ =	sdelay $0x1  }
0x2d3: {  	v1 =	vld.idx.msk [tilespmem:v1+s15+$0x0], $0xffff;
	_ =	sdelay $0x4  }
0x2d4: {  	[tilespmem:s4+$0x1C320] =	vst v1;
	v1 =	vld [tilespmem:s4+$0x19340]  }
0x2d5: {  	v2 =	vld.idx.msk [tilespmem:v2+s15+$0x0], $0xffff;
	_ =	sdelay $0x4  }
0x2d6: {  	[tilespmem:s4+$0x1C330] =	vst v2;
	v2 =	vld [tilespmem:s4+$0x19350];
	_ =	sdelay $0x1  }
0x2d7: {  	v1 =	vld.idx.msk [tilespmem:v1+s15+$0x0], $0xffff;
	_ =	sdelay $0x4  }
0x2d8: {  	[tilespmem:s4+$0x1C340] =	vst v1;
	v1 =	vld [tilespmem:s4+$0x19360]  }
0x2d9: {  	v2 =	vld.idx.msk [tilespmem:v2+s15+$0x0], $0xffff;
	_ =	sdelay $0x4  }
0x2da: {  	[tilespmem:s4+$0x1C350] =	vst v2;
	v2 =	vld [tilespmem:s4+$0x19370];
	_ =	sdelay $0x1  }
0x2db: {  	v1 =	vld.idx.msk [tilespmem:v1+s15+$0x0], $0xffff;
	_ =	sdelay $0x4  }
0x2dc: {  	[tilespmem:s4+$0x1C360] =	vst v1  }
0x2dd: {  	v1 =	vld.idx.msk [tilespmem:v2+s15+$0x0], $0xffff;
	_ =	sdelay $0x4  }
0x2de: {  	s2 =	rddreg [dreg:$0x18];
	[tilespmem:s4+$0x1C370] =	vst v1  }
0x2df: {  	[hbm4b:s2+s13] =	stream.strided.scatter [tilespmem:s24], [sflag:$0x3], $0x1000, s14, s13, $0x38;
	[tilespmem:$0x1F300] =	vst v63  }
0x2e0: {  	s21 =	rddreg [dreg:$0x3];
	s4 =	simm.s32 $0x0  }
0x2e1: {  	[tilespmem:s17], [sflag:$0x2] =	stream.linear.gather [hbm4b:s21+s4], $0x1000, $0x38;
	[tilespmem:$0x1F300] =	vst v63  }
0x2e2: {  	_ =	swait.ge [sflag:s23], $0x1000  }
0x2e3: {  	[sflag:s23] =	ssyncset.done $0x0  }
0x2e4: {  	[sflag:s23] =	ssyncadd.s32 $0xFFFFF000  }
0x2e5: {  	_ =	swait.ge [sflag:s30], $0x1000  }
0x2e6: {  	[sflag:s30] =	ssyncset.done $0x0  }
0x2e7: {  	s21 =	simm.s32 $0x0;
	[sflag:s30] =	ssyncadd.s32 $0xFFFFF000  }
0x2e8: {  	v1 =	vld [tilespmem:s21+$0x1A300];
	_ =	sdelay $0x5  }
0x2e9: {  	v2 =	vld [tilespmem:s21+$0x1A310];
	_ =	sdelay $0x1  }
0x2ea: {  	v1 =	vld.idx.msk [tilespmem:v1+s15+$0x0], $0xffff;
	_ =	sdelay $0x4  }
0x2eb: {  	[tilespmem:s21+$0x1D300] =	vst v1;
	v1 =	vld [tilespmem:s21+$0x1A320]  }
0x2ec: {  	v2 =	vld.idx.msk [tilespmem:v2+s15+$0x0], $0xffff;
	_ =	sdelay $0x4  }
0x2ed: {  	[tilespmem:s21+$0x1D310] =	vst v2;
	v2 =	vld [tilespmem:s21+$0x1A330];
	_ =	sdelay $0x1  }
0x2ee: {  	v1 =	vld.idx.msk [tilespmem:v1+s15+$0x0], $0xffff;
	_ =	sdelay $0x4  }
0x2ef: {  	[tilespmem:s21+$0x1D320] =	vst v1;
	v1 =	vld [tilespmem:s21+$0x1A340]  }
0x2f0: {  	v2 =	vld.idx.msk [tilespmem:v2+s15+$0x0], $0xffff;
	_ =	sdelay $0x4  }
0x2f1: {  	[tilespmem:s21+$0x1D330] =	vst v2;
	v2 =	vld [tilespmem:s21+$0x1A350];
	_ =	sdelay $0x1  }
0x2f2: {  	v1 =	vld.idx.msk [tilespmem:v1+s15+$0x0], $0xffff;
	_ =	sdelay $0x4  }
0x2f3: {  	v3 =	vld [tilespmem:s21+$0x1A360];
	[tilespmem:s21+$0x1D340] =	vst v1  }
0x2f4: {  	v1 =	vld.idx.msk [tilespmem:v2+s15+$0x0], $0xffff;
	_ =	sdelay $0x4  }
0x2f5: {  	[tilespmem:s21+$0x1D350] =	vst v1;
	v1 =	vld [tilespmem:s21+$0x1A370];
	_ =	sdelay $0x1  }
0x2f6: {  	v2 =	vld.idx.msk [tilespmem:v3+s15+$0x0], $0xffff;
	_ =	sdelay $0x3  }
0x2f7: {  	s2 =	simm.s32 $0x400;
	s4 =	simm.s32 $0x80  }
.LBB2_22:
0x2f8: {  	p0 =	sne.s32 s2, $0x3E00;
	v3 =	vld [tilespmem:s4+$0x1A300];
	[tilespmem:s21+$0x1D360] =	vst v2  }
0x2f9: {  	v1 =	vld.idx.msk [tilespmem:v1+s15+$0x0], $0xffff;
	_ =	sdelay $0x5  }
0x2fa: {  	v2 =	vld [tilespmem:s4+$0x1A310];
	[tilespmem:s21+$0x1D370] =	vst v1;
	s21 =	smov.u32 s4  }
0x2fb: {  	v1 =	vld.idx.msk [tilespmem:v3+s15+$0x0], $0xffff;
	_ =	sdelay $0x5  }
0x2fc: {  	[tilespmem:s21+$0x1D300] =	vst v1;
	v1 =	vld [tilespmem:s21+$0x1A320]  }
0x2fd: {  	v2 =	vld.idx.msk [tilespmem:v2+s15+$0x0], $0xffff;
	_ =	sdelay $0x5  }
0x2fe: {  	[tilespmem:s21+$0x1D310] =	vst v2;
	v2 =	vld [tilespmem:s21+$0x1A330]  }
0x2ff: {  	v1 =	vld.idx.msk [tilespmem:v1+s15+$0x0], $0xffff;
	_ =	sdelay $0x5  }
0x300: {  	[tilespmem:s21+$0x1D320] =	vst v1;
	v1 =	vld [tilespmem:s21+$0x1A340]  }
0x301: {  	v2 =	vld.idx.msk [tilespmem:v2+s15+$0x0], $0xffff;
	_ =	sdelay $0x5  }
0x302: {  	[tilespmem:s21+$0x1D330] =	vst v2;
	v2 =	vld [tilespmem:s21+$0x1A350]  }
0x303: {  	v1 =	vld.idx.msk [tilespmem:v1+s15+$0x0], $0xffff;
	_ =	sdelay $0x5  }
0x304: {  	[tilespmem:s21+$0x1D340] =	vst v1;
	v3 =	vld [tilespmem:s21+$0x1A360]  }
0x305: {  	v1 =	vld.idx.msk [tilespmem:v2+s15+$0x0], $0xffff;
	_ =	sdelay $0x5  }
0x306: {  	[tilespmem:s21+$0x1D350] =	vst v1;
	v1 =	vld [tilespmem:s21+$0x1A370]  }
0x307: {  	v2 =	vld.idx.msk [tilespmem:v3+s15+$0x0], $0xffff  }
.Ltmp10:
0x308: {  	(pc) =	sbr.rel @p0 .LBB2_22-.Ltmp10, $2  }
0x309: {  	_ =	sdelay $0x2  }
0x30a: {  	s4 =	sshra.s32 s2, $0x2;
	s2 =	sadd.s32 $0x200, s2  }
0x30b: {  	_ =	sdelay $0x1  }
0x30c: {  	v3 =	vld [tilespmem:s4+$0x1A300]  }
0x30d: {  	[tilespmem:s21+$0x1D360] =	vst v2  }
0x30e: {  	v1 =	vld.idx.msk [tilespmem:v1+s15+$0x0], $0xffff;
	_ =	sdelay $0x3  }
0x30f: {  	v2 =	vld [tilespmem:s4+$0x1A310]  }
0x310: {  	[tilespmem:s21+$0x1D370] =	vst v1  }
0x311: {  	v1 =	vld.idx.msk [tilespmem:v3+s15+$0x0], $0xffff;
	_ =	sdelay $0x4  }
0x312: {  	[tilespmem:s4+$0x1D300] =	vst v1;
	v1 =	vld [tilespmem:s4+$0x1A320]  }
0x313: {  	v2 =	vld.idx.msk [tilespmem:v2+s15+$0x0], $0xffff;
	_ =	sdelay $0x4  }
0x314: {  	[tilespmem:s4+$0x1D310] =	vst v2;
	v2 =	vld [tilespmem:s4+$0x1A330];
	_ =	sdelay $0x1  }
0x315: {  	v1 =	vld.idx.msk [tilespmem:v1+s15+$0x0], $0xffff;
	_ =	sdelay $0x4  }
0x316: {  	[tilespmem:s4+$0x1D320] =	vst v1;
	v1 =	vld [tilespmem:s4+$0x1A340]  }
0x317: {  	v2 =	vld.idx.msk [tilespmem:v2+s15+$0x0], $0xffff;
	_ =	sdelay $0x4  }
0x318: {  	[tilespmem:s4+$0x1D330] =	vst v2;
	v2 =	vld [tilespmem:s4+$0x1A350];
	_ =	sdelay $0x1  }
0x319: {  	v1 =	vld.idx.msk [tilespmem:v1+s15+$0x0], $0xffff;
	_ =	sdelay $0x4  }
0x31a: {  	[tilespmem:s4+$0x1D340] =	vst v1;
	v1 =	vld [tilespmem:s4+$0x1A360]  }
0x31b: {  	v2 =	vld.idx.msk [tilespmem:v2+s15+$0x0], $0xffff;
	_ =	sdelay $0x4  }
0x31c: {  	[tilespmem:s4+$0x1D350] =	vst v2;
	v2 =	vld [tilespmem:s4+$0x1A370];
	_ =	sdelay $0x1  }
0x31d: {  	v1 =	vld.idx.msk [tilespmem:v1+s15+$0x0], $0xffff;
	_ =	sdelay $0x4  }
0x31e: {  	[tilespmem:s4+$0x1D360] =	vst v1  }
0x31f: {  	v1 =	vld.idx.msk [tilespmem:v2+s15+$0x0], $0xffff;
	_ =	sdelay $0x4  }
0x320: {  	s2 =	rddreg [dreg:$0x19];
	[tilespmem:s4+$0x1D370] =	vst v1  }
0x321: {  	[hbm4b:s2+s13] =	stream.strided.scatter [tilespmem:s26], [sflag:$0x3], $0x1000, s14, s13, $0x38;
	[tilespmem:$0x1F300] =	vst v63  }
0x322: {  	s21 =	simm.s32 $0x0  }
0x323: {  	[tilespmem:s18], [sflag:$0x2] =	stream.linear.gather [hbm4b:s7+s21], $0x1000, $0x38;
	[tilespmem:$0x1F300] =	vst v63  }
0x324: {  	_ =	swait.ge [sflag:s23], $0x1000  }
0x325: {  	[sflag:s23] =	ssyncset.done $0x0  }
0x326: {  	[sflag:s23] =	ssyncadd.s32 $0xFFFFF000  }
0x327: {  	_ =	swait.ge [sflag:s30], $0x1000  }
0x328: {  	[sflag:s30] =	ssyncset.done $0x0  }
0x329: {  	s21 =	simm.s32 $0x0;
	[sflag:s30] =	ssyncadd.s32 $0xFFFFF000  }
0x32a: {  	v1 =	vld [tilespmem:s21+$0x1B300];
	_ =	sdelay $0x5  }
0x32b: {  	v2 =	vld [tilespmem:s21+$0x1B310];
	_ =	sdelay $0x1  }
0x32c: {  	v1 =	vld.idx.msk [tilespmem:v1+s15+$0x0], $0xffff;
	_ =	sdelay $0x4  }
0x32d: {  	[tilespmem:s21+$0x1E300] =	vst v1;
	v1 =	vld [tilespmem:s21+$0x1B320]  }
0x32e: {  	v2 =	vld.idx.msk [tilespmem:v2+s15+$0x0], $0xffff;
	_ =	sdelay $0x4  }
0x32f: {  	[tilespmem:s21+$0x1E310] =	vst v2;
	v2 =	vld [tilespmem:s21+$0x1B330];
	_ =	sdelay $0x1  }
0x330: {  	v1 =	vld.idx.msk [tilespmem:v1+s15+$0x0], $0xffff;
	_ =	sdelay $0x4  }
0x331: {  	[tilespmem:s21+$0x1E320] =	vst v1;
	v1 =	vld [tilespmem:s21+$0x1B340]  }
0x332: {  	v2 =	vld.idx.msk [tilespmem:v2+s15+$0x0], $0xffff;
	_ =	sdelay $0x4  }
0x333: {  	[tilespmem:s21+$0x1E330] =	vst v2;
	v2 =	vld [tilespmem:s21+$0x1B350];
	_ =	sdelay $0x1  }
0x334: {  	v1 =	vld.idx.msk [tilespmem:v1+s15+$0x0], $0xffff;
	_ =	sdelay $0x4  }
0x335: {  	v3 =	vld [tilespmem:s21+$0x1B360];
	[tilespmem:s21+$0x1E340] =	vst v1  }
0x336: {  	v1 =	vld.idx.msk [tilespmem:v2+s15+$0x0], $0xffff;
	_ =	sdelay $0x4  }
0x337: {  	[tilespmem:s21+$0x1E350] =	vst v1;
	v1 =	vld [tilespmem:s21+$0x1B370];
	_ =	sdelay $0x1  }
0x338: {  	v2 =	vld.idx.msk [tilespmem:v3+s15+$0x0], $0xffff;
	_ =	sdelay $0x3  }
0x339: {  	s4 =	simm.s32 $0x80;
	s2 =	simm.s32 $0x400  }
.LBB2_24:
0x33a: {  	p0 =	sne.s32 s2, $0x3E00;
	v3 =	vld [tilespmem:s4+$0x1B300];
	[tilespmem:s21+$0x1E360] =	vst v2  }
0x33b: {  	v1 =	vld.idx.msk [tilespmem:v1+s15+$0x0], $0xffff;
	_ =	sdelay $0x5  }
0x33c: {  	v2 =	vld [tilespmem:s4+$0x1B310];
	[tilespmem:s21+$0x1E370] =	vst v1;
	s21 =	smov.u32 s4  }
0x33d: {  	v1 =	vld.idx.msk [tilespmem:v3+s15+$0x0], $0xffff;
	_ =	sdelay $0x5  }
0x33e: {  	[tilespmem:s21+$0x1E300] =	vst v1;
	v1 =	vld [tilespmem:s21+$0x1B320]  }
0x33f: {  	v2 =	vld.idx.msk [tilespmem:v2+s15+$0x0], $0xffff;
	_ =	sdelay $0x5  }
0x340: {  	[tilespmem:s21+$0x1E310] =	vst v2;
	v2 =	vld [tilespmem:s21+$0x1B330]  }
0x341: {  	v1 =	vld.idx.msk [tilespmem:v1+s15+$0x0], $0xffff;
	_ =	sdelay $0x5  }
0x342: {  	[tilespmem:s21+$0x1E320] =	vst v1;
	v1 =	vld [tilespmem:s21+$0x1B340]  }
0x343: {  	v2 =	vld.idx.msk [tilespmem:v2+s15+$0x0], $0xffff;
	_ =	sdelay $0x5  }
0x344: {  	[tilespmem:s21+$0x1E330] =	vst v2;
	v2 =	vld [tilespmem:s21+$0x1B350]  }
0x345: {  	v1 =	vld.idx.msk [tilespmem:v1+s15+$0x0], $0xffff;
	_ =	sdelay $0x5  }
0x346: {  	[tilespmem:s21+$0x1E340] =	vst v1;
	v3 =	vld [tilespmem:s21+$0x1B360]  }
0x347: {  	v1 =	vld.idx.msk [tilespmem:v2+s15+$0x0], $0xffff;
	_ =	sdelay $0x5  }
0x348: {  	[tilespmem:s21+$0x1E350] =	vst v1;
	v1 =	vld [tilespmem:s21+$0x1B370]  }
0x349: {  	v2 =	vld.idx.msk [tilespmem:v3+s15+$0x0], $0xffff  }
.Ltmp11:
0x34a: {  	(pc) =	sbr.rel @p0 .LBB2_24-.Ltmp11, $2  }
0x34b: {  	_ =	sdelay $0x2  }
0x34c: {  	s4 =	sshra.s32 s2, $0x2;
	s2 =	sadd.s32 $0x200, s2  }
0x34d: {  	_ =	sdelay $0x1  }
0x34e: {  	v3 =	vld [tilespmem:s4+$0x1B300]  }
0x34f: {  	[tilespmem:s21+$0x1E360] =	vst v2  }
0x350: {  	v1 =	vld.idx.msk [tilespmem:v1+s15+$0x0], $0xffff;
	_ =	sdelay $0x3  }
0x351: {  	v2 =	vld [tilespmem:s4+$0x1B310]  }
0x352: {  	[tilespmem:s21+$0x1E370] =	vst v1  }
0x353: {  	v1 =	vld.idx.msk [tilespmem:v3+s15+$0x0], $0xffff;
	_ =	sdelay $0x4  }
0x354: {  	[tilespmem:s4+$0x1E300] =	vst v1;
	v1 =	vld [tilespmem:s4+$0x1B320]  }
0x355: {  	v2 =	vld.idx.msk [tilespmem:v2+s15+$0x0], $0xffff;
	_ =	sdelay $0x4  }
0x356: {  	[tilespmem:s4+$0x1E310] =	vst v2;
	v2 =	vld [tilespmem:s4+$0x1B330];
	_ =	sdelay $0x1  }
0x357: {  	v1 =	vld.idx.msk [tilespmem:v1+s15+$0x0], $0xffff;
	_ =	sdelay $0x4  }
0x358: {  	[tilespmem:s4+$0x1E320] =	vst v1;
	v1 =	vld [tilespmem:s4+$0x1B340]  }
0x359: {  	v2 =	vld.idx.msk [tilespmem:v2+s15+$0x0], $0xffff;
	_ =	sdelay $0x4  }
0x35a: {  	[tilespmem:s4+$0x1E330] =	vst v2;
	v2 =	vld [tilespmem:s4+$0x1B350];
	_ =	sdelay $0x1  }
0x35b: {  	v1 =	vld.idx.msk [tilespmem:v1+s15+$0x0], $0xffff;
	_ =	sdelay $0x4  }
0x35c: {  	[tilespmem:s4+$0x1E340] =	vst v1;
	v1 =	vld [tilespmem:s4+$0x1B360]  }
0x35d: {  	v2 =	vld.idx.msk [tilespmem:v2+s15+$0x0], $0xffff;
	_ =	sdelay $0x4  }
0x35e: {  	[tilespmem:s4+$0x1E350] =	vst v2;
	v2 =	vld [tilespmem:s4+$0x1B370];
	_ =	sdelay $0x1  }
0x35f: {  	v1 =	vld.idx.msk [tilespmem:v1+s15+$0x0], $0xffff;
	_ =	sdelay $0x4  }
0x360: {  	[tilespmem:s4+$0x1E360] =	vst v1  }
0x361: {  	v1 =	vld.idx.msk [tilespmem:v2+s15+$0x0], $0xffff;
	_ =	sdelay $0x4  }
0x362: {  	s2 =	rddreg [dreg:$0x1a];
	[tilespmem:s4+$0x1E370] =	vst v1  }
0x363: {  	[hbm4b:s2+s13] =	stream.strided.scatter [tilespmem:s28], [sflag:$0x3], $0x1000, s14, s13, $0x38;
	[tilespmem:$0x1F300] =	vst v63  }
0x364: {  	s21 =	simm.s32 $0x0  }
0x365: {  	[tilespmem:s19], [sflag:$0x2] =	stream.linear.gather [hbm4b:s8+s21], $0x1000, $0x38;
	[tilespmem:$0x1F300] =	vst v63  }
0x366: {  	_ =	swait.ge [sflag:s20], $0x400  }
0x367: {  	[sflag:s20] =	ssyncset.done $0x0  }
0x368: {  	[sflag:s20] =	ssyncadd.s32 $0xFFFFFC00  }
0x369: {  	v1 =	vld [tilespmem:$0x18F00];
	_ =	sdelay $0x4  }
0x36a: {  	v1 =	vmul.f32 v0, v1;
	_ =	sdelay $0x1  }
0x36b: {  	[tilespmem:$0x18F00] =	vst v1  }
0x36c: {  	_ =	swait.ge [sflag:s23], $0x1000  }
0x36d: {  	[sflag:s23] =	ssyncset.done $0x0  }
0x36e: {  	[sflag:s23] =	ssyncadd.s32 $0xFFFFF000  }
0x36f: {  	_ =	swait.ge [sflag:s30], $0x1000  }
0x370: {  	[sflag:s30] =	ssyncset.done $0x0  }
0x371: {  	s21 =	simm.s32 $0x0;
	[sflag:s30] =	ssyncadd.s32 $0xFFFFF000  }
0x372: {  	v1 =	vld [tilespmem:s21+$0x19300];
	_ =	sdelay $0x5  }
0x373: {  	v2 =	vld [tilespmem:s21+$0x19310];
	_ =	sdelay $0x1  }
0x374: {  	v1 =	vld.idx.msk [tilespmem:v1+s16+$0x0], $0xffff;
	_ =	sdelay $0x4  }
0x375: {  	[tilespmem:s21+$0x1C300] =	vst v1;
	v1 =	vld [tilespmem:s21+$0x19320]  }
0x376: {  	v2 =	vld.idx.msk [tilespmem:v2+s16+$0x0], $0xffff;
	_ =	sdelay $0x4  }
0x377: {  	[tilespmem:s21+$0x1C310] =	vst v2;
	v2 =	vld [tilespmem:s21+$0x19330];
	_ =	sdelay $0x1  }
0x378: {  	v1 =	vld.idx.msk [tilespmem:v1+s16+$0x0], $0xffff;
	_ =	sdelay $0x4  }
0x379: {  	[tilespmem:s21+$0x1C320] =	vst v1;
	v1 =	vld [tilespmem:s21+$0x19340]  }
0x37a: {  	v2 =	vld.idx.msk [tilespmem:v2+s16+$0x0], $0xffff;
	_ =	sdelay $0x4  }
0x37b: {  	[tilespmem:s21+$0x1C330] =	vst v2;
	v2 =	vld [tilespmem:s21+$0x19350];
	_ =	sdelay $0x1  }
0x37c: {  	v1 =	vld.idx.msk [tilespmem:v1+s16+$0x0], $0xffff;
	_ =	sdelay $0x4  }
0x37d: {  	v3 =	vld [tilespmem:s21+$0x19360];
	[tilespmem:s21+$0x1C340] =	vst v1  }
0x37e: {  	v1 =	vld.idx.msk [tilespmem:v2+s16+$0x0], $0xffff;
	_ =	sdelay $0x4  }
0x37f: {  	[tilespmem:s21+$0x1C350] =	vst v1;
	v1 =	vld [tilespmem:s21+$0x19370];
	_ =	sdelay $0x1  }
0x380: {  	v2 =	vld.idx.msk [tilespmem:v3+s16+$0x0], $0xffff;
	_ =	sdelay $0x3  }
0x381: {  	s4 =	simm.s32 $0x80;
	s2 =	simm.s32 $0x400  }
.LBB2_26:
0x382: {  	p0 =	sne.s32 s2, $0x3E00;
	v3 =	vld [tilespmem:s4+$0x19300];
	[tilespmem:s21+$0x1C360] =	vst v2  }
0x383: {  	v1 =	vld.idx.msk [tilespmem:v1+s16+$0x0], $0xffff;
	_ =	sdelay $0x5  }
0x384: {  	v2 =	vld [tilespmem:s4+$0x19310];
	[tilespmem:s21+$0x1C370] =	vst v1;
	s21 =	smov.u32 s4  }
0x385: {  	v1 =	vld.idx.msk [tilespmem:v3+s16+$0x0], $0xffff;
	_ =	sdelay $0x5  }
0x386: {  	[tilespmem:s21+$0x1C300] =	vst v1;
	v1 =	vld [tilespmem:s21+$0x19320]  }
0x387: {  	v2 =	vld.idx.msk [tilespmem:v2+s16+$0x0], $0xffff;
	_ =	sdelay $0x5  }
0x388: {  	[tilespmem:s21+$0x1C310] =	vst v2;
	v2 =	vld [tilespmem:s21+$0x19330]  }
0x389: {  	v1 =	vld.idx.msk [tilespmem:v1+s16+$0x0], $0xffff;
	_ =	sdelay $0x5  }
0x38a: {  	[tilespmem:s21+$0x1C320] =	vst v1;
	v1 =	vld [tilespmem:s21+$0x19340]  }
0x38b: {  	v2 =	vld.idx.msk [tilespmem:v2+s16+$0x0], $0xffff;
	_ =	sdelay $0x5  }
0x38c: {  	[tilespmem:s21+$0x1C330] =	vst v2;
	v2 =	vld [tilespmem:s21+$0x19350]  }
0x38d: {  	v1 =	vld.idx.msk [tilespmem:v1+s16+$0x0], $0xffff;
	_ =	sdelay $0x5  }
0x38e: {  	[tilespmem:s21+$0x1C340] =	vst v1;
	v3 =	vld [tilespmem:s21+$0x19360]  }
0x38f: {  	v1 =	vld.idx.msk [tilespmem:v2+s16+$0x0], $0xffff;
	_ =	sdelay $0x5  }
0x390: {  	[tilespmem:s21+$0x1C350] =	vst v1;
	v1 =	vld [tilespmem:s21+$0x19370]  }
0x391: {  	v2 =	vld.idx.msk [tilespmem:v3+s16+$0x0], $0xffff  }
.Ltmp12:
0x392: {  	(pc) =	sbr.rel @p0 .LBB2_26-.Ltmp12, $2  }
0x393: {  	_ =	sdelay $0x2  }
0x394: {  	s4 =	sshra.s32 s2, $0x2;
	s2 =	sadd.s32 $0x200, s2  }
0x395: {  	_ =	sdelay $0x1  }
0x396: {  	v3 =	vld [tilespmem:s4+$0x19300]  }
0x397: {  	[tilespmem:s21+$0x1C360] =	vst v2  }
0x398: {  	v1 =	vld.idx.msk [tilespmem:v1+s16+$0x0], $0xffff;
	_ =	sdelay $0x3  }
0x399: {  	v2 =	vld [tilespmem:s4+$0x19310]  }
0x39a: {  	[tilespmem:s21+$0x1C370] =	vst v1  }
0x39b: {  	v1 =	vld.idx.msk [tilespmem:v3+s16+$0x0], $0xffff;
	_ =	sdelay $0x4  }
0x39c: {  	[tilespmem:s4+$0x1C300] =	vst v1;
	v1 =	vld [tilespmem:s4+$0x19320]  }
0x39d: {  	v2 =	vld.idx.msk [tilespmem:v2+s16+$0x0], $0xffff;
	_ =	sdelay $0x4  }
0x39e: {  	[tilespmem:s4+$0x1C310] =	vst v2;
	v2 =	vld [tilespmem:s4+$0x19330];
	_ =	sdelay $0x1  }
0x39f: {  	v1 =	vld.idx.msk [tilespmem:v1+s16+$0x0], $0xffff;
	_ =	sdelay $0x4  }
0x3a0: {  	[tilespmem:s4+$0x1C320] =	vst v1;
	v1 =	vld [tilespmem:s4+$0x19340]  }
0x3a1: {  	v2 =	vld.idx.msk [tilespmem:v2+s16+$0x0], $0xffff;
	_ =	sdelay $0x4  }
0x3a2: {  	[tilespmem:s4+$0x1C330] =	vst v2;
	v2 =	vld [tilespmem:s4+$0x19350];
	_ =	sdelay $0x1  }
0x3a3: {  	v1 =	vld.idx.msk [tilespmem:v1+s16+$0x0], $0xffff;
	_ =	sdelay $0x4  }
0x3a4: {  	[tilespmem:s4+$0x1C340] =	vst v1;
	v1 =	vld [tilespmem:s4+$0x19360]  }
0x3a5: {  	v2 =	vld.idx.msk [tilespmem:v2+s16+$0x0], $0xffff;
	_ =	sdelay $0x4  }
0x3a6: {  	[tilespmem:s4+$0x1C350] =	vst v2;
	v2 =	vld [tilespmem:s4+$0x19370];
	_ =	sdelay $0x1  }
0x3a7: {  	v1 =	vld.idx.msk [tilespmem:v1+s16+$0x0], $0xffff;
	_ =	sdelay $0x4  }
0x3a8: {  	[tilespmem:s4+$0x1C360] =	vst v1  }
0x3a9: {  	v1 =	vld.idx.msk [tilespmem:v2+s16+$0x0], $0xffff;
	_ =	sdelay $0x4  }
0x3aa: {  	s2 =	rddreg [dreg:$0x1b];
	[tilespmem:s4+$0x1C370] =	vst v1  }
0x3ab: {  	[hbm4b:s2+s13] =	stream.strided.scatter [tilespmem:s24], [sflag:$0x3], $0x1000, s14, s13, $0x38;
	[tilespmem:$0x1F300] =	vst v63  }
0x3ac: {  	s21 =	simm.s32 $0x0  }
0x3ad: {  	[tilespmem:s17], [sflag:$0x2] =	stream.linear.gather [hbm4b:s9+s21], $0x1000, $0x38;
	[tilespmem:$0x1F300] =	vst v63  }
0x3ae: {  	_ =	swait.ge [sflag:s23], $0x1000  }
0x3af: {  	[sflag:s23] =	ssyncset.done $0x0  }
0x3b0: {  	[sflag:s23] =	ssyncadd.s32 $0xFFFFF000  }
0x3b1: {  	_ =	swait.ge [sflag:s30], $0x1000  }
0x3b2: {  	[sflag:s30] =	ssyncset.done $0x0  }
0x3b3: {  	s21 =	simm.s32 $0x0;
	[sflag:s30] =	ssyncadd.s32 $0xFFFFF000  }
0x3b4: {  	v1 =	vld [tilespmem:s21+$0x1A300];
	_ =	sdelay $0x5  }
0x3b5: {  	v2 =	vld [tilespmem:s21+$0x1A310];
	_ =	sdelay $0x1  }
0x3b6: {  	v1 =	vld.idx.msk [tilespmem:v1+s16+$0x0], $0xffff;
	_ =	sdelay $0x4  }
0x3b7: {  	[tilespmem:s21+$0x1D300] =	vst v1;
	v1 =	vld [tilespmem:s21+$0x1A320]  }
0x3b8: {  	v2 =	vld.idx.msk [tilespmem:v2+s16+$0x0], $0xffff;
	_ =	sdelay $0x4  }
0x3b9: {  	[tilespmem:s21+$0x1D310] =	vst v2;
	v2 =	vld [tilespmem:s21+$0x1A330];
	_ =	sdelay $0x1  }
0x3ba: {  	v1 =	vld.idx.msk [tilespmem:v1+s16+$0x0], $0xffff;
	_ =	sdelay $0x4  }
0x3bb: {  	[tilespmem:s21+$0x1D320] =	vst v1;
	v1 =	vld [tilespmem:s21+$0x1A340]  }
0x3bc: {  	v2 =	vld.idx.msk [tilespmem:v2+s16+$0x0], $0xffff;
	_ =	sdelay $0x4  }
0x3bd: {  	[tilespmem:s21+$0x1D330] =	vst v2;
	v2 =	vld [tilespmem:s21+$0x1A350];
	_ =	sdelay $0x1  }
0x3be: {  	v1 =	vld.idx.msk [tilespmem:v1+s16+$0x0], $0xffff;
	_ =	sdelay $0x4  }
0x3bf: {  	v3 =	vld [tilespmem:s21+$0x1A360];
	[tilespmem:s21+$0x1D340] =	vst v1  }
0x3c0: {  	v1 =	vld.idx.msk [tilespmem:v2+s16+$0x0], $0xffff;
	_ =	sdelay $0x4  }
0x3c1: {  	[tilespmem:s21+$0x1D350] =	vst v1;
	v1 =	vld [tilespmem:s21+$0x1A370];
	_ =	sdelay $0x1  }
0x3c2: {  	v2 =	vld.idx.msk [tilespmem:v3+s16+$0x0], $0xffff;
	_ =	sdelay $0x3  }
0x3c3: {  	s4 =	simm.s32 $0x80;
	s2 =	simm.s32 $0x400  }
.LBB2_28:
0x3c4: {  	p0 =	sne.s32 s2, $0x3E00;
	v3 =	vld [tilespmem:s4+$0x1A300];
	[tilespmem:s21+$0x1D360] =	vst v2  }
0x3c5: {  	v1 =	vld.idx.msk [tilespmem:v1+s16+$0x0], $0xffff;
	_ =	sdelay $0x5  }
0x3c6: {  	v2 =	vld [tilespmem:s4+$0x1A310];
	[tilespmem:s21+$0x1D370] =	vst v1;
	s21 =	smov.u32 s4  }
0x3c7: {  	v1 =	vld.idx.msk [tilespmem:v3+s16+$0x0], $0xffff;
	_ =	sdelay $0x5  }
0x3c8: {  	[tilespmem:s21+$0x1D300] =	vst v1;
	v1 =	vld [tilespmem:s21+$0x1A320]  }
0x3c9: {  	v2 =	vld.idx.msk [tilespmem:v2+s16+$0x0], $0xffff;
	_ =	sdelay $0x5  }
0x3ca: {  	[tilespmem:s21+$0x1D310] =	vst v2;
	v2 =	vld [tilespmem:s21+$0x1A330]  }
0x3cb: {  	v1 =	vld.idx.msk [tilespmem:v1+s16+$0x0], $0xffff;
	_ =	sdelay $0x5  }
0x3cc: {  	[tilespmem:s21+$0x1D320] =	vst v1;
	v1 =	vld [tilespmem:s21+$0x1A340]  }
0x3cd: {  	v2 =	vld.idx.msk [tilespmem:v2+s16+$0x0], $0xffff;
	_ =	sdelay $0x5  }
0x3ce: {  	[tilespmem:s21+$0x1D330] =	vst v2;
	v2 =	vld [tilespmem:s21+$0x1A350]  }
0x3cf: {  	v1 =	vld.idx.msk [tilespmem:v1+s16+$0x0], $0xffff;
	_ =	sdelay $0x5  }
0x3d0: {  	[tilespmem:s21+$0x1D340] =	vst v1;
	v3 =	vld [tilespmem:s21+$0x1A360]  }
0x3d1: {  	v1 =	vld.idx.msk [tilespmem:v2+s16+$0x0], $0xffff;
	_ =	sdelay $0x5  }
0x3d2: {  	[tilespmem:s21+$0x1D350] =	vst v1;
	v1 =	vld [tilespmem:s21+$0x1A370]  }
0x3d3: {  	v2 =	vld.idx.msk [tilespmem:v3+s16+$0x0], $0xffff  }
.Ltmp13:
0x3d4: {  	(pc) =	sbr.rel @p0 .LBB2_28-.Ltmp13, $2  }
0x3d5: {  	_ =	sdelay $0x2  }
0x3d6: {  	s4 =	sshra.s32 s2, $0x2;
	s2 =	sadd.s32 $0x200, s2  }
0x3d7: {  	_ =	sdelay $0x1  }
0x3d8: {  	v3 =	vld [tilespmem:s4+$0x1A300]  }
0x3d9: {  	[tilespmem:s21+$0x1D360] =	vst v2  }
0x3da: {  	v1 =	vld.idx.msk [tilespmem:v1+s16+$0x0], $0xffff;
	_ =	sdelay $0x3  }
0x3db: {  	v2 =	vld [tilespmem:s4+$0x1A310]  }
0x3dc: {  	[tilespmem:s21+$0x1D370] =	vst v1  }
0x3dd: {  	v1 =	vld.idx.msk [tilespmem:v3+s16+$0x0], $0xffff;
	_ =	sdelay $0x4  }
0x3de: {  	[tilespmem:s4+$0x1D300] =	vst v1;
	v1 =	vld [tilespmem:s4+$0x1A320]  }
0x3df: {  	v2 =	vld.idx.msk [tilespmem:v2+s16+$0x0], $0xffff;
	_ =	sdelay $0x4  }
0x3e0: {  	[tilespmem:s4+$0x1D310] =	vst v2;
	v2 =	vld [tilespmem:s4+$0x1A330];
	_ =	sdelay $0x1  }
0x3e1: {  	v1 =	vld.idx.msk [tilespmem:v1+s16+$0x0], $0xffff;
	_ =	sdelay $0x4  }
0x3e2: {  	[tilespmem:s4+$0x1D320] =	vst v1;
	v1 =	vld [tilespmem:s4+$0x1A340]  }
0x3e3: {  	v2 =	vld.idx.msk [tilespmem:v2+s16+$0x0], $0xffff;
	_ =	sdelay $0x4  }
0x3e4: {  	[tilespmem:s4+$0x1D330] =	vst v2;
	v2 =	vld [tilespmem:s4+$0x1A350];
	_ =	sdelay $0x1  }
0x3e5: {  	v1 =	vld.idx.msk [tilespmem:v1+s16+$0x0], $0xffff;
	_ =	sdelay $0x4  }
0x3e6: {  	[tilespmem:s4+$0x1D340] =	vst v1;
	v1 =	vld [tilespmem:s4+$0x1A360]  }
0x3e7: {  	v2 =	vld.idx.msk [tilespmem:v2+s16+$0x0], $0xffff;
	_ =	sdelay $0x4  }
0x3e8: {  	[tilespmem:s4+$0x1D350] =	vst v2;
	v2 =	vld [tilespmem:s4+$0x1A370];
	_ =	sdelay $0x1  }
0x3e9: {  	v1 =	vld.idx.msk [tilespmem:v1+s16+$0x0], $0xffff;
	_ =	sdelay $0x4  }
0x3ea: {  	[tilespmem:s4+$0x1D360] =	vst v1  }
0x3eb: {  	v1 =	vld.idx.msk [tilespmem:v2+s16+$0x0], $0xffff;
	_ =	sdelay $0x4  }
0x3ec: {  	s2 =	rddreg [dreg:$0x1d];
	[tilespmem:s4+$0x1D370] =	vst v1  }
0x3ed: {  	[hbm4b:s2+s13] =	stream.strided.scatter [tilespmem:s26], [sflag:$0x3], $0x1000, s14, s13, $0x38;
	[tilespmem:$0x1F300] =	vst v63  }
0x3ee: {  	s21 =	simm.s32 $0x0  }
0x3ef: {  	[tilespmem:s18], [sflag:$0x2] =	stream.linear.gather [hbm4b:s1+s21], $0x1000, $0x38;
	[tilespmem:$0x1F300] =	vst v63  }
0x3f0: {  	_ =	swait.ge [sflag:s23], $0x1000  }
0x3f1: {  	[sflag:s23] =	ssyncset.done $0x0  }
0x3f2: {  	[sflag:s23] =	ssyncadd.s32 $0xFFFFF000  }
0x3f3: {  	_ =	swait.ge [sflag:s30], $0x1000  }
0x3f4: {  	[sflag:s30] =	ssyncset.done $0x0  }
0x3f5: {  	s21 =	simm.s32 $0x0;
	[sflag:s30] =	ssyncadd.s32 $0xFFFFF000  }
0x3f6: {  	v1 =	vld [tilespmem:s21+$0x1B300];
	_ =	sdelay $0x5  }
0x3f7: {  	v2 =	vld [tilespmem:s21+$0x1B310];
	_ =	sdelay $0x1  }
0x3f8: {  	v1 =	vld.idx.msk [tilespmem:v1+s16+$0x0], $0xffff;
	_ =	sdelay $0x4  }
0x3f9: {  	[tilespmem:s21+$0x1E300] =	vst v1;
	v1 =	vld [tilespmem:s21+$0x1B320]  }
0x3fa: {  	v2 =	vld.idx.msk [tilespmem:v2+s16+$0x0], $0xffff;
	_ =	sdelay $0x4  }
0x3fb: {  	[tilespmem:s21+$0x1E310] =	vst v2;
	v2 =	vld [tilespmem:s21+$0x1B330];
	_ =	sdelay $0x1  }
0x3fc: {  	v1 =	vld.idx.msk [tilespmem:v1+s16+$0x0], $0xffff;
	_ =	sdelay $0x4  }
0x3fd: {  	[tilespmem:s21+$0x1E320] =	vst v1;
	v1 =	vld [tilespmem:s21+$0x1B340]  }
0x3fe: {  	v2 =	vld.idx.msk [tilespmem:v2+s16+$0x0], $0xffff;
	_ =	sdelay $0x4  }
0x3ff: {  	[tilespmem:s21+$0x1E330] =	vst v2;
	v2 =	vld [tilespmem:s21+$0x1B350];
	_ =	sdelay $0x1  }
0x400: {  	v1 =	vld.idx.msk [tilespmem:v1+s16+$0x0], $0xffff;
	_ =	sdelay $0x4  }
0x401: {  	v3 =	vld [tilespmem:s21+$0x1B360];
	[tilespmem:s21+$0x1E340] =	vst v1  }
0x402: {  	v1 =	vld.idx.msk [tilespmem:v2+s16+$0x0], $0xffff;
	_ =	sdelay $0x4  }
0x403: {  	[tilespmem:s21+$0x1E350] =	vst v1;
	v1 =	vld [tilespmem:s21+$0x1B370];
	_ =	sdelay $0x1  }
0x404: {  	v2 =	vld.idx.msk [tilespmem:v3+s16+$0x0], $0xffff;
	_ =	sdelay $0x3  }
0x405: {  	s4 =	simm.s32 $0x80;
	s2 =	simm.s32 $0x400  }
.LBB2_30:
0x406: {  	p0 =	sne.s32 s2, $0x3E00;
	v3 =	vld [tilespmem:s4+$0x1B300];
	[tilespmem:s21+$0x1E360] =	vst v2  }
0x407: {  	v1 =	vld.idx.msk [tilespmem:v1+s16+$0x0], $0xffff;
	_ =	sdelay $0x5  }
0x408: {  	v2 =	vld [tilespmem:s4+$0x1B310];
	[tilespmem:s21+$0x1E370] =	vst v1;
	s21 =	smov.u32 s4  }
0x409: {  	v1 =	vld.idx.msk [tilespmem:v3+s16+$0x0], $0xffff;
	_ =	sdelay $0x5  }
0x40a: {  	[tilespmem:s21+$0x1E300] =	vst v1;
	v1 =	vld [tilespmem:s21+$0x1B320]  }
0x40b: {  	v2 =	vld.idx.msk [tilespmem:v2+s16+$0x0], $0xffff;
	_ =	sdelay $0x5  }
0x40c: {  	[tilespmem:s21+$0x1E310] =	vst v2;
	v2 =	vld [tilespmem:s21+$0x1B330]  }
0x40d: {  	v1 =	vld.idx.msk [tilespmem:v1+s16+$0x0], $0xffff;
	_ =	sdelay $0x5  }
0x40e: {  	[tilespmem:s21+$0x1E320] =	vst v1;
	v1 =	vld [tilespmem:s21+$0x1B340]  }
0x40f: {  	v2 =	vld.idx.msk [tilespmem:v2+s16+$0x0], $0xffff;
	_ =	sdelay $0x5  }
0x410: {  	[tilespmem:s21+$0x1E330] =	vst v2;
	v2 =	vld [tilespmem:s21+$0x1B350]  }
0x411: {  	v1 =	vld.idx.msk [tilespmem:v1+s16+$0x0], $0xffff;
	_ =	sdelay $0x5  }
0x412: {  	[tilespmem:s21+$0x1E340] =	vst v1;
	v3 =	vld [tilespmem:s21+$0x1B360]  }
0x413: {  	v1 =	vld.idx.msk [tilespmem:v2+s16+$0x0], $0xffff;
	_ =	sdelay $0x5  }
0x414: {  	[tilespmem:s21+$0x1E350] =	vst v1;
	v1 =	vld [tilespmem:s21+$0x1B370]  }
0x415: {  	v2 =	vld.idx.msk [tilespmem:v3+s16+$0x0], $0xffff  }
.Ltmp14:
0x416: {  	(pc) =	sbr.rel @p0 .LBB2_30-.Ltmp14, $2  }
0x417: {  	_ =	sdelay $0x2  }
0x418: {  	s4 =	sshra.s32 s2, $0x2;
	s2 =	sadd.s32 $0x200, s2  }
0x419: {  	_ =	sdelay $0x1  }
0x41a: {  	v3 =	vld [tilespmem:s4+$0x1B300]  }
0x41b: {  	[tilespmem:s21+$0x1E360] =	vst v2  }
0x41c: {  	v1 =	vld.idx.msk [tilespmem:v1+s16+$0x0], $0xffff;
	_ =	sdelay $0x3  }
0x41d: {  	v2 =	vld [tilespmem:s4+$0x1B310]  }
0x41e: {  	[tilespmem:s21+$0x1E370] =	vst v1  }
0x41f: {  	v1 =	vld.idx.msk [tilespmem:v3+s16+$0x0], $0xffff;
	_ =	sdelay $0x4  }
0x420: {  	[tilespmem:s4+$0x1E300] =	vst v1;
	v1 =	vld [tilespmem:s4+$0x1B320]  }
0x421: {  	v2 =	vld.idx.msk [tilespmem:v2+s16+$0x0], $0xffff;
	_ =	sdelay $0x4  }
0x422: {  	[tilespmem:s4+$0x1E310] =	vst v2;
	v2 =	vld [tilespmem:s4+$0x1B330];
	_ =	sdelay $0x1  }
0x423: {  	v1 =	vld.idx.msk [tilespmem:v1+s16+$0x0], $0xffff;
	_ =	sdelay $0x4  }
0x424: {  	[tilespmem:s4+$0x1E320] =	vst v1;
	v1 =	vld [tilespmem:s4+$0x1B340]  }
0x425: {  	v2 =	vld.idx.msk [tilespmem:v2+s16+$0x0], $0xffff;
	_ =	sdelay $0x4  }
0x426: {  	[tilespmem:s4+$0x1E330] =	vst v2;
	v2 =	vld [tilespmem:s4+$0x1B350];
	_ =	sdelay $0x1  }
0x427: {  	v1 =	vld.idx.msk [tilespmem:v1+s16+$0x0], $0xffff;
	_ =	sdelay $0x4  }
0x428: {  	[tilespmem:s4+$0x1E340] =	vst v1;
	v1 =	vld [tilespmem:s4+$0x1B360]  }
0x429: {  	v2 =	vld.idx.msk [tilespmem:v2+s16+$0x0], $0xffff;
	_ =	sdelay $0x4  }
0x42a: {  	[tilespmem:s4+$0x1E350] =	vst v2;
	v2 =	vld [tilespmem:s4+$0x1B370];
	_ =	sdelay $0x1  }
0x42b: {  	v1 =	vld.idx.msk [tilespmem:v1+s16+$0x0], $0xffff;
	_ =	sdelay $0x4  }
0x42c: {  	[tilespmem:s4+$0x1E360] =	vst v1  }
0x42d: {  	v1 =	vld.idx.msk [tilespmem:v2+s16+$0x0], $0xffff;
	_ =	sdelay $0x4  }
0x42e: {  	s2 =	rddreg [dreg:$0x1f];
	[tilespmem:s4+$0x1E370] =	vst v1  }
0x42f: {  	[hbm4b:s2+s13] =	stream.strided.scatter [tilespmem:s28], [sflag:$0x3], $0x1000, s14, s13, $0x38;
	[tilespmem:$0x1F300] =	vst v63  }
0x430: {  	s21 =	simm.s32 $0x0  }
0x431: {  	[tilespmem:s19], [sflag:$0x2] =	stream.linear.gather [hbm4b:s0+s21], $0x1000, $0x38;
	[tilespmem:$0x1F300] =	vst v63  }
0x432: {  	_ =	swait.ge [sflag:s23], $0x1000  }
0x433: {  	[sflag:s23] =	ssyncset.done $0x0  }
0x434: {  	[sflag:s23] =	ssyncadd.s32 $0xFFFFF000  }
0x435: {  	_ =	swait.ge [sflag:s30], $0x1000  }
0x436: {  	[sflag:s30] =	ssyncset.done $0x0  }
0x437: {  	s21 =	simm.s32 $0x0;
	[sflag:s30] =	ssyncadd.s32 $0xFFFFF000  }
0x438: {  	v1 =	vld [tilespmem:s21+$0x19300];
	_ =	sdelay $0x5  }
0x439: {  	v2 =	vld [tilespmem:s21+$0x19310];
	_ =	sdelay $0x1  }
0x43a: {  	v1 =	vld.idx.msk [tilespmem:v1+s16+$0x0], $0xffff;
	_ =	sdelay $0x4  }
0x43b: {  	[tilespmem:s21+$0x1C300] =	vst v1;
	v1 =	vld [tilespmem:s21+$0x19320]  }
0x43c: {  	v2 =	vld.idx.msk [tilespmem:v2+s16+$0x0], $0xffff;
	_ =	sdelay $0x4  }
0x43d: {  	[tilespmem:s21+$0x1C310] =	vst v2;
	v2 =	vld [tilespmem:s21+$0x19330];
	_ =	sdelay $0x1  }
0x43e: {  	v1 =	vld.idx.msk [tilespmem:v1+s16+$0x0], $0xffff;
	_ =	sdelay $0x4  }
0x43f: {  	[tilespmem:s21+$0x1C320] =	vst v1;
	v1 =	vld [tilespmem:s21+$0x19340]  }
0x440: {  	v2 =	vld.idx.msk [tilespmem:v2+s16+$0x0], $0xffff;
	_ =	sdelay $0x4  }
0x441: {  	[tilespmem:s21+$0x1C330] =	vst v2;
	v2 =	vld [tilespmem:s21+$0x19350];
	_ =	sdelay $0x1  }
0x442: {  	v1 =	vld.idx.msk [tilespmem:v1+s16+$0x0], $0xffff;
	_ =	sdelay $0x4  }
0x443: {  	v3 =	vld [tilespmem:s21+$0x19360];
	[tilespmem:s21+$0x1C340] =	vst v1  }
0x444: {  	v1 =	vld.idx.msk [tilespmem:v2+s16+$0x0], $0xffff;
	_ =	sdelay $0x4  }
0x445: {  	[tilespmem:s21+$0x1C350] =	vst v1;
	v1 =	vld [tilespmem:s21+$0x19370];
	_ =	sdelay $0x1  }
0x446: {  	v2 =	vld.idx.msk [tilespmem:v3+s16+$0x0], $0xffff;
	_ =	sdelay $0x3  }
0x447: {  	s4 =	simm.s32 $0x80;
	s2 =	simm.s32 $0x400  }
.LBB2_32:
0x448: {  	p0 =	sne.s32 s2, $0x3E00;
	v3 =	vld [tilespmem:s4+$0x19300];
	[tilespmem:s21+$0x1C360] =	vst v2  }
0x449: {  	v1 =	vld.idx.msk [tilespmem:v1+s16+$0x0], $0xffff;
	_ =	sdelay $0x5  }
0x44a: {  	v2 =	vld [tilespmem:s4+$0x19310];
	[tilespmem:s21+$0x1C370] =	vst v1;
	s21 =	smov.u32 s4  }
0x44b: {  	v1 =	vld.idx.msk [tilespmem:v3+s16+$0x0], $0xffff;
	_ =	sdelay $0x5  }
0x44c: {  	[tilespmem:s21+$0x1C300] =	vst v1;
	v1 =	vld [tilespmem:s21+$0x19320]  }
0x44d: {  	v2 =	vld.idx.msk [tilespmem:v2+s16+$0x0], $0xffff;
	_ =	sdelay $0x5  }
0x44e: {  	[tilespmem:s21+$0x1C310] =	vst v2;
	v2 =	vld [tilespmem:s21+$0x19330]  }
0x44f: {  	v1 =	vld.idx.msk [tilespmem:v1+s16+$0x0], $0xffff;
	_ =	sdelay $0x5  }
0x450: {  	[tilespmem:s21+$0x1C320] =	vst v1;
	v1 =	vld [tilespmem:s21+$0x19340]  }
0x451: {  	v2 =	vld.idx.msk [tilespmem:v2+s16+$0x0], $0xffff;
	_ =	sdelay $0x5  }
0x452: {  	[tilespmem:s21+$0x1C330] =	vst v2;
	v2 =	vld [tilespmem:s21+$0x19350]  }
0x453: {  	v1 =	vld.idx.msk [tilespmem:v1+s16+$0x0], $0xffff;
	_ =	sdelay $0x5  }
0x454: {  	[tilespmem:s21+$0x1C340] =	vst v1;
	v3 =	vld [tilespmem:s21+$0x19360]  }
0x455: {  	v1 =	vld.idx.msk [tilespmem:v2+s16+$0x0], $0xffff;
	_ =	sdelay $0x5  }
0x456: {  	[tilespmem:s21+$0x1C350] =	vst v1;
	v1 =	vld [tilespmem:s21+$0x19370]  }
0x457: {  	v2 =	vld.idx.msk [tilespmem:v3+s16+$0x0], $0xffff  }
.Ltmp15:
0x458: {  	(pc) =	sbr.rel @p0 .LBB2_32-.Ltmp15, $2  }
0x459: {  	_ =	sdelay $0x2  }
0x45a: {  	s4 =	sshra.s32 s2, $0x2;
	s2 =	sadd.s32 $0x200, s2  }
0x45b: {  	_ =	sdelay $0x1  }
0x45c: {  	v3 =	vld [tilespmem:s4+$0x19300]  }
0x45d: {  	[tilespmem:s21+$0x1C360] =	vst v2  }
0x45e: {  	v1 =	vld.idx.msk [tilespmem:v1+s16+$0x0], $0xffff;
	_ =	sdelay $0x3  }
0x45f: {  	v2 =	vld [tilespmem:s4+$0x19310]  }
0x460: {  	[tilespmem:s21+$0x1C370] =	vst v1  }
0x461: {  	v1 =	vld.idx.msk [tilespmem:v3+s16+$0x0], $0xffff;
	_ =	sdelay $0x4  }
0x462: {  	[tilespmem:s4+$0x1C300] =	vst v1;
	v1 =	vld [tilespmem:s4+$0x19320]  }
0x463: {  	v2 =	vld.idx.msk [tilespmem:v2+s16+$0x0], $0xffff;
	_ =	sdelay $0x4  }
0x464: {  	[tilespmem:s4+$0x1C310] =	vst v2;
	v2 =	vld [tilespmem:s4+$0x19330];
	_ =	sdelay $0x1  }
0x465: {  	v1 =	vld.idx.msk [tilespmem:v1+s16+$0x0], $0xffff;
	_ =	sdelay $0x4  }
0x466: {  	[tilespmem:s4+$0x1C320] =	vst v1;
	v1 =	vld [tilespmem:s4+$0x19340]  }
0x467: {  	v2 =	vld.idx.msk [tilespmem:v2+s16+$0x0], $0xffff;
	_ =	sdelay $0x4  }
0x468: {  	[tilespmem:s4+$0x1C330] =	vst v2;
	v2 =	vld [tilespmem:s4+$0x19350];
	_ =	sdelay $0x1  }
0x469: {  	v1 =	vld.idx.msk [tilespmem:v1+s16+$0x0], $0xffff;
	_ =	sdelay $0x4  }
0x46a: {  	[tilespmem:s4+$0x1C340] =	vst v1;
	v1 =	vld [tilespmem:s4+$0x19360]  }
0x46b: {  	v2 =	vld.idx.msk [tilespmem:v2+s16+$0x0], $0xffff;
	_ =	sdelay $0x4  }
0x46c: {  	[tilespmem:s4+$0x1C350] =	vst v2;
	v2 =	vld [tilespmem:s4+$0x19370];
	_ =	sdelay $0x1  }
0x46d: {  	v1 =	vld.idx.msk [tilespmem:v1+s16+$0x0], $0xffff;
	_ =	sdelay $0x4  }
0x46e: {  	[tilespmem:s4+$0x1C360] =	vst v1  }
0x46f: {  	v1 =	vld.idx.msk [tilespmem:v2+s16+$0x0], $0xffff;
	_ =	sdelay $0x2  }
0x470: {  	s2 =	sld [smem:$0x7F7];
	_ =	sdelay $0x1  }
0x471: {  	[tilespmem:s4+$0x1C370] =	vst v1  }
0x472: {  	[hbm4b:s2+s13] =	stream.strided.scatter [tilespmem:s24], [sflag:$0x3], $0x1000, s14, s13, $0x38;
	[tilespmem:$0x1F300] =	vst v63  }
0x473: {  	s21 =	simm.s32 $0x0  }
0x474: {  	[tilespmem:s17], [sflag:$0x2] =	stream.linear.gather [hbm4b:s22+s21], $0x1000, $0x38;
	[tilespmem:$0x1F300] =	vst v63  }
0x475: {  	_ =	swait.ge [sflag:s20], $0x18700  }
0x476: {  	[sflag:s20] =	ssyncset.done $0x0  }
0x477: {  	[sflag:s20] =	ssyncadd.s32 $0xFFFE7900  }
0x478: {  	v1 =	vld [tilespmem:$0x400];
	_ =	sdelay $0x4  }
0x479: {  	v1 =	vmul.f32 v0, v1;
	_ =	sdelay $0x1  }
0x47a: {  	[tilespmem:$0x400] =	vst v1  }
0x47b: {  	_ =	swait.ge [sflag:s23], $0x1000  }
0x47c: {  	[sflag:s23] =	ssyncset.done $0x0  }
0x47d: {  	[sflag:s23] =	ssyncadd.s32 $0xFFFFF000  }
0x47e: {  	_ =	swait.ge [sflag:s30], $0x1000  }
0x47f: {  	[sflag:s30] =	ssyncset.done $0x0  }
0x480: {  	s21 =	simm.s32 $0x0;
	[sflag:s30] =	ssyncadd.s32 $0xFFFFF000  }
0x481: {  	v1 =	vld [tilespmem:s21+$0x1A300];
	_ =	sdelay $0x5  }
0x482: {  	v2 =	vld [tilespmem:s21+$0x1A310];
	_ =	sdelay $0x1  }
0x483: {  	v1 =	vld.idx.msk [tilespmem:v1+s14+$0x0], $0xffff;
	_ =	sdelay $0x4  }
0x484: {  	[tilespmem:s21+$0x1D300] =	vst v1;
	v1 =	vld [tilespmem:s21+$0x1A320]  }
0x485: {  	v2 =	vld.idx.msk [tilespmem:v2+s14+$0x0], $0xffff;
	_ =	sdelay $0x4  }
0x486: {  	[tilespmem:s21+$0x1D310] =	vst v2;
	v2 =	vld [tilespmem:s21+$0x1A330];
	_ =	sdelay $0x1  }
0x487: {  	v1 =	vld.idx.msk [tilespmem:v1+s14+$0x0], $0xffff;
	_ =	sdelay $0x4  }
0x488: {  	[tilespmem:s21+$0x1D320] =	vst v1;
	v1 =	vld [tilespmem:s21+$0x1A340]  }
0x489: {  	v2 =	vld.idx.msk [tilespmem:v2+s14+$0x0], $0xffff;
	_ =	sdelay $0x4  }
0x48a: {  	[tilespmem:s21+$0x1D330] =	vst v2;
	v2 =	vld [tilespmem:s21+$0x1A350];
	_ =	sdelay $0x1  }
0x48b: {  	v1 =	vld.idx.msk [tilespmem:v1+s14+$0x0], $0xffff;
	_ =	sdelay $0x4  }
0x48c: {  	v3 =	vld [tilespmem:s21+$0x1A360];
	[tilespmem:s21+$0x1D340] =	vst v1  }
0x48d: {  	v1 =	vld.idx.msk [tilespmem:v2+s14+$0x0], $0xffff;
	_ =	sdelay $0x4  }
0x48e: {  	[tilespmem:s21+$0x1D350] =	vst v1;
	v1 =	vld [tilespmem:s21+$0x1A370];
	_ =	sdelay $0x1  }
0x48f: {  	v2 =	vld.idx.msk [tilespmem:v3+s14+$0x0], $0xffff;
	_ =	sdelay $0x3  }
0x490: {  	s4 =	simm.s32 $0x80;
	s2 =	simm.s32 $0x400  }
.LBB2_34:
0x491: {  	p0 =	sne.s32 s2, $0x3E00;
	v3 =	vld [tilespmem:s4+$0x1A300];
	[tilespmem:s21+$0x1D360] =	vst v2  }
0x492: {  	v1 =	vld.idx.msk [tilespmem:v1+s14+$0x0], $0xffff;
	_ =	sdelay $0x5  }
0x493: {  	v2 =	vld [tilespmem:s4+$0x1A310];
	[tilespmem:s21+$0x1D370] =	vst v1;
	s21 =	smov.u32 s4  }
0x494: {  	v1 =	vld.idx.msk [tilespmem:v3+s14+$0x0], $0xffff;
	_ =	sdelay $0x5  }
0x495: {  	[tilespmem:s21+$0x1D300] =	vst v1;
	v1 =	vld [tilespmem:s21+$0x1A320]  }
0x496: {  	v2 =	vld.idx.msk [tilespmem:v2+s14+$0x0], $0xffff;
	_ =	sdelay $0x5  }
0x497: {  	[tilespmem:s21+$0x1D310] =	vst v2;
	v2 =	vld [tilespmem:s21+$0x1A330]  }
0x498: {  	v1 =	vld.idx.msk [tilespmem:v1+s14+$0x0], $0xffff;
	_ =	sdelay $0x5  }
0x499: {  	[tilespmem:s21+$0x1D320] =	vst v1;
	v1 =	vld [tilespmem:s21+$0x1A340]  }
0x49a: {  	v2 =	vld.idx.msk [tilespmem:v2+s14+$0x0], $0xffff;
	_ =	sdelay $0x5  }
0x49b: {  	[tilespmem:s21+$0x1D330] =	vst v2;
	v2 =	vld [tilespmem:s21+$0x1A350]  }
0x49c: {  	v1 =	vld.idx.msk [tilespmem:v1+s14+$0x0], $0xffff;
	_ =	sdelay $0x5  }
0x49d: {  	[tilespmem:s21+$0x1D340] =	vst v1;
	v3 =	vld [tilespmem:s21+$0x1A360]  }
0x49e: {  	v1 =	vld.idx.msk [tilespmem:v2+s14+$0x0], $0xffff;
	_ =	sdelay $0x5  }
0x49f: {  	[tilespmem:s21+$0x1D350] =	vst v1;
	v1 =	vld [tilespmem:s21+$0x1A370]  }
0x4a0: {  	v2 =	vld.idx.msk [tilespmem:v3+s14+$0x0], $0xffff  }
.Ltmp16:
0x4a1: {  	(pc) =	sbr.rel @p0 .LBB2_34-.Ltmp16, $2  }
0x4a2: {  	_ =	sdelay $0x2  }
0x4a3: {  	s4 =	sshra.s32 s2, $0x2;
	s2 =	sadd.s32 $0x200, s2  }
0x4a4: {  	_ =	sdelay $0x1  }
0x4a5: {  	v3 =	vld [tilespmem:s4+$0x1A300]  }
0x4a6: {  	[tilespmem:s21+$0x1D360] =	vst v2  }
0x4a7: {  	v1 =	vld.idx.msk [tilespmem:v1+s14+$0x0], $0xffff;
	_ =	sdelay $0x3  }
0x4a8: {  	v2 =	vld [tilespmem:s4+$0x1A310]  }
0x4a9: {  	[tilespmem:s21+$0x1D370] =	vst v1  }
0x4aa: {  	v1 =	vld.idx.msk [tilespmem:v3+s14+$0x0], $0xffff;
	_ =	sdelay $0x4  }
0x4ab: {  	[tilespmem:s4+$0x1D300] =	vst v1;
	v1 =	vld [tilespmem:s4+$0x1A320]  }
0x4ac: {  	v2 =	vld.idx.msk [tilespmem:v2+s14+$0x0], $0xffff;
	_ =	sdelay $0x4  }
0x4ad: {  	[tilespmem:s4+$0x1D310] =	vst v2;
	v2 =	vld [tilespmem:s4+$0x1A330];
	_ =	sdelay $0x1  }
0x4ae: {  	v1 =	vld.idx.msk [tilespmem:v1+s14+$0x0], $0xffff;
	_ =	sdelay $0x4  }
0x4af: {  	[tilespmem:s4+$0x1D320] =	vst v1;
	v1 =	vld [tilespmem:s4+$0x1A340]  }
0x4b0: {  	v2 =	vld.idx.msk [tilespmem:v2+s14+$0x0], $0xffff;
	_ =	sdelay $0x4  }
0x4b1: {  	[tilespmem:s4+$0x1D330] =	vst v2;
	v2 =	vld [tilespmem:s4+$0x1A350];
	_ =	sdelay $0x1  }
0x4b2: {  	v1 =	vld.idx.msk [tilespmem:v1+s14+$0x0], $0xffff;
	_ =	sdelay $0x4  }
0x4b3: {  	[tilespmem:s4+$0x1D340] =	vst v1;
	v1 =	vld [tilespmem:s4+$0x1A360]  }
0x4b4: {  	v2 =	vld.idx.msk [tilespmem:v2+s14+$0x0], $0xffff;
	_ =	sdelay $0x4  }
0x4b5: {  	[tilespmem:s4+$0x1D350] =	vst v2;
	v2 =	vld [tilespmem:s4+$0x1A370];
	_ =	sdelay $0x1  }
0x4b6: {  	v1 =	vld.idx.msk [tilespmem:v1+s14+$0x0], $0xffff;
	_ =	sdelay $0x4  }
0x4b7: {  	[tilespmem:s4+$0x1D360] =	vst v1  }
0x4b8: {  	v1 =	vld.idx.msk [tilespmem:v2+s14+$0x0], $0xffff;
	_ =	sdelay $0x4  }
0x4b9: {  	[tilespmem:s4+$0x1D370] =	vst v1  }
0x4ba: {  	[hbm4b:s29+s13] =	stream.strided.scatter [tilespmem:s26], [sflag:$0x3], $0x1000, s14, s13, $0x38;
	[tilespmem:$0x1F300] =	vst v63  }
0x4bb: {  	s2 =	simm.s32 $0x0  }
0x4bc: {  	[tilespmem:s18], [sflag:$0x2] =	stream.linear.gather [hbm4b:s25+s2], $0x1000, $0x38;
	[tilespmem:$0x1F300] =	vst v63  }
0x4bd: {  	_ =	swait.ge [sflag:s23], $0x1000  }
0x4be: {  	[sflag:s23] =	ssyncset.done $0x0  }
0x4bf: {  	[sflag:s23] =	ssyncadd.s32 $0xFFFFF000  }
0x4c0: {  	_ =	swait.ge [sflag:s30], $0x1000  }
0x4c1: {  	[sflag:s30] =	ssyncset.done $0x0  }
0x4c2: {  	s21 =	simm.s32 $0x0;
	[sflag:s30] =	ssyncadd.s32 $0xFFFFF000  }
0x4c3: {  	v1 =	vld [tilespmem:s21+$0x1B300];
	_ =	sdelay $0x5  }
0x4c4: {  	v2 =	vld [tilespmem:s21+$0x1B310];
	_ =	sdelay $0x1  }
0x4c5: {  	v1 =	vld.idx.msk [tilespmem:v1+s14+$0x0], $0xffff;
	_ =	sdelay $0x4  }
0x4c6: {  	[tilespmem:s21+$0x1E300] =	vst v1;
	v1 =	vld [tilespmem:s21+$0x1B320]  }
0x4c7: {  	v2 =	vld.idx.msk [tilespmem:v2+s14+$0x0], $0xffff;
	_ =	sdelay $0x4  }
0x4c8: {  	[tilespmem:s21+$0x1E310] =	vst v2;
	v2 =	vld [tilespmem:s21+$0x1B330];
	_ =	sdelay $0x1  }
0x4c9: {  	v1 =	vld.idx.msk [tilespmem:v1+s14+$0x0], $0xffff;
	_ =	sdelay $0x4  }
0x4ca: {  	[tilespmem:s21+$0x1E320] =	vst v1;
	v1 =	vld [tilespmem:s21+$0x1B340]  }
0x4cb: {  	v2 =	vld.idx.msk [tilespmem:v2+s14+$0x0], $0xffff;
	_ =	sdelay $0x4  }
0x4cc: {  	[tilespmem:s21+$0x1E330] =	vst v2;
	v2 =	vld [tilespmem:s21+$0x1B350];
	_ =	sdelay $0x1  }
0x4cd: {  	v1 =	vld.idx.msk [tilespmem:v1+s14+$0x0], $0xffff;
	_ =	sdelay $0x4  }
0x4ce: {  	v3 =	vld [tilespmem:s21+$0x1B360];
	[tilespmem:s21+$0x1E340] =	vst v1  }
0x4cf: {  	v1 =	vld.idx.msk [tilespmem:v2+s14+$0x0], $0xffff;
	_ =	sdelay $0x4  }
0x4d0: {  	[tilespmem:s21+$0x1E350] =	vst v1;
	v1 =	vld [tilespmem:s21+$0x1B370];
	_ =	sdelay $0x1  }
0x4d1: {  	v2 =	vld.idx.msk [tilespmem:v3+s14+$0x0], $0xffff;
	_ =	sdelay $0x3  }
0x4d2: {  	s4 =	simm.s32 $0x80;
	s2 =	simm.s32 $0x400  }
.LBB2_36:
0x4d3: {  	p0 =	sne.s32 s2, $0x3E00;
	v3 =	vld [tilespmem:s4+$0x1B300];
	[tilespmem:s21+$0x1E360] =	vst v2  }
0x4d4: {  	v1 =	vld.idx.msk [tilespmem:v1+s14+$0x0], $0xffff;
	_ =	sdelay $0x5  }
0x4d5: {  	v2 =	vld [tilespmem:s4+$0x1B310];
	[tilespmem:s21+$0x1E370] =	vst v1;
	s21 =	smov.u32 s4  }
0x4d6: {  	v1 =	vld.idx.msk [tilespmem:v3+s14+$0x0], $0xffff;
	_ =	sdelay $0x5  }
0x4d7: {  	[tilespmem:s21+$0x1E300] =	vst v1;
	v1 =	vld [tilespmem:s21+$0x1B320]  }
0x4d8: {  	v2 =	vld.idx.msk [tilespmem:v2+s14+$0x0], $0xffff;
	_ =	sdelay $0x5  }
0x4d9: {  	[tilespmem:s21+$0x1E310] =	vst v2;
	v2 =	vld [tilespmem:s21+$0x1B330]  }
0x4da: {  	v1 =	vld.idx.msk [tilespmem:v1+s14+$0x0], $0xffff;
	_ =	sdelay $0x5  }
0x4db: {  	[tilespmem:s21+$0x1E320] =	vst v1;
	v1 =	vld [tilespmem:s21+$0x1B340]  }
0x4dc: {  	v2 =	vld.idx.msk [tilespmem:v2+s14+$0x0], $0xffff;
	_ =	sdelay $0x5  }
0x4dd: {  	[tilespmem:s21+$0x1E330] =	vst v2;
	v2 =	vld [tilespmem:s21+$0x1B350]  }
0x4de: {  	v1 =	vld.idx.msk [tilespmem:v1+s14+$0x0], $0xffff;
	_ =	sdelay $0x5  }
0x4df: {  	[tilespmem:s21+$0x1E340] =	vst v1;
	v3 =	vld [tilespmem:s21+$0x1B360]  }
0x4e0: {  	v1 =	vld.idx.msk [tilespmem:v2+s14+$0x0], $0xffff;
	_ =	sdelay $0x5  }
0x4e1: {  	[tilespmem:s21+$0x1E350] =	vst v1;
	v1 =	vld [tilespmem:s21+$0x1B370]  }
0x4e2: {  	v2 =	vld.idx.msk [tilespmem:v3+s14+$0x0], $0xffff  }
.Ltmp17:
0x4e3: {  	(pc) =	sbr.rel @p0 .LBB2_36-.Ltmp17, $2  }
0x4e4: {  	_ =	sdelay $0x2  }
0x4e5: {  	s4 =	sshra.s32 s2, $0x2;
	s2 =	sadd.s32 $0x200, s2  }
0x4e6: {  	_ =	sdelay $0x1  }
0x4e7: {  	v3 =	vld [tilespmem:s4+$0x1B300]  }
0x4e8: {  	[tilespmem:s21+$0x1E360] =	vst v2  }
0x4e9: {  	v1 =	vld.idx.msk [tilespmem:v1+s14+$0x0], $0xffff;
	_ =	sdelay $0x3  }
0x4ea: {  	v2 =	vld [tilespmem:s4+$0x1B310]  }
0x4eb: {  	[tilespmem:s21+$0x1E370] =	vst v1  }
0x4ec: {  	v1 =	vld.idx.msk [tilespmem:v3+s14+$0x0], $0xffff;
	_ =	sdelay $0x4  }
0x4ed: {  	[tilespmem:s4+$0x1E300] =	vst v1;
	v1 =	vld [tilespmem:s4+$0x1B320]  }
0x4ee: {  	v2 =	vld.idx.msk [tilespmem:v2+s14+$0x0], $0xffff;
	_ =	sdelay $0x4  }
0x4ef: {  	[tilespmem:s4+$0x1E310] =	vst v2;
	v2 =	vld [tilespmem:s4+$0x1B330];
	_ =	sdelay $0x1  }
0x4f0: {  	v1 =	vld.idx.msk [tilespmem:v1+s14+$0x0], $0xffff;
	_ =	sdelay $0x4  }
0x4f1: {  	[tilespmem:s4+$0x1E320] =	vst v1;
	v1 =	vld [tilespmem:s4+$0x1B340]  }
0x4f2: {  	v2 =	vld.idx.msk [tilespmem:v2+s14+$0x0], $0xffff;
	_ =	sdelay $0x4  }
0x4f3: {  	[tilespmem:s4+$0x1E330] =	vst v2;
	v2 =	vld [tilespmem:s4+$0x1B350];
	_ =	sdelay $0x1  }
0x4f4: {  	v1 =	vld.idx.msk [tilespmem:v1+s14+$0x0], $0xffff;
	_ =	sdelay $0x4  }
0x4f5: {  	[tilespmem:s4+$0x1E340] =	vst v1;
	v1 =	vld [tilespmem:s4+$0x1B360]  }
0x4f6: {  	v2 =	vld.idx.msk [tilespmem:v2+s14+$0x0], $0xffff;
	_ =	sdelay $0x4  }
0x4f7: {  	[tilespmem:s4+$0x1E350] =	vst v2;
	v2 =	vld [tilespmem:s4+$0x1B370];
	_ =	sdelay $0x1  }
0x4f8: {  	v1 =	vld.idx.msk [tilespmem:v1+s14+$0x0], $0xffff;
	_ =	sdelay $0x4  }
0x4f9: {  	[tilespmem:s4+$0x1E360] =	vst v1  }
0x4fa: {  	v1 =	vld.idx.msk [tilespmem:v2+s14+$0x0], $0xffff;
	_ =	sdelay $0x4  }
0x4fb: {  	[tilespmem:s4+$0x1E370] =	vst v1  }
0x4fc: {  	[hbm4b:s10+s13] =	stream.strided.scatter [tilespmem:s28], [sflag:$0x3], $0x1000, s14, s13, $0x38;
	[tilespmem:$0x1F300] =	vst v63  }
0x4fd: {  	_ =	swait.ge [sflag:s23], $0x1000  }
0x4fe: {  	[sflag:s23] =	ssyncset.done $0x0  }
0x4ff: {  	[sflag:s23] =	ssyncadd.s32 $0xFFFFF000  }
0x500: {  	_ =	swait.ge [sflag:s30], $0x1000  }
0x501: {  	[sflag:s30] =	ssyncset.done $0x0  }
0x502: {  	s21 =	simm.s32 $0x0;
	[sflag:s30] =	ssyncadd.s32 $0xFFFFF000  }
0x503: {  	v1 =	vld [tilespmem:s21+$0x19300];
	_ =	sdelay $0x5  }
0x504: {  	v2 =	vld [tilespmem:s21+$0x19310];
	_ =	sdelay $0x1  }
0x505: {  	v1 =	vld.idx.msk [tilespmem:v1+s14+$0x0], $0xffff;
	_ =	sdelay $0x4  }
0x506: {  	[tilespmem:s21+$0x1C300] =	vst v1;
	v1 =	vld [tilespmem:s21+$0x19320]  }
0x507: {  	v2 =	vld.idx.msk [tilespmem:v2+s14+$0x0], $0xffff;
	_ =	sdelay $0x4  }
0x508: {  	[tilespmem:s21+$0x1C310] =	vst v2;
	v2 =	vld [tilespmem:s21+$0x19330];
	_ =	sdelay $0x1  }
0x509: {  	v1 =	vld.idx.msk [tilespmem:v1+s14+$0x0], $0xffff;
	_ =	sdelay $0x4  }
0x50a: {  	[tilespmem:s21+$0x1C320] =	vst v1;
	v1 =	vld [tilespmem:s21+$0x19340]  }
0x50b: {  	v2 =	vld.idx.msk [tilespmem:v2+s14+$0x0], $0xffff;
	_ =	sdelay $0x4  }
0x50c: {  	[tilespmem:s21+$0x1C330] =	vst v2;
	v2 =	vld [tilespmem:s21+$0x19350];
	_ =	sdelay $0x1  }
0x50d: {  	v1 =	vld.idx.msk [tilespmem:v1+s14+$0x0], $0xffff;
	_ =	sdelay $0x4  }
0x50e: {  	v3 =	vld [tilespmem:s21+$0x19360];
	[tilespmem:s21+$0x1C340] =	vst v1  }
0x50f: {  	v1 =	vld.idx.msk [tilespmem:v2+s14+$0x0], $0xffff;
	_ =	sdelay $0x4  }
0x510: {  	[tilespmem:s21+$0x1C350] =	vst v1;
	v1 =	vld [tilespmem:s21+$0x19370];
	_ =	sdelay $0x1  }
0x511: {  	v2 =	vld.idx.msk [tilespmem:v3+s14+$0x0], $0xffff;
	_ =	sdelay $0x3  }
0x512: {  	s2 =	simm.s32 $0x400;
	s4 =	simm.s32 $0x80  }
.LBB2_38:
0x513: {  	p0 =	sne.s32 s2, $0x3E00;
	v3 =	vld [tilespmem:s4+$0x19300];
	[tilespmem:s21+$0x1C360] =	vst v2  }
0x514: {  	v1 =	vld.idx.msk [tilespmem:v1+s14+$0x0], $0xffff;
	_ =	sdelay $0x5  }
0x515: {  	v2 =	vld [tilespmem:s4+$0x19310];
	[tilespmem:s21+$0x1C370] =	vst v1;
	s21 =	smov.u32 s4  }
0x516: {  	v1 =	vld.idx.msk [tilespmem:v3+s14+$0x0], $0xffff;
	_ =	sdelay $0x5  }
0x517: {  	[tilespmem:s21+$0x1C300] =	vst v1;
	v1 =	vld [tilespmem:s21+$0x19320]  }
0x518: {  	v2 =	vld.idx.msk [tilespmem:v2+s14+$0x0], $0xffff;
	_ =	sdelay $0x5  }
0x519: {  	[tilespmem:s21+$0x1C310] =	vst v2;
	v2 =	vld [tilespmem:s21+$0x19330]  }
0x51a: {  	v1 =	vld.idx.msk [tilespmem:v1+s14+$0x0], $0xffff;
	_ =	sdelay $0x5  }
0x51b: {  	[tilespmem:s21+$0x1C320] =	vst v1;
	v1 =	vld [tilespmem:s21+$0x19340]  }
0x51c: {  	v2 =	vld.idx.msk [tilespmem:v2+s14+$0x0], $0xffff;
	_ =	sdelay $0x5  }
0x51d: {  	[tilespmem:s21+$0x1C330] =	vst v2;
	v2 =	vld [tilespmem:s21+$0x19350]  }
0x51e: {  	v1 =	vld.idx.msk [tilespmem:v1+s14+$0x0], $0xffff;
	_ =	sdelay $0x5  }
0x51f: {  	[tilespmem:s21+$0x1C340] =	vst v1;
	v3 =	vld [tilespmem:s21+$0x19360]  }
0x520: {  	v1 =	vld.idx.msk [tilespmem:v2+s14+$0x0], $0xffff;
	_ =	sdelay $0x5  }
0x521: {  	[tilespmem:s21+$0x1C350] =	vst v1;
	v1 =	vld [tilespmem:s21+$0x19370]  }
0x522: {  	v2 =	vld.idx.msk [tilespmem:v3+s14+$0x0], $0xffff  }
.Ltmp18:
0x523: {  	(pc) =	sbr.rel @p0 .LBB2_38-.Ltmp18, $2  }
0x524: {  	_ =	sdelay $0x2  }
0x525: {  	s4 =	sshra.s32 s2, $0x2;
	s2 =	sadd.s32 $0x200, s2  }
0x526: {  	_ =	sdelay $0x1  }
0x527: {  	v3 =	vld [tilespmem:s4+$0x19300]  }
0x528: {  	[tilespmem:s21+$0x1C360] =	vst v2  }
0x529: {  	v1 =	vld.idx.msk [tilespmem:v1+s14+$0x0], $0xffff;
	_ =	sdelay $0x3  }
0x52a: {  	v2 =	vld [tilespmem:s4+$0x19310]  }
0x52b: {  	[tilespmem:s21+$0x1C370] =	vst v1  }
0x52c: {  	v1 =	vld.idx.msk [tilespmem:v3+s14+$0x0], $0xffff;
	_ =	sdelay $0x4  }
0x52d: {  	[tilespmem:s4+$0x1C300] =	vst v1;
	v1 =	vld [tilespmem:s4+$0x19320]  }
0x52e: {  	v2 =	vld.idx.msk [tilespmem:v2+s14+$0x0], $0xffff;
	_ =	sdelay $0x4  }
0x52f: {  	[tilespmem:s4+$0x1C310] =	vst v2;
	v2 =	vld [tilespmem:s4+$0x19330];
	_ =	sdelay $0x1  }
0x530: {  	v1 =	vld.idx.msk [tilespmem:v1+s14+$0x0], $0xffff;
	_ =	sdelay $0x4  }
0x531: {  	[tilespmem:s4+$0x1C320] =	vst v1;
	v1 =	vld [tilespmem:s4+$0x19340]  }
0x532: {  	v2 =	vld.idx.msk [tilespmem:v2+s14+$0x0], $0xffff;
	_ =	sdelay $0x4  }
0x533: {  	[tilespmem:s4+$0x1C330] =	vst v2;
	v2 =	vld [tilespmem:s4+$0x19350];
	_ =	sdelay $0x1  }
0x534: {  	v1 =	vld.idx.msk [tilespmem:v1+s14+$0x0], $0xffff;
	_ =	sdelay $0x4  }
0x535: {  	[tilespmem:s4+$0x1C340] =	vst v1;
	v1 =	vld [tilespmem:s4+$0x19360]  }
0x536: {  	v2 =	vld.idx.msk [tilespmem:v2+s14+$0x0], $0xffff;
	_ =	sdelay $0x4  }
0x537: {  	[tilespmem:s4+$0x1C350] =	vst v2;
	v2 =	vld [tilespmem:s4+$0x19370];
	_ =	sdelay $0x1  }
0x538: {  	v1 =	vld.idx.msk [tilespmem:v1+s14+$0x0], $0xffff;
	_ =	sdelay $0x4  }
0x539: {  	[tilespmem:s4+$0x1C360] =	vst v1  }
0x53a: {  	v1 =	vld.idx.msk [tilespmem:v2+s14+$0x0], $0xffff;
	_ =	sdelay $0x4  }
0x53b: {  	[tilespmem:s4+$0x1C370] =	vst v1  }
0x53c: {  	[hbm4b:s11+s13] =	stream.strided.scatter [tilespmem:s24], [sflag:$0x3], $0x1000, s14, s13, $0x38;
	[tilespmem:$0x1F300] =	vst v63  }
0x53d: {  	_ =	swait.ge [sflag:s23], $0x1000  }
0x53e: {  	[sflag:s23] =	ssyncset.done $0x0  }
0x53f: {  	[sflag:s23] =	ssyncadd.s32 $0xFFFFF000  }
0x540: {  	_ =	swait.ge [sflag:s30], $0x1000  }
0x541: {  	[sflag:s30] =	ssyncset.done $0x0  }
0x542: {  	s21 =	simm.s32 $0x0;
	[sflag:s30] =	ssyncadd.s32 $0xFFFFF000  }
0x543: {  	v1 =	vld [tilespmem:s21+$0x1A300];
	_ =	sdelay $0x5  }
0x544: {  	v2 =	vld [tilespmem:s21+$0x1A310];
	_ =	sdelay $0x1  }
0x545: {  	v1 =	vld.idx.msk [tilespmem:v1+s14+$0x0], $0xffff;
	_ =	sdelay $0x4  }
0x546: {  	[tilespmem:s21+$0x1D300] =	vst v1;
	v1 =	vld [tilespmem:s21+$0x1A320]  }
0x547: {  	v2 =	vld.idx.msk [tilespmem:v2+s14+$0x0], $0xffff;
	_ =	sdelay $0x4  }
0x548: {  	[tilespmem:s21+$0x1D310] =	vst v2;
	v2 =	vld [tilespmem:s21+$0x1A330];
	_ =	sdelay $0x1  }
0x549: {  	v1 =	vld.idx.msk [tilespmem:v1+s14+$0x0], $0xffff;
	_ =	sdelay $0x4  }
0x54a: {  	[tilespmem:s21+$0x1D320] =	vst v1;
	v1 =	vld [tilespmem:s21+$0x1A340]  }
0x54b: {  	v2 =	vld.idx.msk [tilespmem:v2+s14+$0x0], $0xffff;
	_ =	sdelay $0x4  }
0x54c: {  	[tilespmem:s21+$0x1D330] =	vst v2;
	v2 =	vld [tilespmem:s21+$0x1A350];
	_ =	sdelay $0x1  }
0x54d: {  	v1 =	vld.idx.msk [tilespmem:v1+s14+$0x0], $0xffff;
	_ =	sdelay $0x4  }
0x54e: {  	v3 =	vld [tilespmem:s21+$0x1A360];
	[tilespmem:s21+$0x1D340] =	vst v1  }
0x54f: {  	v1 =	vld.idx.msk [tilespmem:v2+s14+$0x0], $0xffff;
	_ =	sdelay $0x4  }
0x550: {  	[tilespmem:s21+$0x1D350] =	vst v1;
	v1 =	vld [tilespmem:s21+$0x1A370];
	_ =	sdelay $0x1  }
0x551: {  	v2 =	vld.idx.msk [tilespmem:v3+s14+$0x0], $0xffff;
	_ =	sdelay $0x3  }
0x552: {  	s2 =	simm.s32 $0x400;
	s4 =	simm.s32 $0x80  }
.LBB2_40:
0x553: {  	p0 =	sne.s32 s2, $0x3E00;
	v3 =	vld [tilespmem:s4+$0x1A300];
	[tilespmem:s21+$0x1D360] =	vst v2  }
0x554: {  	v1 =	vld.idx.msk [tilespmem:v1+s14+$0x0], $0xffff;
	_ =	sdelay $0x5  }
0x555: {  	v2 =	vld [tilespmem:s4+$0x1A310];
	[tilespmem:s21+$0x1D370] =	vst v1;
	s21 =	smov.u32 s4  }
0x556: {  	v1 =	vld.idx.msk [tilespmem:v3+s14+$0x0], $0xffff;
	_ =	sdelay $0x5  }
0x557: {  	[tilespmem:s21+$0x1D300] =	vst v1;
	v1 =	vld [tilespmem:s21+$0x1A320]  }
0x558: {  	v2 =	vld.idx.msk [tilespmem:v2+s14+$0x0], $0xffff;
	_ =	sdelay $0x5  }
0x559: {  	[tilespmem:s21+$0x1D310] =	vst v2;
	v2 =	vld [tilespmem:s21+$0x1A330]  }
0x55a: {  	v1 =	vld.idx.msk [tilespmem:v1+s14+$0x0], $0xffff;
	_ =	sdelay $0x5  }
0x55b: {  	[tilespmem:s21+$0x1D320] =	vst v1;
	v1 =	vld [tilespmem:s21+$0x1A340]  }
0x55c: {  	v2 =	vld.idx.msk [tilespmem:v2+s14+$0x0], $0xffff;
	_ =	sdelay $0x5  }
0x55d: {  	[tilespmem:s21+$0x1D330] =	vst v2;
	v2 =	vld [tilespmem:s21+$0x1A350]  }
0x55e: {  	v1 =	vld.idx.msk [tilespmem:v1+s14+$0x0], $0xffff;
	_ =	sdelay $0x5  }
0x55f: {  	[tilespmem:s21+$0x1D340] =	vst v1;
	v3 =	vld [tilespmem:s21+$0x1A360]  }
0x560: {  	v1 =	vld.idx.msk [tilespmem:v2+s14+$0x0], $0xffff;
	_ =	sdelay $0x5  }
0x561: {  	[tilespmem:s21+$0x1D350] =	vst v1;
	v1 =	vld [tilespmem:s21+$0x1A370]  }
0x562: {  	v2 =	vld.idx.msk [tilespmem:v3+s14+$0x0], $0xffff  }
.Ltmp19:
0x563: {  	(pc) =	sbr.rel @p0 .LBB2_40-.Ltmp19, $2  }
0x564: {  	_ =	sdelay $0x2  }
0x565: {  	s4 =	sshra.s32 s2, $0x2;
	s2 =	sadd.s32 $0x200, s2  }
0x566: {  	_ =	sdelay $0x1  }
0x567: {  	v3 =	vld [tilespmem:s4+$0x1A300]  }
0x568: {  	[tilespmem:s21+$0x1D360] =	vst v2  }
0x569: {  	v1 =	vld.idx.msk [tilespmem:v1+s14+$0x0], $0xffff;
	_ =	sdelay $0x3  }
0x56a: {  	v2 =	vld [tilespmem:s4+$0x1A310]  }
0x56b: {  	[tilespmem:s21+$0x1D370] =	vst v1  }
0x56c: {  	v1 =	vld.idx.msk [tilespmem:v3+s14+$0x0], $0xffff;
	_ =	sdelay $0x4  }
0x56d: {  	[tilespmem:s4+$0x1D300] =	vst v1;
	v1 =	vld [tilespmem:s4+$0x1A320]  }
0x56e: {  	v2 =	vld.idx.msk [tilespmem:v2+s14+$0x0], $0xffff;
	_ =	sdelay $0x4  }
0x56f: {  	[tilespmem:s4+$0x1D310] =	vst v2;
	v2 =	vld [tilespmem:s4+$0x1A330];
	_ =	sdelay $0x1  }
0x570: {  	v1 =	vld.idx.msk [tilespmem:v1+s14+$0x0], $0xffff;
	_ =	sdelay $0x4  }
0x571: {  	[tilespmem:s4+$0x1D320] =	vst v1;
	v1 =	vld [tilespmem:s4+$0x1A340]  }
0x572: {  	v2 =	vld.idx.msk [tilespmem:v2+s14+$0x0], $0xffff;
	_ =	sdelay $0x4  }
0x573: {  	[tilespmem:s4+$0x1D330] =	vst v2;
	v2 =	vld [tilespmem:s4+$0x1A350];
	_ =	sdelay $0x1  }
0x574: {  	v1 =	vld.idx.msk [tilespmem:v1+s14+$0x0], $0xffff;
	_ =	sdelay $0x4  }
0x575: {  	[tilespmem:s4+$0x1D340] =	vst v1;
	v1 =	vld [tilespmem:s4+$0x1A360]  }
0x576: {  	v2 =	vld.idx.msk [tilespmem:v2+s14+$0x0], $0xffff;
	_ =	sdelay $0x4  }
0x577: {  	[tilespmem:s4+$0x1D350] =	vst v2;
	v2 =	vld [tilespmem:s4+$0x1A370];
	_ =	sdelay $0x1  }
0x578: {  	v1 =	vld.idx.msk [tilespmem:v1+s14+$0x0], $0xffff;
	_ =	sdelay $0x4  }
0x579: {  	[tilespmem:s4+$0x1D360] =	vst v1  }
0x57a: {  	v1 =	vld.idx.msk [tilespmem:v2+s14+$0x0], $0xffff;
	_ =	sdelay $0x4  }
0x57b: {  	[tilespmem:s4+$0x1D370] =	vst v1  }
0x57c: {  	[hbm4b:s12+s13] =	stream.strided.scatter [tilespmem:s26], [sflag:$0x3], $0x1000, s14, s13, $0x38;
	[tilespmem:$0x1F300] =	vst v63  }
0x57d: {  	_ =	swait.ge [sflag:s30], $0x1000  }
0x57e: {  	[sflag:s30] =	ssyncset.done $0x0  }
0x57f: {  	[sflag:s30] =	ssyncadd.s32 $0xFFFFF000  }
0x580: {  	_ =	swait.ge [sflag:s30], $0x1000  }
0x581: {  	[sflag:s30] =	ssyncset.done $0x0  }
0x582: {  	[sflag:s30] =	ssyncadd.s32 $0xFFFFF000  }
0x583: {  	_ =	swait.ge [sflag:s30], $0x1000  }
0x584: {  	s2 =	sld [smem:$0x7F9];
	_ =	sdelay $0x1  }
0x585: {  	s31 =	sadd.s32 $0x1, s31  }
0x586: {  	p0 =	sne.s32 s31, s2  }
.Ltmp20:
0x587: {  	_ = 	snop;
	(pc) =	sbr.rel @p0 .LBB2_1-.Ltmp20, $3  }
0x588: {  	_ =	sdelay $0x1  }
0x589: {  	[sflag:s30] =	ssyncset.done $0x0  }
0x58a: {  	[sflag:s30] =	ssyncadd.s32 $0xFFFFF000  }
0x58b: {  	_ =	sfence.sel $0x180000  }
0x58c: {  	[bflag:$0x0] =	sbarrier.arrive $0xFFFF  }
0x58d: {  	_ =	strace $0x90000047  }
0x58e: {  	s0 =	stileid.u32;
	[bflag:$0x2] =	sbarrier.arrive $0xFFFF  }
0x58f: {  	p0 =	sne.s32 s0, $0x0;
	s0 =	rddreg [dreg:$0xc]  }
0x590: {  	s0 =	sadd.s32 @!p0 $0x100000, s0  }
0x591: {  	[sflag:s0] =	ssyncadd.tile.s32 @!p0 $0x1;
	_ =	shalt  }
.Lfunc_end2:
_tile_overlayer_lowered:
.L_overlay_start_2:
0x592: {  	(tag) =	ssettag $0x2  }
0x593: {  	s0 =	rddreg [dreg:$0x0];
	s2 =	stileid.u32  }
0x594: {  	s1 =	rddreg [dreg:$0x1];
	p0 =	sne.s32 s2, $0x0  }
0x595: {  	s3 =	rddreg [dreg:$0x2];
	[bflag:$0x3] =	sbarrier.arrive $0xFFFF;
	s2 =	simm.s32 @!p0 $0x1C04  }
0x596: {  	[timem:s3], [sflag:s2] =	dma.local @!p0 [hbm:s0], s1  }
0x597: {  	s0 =	simm.s32 @!p0 $0x4  }
0x598: {  	_ =	swait.ge @!p0 [sflag:s0], s1  }
0x599: {  	s1 =	ssub.s32 @!p0 $0x0, s1;
	[sflag:s0] =	ssyncset.done @!p0 $0x0  }
0x59a: {  	[sflag:s0] =	ssyncadd.s32 @!p0 s1  }
0x59b: {  	[bflag:$0x3] =	sbarrier.arrive $0xFFFF  }
0x59c: {  	_ =	shalt  }

</sc_bundles>
